<compile_context>
chip_gen: v7x
topology: tpu7x:2x2x1
jax: 0.10.2.dev20260603
libtpu: 0.0.44.dev20260713+nightly
codegen_flags: <defaults>
</compile_context>

<pallas_src>
import functools

import jax
import jax.numpy as jnp
from jax import lax
from jax.experimental import pallas as pl
from jax.experimental.pallas import tpu as pltpu
from jax.experimental.pallas import tpu_sc as plsc

EMBED = 768
DEPTH = 128
LANES = 16

_NW = 32
_CK = 8
_NS = 4
_LA = 2


def _rne_to_int(x):
    s = x + 0.5
    t = s.astype(jnp.int32)
    d = s - t.astype(jnp.float32)
    nonint = jnp.minimum((d * 16777216.0).astype(jnp.int32), 1)
    return t - ((1 - nonint) & t & 1)


def _mean_idx(f, t):
    s = f + t
    h = s >> 1
    i = h + ((s & h) & 1)
    return jnp.minimum(jnp.maximum(i, 0), DEPTH - 1)


def _body(tpw, in_hbm, rpf_hbm, rpt_hbm, cpf_hbm, cpt_hbm, tab_hbm,
          out_hbm, tabl, posb, ridx, cidx, sbase, *slotrefs):
    inb = slotrefs[0:_NS]
    semg = slotrefs[_NS:2 * _NS]
    semo = slotrefs[2 * _NS:3 * _NS]

    wid = lax.axis_index("s") * 2 + lax.axis_index("c")
    base = wid * tpw
    nc = tpw // _CK

    pltpu.sync_copy(tab_hbm, tabl)
    pltpu.sync_copy(rpf_hbm.at[pl.ds(base, tpw)], posb.at[0])
    pltpu.sync_copy(rpt_hbm.at[pl.ds(base, tpw)], posb.at[1])
    pltpu.sync_copy(cpf_hbm.at[pl.ds(base, tpw)], posb.at[2])
    pltpu.sync_copy(cpt_hbm.at[pl.ds(base, tpw)], posb.at[3])

    def idx_body(g, carry):
        sl = pl.ds(g * LANES, LANES)
        rf = _rne_to_int(posb[0, sl] * float(DEPTH))
        rt = _rne_to_int(posb[1, sl] * float(DEPTH))
        cf = _rne_to_int(posb[2, sl] * float(DEPTH))
        ct = _rne_to_int(posb[3, sl] * float(DEPTH))
        ridx[sl] = _mean_idx(rf, rt)
        cidx[sl] = _mean_idx(cf, ct) + DEPTH
        return carry

    lax.fori_loop(0, tpw // LANES, idx_body, 0)

    def issue(cc, s):
        t0 = base + cc * _CK
        pltpu.async_copy(in_hbm.at[pl.ds(t0, _CK)], inb[s], semg[s])

    def drain_out(s):
        pltpu.make_async_copy(inb[s], out_hbm.at[pl.ds(base, _CK)],
                              semo[s]).wait()

    def compute(cc, s, half):
        t0 = base + cc * _CK
        src = in_hbm.at[pl.ds(t0, _CK)]
        pltpu.make_async_copy(src, inb[s], semg[s]).wait()
        pb = (cc - half) * _CK
        rvec = ridx[pl.ds(pb, LANES)] * (EMBED // 2)
        cvec = cidx[pl.ds(pb, LANES)] * (EMBED // 2)
        for l in range(_CK):
            sbase[l] = rvec[half * _CK + l]
            sbase[_CK + l] = cvec[half * _CK + l]

        def dim_group(d2, carry):
            for u in range(2):
                d = d2 * 2 + u
                doff = d * LANES
                sla = pl.ds(d * 2 * LANES, LANES)
                slb = pl.ds(d * 2 * LANES + LANES, LANES)
                for l in range(_CK):
                    rw = tabl[pl.ds(sbase[l] + doff, LANES)]
                    cw = tabl[pl.ds(sbase[_CK + l] + doff, LANES)]
                    ra = lax.bitcast_convert_type(rw << 16, jnp.float32)
                    rb = lax.bitcast_convert_type(rw & -65536, jnp.float32)
                    ca = lax.bitcast_convert_type(cw << 16, jnp.float32)
                    cb = lax.bitcast_convert_type(cw & -65536, jnp.float32)
                    plsc.addupdate(inb[s].at[l, sla], ra + ca)
                    plsc.addupdate(inb[s].at[l, slb], rb + cb)
            return carry

        lax.fori_loop(0, EMBED // (4 * LANES), dim_group, 0)
        pltpu.async_copy(inb[s], out_hbm.at[pl.ds(t0, _CK)], semo[s])

    for i in range(_LA):
        issue(i, i)

    def pipe(c4, carry):
        for s in range(_NS):
            c = c4 * _NS + s
            cn = c + _LA
            sn = (s + _LA) % _NS

            @pl.when(cn < nc)
            def _issue_ahead():
                @pl.when(cn >= _NS)
                def _drain_prev():
                    drain_out(sn)

                issue(cn, sn)

            compute(c, s, s & 1)
        return carry

    lax.fori_loop(0, nc // _NS, pipe, 0)
    for s in range(_NS):
        drain_out(s)


def kernel(input_ids, row_pos_from, row_pos_to, col_pos_from, col_pos_to,
           row_embedding, col_embedding):
    b, n, e = input_ids.shape
    t = b * n
    assert e == EMBED and t % (_NW * _NS * _CK) == 0
    tpw = t // _NW

    x = input_ids.reshape(t, e)
    rpf = row_pos_from.reshape(t)
    rpt = row_pos_to.reshape(t)
    cpf = col_pos_from.reshape(t)
    cpt = col_pos_to.reshape(t)

    def _prep(tab):
        blk = tab.astype(jnp.bfloat16).reshape(DEPTH, e // 32, 2, LANES)
        lo = lax.bitcast_convert_type(blk[:, :, 0, :], jnp.uint16)
        hi = lax.bitcast_convert_type(blk[:, :, 1, :], jnp.uint16)
        w = lo.astype(jnp.uint32) | (hi.astype(jnp.uint32) << 16)
        return lax.bitcast_convert_type(w, jnp.int32).reshape(DEPTH, e // 2)

    tab = jnp.concatenate([_prep(row_embedding), _prep(col_embedding)],
                          axis=0).reshape(-1)

    slot_types = (
        [pltpu.VMEM((_CK, EMBED), jnp.float32) for _ in range(_NS)]
        + [pltpu.SemaphoreType.DMA for _ in range(2 * _NS)]
    )
    mesh = plsc.VectorSubcoreMesh(core_axis_name="c", subcore_axis_name="s")
    run = functools.partial(
        pl.kernel,
        mesh=mesh,
        out_type=jax.ShapeDtypeStruct((t, e), jnp.float32),
        scratch_types=[
            pltpu.VMEM((2 * DEPTH * (EMBED // 2),), jnp.int32),
            pltpu.VMEM((4, tpw), jnp.float32),
            pltpu.VMEM((tpw,), jnp.int32),
            pltpu.VMEM((tpw,), jnp.int32),
            pltpu.SMEM((2 * _CK,), jnp.int32),
        ] + slot_types,
    )(functools.partial(_body, tpw))
    out = run(x, rpf, rpt, cpf, cpt, tab)
    return out.reshape(b, n, e)

# --- scband reference (transcript-rebuilt; emitter-appended) ---
"""Pipeline reference for scband-patch-position-encoding-10634339025489 (READ-ONLY COPY).

The authoritative reference and input builder live on the scoring server;
editing this copy changes nothing except your own understanding.
"""

import jax, jax.numpy as jnp
import numpy as np

EMBED_DIM = 768
DEPTH = 128
B, N = 32, 1024

def setup_inputs(seed: int = 0) -> dict:
    key = jax.random.key(seed)
    ks = jax.random.split(key, 8)
    input_ids = jax.random.normal(ks[0], (B, N, EMBED_DIM), dtype=jnp.float32)
    row_pos_from = jax.random.uniform(ks[1], (B, N), dtype=jnp.float32)
    row_pos_to = jax.random.uniform(ks[2], (B, N), dtype=jnp.float32)
    col_pos_from = jax.random.uniform(ks[3], (B, N), dtype=jnp.float32)
    col_pos_to = jax.random.uniform(ks[4], (B, N), dtype=jnp.float32)
    row_embedding = jax.random.normal(ks[5], (DEPTH, EMBED_DIM), dtype=jnp.float32)
    col_embedding = jax.random.normal(ks[6], (DEPTH, EMBED_DIM), dtype=jnp.float32)
    return {
        'input_ids': input_ids,
        'row_pos_from': row_pos_from,
        'row_pos_to': row_pos_to,
        'col_pos_from': col_pos_from,
        'col_pos_to': col_pos_to,
        'row_embedding': row_embedding,
        'col_embedding': col_embedding,
    }

def _discretize(pos):
    return jnp.round(pos * DEPTH)

def _rounded_mean_positions(from_v, to_v):
    return jnp.round((from_v + to_v) / 2.0)

def reference(input_ids, row_pos_from, row_pos_to, col_pos_from, col_pos_to, row_embedding, col_embedding):
    # eval-mode path (deterministic): rounded mean of discretized interval
    rf, rt = _discretize(row_pos_from), _discretize(row_pos_to)
    cf, ct = _discretize(col_pos_from), _discretize(col_pos_to)
    row_idx = _rounded_mean_positions(rf, rt).astype(jnp.int32)
    col_idx = _rounded_mean_positions(cf, ct).astype(jnp.int32)
    # clip to valid embedding range (round(pos*DEPTH) can hit DEPTH)
    row_idx = jnp.clip(row_idx, 0, DEPTH - 1)
    col_idx = jnp.clip(col_idx, 0, DEPTH - 1)
    row_emb = jnp.take(row_embedding, row_idx, axis=0)
    col_emb = jnp.take(col_embedding, col_idx, axis=0)
    return input_ids + row_emb + col_emb

if __name__ == "__main__":
    import jax
    _d = setup_inputs()
    print(jax.jit(kernel)(*tuple(_d.values())))

</pallas_src>

<mosaic_0001>
#map = affine_map<(d0, d1) -> (0, 0)>
#map1 = affine_map<(d0, d1) -> (0)>
module attributes {stable_mosaic.version = 14 : i64} {
  func.func @_body(%arg0: i32, %arg1: i32, %arg2: memref<32768x768xf32, #tpu.memory_space<hbm>>, %arg3: memref<32768xf32, #tpu.memory_space<hbm>>, %arg4: memref<32768xf32, #tpu.memory_space<hbm>>, %arg5: memref<32768xf32, #tpu.memory_space<hbm>>, %arg6: memref<32768xf32, #tpu.memory_space<hbm>>, %arg7: memref<98304xi32, #tpu.memory_space<hbm>>, %arg8: memref<32768x768xf32, #tpu.memory_space<hbm>>, %arg9: memref<98304xi32, #tpu.memory_space<vmem>>, %arg10: memref<4x1024xf32, #tpu.memory_space<vmem>>, %arg11: memref<1024xi32, #tpu.memory_space<vmem>>, %arg12: memref<1024xi32, #tpu.memory_space<vmem>>, %arg13: memref<16xi32, #tpu.memory_space<smem>>, %arg14: memref<8x768xf32, #tpu.memory_space<vmem>>, %arg15: memref<8x768xf32, #tpu.memory_space<vmem>>, %arg16: memref<8x768xf32, #tpu.memory_space<vmem>>, %arg17: memref<8x768xf32, #tpu.memory_space<vmem>>, %arg18: memref<!tpu.dma_semaphore, #tpu.memory_space<semaphore_mem>>, %arg19: memref<!tpu.dma_semaphore, #tpu.memory_space<semaphore_mem>>, %arg20: memref<!tpu.dma_semaphore, #tpu.memory_space<semaphore_mem>>, %arg21: memref<!tpu.dma_semaphore, #tpu.memory_space<semaphore_mem>>, %arg22: memref<!tpu.dma_semaphore, #tpu.memory_space<semaphore_mem>>, %arg23: memref<!tpu.dma_semaphore, #tpu.memory_space<semaphore_mem>>, %arg24: memref<!tpu.dma_semaphore, #tpu.memory_space<semaphore_mem>>, %arg25: memref<!tpu.dma_semaphore, #tpu.memory_space<semaphore_mem>>) attributes {dimension_semantics = [#tpu.dimension_semantics<core_parallel>, #tpu.dimension_semantics<subcore_parallel>], iteration_bounds = array<i64: 2, 16>, scalar_prefetch = 0 : i64, scratch_operands = 17 : i64, tpu.core_type = #tpu.core_type<sc_vector_subcore>, window_params = [{transform_indices = #map}, {transform_indices = #map1}, {transform_indices = #map1}, {transform_indices = #map1}, {transform_indices = #map1}, {transform_indices = #map1}, {transform_indices = #map}]} {
    %mul3A = arith.constant 2 : i32
    %mul3A_0 = arith.muli %arg1, %mul3A : i32
    %add3A = arith.addi %mul3A_0, %arg0 : i32
    %mul3A_1 = arith.constant 1024 : i32
    %mul3A_2 = arith.muli %add3A, %mul3A_1 : i32
    "tpu.region"() ({
      %run_scoped3A_43 = tpu.sem_alloc : memref<!tpu.dma_semaphore, #tpu.memory_space<semaphore_mem>>
      tpu.enqueue_dma source(%arg7 : memref<98304xi32, #tpu.memory_space<hbm>>) target(%arg9 : memref<98304xi32, #tpu.memory_space<vmem>>) target_semaphore(%run_scoped3A_43 : memref<!tpu.dma_semaphore, #tpu.memory_space<semaphore_mem>>)
      tpu.wait_dma2 semaphore(%run_scoped3A_43 : memref<!tpu.dma_semaphore, #tpu.memory_space<semaphore_mem>>) src(%arg7 : memref<98304xi32, #tpu.memory_space<hbm>>) dst(%arg9 : memref<98304xi32, #tpu.memory_space<vmem>>)
      tpu.yield
    }) : () -> ()
    %run_scoped3A = arith.constant 0 : i32
    "tpu.region"() ({
      %run_scoped3A_43 = tpu.sem_alloc : memref<!tpu.dma_semaphore, #tpu.memory_space<semaphore_mem>>
      %dma_start3A_44 = arith.constant 0 : i32
      %dma_start3A_45 = tpu.memref_slice %arg10[%run_scoped3A, %dma_start3A_44] : memref<4x1024xf32, #tpu.memory_space<vmem>> -> memref<1x1024xf32, #tpu.memory_space<vmem>>
      %dma_start3A_46 = tpu.memref_squeeze %dma_start3A_45 : memref<1x1024xf32, #tpu.memory_space<vmem>> -> memref<1024xf32, #tpu.memory_space<vmem>>
      %dma_start3A_47 = tpu.memref_slice %arg3[%mul3A_2] : memref<32768xf32, #tpu.memory_space<hbm>> -> memref<1024xf32, #tpu.memory_space<hbm>>
      %dma_start3A_48 = arith.constant 0 : i32
      %dma_start3A_49 = tpu.memref_slice %arg10[%run_scoped3A, %dma_start3A_48] : memref<4x1024xf32, #tpu.memory_space<vmem>> -> memref<1x1024xf32, #tpu.memory_space<vmem>>
      %dma_start3A_50 = tpu.memref_squeeze %dma_start3A_49 : memref<1x1024xf32, #tpu.memory_space<vmem>> -> memref<1024xf32, #tpu.memory_space<vmem>>
      %dma_start3A_51 = tpu.memref_slice %arg3[%mul3A_2] : memref<32768xf32, #tpu.memory_space<hbm>> -> memref<1024xf32, #tpu.memory_space<hbm>>
      tpu.enqueue_dma source(%dma_start3A_51 : memref<1024xf32, #tpu.memory_space<hbm>>) target(%dma_start3A_50 : memref<1024xf32, #tpu.memory_space<vmem>>) target_semaphore(%run_scoped3A_43 : memref<!tpu.dma_semaphore, #tpu.memory_space<semaphore_mem>>)
      %dma_wait3A_52 = arith.constant 0 : i32
      %dma_wait3A_53 = tpu.memref_slice %arg10[%run_scoped3A, %dma_wait3A_52] : memref<4x1024xf32, #tpu.memory_space<vmem>> -> memref<1x1024xf32, #tpu.memory_space<vmem>>
      %dma_wait3A_54 = tpu.memref_squeeze %dma_wait3A_53 : memref<1x1024xf32, #tpu.memory_space<vmem>> -> memref<1024xf32, #tpu.memory_space<vmem>>
      %dma_wait3A_55 = tpu.memref_slice %arg3[%mul3A_2] : memref<32768xf32, #tpu.memory_space<hbm>> -> memref<1024xf32, #tpu.memory_space<hbm>>
      %dma_wait3A_56 = arith.constant 0 : i32
      %dma_wait3A_57 = tpu.memref_slice %arg10[%run_scoped3A, %dma_wait3A_56] : memref<4x1024xf32, #tpu.memory_space<vmem>> -> memref<1x1024xf32, #tpu.memory_space<vmem>>
      %dma_wait3A_58 = tpu.memref_squeeze %dma_wait3A_57 : memref<1x1024xf32, #tpu.memory_space<vmem>> -> memref<1024xf32, #tpu.memory_space<vmem>>
      %dma_wait3A_59 = tpu.memref_slice %arg3[%mul3A_2] : memref<32768xf32, #tpu.memory_space<hbm>> -> memref<1024xf32, #tpu.memory_space<hbm>>
      tpu.wait_dma2 semaphore(%run_scoped3A_43 : memref<!tpu.dma_semaphore, #tpu.memory_space<semaphore_mem>>) src(%dma_wait3A_59 : memref<1024xf32, #tpu.memory_space<hbm>>) dst(%dma_wait3A_58 : memref<1024xf32, #tpu.memory_space<vmem>>)
      tpu.yield
    }) : () -> ()
    %run_scoped3A_3 = arith.constant 1 : i32
    "tpu.region"() ({
      %run_scoped3A_43 = tpu.sem_alloc : memref<!tpu.dma_semaphore, #tpu.memory_space<semaphore_mem>>
      %dma_start3A_44 = arith.constant 0 : i32
      %dma_start3A_45 = tpu.memref_slice %arg10[%run_scoped3A_3, %dma_start3A_44] : memref<4x1024xf32, #tpu.memory_space<vmem>> -> memref<1x1024xf32, #tpu.memory_space<vmem>>
      %dma_start3A_46 = tpu.memref_squeeze %dma_start3A_45 : memref<1x1024xf32, #tpu.memory_space<vmem>> -> memref<1024xf32, #tpu.memory_space<vmem>>
      %dma_start3A_47 = tpu.memref_slice %arg4[%mul3A_2] : memref<32768xf32, #tpu.memory_space<hbm>> -> memref<1024xf32, #tpu.memory_space<hbm>>
      %dma_start3A_48 = arith.constant 0 : i32
      %dma_start3A_49 = tpu.memref_slice %arg10[%run_scoped3A_3, %dma_start3A_48] : memref<4x1024xf32, #tpu.memory_space<vmem>> -> memref<1x1024xf32, #tpu.memory_space<vmem>>
      %dma_start3A_50 = tpu.memref_squeeze %dma_start3A_49 : memref<1x1024xf32, #tpu.memory_space<vmem>> -> memref<1024xf32, #tpu.memory_space<vmem>>
      %dma_start3A_51 = tpu.memref_slice %arg4[%mul3A_2] : memref<32768xf32, #tpu.memory_space<hbm>> -> memref<1024xf32, #tpu.memory_space<hbm>>
      tpu.enqueue_dma source(%dma_start3A_51 : memref<1024xf32, #tpu.memory_space<hbm>>) target(%dma_start3A_50 : memref<1024xf32, #tpu.memory_space<vmem>>) target_semaphore(%run_scoped3A_43 : memref<!tpu.dma_semaphore, #tpu.memory_space<semaphore_mem>>)
      %dma_wait3A_52 = arith.constant 0 : i32
      %dma_wait3A_53 = tpu.memref_slice %arg10[%run_scoped3A_3, %dma_wait3A_52] : memref<4x1024xf32, #tpu.memory_space<vmem>> -> memref<1x1024xf32, #tpu.memory_space<vmem>>
      %dma_wait3A_54 = tpu.memref_squeeze %dma_wait3A_53 : memref<1x1024xf32, #tpu.memory_space<vmem>> -> memref<1024xf32, #tpu.memory_space<vmem>>
      %dma_wait3A_55 = tpu.memref_slice %arg4[%mul3A_2] : memref<32768xf32, #tpu.memory_space<hbm>> -> memref<1024xf32, #tpu.memory_space<hbm>>
      %dma_wait3A_56 = arith.constant 0 : i32
      %dma_wait3A_57 = tpu.memref_slice %arg10[%run_scoped3A_3, %dma_wait3A_56] : memref<4x1024xf32, #tpu.memory_space<vmem>> -> memref<1x1024xf32, #tpu.memory_space<vmem>>
      %dma_wait3A_58 = tpu.memref_squeeze %dma_wait3A_57 : memref<1x1024xf32, #tpu.memory_space<vmem>> -> memref<1024xf32, #tpu.memory_space<vmem>>
      %dma_wait3A_59 = tpu.memref_slice %arg4[%mul3A_2] : memref<32768xf32, #tpu.memory_space<hbm>> -> memref<1024xf32, #tpu.memory_space<hbm>>
      tpu.wait_dma2 semaphore(%run_scoped3A_43 : memref<!tpu.dma_semaphore, #tpu.memory_space<semaphore_mem>>) src(%dma_wait3A_59 : memref<1024xf32, #tpu.memory_space<hbm>>) dst(%dma_wait3A_58 : memref<1024xf32, #tpu.memory_space<vmem>>)
      tpu.yield
    }) : () -> ()
    %run_scoped3A_4 = arith.constant 2 : i32
    "tpu.region"() ({
      %run_scoped3A_43 = tpu.sem_alloc : memref<!tpu.dma_semaphore, #tpu.memory_space<semaphore_mem>>
      %dma_start3A_44 = arith.constant 0 : i32
      %dma_start3A_45 = tpu.memref_slice %arg10[%run_scoped3A_4, %dma_start3A_44] : memref<4x1024xf32, #tpu.memory_space<vmem>> -> memref<1x1024xf32, #tpu.memory_space<vmem>>
      %dma_start3A_46 = tpu.memref_squeeze %dma_start3A_45 : memref<1x1024xf32, #tpu.memory_space<vmem>> -> memref<1024xf32, #tpu.memory_space<vmem>>
      %dma_start3A_47 = tpu.memref_slice %arg5[%mul3A_2] : memref<32768xf32, #tpu.memory_space<hbm>> -> memref<1024xf32, #tpu.memory_space<hbm>>
      %dma_start3A_48 = arith.constant 0 : i32
      %dma_start3A_49 = tpu.memref_slice %arg10[%run_scoped3A_4, %dma_start3A_48] : memref<4x1024xf32, #tpu.memory_space<vmem>> -> memref<1x1024xf32, #tpu.memory_space<vmem>>
      %dma_start3A_50 = tpu.memref_squeeze %dma_start3A_49 : memref<1x1024xf32, #tpu.memory_space<vmem>> -> memref<1024xf32, #tpu.memory_space<vmem>>
      %dma_start3A_51 = tpu.memref_slice %arg5[%mul3A_2] : memref<32768xf32, #tpu.memory_space<hbm>> -> memref<1024xf32, #tpu.memory_space<hbm>>
      tpu.enqueue_dma source(%dma_start3A_51 : memref<1024xf32, #tpu.memory_space<hbm>>) target(%dma_start3A_50 : memref<1024xf32, #tpu.memory_space<vmem>>) target_semaphore(%run_scoped3A_43 : memref<!tpu.dma_semaphore, #tpu.memory_space<semaphore_mem>>)
      %dma_wait3A_52 = arith.constant 0 : i32
      %dma_wait3A_53 = tpu.memref_slice %arg10[%run_scoped3A_4, %dma_wait3A_52] : memref<4x1024xf32, #tpu.memory_space<vmem>> -> memref<1x1024xf32, #tpu.memory_space<vmem>>
      %dma_wait3A_54 = tpu.memref_squeeze %dma_wait3A_53 : memref<1x1024xf32, #tpu.memory_space<vmem>> -> memref<1024xf32, #tpu.memory_space<vmem>>
      %dma_wait3A_55 = tpu.memref_slice %arg5[%mul3A_2] : memref<32768xf32, #tpu.memory_space<hbm>> -> memref<1024xf32, #tpu.memory_space<hbm>>
      %dma_wait3A_56 = arith.constant 0 : i32
      %dma_wait3A_57 = tpu.memref_slice %arg10[%run_scoped3A_4, %dma_wait3A_56] : memref<4x1024xf32, #tpu.memory_space<vmem>> -> memref<1x1024xf32, #tpu.memory_space<vmem>>
      %dma_wait3A_58 = tpu.memref_squeeze %dma_wait3A_57 : memref<1x1024xf32, #tpu.memory_space<vmem>> -> memref<1024xf32, #tpu.memory_space<vmem>>
      %dma_wait3A_59 = tpu.memref_slice %arg5[%mul3A_2] : memref<32768xf32, #tpu.memory_space<hbm>> -> memref<1024xf32, #tpu.memory_space<hbm>>
      tpu.wait_dma2 semaphore(%run_scoped3A_43 : memref<!tpu.dma_semaphore, #tpu.memory_space<semaphore_mem>>) src(%dma_wait3A_59 : memref<1024xf32, #tpu.memory_space<hbm>>) dst(%dma_wait3A_58 : memref<1024xf32, #tpu.memory_space<vmem>>)
      tpu.yield
    }) : () -> ()
    %run_scoped3A_5 = arith.constant 3 : i32
    "tpu.region"() ({
      %run_scoped3A_43 = tpu.sem_alloc : memref<!tpu.dma_semaphore, #tpu.memory_space<semaphore_mem>>
      %dma_start3A_44 = arith.constant 0 : i32
      %dma_start3A_45 = tpu.memref_slice %arg10[%run_scoped3A_5, %dma_start3A_44] : memref<4x1024xf32, #tpu.memory_space<vmem>> -> memref<1x1024xf32, #tpu.memory_space<vmem>>
      %dma_start3A_46 = tpu.memref_squeeze %dma_start3A_45 : memref<1x1024xf32, #tpu.memory_space<vmem>> -> memref<1024xf32, #tpu.memory_space<vmem>>
      %dma_start3A_47 = tpu.memref_slice %arg6[%mul3A_2] : memref<32768xf32, #tpu.memory_space<hbm>> -> memref<1024xf32, #tpu.memory_space<hbm>>
      %dma_start3A_48 = arith.constant 0 : i32
      %dma_start3A_49 = tpu.memref_slice %arg10[%run_scoped3A_5, %dma_start3A_48] : memref<4x1024xf32, #tpu.memory_space<vmem>> -> memref<1x1024xf32, #tpu.memory_space<vmem>>
      %dma_start3A_50 = tpu.memref_squeeze %dma_start3A_49 : memref<1x1024xf32, #tpu.memory_space<vmem>> -> memref<1024xf32, #tpu.memory_space<vmem>>
      %dma_start3A_51 = tpu.memref_slice %arg6[%mul3A_2] : memref<32768xf32, #tpu.memory_space<hbm>> -> memref<1024xf32, #tpu.memory_space<hbm>>
      tpu.enqueue_dma source(%dma_start3A_51 : memref<1024xf32, #tpu.memory_space<hbm>>) target(%dma_start3A_50 : memref<1024xf32, #tpu.memory_space<vmem>>) target_semaphore(%run_scoped3A_43 : memref<!tpu.dma_semaphore, #tpu.memory_space<semaphore_mem>>)
      %dma_wait3A_52 = arith.constant 0 : i32
      %dma_wait3A_53 = tpu.memref_slice %arg10[%run_scoped3A_5, %dma_wait3A_52] : memref<4x1024xf32, #tpu.memory_space<vmem>> -> memref<1x1024xf32, #tpu.memory_space<vmem>>
      %dma_wait3A_54 = tpu.memref_squeeze %dma_wait3A_53 : memref<1x1024xf32, #tpu.memory_space<vmem>> -> memref<1024xf32, #tpu.memory_space<vmem>>
      %dma_wait3A_55 = tpu.memref_slice %arg6[%mul3A_2] : memref<32768xf32, #tpu.memory_space<hbm>> -> memref<1024xf32, #tpu.memory_space<hbm>>
      %dma_wait3A_56 = arith.constant 0 : i32
      %dma_wait3A_57 = tpu.memref_slice %arg10[%run_scoped3A_5, %dma_wait3A_56] : memref<4x1024xf32, #tpu.memory_space<vmem>> -> memref<1x1024xf32, #tpu.memory_space<vmem>>
      %dma_wait3A_58 = tpu.memref_squeeze %dma_wait3A_57 : memref<1x1024xf32, #tpu.memory_space<vmem>> -> memref<1024xf32, #tpu.memory_space<vmem>>
      %dma_wait3A_59 = tpu.memref_slice %arg6[%mul3A_2] : memref<32768xf32, #tpu.memory_space<hbm>> -> memref<1024xf32, #tpu.memory_space<hbm>>
      tpu.wait_dma2 semaphore(%run_scoped3A_43 : memref<!tpu.dma_semaphore, #tpu.memory_space<semaphore_mem>>) src(%dma_wait3A_59 : memref<1024xf32, #tpu.memory_space<hbm>>) dst(%dma_wait3A_58 : memref<1024xf32, #tpu.memory_space<vmem>>)
      tpu.yield
    }) : () -> ()
    %scan3A = arith.constant 0 : i32
    %scan3A_6 = arith.constant 0 : i32
    %scan3A_7 = arith.constant 64 : i32
    %scan3A_8 = arith.addi %scan3A_6, %scan3A_7 : i32
    %scan3A_9 = arith.constant 1 : i32
    scf.for %scan3A_43 = %scan3A_6 to %scan3A_8 step %scan3A_9  : i32 {
      %mul3A_44 = arith.constant 16 : i32
      %mul3A_45 = arith.muli %scan3A_43, %mul3A_44 : i32
      %get3A = arith.constant 0 : i32
      %get3A_46 = arith.index_cast %get3A : i32 to index
      %get3A_47 = arith.index_cast %mul3A_45 : i32 to index
      %get3A_48 = tpu.vector_load %arg10[%get3A_46, %get3A_47] {strides = array<i32>} : memref<4x1024xf32, #tpu.memory_space<vmem>>, vector<1x16xf32>,
      %get3A_49 = vector.shape_cast %get3A_48 : vector<1x16xf32> to vector<16xf32>
      %mul3A_50 = arith.constant 1.280000e+02 : f32
      %mul3A_51 = vector.broadcast %mul3A_50 : f32 to vector<16xf32>
      %mul3A_52 = arith.mulf %get3A_49, %mul3A_51 : vector<16xf32>
      %add3A_53 = arith.constant 5.000000e-01 : f32
      %add3A_54 = vector.broadcast %add3A_53 : f32 to vector<16xf32>
      %add3A_55 = arith.addf %mul3A_52, %add3A_54 : vector<16xf32>
      %convert_element_type3A = arith.fptosi %add3A_55 : vector<16xf32> to vector<16xi32>
      %convert_element_type3A_56 = arith.sitofp %convert_element_type3A : vector<16xi32> to vector<16xf32>
      %sub3A = arith.subf %add3A_55, %convert_element_type3A_56 : vector<16xf32>
      %mul3A_57 = arith.constant 0x4B800000 : f32
      %mul3A_58 = vector.broadcast %mul3A_57 : f32 to vector<16xf32>
      %mul3A_59 = arith.mulf %sub3A, %mul3A_58 : vector<16xf32>
      %convert_element_type3A_60 = arith.fptosi %mul3A_59 : vector<16xf32> to vector<16xi32>
      %min3A = arith.constant 1 : i32
      %min3A_61 = vector.broadcast %min3A : i32 to vector<16xi32>
      %min3A_62 = arith.minsi %convert_element_type3A_60, %min3A_61 : vector<16xi32>
      %sub3A_63 = arith.constant 1 : i32
      %sub3A_64 = vector.broadcast %sub3A_63 : i32 to vector<16xi32>
      %sub3A_65 = arith.subi %sub3A_64, %min3A_62 : vector<16xi32>
      %and3A = arith.andi %sub3A_65, %convert_element_type3A : vector<16xi32>
      %and3A_66 = arith.constant 1 : i32
      %and3A_67 = vector.broadcast %and3A_66 : i32 to vector<16xi32>
      %and3A_68 = arith.andi %and3A, %and3A_67 : vector<16xi32>
      %sub3A_69 = arith.subi %convert_element_type3A, %and3A_68 : vector<16xi32>
      %get3A_70 = arith.constant 1 : i32
      %get3A_71 = arith.index_cast %get3A_70 : i32 to index
      %get3A_72 = arith.index_cast %mul3A_45 : i32 to index
      %get3A_73 = tpu.vector_load %arg10[%get3A_71, %get3A_72] {strides = array<i32>} : memref<4x1024xf32, #tpu.memory_space<vmem>>, vector<1x16xf32>,
      %get3A_74 = vector.shape_cast %get3A_73 : vector<1x16xf32> to vector<16xf32>
      %mul3A_75 = arith.constant 1.280000e+02 : f32
      %mul3A_76 = vector.broadcast %mul3A_75 : f32 to vector<16xf32>
      %mul3A_77 = arith.mulf %get3A_74, %mul3A_76 : vector<16xf32>
      %add3A_78 = arith.constant 5.000000e-01 : f32
      %add3A_79 = vector.broadcast %add3A_78 : f32 to vector<16xf32>
      %add3A_80 = arith.addf %mul3A_77, %add3A_79 : vector<16xf32>
      %convert_element_type3A_81 = arith.fptosi %add3A_80 : vector<16xf32> to vector<16xi32>
      %convert_element_type3A_82 = arith.sitofp %convert_element_type3A_81 : vector<16xi32> to vector<16xf32>
      %sub3A_83 = arith.subf %add3A_80, %convert_element_type3A_82 : vector<16xf32>
      %mul3A_84 = arith.constant 0x4B800000 : f32
      %mul3A_85 = vector.broadcast %mul3A_84 : f32 to vector<16xf32>
      %mul3A_86 = arith.mulf %sub3A_83, %mul3A_85 : vector<16xf32>
      %convert_element_type3A_87 = arith.fptosi %mul3A_86 : vector<16xf32> to vector<16xi32>
      %min3A_88 = arith.constant 1 : i32
      %min3A_89 = vector.broadcast %min3A_88 : i32 to vector<16xi32>
      %min3A_90 = arith.minsi %convert_element_type3A_87, %min3A_89 : vector<16xi32>
      %sub3A_91 = arith.constant 1 : i32
      %sub3A_92 = vector.broadcast %sub3A_91 : i32 to vector<16xi32>
      %sub3A_93 = arith.subi %sub3A_92, %min3A_90 : vector<16xi32>
      %and3A_94 = arith.andi %sub3A_93, %convert_element_type3A_81 : vector<16xi32>
      %and3A_95 = arith.constant 1 : i32
      %and3A_96 = vector.broadcast %and3A_95 : i32 to vector<16xi32>
      %and3A_97 = arith.andi %and3A_94, %and3A_96 : vector<16xi32>
      %sub3A_98 = arith.subi %convert_element_type3A_81, %and3A_97 : vector<16xi32>
      %get3A_99 = arith.constant 2 : i32
      %get3A_100 = arith.index_cast %get3A_99 : i32 to index
      %get3A_101 = arith.index_cast %mul3A_45 : i32 to index
      %get3A_102 = tpu.vector_load %arg10[%get3A_100, %get3A_101] {strides = array<i32>} : memref<4x1024xf32, #tpu.memory_space<vmem>>, vector<1x16xf32>,
      %get3A_103 = vector.shape_cast %get3A_102 : vector<1x16xf32> to vector<16xf32>
      %mul3A_104 = arith.constant 1.280000e+02 : f32
      %mul3A_105 = vector.broadcast %mul3A_104 : f32 to vector<16xf32>
      %mul3A_106 = arith.mulf %get3A_103, %mul3A_105 : vector<16xf32>
      %add3A_107 = arith.constant 5.000000e-01 : f32
      %add3A_108 = vector.broadcast %add3A_107 : f32 to vector<16xf32>
      %add3A_109 = arith.addf %mul3A_106, %add3A_108 : vector<16xf32>
      %convert_element_type3A_110 = arith.fptosi %add3A_109 : vector<16xf32> to vector<16xi32>
      %convert_element_type3A_111 = arith.sitofp %convert_element_type3A_110 : vector<16xi32> to vector<16xf32>
      %sub3A_112 = arith.subf %add3A_109, %convert_element_type3A_111 : vector<16xf32>
      %mul3A_113 = arith.constant 0x4B800000 : f32
      %mul3A_114 = vector.broadcast %mul3A_113 : f32 to vector<16xf32>
      %mul3A_115 = arith.mulf %sub3A_112, %mul3A_114 : vector<16xf32>
      %convert_element_type3A_116 = arith.fptosi %mul3A_115 : vector<16xf32> to vector<16xi32>
      %min3A_117 = arith.constant 1 : i32
      %min3A_118 = vector.broadcast %min3A_117 : i32 to vector<16xi32>
      %min3A_119 = arith.minsi %convert_element_type3A_116, %min3A_118 : vector<16xi32>
      %sub3A_120 = arith.constant 1 : i32
      %sub3A_121 = vector.broadcast %sub3A_120 : i32 to vector<16xi32>
      %sub3A_122 = arith.subi %sub3A_121, %min3A_119 : vector<16xi32>
      %and3A_123 = arith.andi %sub3A_122, %convert_element_type3A_110 : vector<16xi32>
      %and3A_124 = arith.constant 1 : i32
      %and3A_125 = vector.broadcast %and3A_124 : i32 to vector<16xi32>
      %and3A_126 = arith.andi %and3A_123, %and3A_125 : vector<16xi32>
      %sub3A_127 = arith.subi %convert_element_type3A_110, %and3A_126 : vector<16xi32>
      %get3A_128 = arith.constant 3 : i32
      %get3A_129 = arith.index_cast %get3A_128 : i32 to index
      %get3A_130 = arith.index_cast %mul3A_45 : i32 to index
      %get3A_131 = tpu.vector_load %arg10[%get3A_129, %get3A_130] {strides = array<i32>} : memref<4x1024xf32, #tpu.memory_space<vmem>>, vector<1x16xf32>,
      %get3A_132 = vector.shape_cast %get3A_131 : vector<1x16xf32> to vector<16xf32>
      %mul3A_133 = arith.constant 1.280000e+02 : f32
      %mul3A_134 = vector.broadcast %mul3A_133 : f32 to vector<16xf32>
      %mul3A_135 = arith.mulf %get3A_132, %mul3A_134 : vector<16xf32>
      %add3A_136 = arith.constant 5.000000e-01 : f32
      %add3A_137 = vector.broadcast %add3A_136 : f32 to vector<16xf32>
      %add3A_138 = arith.addf %mul3A_135, %add3A_137 : vector<16xf32>
      %convert_element_type3A_139 = arith.fptosi %add3A_138 : vector<16xf32> to vector<16xi32>
      %convert_element_type3A_140 = arith.sitofp %convert_element_type3A_139 : vector<16xi32> to vector<16xf32>
      %sub3A_141 = arith.subf %add3A_138, %convert_element_type3A_140 : vector<16xf32>
      %mul3A_142 = arith.constant 0x4B800000 : f32
      %mul3A_143 = vector.broadcast %mul3A_142 : f32 to vector<16xf32>
      %mul3A_144 = arith.mulf %sub3A_141, %mul3A_143 : vector<16xf32>
      %convert_element_type3A_145 = arith.fptosi %mul3A_144 : vector<16xf32> to vector<16xi32>
      %min3A_146 = arith.constant 1 : i32
      %min3A_147 = vector.broadcast %min3A_146 : i32 to vector<16xi32>
      %min3A_148 = arith.minsi %convert_element_type3A_145, %min3A_147 : vector<16xi32>
      %sub3A_149 = arith.constant 1 : i32
      %sub3A_150 = vector.broadcast %sub3A_149 : i32 to vector<16xi32>
      %sub3A_151 = arith.subi %sub3A_150, %min3A_148 : vector<16xi32>
      %and3A_152 = arith.andi %sub3A_151, %convert_element_type3A_139 : vector<16xi32>
      %and3A_153 = arith.constant 1 : i32
      %and3A_154 = vector.broadcast %and3A_153 : i32 to vector<16xi32>
      %and3A_155 = arith.andi %and3A_152, %and3A_154 : vector<16xi32>
      %sub3A_156 = arith.subi %convert_element_type3A_139, %and3A_155 : vector<16xi32>
      %add3A_157 = arith.addi %sub3A_69, %sub3A_98 : vector<16xi32>
      %shift_right_arithmetic3A = arith.constant 1 : i32
      %shift_right_arithmetic3A_158 = vector.broadcast %shift_right_arithmetic3A : i32 to vector<16xi32>
      %shift_right_arithmetic3A_159 = arith.shrsi %add3A_157, %shift_right_arithmetic3A_158 : vector<16xi32>
      %and3A_160 = arith.andi %add3A_157, %shift_right_arithmetic3A_159 : vector<16xi32>
      %and3A_161 = arith.constant 1 : i32
      %and3A_162 = vector.broadcast %and3A_161 : i32 to vector<16xi32>
      %and3A_163 = arith.andi %and3A_160, %and3A_162 : vector<16xi32>
      %add3A_164 = arith.addi %shift_right_arithmetic3A_159, %and3A_163 : vector<16xi32>
      %max3A = arith.constant 0 : i32
      %max3A_165 = vector.broadcast %max3A : i32 to vector<16xi32>
      %max3A_166 = arith.maxsi %add3A_164, %max3A_165 : vector<16xi32>
      %min3A_167 = arith.constant 127 : i32
      %min3A_168 = vector.broadcast %min3A_167 : i32 to vector<16xi32>
      %min3A_169 = arith.minsi %max3A_166, %min3A_168 : vector<16xi32>
      %swap3A = arith.index_cast %mul3A_45 : i32 to index
      %swap3A_170 = tpu.vector_load %arg11[%swap3A] {strides = array<i32>} : memref<1024xi32, #tpu.memory_space<vmem>>, vector<16xi32>,
      %swap3A_171 = vector.shape_cast %swap3A_170 : vector<16xi32> to vector<16xi32>
      %swap3A_172 = vector.shape_cast %min3A_169 : vector<16xi32> to vector<16xi32>
      tpu.vector_store %arg11[%swap3A], %swap3A_172 {strides = array<i32>} : memref<1024xi32, #tpu.memory_space<vmem>>, vector<16xi32>,
      %add3A_173 = arith.addi %sub3A_127, %sub3A_156 : vector<16xi32>
      %shift_right_arithmetic3A_174 = arith.constant 1 : i32
      %shift_right_arithmetic3A_175 = vector.broadcast %shift_right_arithmetic3A_174 : i32 to vector<16xi32>
      %shift_right_arithmetic3A_176 = arith.shrsi %add3A_173, %shift_right_arithmetic3A_175 : vector<16xi32>
      %and3A_177 = arith.andi %add3A_173, %shift_right_arithmetic3A_176 : vector<16xi32>
      %and3A_178 = arith.constant 1 : i32
      %and3A_179 = vector.broadcast %and3A_178 : i32 to vector<16xi32>
      %and3A_180 = arith.andi %and3A_177, %and3A_179 : vector<16xi32>
      %add3A_181 = arith.addi %shift_right_arithmetic3A_176, %and3A_180 : vector<16xi32>
      %max3A_182 = arith.constant 0 : i32
      %max3A_183 = vector.broadcast %max3A_182 : i32 to vector<16xi32>
      %max3A_184 = arith.maxsi %add3A_181, %max3A_183 : vector<16xi32>
      %min3A_185 = arith.constant 127 : i32
      %min3A_186 = vector.broadcast %min3A_185 : i32 to vector<16xi32>
      %min3A_187 = arith.minsi %max3A_184, %min3A_186 : vector<16xi32>
      %add3A_188 = arith.constant 128 : i32
      %add3A_189 = vector.broadcast %add3A_188 : i32 to vector<16xi32>
      %add3A_190 = arith.addi %min3A_187, %add3A_189 : vector<16xi32>
      %swap3A_191 = arith.index_cast %mul3A_45 : i32 to index
      %swap3A_192 = tpu.vector_load %arg12[%swap3A_191] {strides = array<i32>} : memref<1024xi32, #tpu.memory_space<vmem>>, vector<16xi32>,
      %swap3A_193 = vector.shape_cast %swap3A_192 : vector<16xi32> to vector<16xi32>
      %swap3A_194 = vector.shape_cast %add3A_190 : vector<16xi32> to vector<16xi32>
      tpu.vector_store %arg12[%swap3A_191], %swap3A_194 {strides = array<i32>} : memref<1024xi32, #tpu.memory_space<vmem>>, vector<16xi32>,
    }
    %scan3A_10 = arith.constant 64 : i32
    %add3A_11 = arith.constant 0 : i32
    %add3A_12 = arith.addi %mul3A_2, %add3A_11 : i32
    %dma_start3A = arith.constant 0 : i32
    %dma_start3A_13 = tpu.memref_slice %arg2[%add3A_12, %dma_start3A] : memref<32768x768xf32, #tpu.memory_space<hbm>> -> memref<8x768xf32, #tpu.memory_space<hbm>>
    %dma_start3A_14 = arith.constant 0 : i32
    %dma_start3A_15 = tpu.memref_slice %arg2[%add3A_12, %dma_start3A_14] : memref<32768x768xf32, #tpu.memory_space<hbm>> -> memref<8x768xf32, #tpu.memory_space<hbm>>
    tpu.enqueue_dma source(%dma_start3A_15 : memref<8x768xf32, #tpu.memory_space<hbm>>) target(%arg14 : memref<8x768xf32, #tpu.memory_space<vmem>>) target_semaphore(%arg18 : memref<!tpu.dma_semaphore, #tpu.memory_space<semaphore_mem>>)
    %add3A_16 = arith.constant 8 : i32
    %add3A_17 = arith.addi %mul3A_2, %add3A_16 : i32
    %dma_start3A_18 = arith.constant 0 : i32
    %dma_start3A_19 = tpu.memref_slice %arg2[%add3A_17, %dma_start3A_18] : memref<32768x768xf32, #tpu.memory_space<hbm>> -> memref<8x768xf32, #tpu.memory_space<hbm>>
    %dma_start3A_20 = arith.constant 0 : i32
    %dma_start3A_21 = tpu.memref_slice %arg2[%add3A_17, %dma_start3A_20] : memref<32768x768xf32, #tpu.memory_space<hbm>> -> memref<8x768xf32, #tpu.memory_space<hbm>>
    tpu.enqueue_dma source(%dma_start3A_21 : memref<8x768xf32, #tpu.memory_space<hbm>>) target(%arg15 : memref<8x768xf32, #tpu.memory_space<vmem>>) target_semaphore(%arg19 : memref<!tpu.dma_semaphore, #tpu.memory_space<semaphore_mem>>)
    %scan3A_22 = arith.constant 0 : i32
    %scan3A_23 = arith.constant 0 : i32
    %scan3A_24 = arith.constant 32 : i32
    %scan3A_25 = arith.addi %scan3A_23, %scan3A_24 : i32
    %scan3A_26 = arith.constant 1 : i32
    scf.for %scan3A_43 = %scan3A_23 to %scan3A_25 step %scan3A_26  : i32 {
      %mul3A_44 = arith.constant 4 : i32
      %mul3A_45 = arith.muli %scan3A_43, %mul3A_44 : i32
      %add3A_46 = arith.constant 0 : i32
      %add3A_47 = arith.addi %mul3A_45, %add3A_46 : i32
      %add3A_48 = arith.constant 2 : i32
      %add3A_49 = arith.addi %add3A_47, %add3A_48 : i32
      %lt3A = arith.constant 128 : i32
      %lt3A_50 = arith.cmpi slt, %add3A_49, %lt3A : i32
      %convert_element_type3A = arith.extui %lt3A_50 : i1 to i32
      %cond3A = arith.constant 0 : i32
      %cond3A_51 = arith.cmpi ne, %convert_element_type3A, %cond3A : i32
      scf.if %cond3A_51 {
        %ge3A = arith.constant 4 : i32
        %ge3A_532 = arith.cmpi sge, %add3A_49, %ge3A : i32
        %convert_element_type3A_533 = arith.extui %ge3A_532 : i1 to i32
        %cond3A_534 = arith.constant 0 : i32
        %cond3A_535 = arith.cmpi ne, %convert_element_type3A_533, %cond3A_534 : i32
        scf.if %cond3A_535 {
          %dma_wait3A_543 = arith.constant 0 : i32
          %dma_wait3A_544 = tpu.memref_slice %arg8[%mul3A_2, %dma_wait3A_543] : memref<32768x768xf32, #tpu.memory_space<hbm>> -> memref<8x768xf32, #tpu.memory_space<hbm>>
          %dma_wait3A_545 = arith.constant 0 : i32
          %dma_wait3A_546 = tpu.memref_slice %arg8[%mul3A_2, %dma_wait3A_545] : memref<32768x768xf32, #tpu.memory_space<hbm>> -> memref<8x768xf32, #tpu.memory_space<hbm>>
          tpu.wait_dma2 semaphore(%arg24 : memref<!tpu.dma_semaphore, #tpu.memory_space<semaphore_mem>>) src(%arg16 : memref<8x768xf32, #tpu.memory_space<vmem>>) dst(%dma_wait3A_546 : memref<8x768xf32, #tpu.memory_space<hbm>>)
        } else {
        }
        %mul3A_536 = arith.constant 8 : i32
        %mul3A_537 = arith.muli %add3A_49, %mul3A_536 : i32
        %add3A_538 = arith.addi %mul3A_2, %mul3A_537 : i32
        %dma_start3A_539 = arith.constant 0 : i32
        %dma_start3A_540 = tpu.memref_slice %arg2[%add3A_538, %dma_start3A_539] : memref<32768x768xf32, #tpu.memory_space<hbm>> -> memref<8x768xf32, #tpu.memory_space<hbm>>
        %dma_start3A_541 = arith.constant 0 : i32
        %dma_start3A_542 = tpu.memref_slice %arg2[%add3A_538, %dma_start3A_541] : memref<32768x768xf32, #tpu.memory_space<hbm>> -> memref<8x768xf32, #tpu.memory_space<hbm>>
        tpu.enqueue_dma source(%dma_start3A_542 : memref<8x768xf32, #tpu.memory_space<hbm>>) target(%arg16 : memref<8x768xf32, #tpu.memory_space<vmem>>) target_semaphore(%arg20 : memref<!tpu.dma_semaphore, #tpu.memory_space<semaphore_mem>>)
      } else {
      }
      %mul3A_52 = arith.constant 8 : i32
      %mul3A_53 = arith.muli %add3A_47, %mul3A_52 : i32
      %add3A_54 = arith.addi %mul3A_2, %mul3A_53 : i32
      %dma_wait3A_55 = arith.constant 0 : i32
      %dma_wait3A_56 = tpu.memref_slice %arg2[%add3A_54, %dma_wait3A_55] : memref<32768x768xf32, #tpu.memory_space<hbm>> -> memref<8x768xf32, #tpu.memory_space<hbm>>
      %dma_wait3A_57 = arith.constant 0 : i32
      %dma_wait3A_58 = tpu.memref_slice %arg2[%add3A_54, %dma_wait3A_57] : memref<32768x768xf32, #tpu.memory_space<hbm>> -> memref<8x768xf32, #tpu.memory_space<hbm>>
      tpu.wait_dma2 semaphore(%arg18 : memref<!tpu.dma_semaphore, #tpu.memory_space<semaphore_mem>>) src(%dma_wait3A_58 : memref<8x768xf32, #tpu.memory_space<hbm>>) dst(%arg14 : memref<8x768xf32, #tpu.memory_space<vmem>>)
      %sub3A = arith.constant 0 : i32
      %sub3A_59 = arith.subi %add3A_47, %sub3A : i32
      %mul3A_60 = arith.constant 8 : i32
      %mul3A_61 = arith.muli %sub3A_59, %mul3A_60 : i32
      %get3A = arith.index_cast %mul3A_61 : i32 to index
      %get3A_62 = tpu.vector_load %arg11[%get3A] {strides = array<i32>} : memref<1024xi32, #tpu.memory_space<vmem>>, vector<16xi32>,
      %get3A_63 = vector.shape_cast %get3A_62 : vector<16xi32> to vector<16xi32>
      %mul3A_64 = arith.constant 384 : i32
      %mul3A_65 = vector.broadcast %mul3A_64 : i32 to vector<16xi32>
      %mul3A_66 = arith.muli %get3A_63, %mul3A_65 : vector<16xi32>
      %get3A_67 = arith.index_cast %mul3A_61 : i32 to index
      %get3A_68 = tpu.vector_load %arg12[%get3A_67] {strides = array<i32>} : memref<1024xi32, #tpu.memory_space<vmem>>, vector<16xi32>,
      %get3A_69 = vector.shape_cast %get3A_68 : vector<16xi32> to vector<16xi32>
      %mul3A_70 = arith.constant 384 : i32
      %mul3A_71 = vector.broadcast %mul3A_70 : i32 to vector<16xi32>
      %mul3A_72 = arith.muli %get3A_69, %mul3A_71 : vector<16xi32>
      %slice3A = vector.extract_strided_slice %mul3A_66 {offsets = [0], sizes = [1], strides = [1]} : vector<16xi32> to vector<1xi32>
      %squeeze3A = vector.extract %slice3A[0] : i32 from vector<1xi32>
      %swap3A = arith.constant 0 : i32
      %swap3A_73 = arith.index_cast %swap3A : i32 to index
      %swap3A_74 = memref.load %arg13[%swap3A_73] : memref<16xi32, #tpu.memory_space<smem>>
      memref.store %squeeze3A, %arg13[%swap3A_73] : memref<16xi32, #tpu.memory_space<smem>>
      %slice3A_75 = vector.extract_strided_slice %mul3A_72 {offsets = [0], sizes = [1], strides = [1]} : vector<16xi32> to vector<1xi32>
      %squeeze3A_76 = vector.extract %slice3A_75[0] : i32 from vector<1xi32>
      %swap3A_77 = arith.constant 8 : i32
      %swap3A_78 = arith.index_cast %swap3A_77 : i32 to index
      %swap3A_79 = memref.load %arg13[%swap3A_78] : memref<16xi32, #tpu.memory_space<smem>>
      memref.store %squeeze3A_76, %arg13[%swap3A_78] : memref<16xi32, #tpu.memory_space<smem>>
      %slice3A_80 = vector.extract_strided_slice %mul3A_66 {offsets = [1], sizes = [1], strides = [1]} : vector<16xi32> to vector<1xi32>
      %squeeze3A_81 = vector.extract %slice3A_80[0] : i32 from vector<1xi32>
      %swap3A_82 = arith.constant 1 : i32
      %swap3A_83 = arith.index_cast %swap3A_82 : i32 to index
      %swap3A_84 = memref.load %arg13[%swap3A_83] : memref<16xi32, #tpu.memory_space<smem>>
      memref.store %squeeze3A_81, %arg13[%swap3A_83] : memref<16xi32, #tpu.memory_space<smem>>
      %slice3A_85 = vector.extract_strided_slice %mul3A_72 {offsets = [1], sizes = [1], strides = [1]} : vector<16xi32> to vector<1xi32>
      %squeeze3A_86 = vector.extract %slice3A_85[0] : i32 from vector<1xi32>
      %swap3A_87 = arith.constant 9 : i32
      %swap3A_88 = arith.index_cast %swap3A_87 : i32 to index
      %swap3A_89 = memref.load %arg13[%swap3A_88] : memref<16xi32, #tpu.memory_space<smem>>
      memref.store %squeeze3A_86, %arg13[%swap3A_88] : memref<16xi32, #tpu.memory_space<smem>>
      %slice3A_90 = vector.extract_strided_slice %mul3A_66 {offsets = [2], sizes = [1], strides = [1]} : vector<16xi32> to vector<1xi32>
      %squeeze3A_91 = vector.extract %slice3A_90[0] : i32 from vector<1xi32>
      %swap3A_92 = arith.constant 2 : i32
      %swap3A_93 = arith.index_cast %swap3A_92 : i32 to index
      %swap3A_94 = memref.load %arg13[%swap3A_93] : memref<16xi32, #tpu.memory_space<smem>>
      memref.store %squeeze3A_91, %arg13[%swap3A_93] : memref<16xi32, #tpu.memory_space<smem>>
      %slice3A_95 = vector.extract_strided_slice %mul3A_72 {offsets = [2], sizes = [1], strides = [1]} : vector<16xi32> to vector<1xi32>
      %squeeze3A_96 = vector.extract %slice3A_95[0] : i32 from vector<1xi32>
      %swap3A_97 = arith.constant 10 : i32
      %swap3A_98 = arith.index_cast %swap3A_97 : i32 to index
      %swap3A_99 = memref.load %arg13[%swap3A_98] : memref<16xi32, #tpu.memory_space<smem>>
      memref.store %squeeze3A_96, %arg13[%swap3A_98] : memref<16xi32, #tpu.memory_space<smem>>
      %slice3A_100 = vector.extract_strided_slice %mul3A_66 {offsets = [3], sizes = [1], strides = [1]} : vector<16xi32> to vector<1xi32>
      %squeeze3A_101 = vector.extract %slice3A_100[0] : i32 from vector<1xi32>
      %swap3A_102 = arith.constant 3 : i32
      %swap3A_103 = arith.index_cast %swap3A_102 : i32 to index
      %swap3A_104 = memref.load %arg13[%swap3A_103] : memref<16xi32, #tpu.memory_space<smem>>
      memref.store %squeeze3A_101, %arg13[%swap3A_103] : memref<16xi32, #tpu.memory_space<smem>>
      %slice3A_105 = vector.extract_strided_slice %mul3A_72 {offsets = [3], sizes = [1], strides = [1]} : vector<16xi32> to vector<1xi32>
      %squeeze3A_106 = vector.extract %slice3A_105[0] : i32 from vector<1xi32>
      %swap3A_107 = arith.constant 11 : i32
      %swap3A_108 = arith.index_cast %swap3A_107 : i32 to index
      %swap3A_109 = memref.load %arg13[%swap3A_108] : memref<16xi32, #tpu.memory_space<smem>>
      memref.store %squeeze3A_106, %arg13[%swap3A_108] : memref<16xi32, #tpu.memory_space<smem>>
      %slice3A_110 = vector.extract_strided_slice %mul3A_66 {offsets = [4], sizes = [1], strides = [1]} : vector<16xi32> to vector<1xi32>
      %squeeze3A_111 = vector.extract %slice3A_110[0] : i32 from vector<1xi32>
      %swap3A_112 = arith.constant 4 : i32
      %swap3A_113 = arith.index_cast %swap3A_112 : i32 to index
      %swap3A_114 = memref.load %arg13[%swap3A_113] : memref<16xi32, #tpu.memory_space<smem>>
      memref.store %squeeze3A_111, %arg13[%swap3A_113] : memref<16xi32, #tpu.memory_space<smem>>
      %slice3A_115 = vector.extract_strided_slice %mul3A_72 {offsets = [4], sizes = [1], strides = [1]} : vector<16xi32> to vector<1xi32>
      %squeeze3A_116 = vector.extract %slice3A_115[0] : i32 from vector<1xi32>
      %swap3A_117 = arith.constant 12 : i32
      %swap3A_118 = arith.index_cast %swap3A_117 : i32 to index
      %swap3A_119 = memref.load %arg13[%swap3A_118] : memref<16xi32, #tpu.memory_space<smem>>
      memref.store %squeeze3A_116, %arg13[%swap3A_118] : memref<16xi32, #tpu.memory_space<smem>>
      %slice3A_120 = vector.extract_strided_slice %mul3A_66 {offsets = [5], sizes = [1], strides = [1]} : vector<16xi32> to vector<1xi32>
      %squeeze3A_121 = vector.extract %slice3A_120[0] : i32 from vector<1xi32>
      %swap3A_122 = arith.constant 5 : i32
      %swap3A_123 = arith.index_cast %swap3A_122 : i32 to index
      %swap3A_124 = memref.load %arg13[%swap3A_123] : memref<16xi32, #tpu.memory_space<smem>>
      memref.store %squeeze3A_121, %arg13[%swap3A_123] : memref<16xi32, #tpu.memory_space<smem>>
      %slice3A_125 = vector.extract_strided_slice %mul3A_72 {offsets = [5], sizes = [1], strides = [1]} : vector<16xi32> to vector<1xi32>
      %squeeze3A_126 = vector.extract %slice3A_125[0] : i32 from vector<1xi32>
      %swap3A_127 = arith.constant 13 : i32
      %swap3A_128 = arith.index_cast %swap3A_127 : i32 to index
      %swap3A_129 = memref.load %arg13[%swap3A_128] : memref<16xi32, #tpu.memory_space<smem>>
      memref.store %squeeze3A_126, %arg13[%swap3A_128] : memref<16xi32, #tpu.memory_space<smem>>
      %slice3A_130 = vector.extract_strided_slice %mul3A_66 {offsets = [6], sizes = [1], strides = [1]} : vector<16xi32> to vector<1xi32>
      %squeeze3A_131 = vector.extract %slice3A_130[0] : i32 from vector<1xi32>
      %swap3A_132 = arith.constant 6 : i32
      %swap3A_133 = arith.index_cast %swap3A_132 : i32 to index
      %swap3A_134 = memref.load %arg13[%swap3A_133] : memref<16xi32, #tpu.memory_space<smem>>
      memref.store %squeeze3A_131, %arg13[%swap3A_133] : memref<16xi32, #tpu.memory_space<smem>>
      %slice3A_135 = vector.extract_strided_slice %mul3A_72 {offsets = [6], sizes = [1], strides = [1]} : vector<16xi32> to vector<1xi32>
      %squeeze3A_136 = vector.extract %slice3A_135[0] : i32 from vector<1xi32>
      %swap3A_137 = arith.constant 14 : i32
      %swap3A_138 = arith.index_cast %swap3A_137 : i32 to index
      %swap3A_139 = memref.load %arg13[%swap3A_138] : memref<16xi32, #tpu.memory_space<smem>>
      memref.store %squeeze3A_136, %arg13[%swap3A_138] : memref<16xi32, #tpu.memory_space<smem>>
      %slice3A_140 = vector.extract_strided_slice %mul3A_66 {offsets = [7], sizes = [1], strides = [1]} : vector<16xi32> to vector<1xi32>
      %squeeze3A_141 = vector.extract %slice3A_140[0] : i32 from vector<1xi32>
      %swap3A_142 = arith.constant 7 : i32
      %swap3A_143 = arith.index_cast %swap3A_142 : i32 to index
      %swap3A_144 = memref.load %arg13[%swap3A_143] : memref<16xi32, #tpu.memory_space<smem>>
      memref.store %squeeze3A_141, %arg13[%swap3A_143] : memref<16xi32, #tpu.memory_space<smem>>
      %slice3A_145 = vector.extract_strided_slice %mul3A_72 {offsets = [7], sizes = [1], strides = [1]} : vector<16xi32> to vector<1xi32>
      %squeeze3A_146 = vector.extract %slice3A_145[0] : i32 from vector<1xi32>
      %swap3A_147 = arith.constant 15 : i32
      %swap3A_148 = arith.index_cast %swap3A_147 : i32 to index
      %swap3A_149 = memref.load %arg13[%swap3A_148] : memref<16xi32, #tpu.memory_space<smem>>
      memref.store %squeeze3A_146, %arg13[%swap3A_148] : memref<16xi32, #tpu.memory_space<smem>>
      %scan3A_150 = arith.constant 0 : i32
      %scan3A_151 = arith.constant 0 : i32
      %scan3A_152 = arith.constant 12 : i32
      %scan3A_153 = arith.addi %scan3A_151, %scan3A_152 : i32
      %scan3A_154 = arith.constant 1 : i32
      scf.for %scan3A_532 = %scan3A_151 to %scan3A_153 step %scan3A_154  : i32 {
        %mul3A_533 = arith.constant 2 : i32
        %mul3A_534 = arith.muli %scan3A_532, %mul3A_533 : i32
        %add3A_535 = arith.constant 0 : i32
        %add3A_536 = arith.addi %mul3A_534, %add3A_535 : i32
        %mul3A_537 = arith.constant 16 : i32
        %mul3A_538 = arith.muli %add3A_536, %mul3A_537 : i32
        %mul3A_539 = arith.constant 2 : i32
        %mul3A_540 = arith.muli %add3A_536, %mul3A_539 : i32
        %mul3A_541 = arith.constant 16 : i32
        %mul3A_542 = arith.muli %mul3A_540, %mul3A_541 : i32
        %mul3A_543 = arith.constant 2 : i32
        %mul3A_544 = arith.muli %add3A_536, %mul3A_543 : i32
        %mul3A_545 = arith.constant 16 : i32
        %mul3A_546 = arith.muli %mul3A_544, %mul3A_545 : i32
        %add3A_547 = arith.constant 16 : i32
        %add3A_548 = arith.addi %mul3A_546, %add3A_547 : i32
        %get3A_549 = arith.constant 0 : i32
        %get3A_550 = arith.index_cast %get3A_549 : i32 to index
        %get3A_551 = memref.load %arg13[%get3A_550] : memref<16xi32, #tpu.memory_space<smem>>
        %add3A_552 = arith.addi %get3A_551, %mul3A_538 : i32
        %get3A_553 = arith.index_cast %add3A_552 : i32 to index
        %get3A_554 = tpu.vector_load %arg9[%get3A_553] {strides = array<i32>} : memref<98304xi32, #tpu.memory_space<vmem>>, vector<16xi32>,
        %get3A_555 = vector.shape_cast %get3A_554 : vector<16xi32> to vector<16xi32>
        %get3A_556 = arith.constant 8 : i32
        %get3A_557 = arith.index_cast %get3A_556 : i32 to index
        %get3A_558 = memref.load %arg13[%get3A_557] : memref<16xi32, #tpu.memory_space<smem>>
        %add3A_559 = arith.addi %get3A_558, %mul3A_538 : i32
        %get3A_560 = arith.index_cast %add3A_559 : i32 to index
        %get3A_561 = tpu.vector_load %arg9[%get3A_560] {strides = array<i32>} : memref<98304xi32, #tpu.memory_space<vmem>>, vector<16xi32>,
        %get3A_562 = vector.shape_cast %get3A_561 : vector<16xi32> to vector<16xi32>
        %shift_left3A = arith.constant 16 : i32
        %shift_left3A_563 = vector.broadcast %shift_left3A : i32 to vector<16xi32>
        %shift_left3A_564 = arith.shli %get3A_555, %shift_left3A_563 : vector<16xi32>
        %bitcast_convert_type3A = tpu.bitcast %shift_left3A_564 : vector<16xi32> -> vector<16xf32>
        %and3A = arith.constant -65536 : i32
        %and3A_565 = vector.broadcast %and3A : i32 to vector<16xi32>
        %and3A_566 = arith.andi %get3A_555, %and3A_565 : vector<16xi32>
        %bitcast_convert_type3A_567 = tpu.bitcast %and3A_566 : vector<16xi32> -> vector<16xf32>
        %shift_left3A_568 = arith.constant 16 : i32
        %shift_left3A_569 = vector.broadcast %shift_left3A_568 : i32 to vector<16xi32>
        %shift_left3A_570 = arith.shli %get3A_562, %shift_left3A_569 : vector<16xi32>
        %bitcast_convert_type3A_571 = tpu.bitcast %shift_left3A_570 : vector<16xi32> -> vector<16xf32>
        %and3A_572 = arith.constant -65536 : i32
        %and3A_573 = vector.broadcast %and3A_572 : i32 to vector<16xi32>
        %and3A_574 = arith.andi %get3A_562, %and3A_573 : vector<16xi32>
        %bitcast_convert_type3A_575 = tpu.bitcast %and3A_574 : vector<16xi32> -> vector<16xf32>
        %add3A_576 = arith.addf %bitcast_convert_type3A, %bitcast_convert_type3A_571 : vector<16xf32>
        %swap3A_577 = arith.constant 0 : i32
        %swap3A_578 = arith.index_cast %swap3A_577 : i32 to index
        %swap3A_579 = arith.index_cast %mul3A_542 : i32 to index
        %swap3A_580 = tpu.vector_load %arg14[%swap3A_578, %swap3A_579] {strides = array<i32>} : memref<8x768xf32, #tpu.memory_space<vmem>>, vector<1x16xf32>,
        %swap3A_581 = vector.shape_cast %swap3A_580 : vector<1x16xf32> to vector<16xf32>
        %swap3A_582 = vector.shape_cast %add3A_576 : vector<16xf32> to vector<1x16xf32>
        tpu.vector_store %arg14[%swap3A_578, %swap3A_579], %swap3A_582 {add = true, strides = array<i32>} : memref<8x768xf32, #tpu.memory_space<vmem>>, vector<1x16xf32>,
        %add3A_583 = arith.addf %bitcast_convert_type3A_567, %bitcast_convert_type3A_575 : vector<16xf32>
        %swap3A_584 = arith.constant 0 : i32
        %swap3A_585 = arith.index_cast %swap3A_584 : i32 to index
        %swap3A_586 = arith.index_cast %add3A_548 : i32 to index
        %swap3A_587 = tpu.vector_load %arg14[%swap3A_585, %swap3A_586] {strides = array<i32>} : memref<8x768xf32, #tpu.memory_space<vmem>>, vector<1x16xf32>,
        %swap3A_588 = vector.shape_cast %swap3A_587 : vector<1x16xf32> to vector<16xf32>
        %swap3A_589 = vector.shape_cast %add3A_583 : vector<16xf32> to vector<1x16xf32>
        tpu.vector_store %arg14[%swap3A_585, %swap3A_586], %swap3A_589 {add = true, strides = array<i32>} : memref<8x768xf32, #tpu.memory_space<vmem>>, vector<1x16xf32>,
        %get3A_590 = arith.constant 1 : i32
        %get3A_591 = arith.index_cast %get3A_590 : i32 to index
        %get3A_592 = memref.load %arg13[%get3A_591] : memref<16xi32, #tpu.memory_space<smem>>
        %add3A_593 = arith.addi %get3A_592, %mul3A_538 : i32
        %get3A_594 = arith.index_cast %add3A_593 : i32 to index
        %get3A_595 = tpu.vector_load %arg9[%get3A_594] {strides = array<i32>} : memref<98304xi32, #tpu.memory_space<vmem>>, vector<16xi32>,
        %get3A_596 = vector.shape_cast %get3A_595 : vector<16xi32> to vector<16xi32>
        %get3A_597 = arith.constant 9 : i32
        %get3A_598 = arith.index_cast %get3A_597 : i32 to index
        %get3A_599 = memref.load %arg13[%get3A_598] : memref<16xi32, #tpu.memory_space<smem>>
        %add3A_600 = arith.addi %get3A_599, %mul3A_538 : i32
        %get3A_601 = arith.index_cast %add3A_600 : i32 to index
        %get3A_602 = tpu.vector_load %arg9[%get3A_601] {strides = array<i32>} : memref<98304xi32, #tpu.memory_space<vmem>>, vector<16xi32>,
        %get3A_603 = vector.shape_cast %get3A_602 : vector<16xi32> to vector<16xi32>
        %shift_left3A_604 = arith.constant 16 : i32
        %shift_left3A_605 = vector.broadcast %shift_left3A_604 : i32 to vector<16xi32>
        %shift_left3A_606 = arith.shli %get3A_596, %shift_left3A_605 : vector<16xi32>
        %bitcast_convert_type3A_607 = tpu.bitcast %shift_left3A_606 : vector<16xi32> -> vector<16xf32>
        %and3A_608 = arith.constant -65536 : i32
        %and3A_609 = vector.broadcast %and3A_608 : i32 to vector<16xi32>
        %and3A_610 = arith.andi %get3A_596, %and3A_609 : vector<16xi32>
        %bitcast_convert_type3A_611 = tpu.bitcast %and3A_610 : vector<16xi32> -> vector<16xf32>
        %shift_left3A_612 = arith.constant 16 : i32
        %shift_left3A_613 = vector.broadcast %shift_left3A_612 : i32 to vector<16xi32>
        %shift_left3A_614 = arith.shli %get3A_603, %shift_left3A_613 : vector<16xi32>
        %bitcast_convert_type3A_615 = tpu.bitcast %shift_left3A_614 : vector<16xi32> -> vector<16xf32>
        %and3A_616 = arith.constant -65536 : i32
        %and3A_617 = vector.broadcast %and3A_616 : i32 to vector<16xi32>
        %and3A_618 = arith.andi %get3A_603, %and3A_617 : vector<16xi32>
        %bitcast_convert_type3A_619 = tpu.bitcast %and3A_618 : vector<16xi32> -> vector<16xf32>
        %add3A_620 = arith.addf %bitcast_convert_type3A_607, %bitcast_convert_type3A_615 : vector<16xf32>
        %swap3A_621 = arith.constant 1 : i32
        %swap3A_622 = arith.index_cast %swap3A_621 : i32 to index
        %swap3A_623 = arith.index_cast %mul3A_542 : i32 to index
        %swap3A_624 = tpu.vector_load %arg14[%swap3A_622, %swap3A_623] {strides = array<i32>} : memref<8x768xf32, #tpu.memory_space<vmem>>, vector<1x16xf32>,
        %swap3A_625 = vector.shape_cast %swap3A_624 : vector<1x16xf32> to vector<16xf32>
        %swap3A_626 = vector.shape_cast %add3A_620 : vector<16xf32> to vector<1x16xf32>
        tpu.vector_store %arg14[%swap3A_622, %swap3A_623], %swap3A_626 {add = true, strides = array<i32>} : memref<8x768xf32, #tpu.memory_space<vmem>>, vector<1x16xf32>,
        %add3A_627 = arith.addf %bitcast_convert_type3A_611, %bitcast_convert_type3A_619 : vector<16xf32>
        %swap3A_628 = arith.constant 1 : i32
        %swap3A_629 = arith.index_cast %swap3A_628 : i32 to index
        %swap3A_630 = arith.index_cast %add3A_548 : i32 to index
        %swap3A_631 = tpu.vector_load %arg14[%swap3A_629, %swap3A_630] {strides = array<i32>} : memref<8x768xf32, #tpu.memory_space<vmem>>, vector<1x16xf32>,
        %swap3A_632 = vector.shape_cast %swap3A_631 : vector<1x16xf32> to vector<16xf32>
        %swap3A_633 = vector.shape_cast %add3A_627 : vector<16xf32> to vector<1x16xf32>
        tpu.vector_store %arg14[%swap3A_629, %swap3A_630], %swap3A_633 {add = true, strides = array<i32>} : memref<8x768xf32, #tpu.memory_space<vmem>>, vector<1x16xf32>,
        %get3A_634 = arith.constant 2 : i32
        %get3A_635 = arith.index_cast %get3A_634 : i32 to index
        %get3A_636 = memref.load %arg13[%get3A_635] : memref<16xi32, #tpu.memory_space<smem>>
        %add3A_637 = arith.addi %get3A_636, %mul3A_538 : i32
        %get3A_638 = arith.index_cast %add3A_637 : i32 to index
        %get3A_639 = tpu.vector_load %arg9[%get3A_638] {strides = array<i32>} : memref<98304xi32, #tpu.memory_space<vmem>>, vector<16xi32>,
        %get3A_640 = vector.shape_cast %get3A_639 : vector<16xi32> to vector<16xi32>
        %get3A_641 = arith.constant 10 : i32
        %get3A_642 = arith.index_cast %get3A_641 : i32 to index
        %get3A_643 = memref.load %arg13[%get3A_642] : memref<16xi32, #tpu.memory_space<smem>>
        %add3A_644 = arith.addi %get3A_643, %mul3A_538 : i32
        %get3A_645 = arith.index_cast %add3A_644 : i32 to index
        %get3A_646 = tpu.vector_load %arg9[%get3A_645] {strides = array<i32>} : memref<98304xi32, #tpu.memory_space<vmem>>, vector<16xi32>,
        %get3A_647 = vector.shape_cast %get3A_646 : vector<16xi32> to vector<16xi32>
        %shift_left3A_648 = arith.constant 16 : i32
        %shift_left3A_649 = vector.broadcast %shift_left3A_648 : i32 to vector<16xi32>
        %shift_left3A_650 = arith.shli %get3A_640, %shift_left3A_649 : vector<16xi32>
        %bitcast_convert_type3A_651 = tpu.bitcast %shift_left3A_650 : vector<16xi32> -> vector<16xf32>
        %and3A_652 = arith.constant -65536 : i32
        %and3A_653 = vector.broadcast %and3A_652 : i32 to vector<16xi32>
        %and3A_654 = arith.andi %get3A_640, %and3A_653 : vector<16xi32>
        %bitcast_convert_type3A_655 = tpu.bitcast %and3A_654 : vector<16xi32> -> vector<16xf32>
        %shift_left3A_656 = arith.constant 16 : i32
        %shift_left3A_657 = vector.broadcast %shift_left3A_656 : i32 to vector<16xi32>
        %shift_left3A_658 = arith.shli %get3A_647, %shift_left3A_657 : vector<16xi32>
        %bitcast_convert_type3A_659 = tpu.bitcast %shift_left3A_658 : vector<16xi32> -> vector<16xf32>
        %and3A_660 = arith.constant -65536 : i32
        %and3A_661 = vector.broadcast %and3A_660 : i32 to vector<16xi32>
        %and3A_662 = arith.andi %get3A_647, %and3A_661 : vector<16xi32>
        %bitcast_convert_type3A_663 = tpu.bitcast %and3A_662 : vector<16xi32> -> vector<16xf32>
        %add3A_664 = arith.addf %bitcast_convert_type3A_651, %bitcast_convert_type3A_659 : vector<16xf32>
        %swap3A_665 = arith.constant 2 : i32
        %swap3A_666 = arith.index_cast %swap3A_665 : i32 to index
        %swap3A_667 = arith.index_cast %mul3A_542 : i32 to index
        %swap3A_668 = tpu.vector_load %arg14[%swap3A_666, %swap3A_667] {strides = array<i32>} : memref<8x768xf32, #tpu.memory_space<vmem>>, vector<1x16xf32>,
        %swap3A_669 = vector.shape_cast %swap3A_668 : vector<1x16xf32> to vector<16xf32>
        %swap3A_670 = vector.shape_cast %add3A_664 : vector<16xf32> to vector<1x16xf32>
        tpu.vector_store %arg14[%swap3A_666, %swap3A_667], %swap3A_670 {add = true, strides = array<i32>} : memref<8x768xf32, #tpu.memory_space<vmem>>, vector<1x16xf32>,
        %add3A_671 = arith.addf %bitcast_convert_type3A_655, %bitcast_convert_type3A_663 : vector<16xf32>
        %swap3A_672 = arith.constant 2 : i32
        %swap3A_673 = arith.index_cast %swap3A_672 : i32 to index
        %swap3A_674 = arith.index_cast %add3A_548 : i32 to index
        %swap3A_675 = tpu.vector_load %arg14[%swap3A_673, %swap3A_674] {strides = array<i32>} : memref<8x768xf32, #tpu.memory_space<vmem>>, vector<1x16xf32>,
        %swap3A_676 = vector.shape_cast %swap3A_675 : vector<1x16xf32> to vector<16xf32>
        %swap3A_677 = vector.shape_cast %add3A_671 : vector<16xf32> to vector<1x16xf32>
        tpu.vector_store %arg14[%swap3A_673, %swap3A_674], %swap3A_677 {add = true, strides = array<i32>} : memref<8x768xf32, #tpu.memory_space<vmem>>, vector<1x16xf32>,
        %get3A_678 = arith.constant 3 : i32
        %get3A_679 = arith.index_cast %get3A_678 : i32 to index
        %get3A_680 = memref.load %arg13[%get3A_679] : memref<16xi32, #tpu.memory_space<smem>>
        %add3A_681 = arith.addi %get3A_680, %mul3A_538 : i32
        %get3A_682 = arith.index_cast %add3A_681 : i32 to index
        %get3A_683 = tpu.vector_load %arg9[%get3A_682] {strides = array<i32>} : memref<98304xi32, #tpu.memory_space<vmem>>, vector<16xi32>,
        %get3A_684 = vector.shape_cast %get3A_683 : vector<16xi32> to vector<16xi32>
        %get3A_685 = arith.constant 11 : i32
        %get3A_686 = arith.index_cast %get3A_685 : i32 to index
        %get3A_687 = memref.load %arg13[%get3A_686] : memref<16xi32, #tpu.memory_space<smem>>
        %add3A_688 = arith.addi %get3A_687, %mul3A_538 : i32
        %get3A_689 = arith.index_cast %add3A_688 : i32 to index
        %get3A_690 = tpu.vector_load %arg9[%get3A_689] {strides = array<i32>} : memref<98304xi32, #tpu.memory_space<vmem>>, vector<16xi32>,
        %get3A_691 = vector.shape_cast %get3A_690 : vector<16xi32> to vector<16xi32>
        %shift_left3A_692 = arith.constant 16 : i32
        %shift_left3A_693 = vector.broadcast %shift_left3A_692 : i32 to vector<16xi32>
        %shift_left3A_694 = arith.shli %get3A_684, %shift_left3A_693 : vector<16xi32>
        %bitcast_convert_type3A_695 = tpu.bitcast %shift_left3A_694 : vector<16xi32> -> vector<16xf32>
        %and3A_696 = arith.constant -65536 : i32
        %and3A_697 = vector.broadcast %and3A_696 : i32 to vector<16xi32>
        %and3A_698 = arith.andi %get3A_684, %and3A_697 : vector<16xi32>
        %bitcast_convert_type3A_699 = tpu.bitcast %and3A_698 : vector<16xi32> -> vector<16xf32>
        %shift_left3A_700 = arith.constant 16 : i32
        %shift_left3A_701 = vector.broadcast %shift_left3A_700 : i32 to vector<16xi32>
        %shift_left3A_702 = arith.shli %get3A_691, %shift_left3A_701 : vector<16xi32>
        %bitcast_convert_type3A_703 = tpu.bitcast %shift_left3A_702 : vector<16xi32> -> vector<16xf32>
        %and3A_704 = arith.constant -65536 : i32
        %and3A_705 = vector.broadcast %and3A_704 : i32 to vector<16xi32>
        %and3A_706 = arith.andi %get3A_691, %and3A_705 : vector<16xi32>
        %bitcast_convert_type3A_707 = tpu.bitcast %and3A_706 : vector<16xi32> -> vector<16xf32>
        %add3A_708 = arith.addf %bitcast_convert_type3A_695, %bitcast_convert_type3A_703 : vector<16xf32>
        %swap3A_709 = arith.constant 3 : i32
        %swap3A_710 = arith.index_cast %swap3A_709 : i32 to index
        %swap3A_711 = arith.index_cast %mul3A_542 : i32 to index
        %swap3A_712 = tpu.vector_load %arg14[%swap3A_710, %swap3A_711] {strides = array<i32>} : memref<8x768xf32, #tpu.memory_space<vmem>>, vector<1x16xf32>,
        %swap3A_713 = vector.shape_cast %swap3A_712 : vector<1x16xf32> to vector<16xf32>
        %swap3A_714 = vector.shape_cast %add3A_708 : vector<16xf32> to vector<1x16xf32>
        tpu.vector_store %arg14[%swap3A_710, %swap3A_711], %swap3A_714 {add = true, strides = array<i32>} : memref<8x768xf32, #tpu.memory_space<vmem>>, vector<1x16xf32>,
        %add3A_715 = arith.addf %bitcast_convert_type3A_699, %bitcast_convert_type3A_707 : vector<16xf32>
        %swap3A_716 = arith.constant 3 : i32
        %swap3A_717 = arith.index_cast %swap3A_716 : i32 to index
        %swap3A_718 = arith.index_cast %add3A_548 : i32 to index
        %swap3A_719 = tpu.vector_load %arg14[%swap3A_717, %swap3A_718] {strides = array<i32>} : memref<8x768xf32, #tpu.memory_space<vmem>>, vector<1x16xf32>,
        %swap3A_720 = vector.shape_cast %swap3A_719 : vector<1x16xf32> to vector<16xf32>
        %swap3A_721 = vector.shape_cast %add3A_715 : vector<16xf32> to vector<1x16xf32>
        tpu.vector_store %arg14[%swap3A_717, %swap3A_718], %swap3A_721 {add = true, strides = array<i32>} : memref<8x768xf32, #tpu.memory_space<vmem>>, vector<1x16xf32>,
        %get3A_722 = arith.constant 4 : i32
        %get3A_723 = arith.index_cast %get3A_722 : i32 to index
        %get3A_724 = memref.load %arg13[%get3A_723] : memref<16xi32, #tpu.memory_space<smem>>
        %add3A_725 = arith.addi %get3A_724, %mul3A_538 : i32
        %get3A_726 = arith.index_cast %add3A_725 : i32 to index
        %get3A_727 = tpu.vector_load %arg9[%get3A_726] {strides = array<i32>} : memref<98304xi32, #tpu.memory_space<vmem>>, vector<16xi32>,
        %get3A_728 = vector.shape_cast %get3A_727 : vector<16xi32> to vector<16xi32>
        %get3A_729 = arith.constant 12 : i32
        %get3A_730 = arith.index_cast %get3A_729 : i32 to index
        %get3A_731 = memref.load %arg13[%get3A_730] : memref<16xi32, #tpu.memory_space<smem>>
        %add3A_732 = arith.addi %get3A_731, %mul3A_538 : i32
        %get3A_733 = arith.index_cast %add3A_732 : i32 to index
        %get3A_734 = tpu.vector_load %arg9[%get3A_733] {strides = array<i32>} : memref<98304xi32, #tpu.memory_space<vmem>>, vector<16xi32>,
        %get3A_735 = vector.shape_cast %get3A_734 : vector<16xi32> to vector<16xi32>
        %shift_left3A_736 = arith.constant 16 : i32
        %shift_left3A_737 = vector.broadcast %shift_left3A_736 : i32 to vector<16xi32>
        %shift_left3A_738 = arith.shli %get3A_728, %shift_left3A_737 : vector<16xi32>
        %bitcast_convert_type3A_739 = tpu.bitcast %shift_left3A_738 : vector<16xi32> -> vector<16xf32>
        %and3A_740 = arith.constant -65536 : i32
        %and3A_741 = vector.broadcast %and3A_740 : i32 to vector<16xi32>
        %and3A_742 = arith.andi %get3A_728, %and3A_741 : vector<16xi32>
        %bitcast_convert_type3A_743 = tpu.bitcast %and3A_742 : vector<16xi32> -> vector<16xf32>
        %shift_left3A_744 = arith.constant 16 : i32
        %shift_left3A_745 = vector.broadcast %shift_left3A_744 : i32 to vector<16xi32>
        %shift_left3A_746 = arith.shli %get3A_735, %shift_left3A_745 : vector<16xi32>
        %bitcast_convert_type3A_747 = tpu.bitcast %shift_left3A_746 : vector<16xi32> -> vector<16xf32>
        %and3A_748 = arith.constant -65536 : i32
        %and3A_749 = vector.broadcast %and3A_748 : i32 to vector<16xi32>
        %and3A_750 = arith.andi %get3A_735, %and3A_749 : vector<16xi32>
        %bitcast_convert_type3A_751 = tpu.bitcast %and3A_750 : vector<16xi32> -> vector<16xf32>
        %add3A_752 = arith.addf %bitcast_convert_type3A_739, %bitcast_convert_type3A_747 : vector<16xf32>
        %swap3A_753 = arith.constant 4 : i32
        %swap3A_754 = arith.index_cast %swap3A_753 : i32 to index
        %swap3A_755 = arith.index_cast %mul3A_542 : i32 to index
        %swap3A_756 = tpu.vector_load %arg14[%swap3A_754, %swap3A_755] {strides = array<i32>} : memref<8x768xf32, #tpu.memory_space<vmem>>, vector<1x16xf32>,
        %swap3A_757 = vector.shape_cast %swap3A_756 : vector<1x16xf32> to vector<16xf32>
        %swap3A_758 = vector.shape_cast %add3A_752 : vector<16xf32> to vector<1x16xf32>
        tpu.vector_store %arg14[%swap3A_754, %swap3A_755], %swap3A_758 {add = true, strides = array<i32>} : memref<8x768xf32, #tpu.memory_space<vmem>>, vector<1x16xf32>,
        %add3A_759 = arith.addf %bitcast_convert_type3A_743, %bitcast_convert_type3A_751 : vector<16xf32>
        %swap3A_760 = arith.constant 4 : i32
        %swap3A_761 = arith.index_cast %swap3A_760 : i32 to index
        %swap3A_762 = arith.index_cast %add3A_548 : i32 to index
        %swap3A_763 = tpu.vector_load %arg14[%swap3A_761, %swap3A_762] {strides = array<i32>} : memref<8x768xf32, #tpu.memory_space<vmem>>, vector<1x16xf32>,
        %swap3A_764 = vector.shape_cast %swap3A_763 : vector<1x16xf32> to vector<16xf32>
        %swap3A_765 = vector.shape_cast %add3A_759 : vector<16xf32> to vector<1x16xf32>
        tpu.vector_store %arg14[%swap3A_761, %swap3A_762], %swap3A_765 {add = true, strides = array<i32>} : memref<8x768xf32, #tpu.memory_space<vmem>>, vector<1x16xf32>,
        %get3A_766 = arith.constant 5 : i32
        %get3A_767 = arith.index_cast %get3A_766 : i32 to index
        %get3A_768 = memref.load %arg13[%get3A_767] : memref<16xi32, #tpu.memory_space<smem>>
        %add3A_769 = arith.addi %get3A_768, %mul3A_538 : i32
        %get3A_770 = arith.index_cast %add3A_769 : i32 to index
        %get3A_771 = tpu.vector_load %arg9[%get3A_770] {strides = array<i32>} : memref<98304xi32, #tpu.memory_space<vmem>>, vector<16xi32>,
        %get3A_772 = vector.shape_cast %get3A_771 : vector<16xi32> to vector<16xi32>
        %get3A_773 = arith.constant 13 : i32
        %get3A_774 = arith.index_cast %get3A_773 : i32 to index
        %get3A_775 = memref.load %arg13[%get3A_774] : memref<16xi32, #tpu.memory_space<smem>>
        %add3A_776 = arith.addi %get3A_775, %mul3A_538 : i32
        %get3A_777 = arith.index_cast %add3A_776 : i32 to index
        %get3A_778 = tpu.vector_load %arg9[%get3A_777] {strides = array<i32>} : memref<98304xi32, #tpu.memory_space<vmem>>, vector<16xi32>,
        %get3A_779 = vector.shape_cast %get3A_778 : vector<16xi32> to vector<16xi32>
        %shift_left3A_780 = arith.constant 16 : i32
        %shift_left3A_781 = vector.broadcast %shift_left3A_780 : i32 to vector<16xi32>
        %shift_left3A_782 = arith.shli %get3A_772, %shift_left3A_781 : vector<16xi32>
        %bitcast_convert_type3A_783 = tpu.bitcast %shift_left3A_782 : vector<16xi32> -> vector<16xf32>
        %and3A_784 = arith.constant -65536 : i32
        %and3A_785 = vector.broadcast %and3A_784 : i32 to vector<16xi32>
        %and3A_786 = arith.andi %get3A_772, %and3A_785 : vector<16xi32>
        %bitcast_convert_type3A_787 = tpu.bitcast %and3A_786 : vector<16xi32> -> vector<16xf32>
        %shift_left3A_788 = arith.constant 16 : i32
        %shift_left3A_789 = vector.broadcast %shift_left3A_788 : i32 to vector<16xi32>
        %shift_left3A_790 = arith.shli %get3A_779, %shift_left3A_789 : vector<16xi32>
        %bitcast_convert_type3A_791 = tpu.bitcast %shift_left3A_790 : vector<16xi32> -> vector<16xf32>
        %and3A_792 = arith.constant -65536 : i32
        %and3A_793 = vector.broadcast %and3A_792 : i32 to vector<16xi32>
        %and3A_794 = arith.andi %get3A_779, %and3A_793 : vector<16xi32>
        %bitcast_convert_type3A_795 = tpu.bitcast %and3A_794 : vector<16xi32> -> vector<16xf32>
        %add3A_796 = arith.addf %bitcast_convert_type3A_783, %bitcast_convert_type3A_791 : vector<16xf32>
        %swap3A_797 = arith.constant 5 : i32
        %swap3A_798 = arith.index_cast %swap3A_797 : i32 to index
        %swap3A_799 = arith.index_cast %mul3A_542 : i32 to index
        %swap3A_800 = tpu.vector_load %arg14[%swap3A_798, %swap3A_799] {strides = array<i32>} : memref<8x768xf32, #tpu.memory_space<vmem>>, vector<1x16xf32>,
        %swap3A_801 = vector.shape_cast %swap3A_800 : vector<1x16xf32> to vector<16xf32>
        %swap3A_802 = vector.shape_cast %add3A_796 : vector<16xf32> to vector<1x16xf32>
        tpu.vector_store %arg14[%swap3A_798, %swap3A_799], %swap3A_802 {add = true, strides = array<i32>} : memref<8x768xf32, #tpu.memory_space<vmem>>, vector<1x16xf32>,
        %add3A_803 = arith.addf %bitcast_convert_type3A_787, %bitcast_convert_type3A_795 : vector<16xf32>
        %swap3A_804 = arith.constant 5 : i32
        %swap3A_805 = arith.index_cast %swap3A_804 : i32 to index
        %swap3A_806 = arith.index_cast %add3A_548 : i32 to index
        %swap3A_807 = tpu.vector_load %arg14[%swap3A_805, %swap3A_806] {strides = array<i32>} : memref<8x768xf32, #tpu.memory_space<vmem>>, vector<1x16xf32>,
        %swap3A_808 = vector.shape_cast %swap3A_807 : vector<1x16xf32> to vector<16xf32>
        %swap3A_809 = vector.shape_cast %add3A_803 : vector<16xf32> to vector<1x16xf32>
        tpu.vector_store %arg14[%swap3A_805, %swap3A_806], %swap3A_809 {add = true, strides = array<i32>} : memref<8x768xf32, #tpu.memory_space<vmem>>, vector<1x16xf32>,
        %get3A_810 = arith.constant 6 : i32
        %get3A_811 = arith.index_cast %get3A_810 : i32 to index
        %get3A_812 = memref.load %arg13[%get3A_811] : memref<16xi32, #tpu.memory_space<smem>>
        %add3A_813 = arith.addi %get3A_812, %mul3A_538 : i32
        %get3A_814 = arith.index_cast %add3A_813 : i32 to index
        %get3A_815 = tpu.vector_load %arg9[%get3A_814] {strides = array<i32>} : memref<98304xi32, #tpu.memory_space<vmem>>, vector<16xi32>,
        %get3A_816 = vector.shape_cast %get3A_815 : vector<16xi32> to vector<16xi32>
        %get3A_817 = arith.constant 14 : i32
        %get3A_818 = arith.index_cast %get3A_817 : i32 to index
        %get3A_819 = memref.load %arg13[%get3A_818] : memref<16xi32, #tpu.memory_space<smem>>
        %add3A_820 = arith.addi %get3A_819, %mul3A_538 : i32
        %get3A_821 = arith.index_cast %add3A_820 : i32 to index
        %get3A_822 = tpu.vector_load %arg9[%get3A_821] {strides = array<i32>} : memref<98304xi32, #tpu.memory_space<vmem>>, vector<16xi32>,
        %get3A_823 = vector.shape_cast %get3A_822 : vector<16xi32> to vector<16xi32>
        %shift_left3A_824 = arith.constant 16 : i32
        %shift_left3A_825 = vector.broadcast %shift_left3A_824 : i32 to vector<16xi32>
        %shift_left3A_826 = arith.shli %get3A_816, %shift_left3A_825 : vector<16xi32>
        %bitcast_convert_type3A_827 = tpu.bitcast %shift_left3A_826 : vector<16xi32> -> vector<16xf32>
        %and3A_828 = arith.constant -65536 : i32
        %and3A_829 = vector.broadcast %and3A_828 : i32 to vector<16xi32>
        %and3A_830 = arith.andi %get3A_816, %and3A_829 : vector<16xi32>
        %bitcast_convert_type3A_831 = tpu.bitcast %and3A_830 : vector<16xi32> -> vector<16xf32>
        %shift_left3A_832 = arith.constant 16 : i32
        %shift_left3A_833 = vector.broadcast %shift_left3A_832 : i32 to vector<16xi32>
        %shift_left3A_834 = arith.shli %get3A_823, %shift_left3A_833 : vector<16xi32>
        %bitcast_convert_type3A_835 = tpu.bitcast %shift_left3A_834 : vector<16xi32> -> vector<16xf32>
        %and3A_836 = arith.constant -65536 : i32
        %and3A_837 = vector.broadcast %and3A_836 : i32 to vector<16xi32>
        %and3A_838 = arith.andi %get3A_823, %and3A_837 : vector<16xi32>
        %bitcast_convert_type3A_839 = tpu.bitcast %and3A_838 : vector<16xi32> -> vector<16xf32>
        %add3A_840 = arith.addf %bitcast_convert_type3A_827, %bitcast_convert_type3A_835 : vector<16xf32>
        %swap3A_841 = arith.constant 6 : i32
        %swap3A_842 = arith.index_cast %swap3A_841 : i32 to index
        %swap3A_843 = arith.index_cast %mul3A_542 : i32 to index
        %swap3A_844 = tpu.vector_load %arg14[%swap3A_842, %swap3A_843] {strides = array<i32>} : memref<8x768xf32, #tpu.memory_space<vmem>>, vector<1x16xf32>,
        %swap3A_845 = vector.shape_cast %swap3A_844 : vector<1x16xf32> to vector<16xf32>
        %swap3A_846 = vector.shape_cast %add3A_840 : vector<16xf32> to vector<1x16xf32>
        tpu.vector_store %arg14[%swap3A_842, %swap3A_843], %swap3A_846 {add = true, strides = array<i32>} : memref<8x768xf32, #tpu.memory_space<vmem>>, vector<1x16xf32>,
        %add3A_847 = arith.addf %bitcast_convert_type3A_831, %bitcast_convert_type3A_839 : vector<16xf32>
        %swap3A_848 = arith.constant 6 : i32
        %swap3A_849 = arith.index_cast %swap3A_848 : i32 to index
        %swap3A_850 = arith.index_cast %add3A_548 : i32 to index
        %swap3A_851 = tpu.vector_load %arg14[%swap3A_849, %swap3A_850] {strides = array<i32>} : memref<8x768xf32, #tpu.memory_space<vmem>>, vector<1x16xf32>,
        %swap3A_852 = vector.shape_cast %swap3A_851 : vector<1x16xf32> to vector<16xf32>
        %swap3A_853 = vector.shape_cast %add3A_847 : vector<16xf32> to vector<1x16xf32>
        tpu.vector_store %arg14[%swap3A_849, %swap3A_850], %swap3A_853 {add = true, strides = array<i32>} : memref<8x768xf32, #tpu.memory_space<vmem>>, vector<1x16xf32>,
        %get3A_854 = arith.constant 7 : i32
        %get3A_855 = arith.index_cast %get3A_854 : i32 to index
        %get3A_856 = memref.load %arg13[%get3A_855] : memref<16xi32, #tpu.memory_space<smem>>
        %add3A_857 = arith.addi %get3A_856, %mul3A_538 : i32
        %get3A_858 = arith.index_cast %add3A_857 : i32 to index
        %get3A_859 = tpu.vector_load %arg9[%get3A_858] {strides = array<i32>} : memref<98304xi32, #tpu.memory_space<vmem>>, vector<16xi32>,
        %get3A_860 = vector.shape_cast %get3A_859 : vector<16xi32> to vector<16xi32>
        %get3A_861 = arith.constant 15 : i32
        %get3A_862 = arith.index_cast %get3A_861 : i32 to index
        %get3A_863 = memref.load %arg13[%get3A_862] : memref<16xi32, #tpu.memory_space<smem>>
        %add3A_864 = arith.addi %get3A_863, %mul3A_538 : i32
        %get3A_865 = arith.index_cast %add3A_864 : i32 to index
        %get3A_866 = tpu.vector_load %arg9[%get3A_865] {strides = array<i32>} : memref<98304xi32, #tpu.memory_space<vmem>>, vector<16xi32>,
        %get3A_867 = vector.shape_cast %get3A_866 : vector<16xi32> to vector<16xi32>
        %shift_left3A_868 = arith.constant 16 : i32
        %shift_left3A_869 = vector.broadcast %shift_left3A_868 : i32 to vector<16xi32>
        %shift_left3A_870 = arith.shli %get3A_860, %shift_left3A_869 : vector<16xi32>
        %bitcast_convert_type3A_871 = tpu.bitcast %shift_left3A_870 : vector<16xi32> -> vector<16xf32>
        %and3A_872 = arith.constant -65536 : i32
        %and3A_873 = vector.broadcast %and3A_872 : i32 to vector<16xi32>
        %and3A_874 = arith.andi %get3A_860, %and3A_873 : vector<16xi32>
        %bitcast_convert_type3A_875 = tpu.bitcast %and3A_874 : vector<16xi32> -> vector<16xf32>
        %shift_left3A_876 = arith.constant 16 : i32
        %shift_left3A_877 = vector.broadcast %shift_left3A_876 : i32 to vector<16xi32>
        %shift_left3A_878 = arith.shli %get3A_867, %shift_left3A_877 : vector<16xi32>
        %bitcast_convert_type3A_879 = tpu.bitcast %shift_left3A_878 : vector<16xi32> -> vector<16xf32>
        %and3A_880 = arith.constant -65536 : i32
        %and3A_881 = vector.broadcast %and3A_880 : i32 to vector<16xi32>
        %and3A_882 = arith.andi %get3A_867, %and3A_881 : vector<16xi32>
        %bitcast_convert_type3A_883 = tpu.bitcast %and3A_882 : vector<16xi32> -> vector<16xf32>
        %add3A_884 = arith.addf %bitcast_convert_type3A_871, %bitcast_convert_type3A_879 : vector<16xf32>
        %swap3A_885 = arith.constant 7 : i32
        %swap3A_886 = arith.index_cast %swap3A_885 : i32 to index
        %swap3A_887 = arith.index_cast %mul3A_542 : i32 to index
        %swap3A_888 = tpu.vector_load %arg14[%swap3A_886, %swap3A_887] {strides = array<i32>} : memref<8x768xf32, #tpu.memory_space<vmem>>, vector<1x16xf32>,
        %swap3A_889 = vector.shape_cast %swap3A_888 : vector<1x16xf32> to vector<16xf32>
        %swap3A_890 = vector.shape_cast %add3A_884 : vector<16xf32> to vector<1x16xf32>
        tpu.vector_store %arg14[%swap3A_886, %swap3A_887], %swap3A_890 {add = true, strides = array<i32>} : memref<8x768xf32, #tpu.memory_space<vmem>>, vector<1x16xf32>,
        %add3A_891 = arith.addf %bitcast_convert_type3A_875, %bitcast_convert_type3A_883 : vector<16xf32>
        %swap3A_892 = arith.constant 7 : i32
        %swap3A_893 = arith.index_cast %swap3A_892 : i32 to index
        %swap3A_894 = arith.index_cast %add3A_548 : i32 to index
        %swap3A_895 = tpu.vector_load %arg14[%swap3A_893, %swap3A_894] {strides = array<i32>} : memref<8x768xf32, #tpu.memory_space<vmem>>, vector<1x16xf32>,
        %swap3A_896 = vector.shape_cast %swap3A_895 : vector<1x16xf32> to vector<16xf32>
        %swap3A_897 = vector.shape_cast %add3A_891 : vector<16xf32> to vector<1x16xf32>
        tpu.vector_store %arg14[%swap3A_893, %swap3A_894], %swap3A_897 {add = true, strides = array<i32>} : memref<8x768xf32, #tpu.memory_space<vmem>>, vector<1x16xf32>,
        %mul3A_898 = arith.constant 2 : i32
        %mul3A_899 = arith.muli %scan3A_532, %mul3A_898 : i32
        %add3A_900 = arith.constant 1 : i32
        %add3A_901 = arith.addi %mul3A_899, %add3A_900 : i32
        %mul3A_902 = arith.constant 16 : i32
        %mul3A_903 = arith.muli %add3A_901, %mul3A_902 : i32
        %mul3A_904 = arith.constant 2 : i32
        %mul3A_905 = arith.muli %add3A_901, %mul3A_904 : i32
        %mul3A_906 = arith.constant 16 : i32
        %mul3A_907 = arith.muli %mul3A_905, %mul3A_906 : i32
        %mul3A_908 = arith.constant 2 : i32
        %mul3A_909 = arith.muli %add3A_901, %mul3A_908 : i32
        %mul3A_910 = arith.constant 16 : i32
        %mul3A_911 = arith.muli %mul3A_909, %mul3A_910 : i32
        %add3A_912 = arith.constant 16 : i32
        %add3A_913 = arith.addi %mul3A_911, %add3A_912 : i32
        %get3A_914 = arith.constant 0 : i32
        %get3A_915 = arith.index_cast %get3A_914 : i32 to index
        %get3A_916 = memref.load %arg13[%get3A_915] : memref<16xi32, #tpu.memory_space<smem>>
        %add3A_917 = arith.addi %get3A_916, %mul3A_903 : i32
        %get3A_918 = arith.index_cast %add3A_917 : i32 to index
        %get3A_919 = tpu.vector_load %arg9[%get3A_918] {strides = array<i32>} : memref<98304xi32, #tpu.memory_space<vmem>>, vector<16xi32>,
        %get3A_920 = vector.shape_cast %get3A_919 : vector<16xi32> to vector<16xi32>
        %get3A_921 = arith.constant 8 : i32
        %get3A_922 = arith.index_cast %get3A_921 : i32 to index
        %get3A_923 = memref.load %arg13[%get3A_922] : memref<16xi32, #tpu.memory_space<smem>>
        %add3A_924 = arith.addi %get3A_923, %mul3A_903 : i32
        %get3A_925 = arith.index_cast %add3A_924 : i32 to index
        %get3A_926 = tpu.vector_load %arg9[%get3A_925] {strides = array<i32>} : memref<98304xi32, #tpu.memory_space<vmem>>, vector<16xi32>,
        %get3A_927 = vector.shape_cast %get3A_926 : vector<16xi32> to vector<16xi32>
        %shift_left3A_928 = arith.constant 16 : i32
        %shift_left3A_929 = vector.broadcast %shift_left3A_928 : i32 to vector<16xi32>
        %shift_left3A_930 = arith.shli %get3A_920, %shift_left3A_929 : vector<16xi32>
        %bitcast_convert_type3A_931 = tpu.bitcast %shift_left3A_930 : vector<16xi32> -> vector<16xf32>
        %and3A_932 = arith.constant -65536 : i32
        %and3A_933 = vector.broadcast %and3A_932 : i32 to vector<16xi32>
        %and3A_934 = arith.andi %get3A_920, %and3A_933 : vector<16xi32>
        %bitcast_convert_type3A_935 = tpu.bitcast %and3A_934 : vector<16xi32> -> vector<16xf32>
        %shift_left3A_936 = arith.constant 16 : i32
        %shift_left3A_937 = vector.broadcast %shift_left3A_936 : i32 to vector<16xi32>
        %shift_left3A_938 = arith.shli %get3A_927, %shift_left3A_937 : vector<16xi32>
        %bitcast_convert_type3A_939 = tpu.bitcast %shift_left3A_938 : vector<16xi32> -> vector<16xf32>
        %and3A_940 = arith.constant -65536 : i32
        %and3A_941 = vector.broadcast %and3A_940 : i32 to vector<16xi32>
        %and3A_942 = arith.andi %get3A_927, %and3A_941 : vector<16xi32>
        %bitcast_convert_type3A_943 = tpu.bitcast %and3A_942 : vector<16xi32> -> vector<16xf32>
        %add3A_944 = arith.addf %bitcast_convert_type3A_931, %bitcast_convert_type3A_939 : vector<16xf32>
        %swap3A_945 = arith.constant 0 : i32
        %swap3A_946 = arith.index_cast %swap3A_945 : i32 to index
        %swap3A_947 = arith.index_cast %mul3A_907 : i32 to index
        %swap3A_948 = tpu.vector_load %arg14[%swap3A_946, %swap3A_947] {strides = array<i32>} : memref<8x768xf32, #tpu.memory_space<vmem>>, vector<1x16xf32>,
        %swap3A_949 = vector.shape_cast %swap3A_948 : vector<1x16xf32> to vector<16xf32>
        %swap3A_950 = vector.shape_cast %add3A_944 : vector<16xf32> to vector<1x16xf32>
        tpu.vector_store %arg14[%swap3A_946, %swap3A_947], %swap3A_950 {add = true, strides = array<i32>} : memref<8x768xf32, #tpu.memory_space<vmem>>, vector<1x16xf32>,
        %add3A_951 = arith.addf %bitcast_convert_type3A_935, %bitcast_convert_type3A_943 : vector<16xf32>
        %swap3A_952 = arith.constant 0 : i32
        %swap3A_953 = arith.index_cast %swap3A_952 : i32 to index
        %swap3A_954 = arith.index_cast %add3A_913 : i32 to index
        %swap3A_955 = tpu.vector_load %arg14[%swap3A_953, %swap3A_954] {strides = array<i32>} : memref<8x768xf32, #tpu.memory_space<vmem>>, vector<1x16xf32>,
        %swap3A_956 = vector.shape_cast %swap3A_955 : vector<1x16xf32> to vector<16xf32>
        %swap3A_957 = vector.shape_cast %add3A_951 : vector<16xf32> to vector<1x16xf32>
        tpu.vector_store %arg14[%swap3A_953, %swap3A_954], %swap3A_957 {add = true, strides = array<i32>} : memref<8x768xf32, #tpu.memory_space<vmem>>, vector<1x16xf32>,
        %get3A_958 = arith.constant 1 : i32
        %get3A_959 = arith.index_cast %get3A_958 : i32 to index
        %get3A_960 = memref.load %arg13[%get3A_959] : memref<16xi32, #tpu.memory_space<smem>>
        %add3A_961 = arith.addi %get3A_960, %mul3A_903 : i32
        %get3A_962 = arith.index_cast %add3A_961 : i32 to index
        %get3A_963 = tpu.vector_load %arg9[%get3A_962] {strides = array<i32>} : memref<98304xi32, #tpu.memory_space<vmem>>, vector<16xi32>,
        %get3A_964 = vector.shape_cast %get3A_963 : vector<16xi32> to vector<16xi32>
        %get3A_965 = arith.constant 9 : i32
        %get3A_966 = arith.index_cast %get3A_965 : i32 to index
        %get3A_967 = memref.load %arg13[%get3A_966] : memref<16xi32, #tpu.memory_space<smem>>
        %add3A_968 = arith.addi %get3A_967, %mul3A_903 : i32
        %get3A_969 = arith.index_cast %add3A_968 : i32 to index
        %get3A_970 = tpu.vector_load %arg9[%get3A_969] {strides = array<i32>} : memref<98304xi32, #tpu.memory_space<vmem>>, vector<16xi32>,
        %get3A_971 = vector.shape_cast %get3A_970 : vector<16xi32> to vector<16xi32>
        %shift_left3A_972 = arith.constant 16 : i32
        %shift_left3A_973 = vector.broadcast %shift_left3A_972 : i32 to vector<16xi32>
        %shift_left3A_974 = arith.shli %get3A_964, %shift_left3A_973 : vector<16xi32>
        %bitcast_convert_type3A_975 = tpu.bitcast %shift_left3A_974 : vector<16xi32> -> vector<16xf32>
        %and3A_976 = arith.constant -65536 : i32
        %and3A_977 = vector.broadcast %and3A_976 : i32 to vector<16xi32>
        %and3A_978 = arith.andi %get3A_964, %and3A_977 : vector<16xi32>
        %bitcast_convert_type3A_979 = tpu.bitcast %and3A_978 : vector<16xi32> -> vector<16xf32>
        %shift_left3A_980 = arith.constant 16 : i32
        %shift_left3A_981 = vector.broadcast %shift_left3A_980 : i32 to vector<16xi32>
        %shift_left3A_982 = arith.shli %get3A_971, %shift_left3A_981 : vector<16xi32>
        %bitcast_convert_type3A_983 = tpu.bitcast %shift_left3A_982 : vector<16xi32> -> vector<16xf32>
        %and3A_984 = arith.constant -65536 : i32
        %and3A_985 = vector.broadcast %and3A_984 : i32 to vector<16xi32>
        %and3A_986 = arith.andi %get3A_971, %and3A_985 : vector<16xi32>
        %bitcast_convert_type3A_987 = tpu.bitcast %and3A_986 : vector<16xi32> -> vector<16xf32>
        %add3A_988 = arith.addf %bitcast_convert_type3A_975, %bitcast_convert_type3A_983 : vector<16xf32>
        %swap3A_989 = arith.constant 1 : i32
        %swap3A_990 = arith.index_cast %swap3A_989 : i32 to index
        %swap3A_991 = arith.index_cast %mul3A_907 : i32 to index
        %swap3A_992 = tpu.vector_load %arg14[%swap3A_990, %swap3A_991] {strides = array<i32>} : memref<8x768xf32, #tpu.memory_space<vmem>>, vector<1x16xf32>,
        %swap3A_993 = vector.shape_cast %swap3A_992 : vector<1x16xf32> to vector<16xf32>
        %swap3A_994 = vector.shape_cast %add3A_988 : vector<16xf32> to vector<1x16xf32>
        tpu.vector_store %arg14[%swap3A_990, %swap3A_991], %swap3A_994 {add = true, strides = array<i32>} : memref<8x768xf32, #tpu.memory_space<vmem>>, vector<1x16xf32>,
        %add3A_995 = arith.addf %bitcast_convert_type3A_979, %bitcast_convert_type3A_987 : vector<16xf32>
        %swap3A_996 = arith.constant 1 : i32
        %swap3A_997 = arith.index_cast %swap3A_996 : i32 to index
        %swap3A_998 = arith.index_cast %add3A_913 : i32 to index
        %swap3A_999 = tpu.vector_load %arg14[%swap3A_997, %swap3A_998] {strides = array<i32>} : memref<8x768xf32, #tpu.memory_space<vmem>>, vector<1x16xf32>,
        %swap3A_1000 = vector.shape_cast %swap3A_999 : vector<1x16xf32> to vector<16xf32>
        %swap3A_1001 = vector.shape_cast %add3A_995 : vector<16xf32> to vector<1x16xf32>
        tpu.vector_store %arg14[%swap3A_997, %swap3A_998], %swap3A_1001 {add = true, strides = array<i32>} : memref<8x768xf32, #tpu.memory_space<vmem>>, vector<1x16xf32>,
        %get3A_1002 = arith.constant 2 : i32
        %get3A_1003 = arith.index_cast %get3A_1002 : i32 to index
        %get3A_1004 = memref.load %arg13[%get3A_1003] : memref<16xi32, #tpu.memory_space<smem>>
        %add3A_1005 = arith.addi %get3A_1004, %mul3A_903 : i32
        %get3A_1006 = arith.index_cast %add3A_1005 : i32 to index
        %get3A_1007 = tpu.vector_load %arg9[%get3A_1006] {strides = array<i32>} : memref<98304xi32, #tpu.memory_space<vmem>>, vector<16xi32>,
        %get3A_1008 = vector.shape_cast %get3A_1007 : vector<16xi32> to vector<16xi32>
        %get3A_1009 = arith.constant 10 : i32
        %get3A_1010 = arith.index_cast %get3A_1009 : i32 to index
        %get3A_1011 = memref.load %arg13[%get3A_1010] : memref<16xi32, #tpu.memory_space<smem>>
        %add3A_1012 = arith.addi %get3A_1011, %mul3A_903 : i32
        %get3A_1013 = arith.index_cast %add3A_1012 : i32 to index
        %get3A_1014 = tpu.vector_load %arg9[%get3A_1013] {strides = array<i32>} : memref<98304xi32, #tpu.memory_space<vmem>>, vector<16xi32>,
        %get3A_1015 = vector.shape_cast %get3A_1014 : vector<16xi32> to vector<16xi32>
        %shift_left3A_1016 = arith.constant 16 : i32
        %shift_left3A_1017 = vector.broadcast %shift_left3A_1016 : i32 to vector<16xi32>
        %shift_left3A_1018 = arith.shli %get3A_1008, %shift_left3A_1017 : vector<16xi32>
        %bitcast_convert_type3A_1019 = tpu.bitcast %shift_left3A_1018 : vector<16xi32> -> vector<16xf32>
        %and3A_1020 = arith.constant -65536 : i32
        %and3A_1021 = vector.broadcast %and3A_1020 : i32 to vector<16xi32>
        %and3A_1022 = arith.andi %get3A_1008, %and3A_1021 : vector<16xi32>
        %bitcast_convert_type3A_1023 = tpu.bitcast %and3A_1022 : vector<16xi32> -> vector<16xf32>
        %shift_left3A_1024 = arith.constant 16 : i32
        %shift_left3A_1025 = vector.broadcast %shift_left3A_1024 : i32 to vector<16xi32>
        %shift_left3A_1026 = arith.shli %get3A_1015, %shift_left3A_1025 : vector<16xi32>
        %bitcast_convert_type3A_1027 = tpu.bitcast %shift_left3A_1026 : vector<16xi32> -> vector<16xf32>
        %and3A_1028 = arith.constant -65536 : i32
        %and3A_1029 = vector.broadcast %and3A_1028 : i32 to vector<16xi32>
        %and3A_1030 = arith.andi %get3A_1015, %and3A_1029 : vector<16xi32>
        %bitcast_convert_type3A_1031 = tpu.bitcast %and3A_1030 : vector<16xi32> -> vector<16xf32>
        %add3A_1032 = arith.addf %bitcast_convert_type3A_1019, %bitcast_convert_type3A_1027 : vector<16xf32>
        %swap3A_1033 = arith.constant 2 : i32
        %swap3A_1034 = arith.index_cast %swap3A_1033 : i32 to index
        %swap3A_1035 = arith.index_cast %mul3A_907 : i32 to index
        %swap3A_1036 = tpu.vector_load %arg14[%swap3A_1034, %swap3A_1035] {strides = array<i32>} : memref<8x768xf32, #tpu.memory_space<vmem>>, vector<1x16xf32>,
        %swap3A_1037 = vector.shape_cast %swap3A_1036 : vector<1x16xf32> to vector<16xf32>
        %swap3A_1038 = vector.shape_cast %add3A_1032 : vector<16xf32> to vector<1x16xf32>
        tpu.vector_store %arg14[%swap3A_1034, %swap3A_1035], %swap3A_1038 {add = true, strides = array<i32>} : memref<8x768xf32, #tpu.memory_space<vmem>>, vector<1x16xf32>,
        %add3A_1039 = arith.addf %bitcast_convert_type3A_1023, %bitcast_convert_type3A_1031 : vector<16xf32>
        %swap3A_1040 = arith.constant 2 : i32
        %swap3A_1041 = arith.index_cast %swap3A_1040 : i32 to index
        %swap3A_1042 = arith.index_cast %add3A_913 : i32 to index
        %swap3A_1043 = tpu.vector_load %arg14[%swap3A_1041, %swap3A_1042] {strides = array<i32>} : memref<8x768xf32, #tpu.memory_space<vmem>>, vector<1x16xf32>,
        %swap3A_1044 = vector.shape_cast %swap3A_1043 : vector<1x16xf32> to vector<16xf32>
        %swap3A_1045 = vector.shape_cast %add3A_1039 : vector<16xf32> to vector<1x16xf32>
        tpu.vector_store %arg14[%swap3A_1041, %swap3A_1042], %swap3A_1045 {add = true, strides = array<i32>} : memref<8x768xf32, #tpu.memory_space<vmem>>, vector<1x16xf32>,
        %get3A_1046 = arith.constant 3 : i32
        %get3A_1047 = arith.index_cast %get3A_1046 : i32 to index
        %get3A_1048 = memref.load %arg13[%get3A_1047] : memref<16xi32, #tpu.memory_space<smem>>
        %add3A_1049 = arith.addi %get3A_1048, %mul3A_903 : i32
        %get3A_1050 = arith.index_cast %add3A_1049 : i32 to index
        %get3A_1051 = tpu.vector_load %arg9[%get3A_1050] {strides = array<i32>} : memref<98304xi32, #tpu.memory_space<vmem>>, vector<16xi32>,
        %get3A_1052 = vector.shape_cast %get3A_1051 : vector<16xi32> to vector<16xi32>
        %get3A_1053 = arith.constant 11 : i32
        %get3A_1054 = arith.index_cast %get3A_1053 : i32 to index
        %get3A_1055 = memref.load %arg13[%get3A_1054] : memref<16xi32, #tpu.memory_space<smem>>
        %add3A_1056 = arith.addi %get3A_1055, %mul3A_903 : i32
        %get3A_1057 = arith.index_cast %add3A_1056 : i32 to index
        %get3A_1058 = tpu.vector_load %arg9[%get3A_1057] {strides = array<i32>} : memref<98304xi32, #tpu.memory_space<vmem>>, vector<16xi32>,
        %get3A_1059 = vector.shape_cast %get3A_1058 : vector<16xi32> to vector<16xi32>
        %shift_left3A_1060 = arith.constant 16 : i32
        %shift_left3A_1061 = vector.broadcast %shift_left3A_1060 : i32 to vector<16xi32>
        %shift_left3A_1062 = arith.shli %get3A_1052, %shift_left3A_1061 : vector<16xi32>
        %bitcast_convert_type3A_1063 = tpu.bitcast %shift_left3A_1062 : vector<16xi32> -> vector<16xf32>
        %and3A_1064 = arith.constant -65536 : i32
        %and3A_1065 = vector.broadcast %and3A_1064 : i32 to vector<16xi32>
        %and3A_1066 = arith.andi %get3A_1052, %and3A_1065 : vector<16xi32>
        %bitcast_convert_type3A_1067 = tpu.bitcast %and3A_1066 : vector<16xi32> -> vector<16xf32>
        %shift_left3A_1068 = arith.constant 16 : i32
        %shift_left3A_1069 = vector.broadcast %shift_left3A_1068 : i32 to vector<16xi32>
        %shift_left3A_1070 = arith.shli %get3A_1059, %shift_left3A_1069 : vector<16xi32>
        %bitcast_convert_type3A_1071 = tpu.bitcast %shift_left3A_1070 : vector<16xi32> -> vector<16xf32>
        %and3A_1072 = arith.constant -65536 : i32
        %and3A_1073 = vector.broadcast %and3A_1072 : i32 to vector<16xi32>
        %and3A_1074 = arith.andi %get3A_1059, %and3A_1073 : vector<16xi32>
        %bitcast_convert_type3A_1075 = tpu.bitcast %and3A_1074 : vector<16xi32> -> vector<16xf32>
        %add3A_1076 = arith.addf %bitcast_convert_type3A_1063, %bitcast_convert_type3A_1071 : vector<16xf32>
        %swap3A_1077 = arith.constant 3 : i32
        %swap3A_1078 = arith.index_cast %swap3A_1077 : i32 to index
        %swap3A_1079 = arith.index_cast %mul3A_907 : i32 to index
        %swap3A_1080 = tpu.vector_load %arg14[%swap3A_1078, %swap3A_1079] {strides = array<i32>} : memref<8x768xf32, #tpu.memory_space<vmem>>, vector<1x16xf32>,
        %swap3A_1081 = vector.shape_cast %swap3A_1080 : vector<1x16xf32> to vector<16xf32>
        %swap3A_1082 = vector.shape_cast %add3A_1076 : vector<16xf32> to vector<1x16xf32>
        tpu.vector_store %arg14[%swap3A_1078, %swap3A_1079], %swap3A_1082 {add = true, strides = array<i32>} : memref<8x768xf32, #tpu.memory_space<vmem>>, vector<1x16xf32>,
        %add3A_1083 = arith.addf %bitcast_convert_type3A_1067, %bitcast_convert_type3A_1075 : vector<16xf32>
        %swap3A_1084 = arith.constant 3 : i32
        %swap3A_1085 = arith.index_cast %swap3A_1084 : i32 to index
        %swap3A_1086 = arith.index_cast %add3A_913 : i32 to index
        %swap3A_1087 = tpu.vector_load %arg14[%swap3A_1085, %swap3A_1086] {strides = array<i32>} : memref<8x768xf32, #tpu.memory_space<vmem>>, vector<1x16xf32>,
        %swap3A_1088 = vector.shape_cast %swap3A_1087 : vector<1x16xf32> to vector<16xf32>
        %swap3A_1089 = vector.shape_cast %add3A_1083 : vector<16xf32> to vector<1x16xf32>
        tpu.vector_store %arg14[%swap3A_1085, %swap3A_1086], %swap3A_1089 {add = true, strides = array<i32>} : memref<8x768xf32, #tpu.memory_space<vmem>>, vector<1x16xf32>,
        %get3A_1090 = arith.constant 4 : i32
        %get3A_1091 = arith.index_cast %get3A_1090 : i32 to index
        %get3A_1092 = memref.load %arg13[%get3A_1091] : memref<16xi32, #tpu.memory_space<smem>>
        %add3A_1093 = arith.addi %get3A_1092, %mul3A_903 : i32
        %get3A_1094 = arith.index_cast %add3A_1093 : i32 to index
        %get3A_1095 = tpu.vector_load %arg9[%get3A_1094] {strides = array<i32>} : memref<98304xi32, #tpu.memory_space<vmem>>, vector<16xi32>,
        %get3A_1096 = vector.shape_cast %get3A_1095 : vector<16xi32> to vector<16xi32>
        %get3A_1097 = arith.constant 12 : i32
        %get3A_1098 = arith.index_cast %get3A_1097 : i32 to index
        %get3A_1099 = memref.load %arg13[%get3A_1098] : memref<16xi32, #tpu.memory_space<smem>>
        %add3A_1100 = arith.addi %get3A_1099, %mul3A_903 : i32
        %get3A_1101 = arith.index_cast %add3A_1100 : i32 to index
        %get3A_1102 = tpu.vector_load %arg9[%get3A_1101] {strides = array<i32>} : memref<98304xi32, #tpu.memory_space<vmem>>, vector<16xi32>,
        %get3A_1103 = vector.shape_cast %get3A_1102 : vector<16xi32> to vector<16xi32>
        %shift_left3A_1104 = arith.constant 16 : i32
        %shift_left3A_1105 = vector.broadcast %shift_left3A_1104 : i32 to vector<16xi32>
        %shift_left3A_1106 = arith.shli %get3A_1096, %shift_left3A_1105 : vector<16xi32>
        %bitcast_convert_type3A_1107 = tpu.bitcast %shift_left3A_1106 : vector<16xi32> -> vector<16xf32>
        %and3A_1108 = arith.constant -65536 : i32
        %and3A_1109 = vector.broadcast %and3A_1108 : i32 to vector<16xi32>
        %and3A_1110 = arith.andi %get3A_1096, %and3A_1109 : vector<16xi32>
        %bitcast_convert_type3A_1111 = tpu.bitcast %and3A_1110 : vector<16xi32> -> vector<16xf32>
        %shift_left3A_1112 = arith.constant 16 : i32
        %shift_left3A_1113 = vector.broadcast %shift_left3A_1112 : i32 to vector<16xi32>
        %shift_left3A_1114 = arith.shli %get3A_1103, %shift_left3A_1113 : vector<16xi32>
        %bitcast_convert_type3A_1115 = tpu.bitcast %shift_left3A_1114 : vector<16xi32> -> vector<16xf32>
        %and3A_1116 = arith.constant -65536 : i32
        %and3A_1117 = vector.broadcast %and3A_1116 : i32 to vector<16xi32>
        %and3A_1118 = arith.andi %get3A_1103, %and3A_1117 : vector<16xi32>
        %bitcast_convert_type3A_1119 = tpu.bitcast %and3A_1118 : vector<16xi32> -> vector<16xf32>
        %add3A_1120 = arith.addf %bitcast_convert_type3A_1107, %bitcast_convert_type3A_1115 : vector<16xf32>
        %swap3A_1121 = arith.constant 4 : i32
        %swap3A_1122 = arith.index_cast %swap3A_1121 : i32 to index
        %swap3A_1123 = arith.index_cast %mul3A_907 : i32 to index
        %swap3A_1124 = tpu.vector_load %arg14[%swap3A_1122, %swap3A_1123] {strides = array<i32>} : memref<8x768xf32, #tpu.memory_space<vmem>>, vector<1x16xf32>,
        %swap3A_1125 = vector.shape_cast %swap3A_1124 : vector<1x16xf32> to vector<16xf32>
        %swap3A_1126 = vector.shape_cast %add3A_1120 : vector<16xf32> to vector<1x16xf32>
        tpu.vector_store %arg14[%swap3A_1122, %swap3A_1123], %swap3A_1126 {add = true, strides = array<i32>} : memref<8x768xf32, #tpu.memory_space<vmem>>, vector<1x16xf32>,
        %add3A_1127 = arith.addf %bitcast_convert_type3A_1111, %bitcast_convert_type3A_1119 : vector<16xf32>
        %swap3A_1128 = arith.constant 4 : i32
        %swap3A_1129 = arith.index_cast %swap3A_1128 : i32 to index
        %swap3A_1130 = arith.index_cast %add3A_913 : i32 to index
        %swap3A_1131 = tpu.vector_load %arg14[%swap3A_1129, %swap3A_1130] {strides = array<i32>} : memref<8x768xf32, #tpu.memory_space<vmem>>, vector<1x16xf32>,
        %swap3A_1132 = vector.shape_cast %swap3A_1131 : vector<1x16xf32> to vector<16xf32>
        %swap3A_1133 = vector.shape_cast %add3A_1127 : vector<16xf32> to vector<1x16xf32>
        tpu.vector_store %arg14[%swap3A_1129, %swap3A_1130], %swap3A_1133 {add = true, strides = array<i32>} : memref<8x768xf32, #tpu.memory_space<vmem>>, vector<1x16xf32>,
        %get3A_1134 = arith.constant 5 : i32
        %get3A_1135 = arith.index_cast %get3A_1134 : i32 to index
        %get3A_1136 = memref.load %arg13[%get3A_1135] : memref<16xi32, #tpu.memory_space<smem>>
        %add3A_1137 = arith.addi %get3A_1136, %mul3A_903 : i32
        %get3A_1138 = arith.index_cast %add3A_1137 : i32 to index
        %get3A_1139 = tpu.vector_load %arg9[%get3A_1138] {strides = array<i32>} : memref<98304xi32, #tpu.memory_space<vmem>>, vector<16xi32>,
        %get3A_1140 = vector.shape_cast %get3A_1139 : vector<16xi32> to vector<16xi32>
        %get3A_1141 = arith.constant 13 : i32
        %get3A_1142 = arith.index_cast %get3A_1141 : i32 to index
        %get3A_1143 = memref.load %arg13[%get3A_1142] : memref<16xi32, #tpu.memory_space<smem>>
        %add3A_1144 = arith.addi %get3A_1143, %mul3A_903 : i32
        %get3A_1145 = arith.index_cast %add3A_1144 : i32 to index
        %get3A_1146 = tpu.vector_load %arg9[%get3A_1145] {strides = array<i32>} : memref<98304xi32, #tpu.memory_space<vmem>>, vector<16xi32>,
        %get3A_1147 = vector.shape_cast %get3A_1146 : vector<16xi32> to vector<16xi32>
        %shift_left3A_1148 = arith.constant 16 : i32
        %shift_left3A_1149 = vector.broadcast %shift_left3A_1148 : i32 to vector<16xi32>
        %shift_left3A_1150 = arith.shli %get3A_1140, %shift_left3A_1149 : vector<16xi32>
        %bitcast_convert_type3A_1151 = tpu.bitcast %shift_left3A_1150 : vector<16xi32> -> vector<16xf32>
        %and3A_1152 = arith.constant -65536 : i32
        %and3A_1153 = vector.broadcast %and3A_1152 : i32 to vector<16xi32>
        %and3A_1154 = arith.andi %get3A_1140, %and3A_1153 : vector<16xi32>
        %bitcast_convert_type3A_1155 = tpu.bitcast %and3A_1154 : vector<16xi32> -> vector<16xf32>
        %shift_left3A_1156 = arith.constant 16 : i32
        %shift_left3A_1157 = vector.broadcast %shift_left3A_1156 : i32 to vector<16xi32>
        %shift_left3A_1158 = arith.shli %get3A_1147, %shift_left3A_1157 : vector<16xi32>
        %bitcast_convert_type3A_1159 = tpu.bitcast %shift_left3A_1158 : vector<16xi32> -> vector<16xf32>
        %and3A_1160 = arith.constant -65536 : i32
        %and3A_1161 = vector.broadcast %and3A_1160 : i32 to vector<16xi32>
        %and3A_1162 = arith.andi %get3A_1147, %and3A_1161 : vector<16xi32>
        %bitcast_convert_type3A_1163 = tpu.bitcast %and3A_1162 : vector<16xi32> -> vector<16xf32>
        %add3A_1164 = arith.addf %bitcast_convert_type3A_1151, %bitcast_convert_type3A_1159 : vector<16xf32>
        %swap3A_1165 = arith.constant 5 : i32
        %swap3A_1166 = arith.index_cast %swap3A_1165 : i32 to index
        %swap3A_1167 = arith.index_cast %mul3A_907 : i32 to index
        %swap3A_1168 = tpu.vector_load %arg14[%swap3A_1166, %swap3A_1167] {strides = array<i32>} : memref<8x768xf32, #tpu.memory_space<vmem>>, vector<1x16xf32>,
        %swap3A_1169 = vector.shape_cast %swap3A_1168 : vector<1x16xf32> to vector<16xf32>
        %swap3A_1170 = vector.shape_cast %add3A_1164 : vector<16xf32> to vector<1x16xf32>
        tpu.vector_store %arg14[%swap3A_1166, %swap3A_1167], %swap3A_1170 {add = true, strides = array<i32>} : memref<8x768xf32, #tpu.memory_space<vmem>>, vector<1x16xf32>,
        %add3A_1171 = arith.addf %bitcast_convert_type3A_1155, %bitcast_convert_type3A_1163 : vector<16xf32>
        %swap3A_1172 = arith.constant 5 : i32
        %swap3A_1173 = arith.index_cast %swap3A_1172 : i32 to index
        %swap3A_1174 = arith.index_cast %add3A_913 : i32 to index
        %swap3A_1175 = tpu.vector_load %arg14[%swap3A_1173, %swap3A_1174] {strides = array<i32>} : memref<8x768xf32, #tpu.memory_space<vmem>>, vector<1x16xf32>,
        %swap3A_1176 = vector.shape_cast %swap3A_1175 : vector<1x16xf32> to vector<16xf32>
        %swap3A_1177 = vector.shape_cast %add3A_1171 : vector<16xf32> to vector<1x16xf32>
        tpu.vector_store %arg14[%swap3A_1173, %swap3A_1174], %swap3A_1177 {add = true, strides = array<i32>} : memref<8x768xf32, #tpu.memory_space<vmem>>, vector<1x16xf32>,
        %get3A_1178 = arith.constant 6 : i32
        %get3A_1179 = arith.index_cast %get3A_1178 : i32 to index
        %get3A_1180 = memref.load %arg13[%get3A_1179] : memref<16xi32, #tpu.memory_space<smem>>
        %add3A_1181 = arith.addi %get3A_1180, %mul3A_903 : i32
        %get3A_1182 = arith.index_cast %add3A_1181 : i32 to index
        %get3A_1183 = tpu.vector_load %arg9[%get3A_1182] {strides = array<i32>} : memref<98304xi32, #tpu.memory_space<vmem>>, vector<16xi32>,
        %get3A_1184 = vector.shape_cast %get3A_1183 : vector<16xi32> to vector<16xi32>
        %get3A_1185 = arith.constant 14 : i32
        %get3A_1186 = arith.index_cast %get3A_1185 : i32 to index
        %get3A_1187 = memref.load %arg13[%get3A_1186] : memref<16xi32, #tpu.memory_space<smem>>
        %add3A_1188 = arith.addi %get3A_1187, %mul3A_903 : i32
        %get3A_1189 = arith.index_cast %add3A_1188 : i32 to index
        %get3A_1190 = tpu.vector_load %arg9[%get3A_1189] {strides = array<i32>} : memref<98304xi32, #tpu.memory_space<vmem>>, vector<16xi32>,
        %get3A_1191 = vector.shape_cast %get3A_1190 : vector<16xi32> to vector<16xi32>
        %shift_left3A_1192 = arith.constant 16 : i32
        %shift_left3A_1193 = vector.broadcast %shift_left3A_1192 : i32 to vector<16xi32>
        %shift_left3A_1194 = arith.shli %get3A_1184, %shift_left3A_1193 : vector<16xi32>
        %bitcast_convert_type3A_1195 = tpu.bitcast %shift_left3A_1194 : vector<16xi32> -> vector<16xf32>
        %and3A_1196 = arith.constant -65536 : i32
        %and3A_1197 = vector.broadcast %and3A_1196 : i32 to vector<16xi32>
        %and3A_1198 = arith.andi %get3A_1184, %and3A_1197 : vector<16xi32>
        %bitcast_convert_type3A_1199 = tpu.bitcast %and3A_1198 : vector<16xi32> -> vector<16xf32>
        %shift_left3A_1200 = arith.constant 16 : i32
        %shift_left3A_1201 = vector.broadcast %shift_left3A_1200 : i32 to vector<16xi32>
        %shift_left3A_1202 = arith.shli %get3A_1191, %shift_left3A_1201 : vector<16xi32>
        %bitcast_convert_type3A_1203 = tpu.bitcast %shift_left3A_1202 : vector<16xi32> -> vector<16xf32>
        %and3A_1204 = arith.constant -65536 : i32
        %and3A_1205 = vector.broadcast %and3A_1204 : i32 to vector<16xi32>
        %and3A_1206 = arith.andi %get3A_1191, %and3A_1205 : vector<16xi32>
        %bitcast_convert_type3A_1207 = tpu.bitcast %and3A_1206 : vector<16xi32> -> vector<16xf32>
        %add3A_1208 = arith.addf %bitcast_convert_type3A_1195, %bitcast_convert_type3A_1203 : vector<16xf32>
        %swap3A_1209 = arith.constant 6 : i32
        %swap3A_1210 = arith.index_cast %swap3A_1209 : i32 to index
        %swap3A_1211 = arith.index_cast %mul3A_907 : i32 to index
        %swap3A_1212 = tpu.vector_load %arg14[%swap3A_1210, %swap3A_1211] {strides = array<i32>} : memref<8x768xf32, #tpu.memory_space<vmem>>, vector<1x16xf32>,
        %swap3A_1213 = vector.shape_cast %swap3A_1212 : vector<1x16xf32> to vector<16xf32>
        %swap3A_1214 = vector.shape_cast %add3A_1208 : vector<16xf32> to vector<1x16xf32>
        tpu.vector_store %arg14[%swap3A_1210, %swap3A_1211], %swap3A_1214 {add = true, strides = array<i32>} : memref<8x768xf32, #tpu.memory_space<vmem>>, vector<1x16xf32>,
        %add3A_1215 = arith.addf %bitcast_convert_type3A_1199, %bitcast_convert_type3A_1207 : vector<16xf32>
        %swap3A_1216 = arith.constant 6 : i32
        %swap3A_1217 = arith.index_cast %swap3A_1216 : i32 to index
        %swap3A_1218 = arith.index_cast %add3A_913 : i32 to index
        %swap3A_1219 = tpu.vector_load %arg14[%swap3A_1217, %swap3A_1218] {strides = array<i32>} : memref<8x768xf32, #tpu.memory_space<vmem>>, vector<1x16xf32>,
        %swap3A_1220 = vector.shape_cast %swap3A_1219 : vector<1x16xf32> to vector<16xf32>
        %swap3A_1221 = vector.shape_cast %add3A_1215 : vector<16xf32> to vector<1x16xf32>
        tpu.vector_store %arg14[%swap3A_1217, %swap3A_1218], %swap3A_1221 {add = true, strides = array<i32>} : memref<8x768xf32, #tpu.memory_space<vmem>>, vector<1x16xf32>,
        %get3A_1222 = arith.constant 7 : i32
        %get3A_1223 = arith.index_cast %get3A_1222 : i32 to index
        %get3A_1224 = memref.load %arg13[%get3A_1223] : memref<16xi32, #tpu.memory_space<smem>>
        %add3A_1225 = arith.addi %get3A_1224, %mul3A_903 : i32
        %get3A_1226 = arith.index_cast %add3A_1225 : i32 to index
        %get3A_1227 = tpu.vector_load %arg9[%get3A_1226] {strides = array<i32>} : memref<98304xi32, #tpu.memory_space<vmem>>, vector<16xi32>,
        %get3A_1228 = vector.shape_cast %get3A_1227 : vector<16xi32> to vector<16xi32>
        %get3A_1229 = arith.constant 15 : i32
        %get3A_1230 = arith.index_cast %get3A_1229 : i32 to index
        %get3A_1231 = memref.load %arg13[%get3A_1230] : memref<16xi32, #tpu.memory_space<smem>>
        %add3A_1232 = arith.addi %get3A_1231, %mul3A_903 : i32
        %get3A_1233 = arith.index_cast %add3A_1232 : i32 to index
        %get3A_1234 = tpu.vector_load %arg9[%get3A_1233] {strides = array<i32>} : memref<98304xi32, #tpu.memory_space<vmem>>, vector<16xi32>,
        %get3A_1235 = vector.shape_cast %get3A_1234 : vector<16xi32> to vector<16xi32>
        %shift_left3A_1236 = arith.constant 16 : i32
        %shift_left3A_1237 = vector.broadcast %shift_left3A_1236 : i32 to vector<16xi32>
        %shift_left3A_1238 = arith.shli %get3A_1228, %shift_left3A_1237 : vector<16xi32>
        %bitcast_convert_type3A_1239 = tpu.bitcast %shift_left3A_1238 : vector<16xi32> -> vector<16xf32>
        %and3A_1240 = arith.constant -65536 : i32
        %and3A_1241 = vector.broadcast %and3A_1240 : i32 to vector<16xi32>
        %and3A_1242 = arith.andi %get3A_1228, %and3A_1241 : vector<16xi32>
        %bitcast_convert_type3A_1243 = tpu.bitcast %and3A_1242 : vector<16xi32> -> vector<16xf32>
        %shift_left3A_1244 = arith.constant 16 : i32
        %shift_left3A_1245 = vector.broadcast %shift_left3A_1244 : i32 to vector<16xi32>
        %shift_left3A_1246 = arith.shli %get3A_1235, %shift_left3A_1245 : vector<16xi32>
        %bitcast_convert_type3A_1247 = tpu.bitcast %shift_left3A_1246 : vector<16xi32> -> vector<16xf32>
        %and3A_1248 = arith.constant -65536 : i32
        %and3A_1249 = vector.broadcast %and3A_1248 : i32 to vector<16xi32>
        %and3A_1250 = arith.andi %get3A_1235, %and3A_1249 : vector<16xi32>
        %bitcast_convert_type3A_1251 = tpu.bitcast %and3A_1250 : vector<16xi32> -> vector<16xf32>
        %add3A_1252 = arith.addf %bitcast_convert_type3A_1239, %bitcast_convert_type3A_1247 : vector<16xf32>
        %swap3A_1253 = arith.constant 7 : i32
        %swap3A_1254 = arith.index_cast %swap3A_1253 : i32 to index
        %swap3A_1255 = arith.index_cast %mul3A_907 : i32 to index
        %swap3A_1256 = tpu.vector_load %arg14[%swap3A_1254, %swap3A_1255] {strides = array<i32>} : memref<8x768xf32, #tpu.memory_space<vmem>>, vector<1x16xf32>,
        %swap3A_1257 = vector.shape_cast %swap3A_1256 : vector<1x16xf32> to vector<16xf32>
        %swap3A_1258 = vector.shape_cast %add3A_1252 : vector<16xf32> to vector<1x16xf32>
        tpu.vector_store %arg14[%swap3A_1254, %swap3A_1255], %swap3A_1258 {add = true, strides = array<i32>} : memref<8x768xf32, #tpu.memory_space<vmem>>, vector<1x16xf32>,
        %add3A_1259 = arith.addf %bitcast_convert_type3A_1243, %bitcast_convert_type3A_1251 : vector<16xf32>
        %swap3A_1260 = arith.constant 7 : i32
        %swap3A_1261 = arith.index_cast %swap3A_1260 : i32 to index
        %swap3A_1262 = arith.index_cast %add3A_913 : i32 to index
        %swap3A_1263 = tpu.vector_load %arg14[%swap3A_1261, %swap3A_1262] {strides = array<i32>} : memref<8x768xf32, #tpu.memory_space<vmem>>, vector<1x16xf32>,
        %swap3A_1264 = vector.shape_cast %swap3A_1263 : vector<1x16xf32> to vector<16xf32>
        %swap3A_1265 = vector.shape_cast %add3A_1259 : vector<16xf32> to vector<1x16xf32>
        tpu.vector_store %arg14[%swap3A_1261, %swap3A_1262], %swap3A_1265 {add = true, strides = array<i32>} : memref<8x768xf32, #tpu.memory_space<vmem>>, vector<1x16xf32>,
      }
      %scan3A_155 = arith.constant 12 : i32
      %dma_start3A_156 = arith.constant 0 : i32
      %dma_start3A_157 = tpu.memref_slice %arg8[%add3A_54, %dma_start3A_156] : memref<32768x768xf32, #tpu.memory_space<hbm>> -> memref<8x768xf32, #tpu.memory_space<hbm>>
      %dma_start3A_158 = arith.constant 0 : i32
      %dma_start3A_159 = tpu.memref_slice %arg8[%add3A_54, %dma_start3A_158] : memref<32768x768xf32, #tpu.memory_space<hbm>> -> memref<8x768xf32, #tpu.memory_space<hbm>>
      tpu.enqueue_dma source(%arg14 : memref<8x768xf32, #tpu.memory_space<vmem>>) target(%dma_start3A_159 : memref<8x768xf32, #tpu.memory_space<hbm>>) target_semaphore(%arg22 : memref<!tpu.dma_semaphore, #tpu.memory_space<semaphore_mem>>)
      %mul3A_160 = arith.constant 4 : i32
      %mul3A_161 = arith.muli %scan3A_43, %mul3A_160 : i32
      %add3A_162 = arith.constant 1 : i32
      %add3A_163 = arith.addi %mul3A_161, %add3A_162 : i32
      %add3A_164 = arith.constant 2 : i32
      %add3A_165 = arith.addi %add3A_163, %add3A_164 : i32
      %lt3A_166 = arith.constant 128 : i32
      %lt3A_167 = arith.cmpi slt, %add3A_165, %lt3A_166 : i32
      %convert_element_type3A_168 = arith.extui %lt3A_167 : i1 to i32
      %cond3A_169 = arith.constant 0 : i32
      %cond3A_170 = arith.cmpi ne, %convert_element_type3A_168, %cond3A_169 : i32
      scf.if %cond3A_170 {
        %ge3A = arith.constant 4 : i32
        %ge3A_532 = arith.cmpi sge, %add3A_165, %ge3A : i32
        %convert_element_type3A_533 = arith.extui %ge3A_532 : i1 to i32
        %cond3A_534 = arith.constant 0 : i32
        %cond3A_535 = arith.cmpi ne, %convert_element_type3A_533, %cond3A_534 : i32
        scf.if %cond3A_535 {
          %dma_wait3A_543 = arith.constant 0 : i32
          %dma_wait3A_544 = tpu.memref_slice %arg8[%mul3A_2, %dma_wait3A_543] : memref<32768x768xf32, #tpu.memory_space<hbm>> -> memref<8x768xf32, #tpu.memory_space<hbm>>
          %dma_wait3A_545 = arith.constant 0 : i32
          %dma_wait3A_546 = tpu.memref_slice %arg8[%mul3A_2, %dma_wait3A_545] : memref<32768x768xf32, #tpu.memory_space<hbm>> -> memref<8x768xf32, #tpu.memory_space<hbm>>
          tpu.wait_dma2 semaphore(%arg25 : memref<!tpu.dma_semaphore, #tpu.memory_space<semaphore_mem>>) src(%arg17 : memref<8x768xf32, #tpu.memory_space<vmem>>) dst(%dma_wait3A_546 : memref<8x768xf32, #tpu.memory_space<hbm>>)
        } else {
        }
        %mul3A_536 = arith.constant 8 : i32
        %mul3A_537 = arith.muli %add3A_165, %mul3A_536 : i32
        %add3A_538 = arith.addi %mul3A_2, %mul3A_537 : i32
        %dma_start3A_539 = arith.constant 0 : i32
        %dma_start3A_540 = tpu.memref_slice %arg2[%add3A_538, %dma_start3A_539] : memref<32768x768xf32, #tpu.memory_space<hbm>> -> memref<8x768xf32, #tpu.memory_space<hbm>>
        %dma_start3A_541 = arith.constant 0 : i32
        %dma_start3A_542 = tpu.memref_slice %arg2[%add3A_538, %dma_start3A_541] : memref<32768x768xf32, #tpu.memory_space<hbm>> -> memref<8x768xf32, #tpu.memory_space<hbm>>
        tpu.enqueue_dma source(%dma_start3A_542 : memref<8x768xf32, #tpu.memory_space<hbm>>) target(%arg17 : memref<8x768xf32, #tpu.memory_space<vmem>>) target_semaphore(%arg21 : memref<!tpu.dma_semaphore, #tpu.memory_space<semaphore_mem>>)
      } else {
      }
      %mul3A_171 = arith.constant 8 : i32
      %mul3A_172 = arith.muli %add3A_163, %mul3A_171 : i32
      %add3A_173 = arith.addi %mul3A_2, %mul3A_172 : i32
      %dma_wait3A_174 = arith.constant 0 : i32
      %dma_wait3A_175 = tpu.memref_slice %arg2[%add3A_173, %dma_wait3A_174] : memref<32768x768xf32, #tpu.memory_space<hbm>> -> memref<8x768xf32, #tpu.memory_space<hbm>>
      %dma_wait3A_176 = arith.constant 0 : i32
      %dma_wait3A_177 = tpu.memref_slice %arg2[%add3A_173, %dma_wait3A_176] : memref<32768x768xf32, #tpu.memory_space<hbm>> -> memref<8x768xf32, #tpu.memory_space<hbm>>
      tpu.wait_dma2 semaphore(%arg19 : memref<!tpu.dma_semaphore, #tpu.memory_space<semaphore_mem>>) src(%dma_wait3A_177 : memref<8x768xf32, #tpu.memory_space<hbm>>) dst(%arg15 : memref<8x768xf32, #tpu.memory_space<vmem>>)
      %sub3A_178 = arith.constant 1 : i32
      %sub3A_179 = arith.subi %add3A_163, %sub3A_178 : i32
      %mul3A_180 = arith.constant 8 : i32
      %mul3A_181 = arith.muli %sub3A_179, %mul3A_180 : i32
      %get3A_182 = arith.index_cast %mul3A_181 : i32 to index
      %get3A_183 = tpu.vector_load %arg11[%get3A_182] {strides = array<i32>} : memref<1024xi32, #tpu.memory_space<vmem>>, vector<16xi32>,
      %get3A_184 = vector.shape_cast %get3A_183 : vector<16xi32> to vector<16xi32>
      %mul3A_185 = arith.constant 384 : i32
      %mul3A_186 = vector.broadcast %mul3A_185 : i32 to vector<16xi32>
      %mul3A_187 = arith.muli %get3A_184, %mul3A_186 : vector<16xi32>
      %get3A_188 = arith.index_cast %mul3A_181 : i32 to index
      %get3A_189 = tpu.vector_load %arg12[%get3A_188] {strides = array<i32>} : memref<1024xi32, #tpu.memory_space<vmem>>, vector<16xi32>,
      %get3A_190 = vector.shape_cast %get3A_189 : vector<16xi32> to vector<16xi32>
      %mul3A_191 = arith.constant 384 : i32
      %mul3A_192 = vector.broadcast %mul3A_191 : i32 to vector<16xi32>
      %mul3A_193 = arith.muli %get3A_190, %mul3A_192 : vector<16xi32>
      %slice3A_194 = vector.extract_strided_slice %mul3A_187 {offsets = [8], sizes = [1], strides = [1]} : vector<16xi32> to vector<1xi32>
      %squeeze3A_195 = vector.extract %slice3A_194[0] : i32 from vector<1xi32>
      %swap3A_196 = arith.constant 0 : i32
      %swap3A_197 = arith.index_cast %swap3A_196 : i32 to index
      %swap3A_198 = memref.load %arg13[%swap3A_197] : memref<16xi32, #tpu.memory_space<smem>>
      memref.store %squeeze3A_195, %arg13[%swap3A_197] : memref<16xi32, #tpu.memory_space<smem>>
      %slice3A_199 = vector.extract_strided_slice %mul3A_193 {offsets = [8], sizes = [1], strides = [1]} : vector<16xi32> to vector<1xi32>
      %squeeze3A_200 = vector.extract %slice3A_199[0] : i32 from vector<1xi32>
      %swap3A_201 = arith.constant 8 : i32
      %swap3A_202 = arith.index_cast %swap3A_201 : i32 to index
      %swap3A_203 = memref.load %arg13[%swap3A_202] : memref<16xi32, #tpu.memory_space<smem>>
      memref.store %squeeze3A_200, %arg13[%swap3A_202] : memref<16xi32, #tpu.memory_space<smem>>
      %slice3A_204 = vector.extract_strided_slice %mul3A_187 {offsets = [9], sizes = [1], strides = [1]} : vector<16xi32> to vector<1xi32>
      %squeeze3A_205 = vector.extract %slice3A_204[0] : i32 from vector<1xi32>
      %swap3A_206 = arith.constant 1 : i32
      %swap3A_207 = arith.index_cast %swap3A_206 : i32 to index
      %swap3A_208 = memref.load %arg13[%swap3A_207] : memref<16xi32, #tpu.memory_space<smem>>
      memref.store %squeeze3A_205, %arg13[%swap3A_207] : memref<16xi32, #tpu.memory_space<smem>>
      %slice3A_209 = vector.extract_strided_slice %mul3A_193 {offsets = [9], sizes = [1], strides = [1]} : vector<16xi32> to vector<1xi32>
      %squeeze3A_210 = vector.extract %slice3A_209[0] : i32 from vector<1xi32>
      %swap3A_211 = arith.constant 9 : i32
      %swap3A_212 = arith.index_cast %swap3A_211 : i32 to index
      %swap3A_213 = memref.load %arg13[%swap3A_212] : memref<16xi32, #tpu.memory_space<smem>>
      memref.store %squeeze3A_210, %arg13[%swap3A_212] : memref<16xi32, #tpu.memory_space<smem>>
      %slice3A_214 = vector.extract_strided_slice %mul3A_187 {offsets = [10], sizes = [1], strides = [1]} : vector<16xi32> to vector<1xi32>
      %squeeze3A_215 = vector.extract %slice3A_214[0] : i32 from vector<1xi32>
      %swap3A_216 = arith.constant 2 : i32
      %swap3A_217 = arith.index_cast %swap3A_216 : i32 to index
      %swap3A_218 = memref.load %arg13[%swap3A_217] : memref<16xi32, #tpu.memory_space<smem>>
      memref.store %squeeze3A_215, %arg13[%swap3A_217] : memref<16xi32, #tpu.memory_space<smem>>
      %slice3A_219 = vector.extract_strided_slice %mul3A_193 {offsets = [10], sizes = [1], strides = [1]} : vector<16xi32> to vector<1xi32>
      %squeeze3A_220 = vector.extract %slice3A_219[0] : i32 from vector<1xi32>
      %swap3A_221 = arith.constant 10 : i32
      %swap3A_222 = arith.index_cast %swap3A_221 : i32 to index
      %swap3A_223 = memref.load %arg13[%swap3A_222] : memref<16xi32, #tpu.memory_space<smem>>
      memref.store %squeeze3A_220, %arg13[%swap3A_222] : memref<16xi32, #tpu.memory_space<smem>>
      %slice3A_224 = vector.extract_strided_slice %mul3A_187 {offsets = [11], sizes = [1], strides = [1]} : vector<16xi32> to vector<1xi32>
      %squeeze3A_225 = vector.extract %slice3A_224[0] : i32 from vector<1xi32>
      %swap3A_226 = arith.constant 3 : i32
      %swap3A_227 = arith.index_cast %swap3A_226 : i32 to index
      %swap3A_228 = memref.load %arg13[%swap3A_227] : memref<16xi32, #tpu.memory_space<smem>>
      memref.store %squeeze3A_225, %arg13[%swap3A_227] : memref<16xi32, #tpu.memory_space<smem>>
      %slice3A_229 = vector.extract_strided_slice %mul3A_193 {offsets = [11], sizes = [1], strides = [1]} : vector<16xi32> to vector<1xi32>
      %squeeze3A_230 = vector.extract %slice3A_229[0] : i32 from vector<1xi32>
      %swap3A_231 = arith.constant 11 : i32
      %swap3A_232 = arith.index_cast %swap3A_231 : i32 to index
      %swap3A_233 = memref.load %arg13[%swap3A_232] : memref<16xi32, #tpu.memory_space<smem>>
      memref.store %squeeze3A_230, %arg13[%swap3A_232] : memref<16xi32, #tpu.memory_space<smem>>
      %slice3A_234 = vector.extract_strided_slice %mul3A_187 {offsets = [12], sizes = [1], strides = [1]} : vector<16xi32> to vector<1xi32>
      %squeeze3A_235 = vector.extract %slice3A_234[0] : i32 from vector<1xi32>
      %swap3A_236 = arith.constant 4 : i32
      %swap3A_237 = arith.index_cast %swap3A_236 : i32 to index
      %swap3A_238 = memref.load %arg13[%swap3A_237] : memref<16xi32, #tpu.memory_space<smem>>
      memref.store %squeeze3A_235, %arg13[%swap3A_237] : memref<16xi32, #tpu.memory_space<smem>>
      %slice3A_239 = vector.extract_strided_slice %mul3A_193 {offsets = [12], sizes = [1], strides = [1]} : vector<16xi32> to vector<1xi32>
      %squeeze3A_240 = vector.extract %slice3A_239[0] : i32 from vector<1xi32>
      %swap3A_241 = arith.constant 12 : i32
      %swap3A_242 = arith.index_cast %swap3A_241 : i32 to index
      %swap3A_243 = memref.load %arg13[%swap3A_242] : memref<16xi32, #tpu.memory_space<smem>>
      memref.store %squeeze3A_240, %arg13[%swap3A_242] : memref<16xi32, #tpu.memory_space<smem>>
      %slice3A_244 = vector.extract_strided_slice %mul3A_187 {offsets = [13], sizes = [1], strides = [1]} : vector<16xi32> to vector<1xi32>
      %squeeze3A_245 = vector.extract %slice3A_244[0] : i32 from vector<1xi32>
      %swap3A_246 = arith.constant 5 : i32
      %swap3A_247 = arith.index_cast %swap3A_246 : i32 to index
      %swap3A_248 = memref.load %arg13[%swap3A_247] : memref<16xi32, #tpu.memory_space<smem>>
      memref.store %squeeze3A_245, %arg13[%swap3A_247] : memref<16xi32, #tpu.memory_space<smem>>
      %slice3A_249 = vector.extract_strided_slice %mul3A_193 {offsets = [13], sizes = [1], strides = [1]} : vector<16xi32> to vector<1xi32>
      %squeeze3A_250 = vector.extract %slice3A_249[0] : i32 from vector<1xi32>
      %swap3A_251 = arith.constant 13 : i32
      %swap3A_252 = arith.index_cast %swap3A_251 : i32 to index
      %swap3A_253 = memref.load %arg13[%swap3A_252] : memref<16xi32, #tpu.memory_space<smem>>
      memref.store %squeeze3A_250, %arg13[%swap3A_252] : memref<16xi32, #tpu.memory_space<smem>>
      %slice3A_254 = vector.extract_strided_slice %mul3A_187 {offsets = [14], sizes = [1], strides = [1]} : vector<16xi32> to vector<1xi32>
      %squeeze3A_255 = vector.extract %slice3A_254[0] : i32 from vector<1xi32>
      %swap3A_256 = arith.constant 6 : i32
      %swap3A_257 = arith.index_cast %swap3A_256 : i32 to index
      %swap3A_258 = memref.load %arg13[%swap3A_257] : memref<16xi32, #tpu.memory_space<smem>>
      memref.store %squeeze3A_255, %arg13[%swap3A_257] : memref<16xi32, #tpu.memory_space<smem>>
      %slice3A_259 = vector.extract_strided_slice %mul3A_193 {offsets = [14], sizes = [1], strides = [1]} : vector<16xi32> to vector<1xi32>
      %squeeze3A_260 = vector.extract %slice3A_259[0] : i32 from vector<1xi32>
      %swap3A_261 = arith.constant 14 : i32
      %swap3A_262 = arith.index_cast %swap3A_261 : i32 to index
      %swap3A_263 = memref.load %arg13[%swap3A_262] : memref<16xi32, #tpu.memory_space<smem>>
      memref.store %squeeze3A_260, %arg13[%swap3A_262] : memref<16xi32, #tpu.memory_space<smem>>
      %slice3A_264 = vector.extract_strided_slice %mul3A_187 {offsets = [15], sizes = [1], strides = [1]} : vector<16xi32> to vector<1xi32>
      %squeeze3A_265 = vector.extract %slice3A_264[0] : i32 from vector<1xi32>
      %swap3A_266 = arith.constant 7 : i32
      %swap3A_267 = arith.index_cast %swap3A_266 : i32 to index
      %swap3A_268 = memref.load %arg13[%swap3A_267] : memref<16xi32, #tpu.memory_space<smem>>
      memref.store %squeeze3A_265, %arg13[%swap3A_267] : memref<16xi32, #tpu.memory_space<smem>>
      %slice3A_269 = vector.extract_strided_slice %mul3A_193 {offsets = [15], sizes = [1], strides = [1]} : vector<16xi32> to vector<1xi32>
      %squeeze3A_270 = vector.extract %slice3A_269[0] : i32 from vector<1xi32>
      %swap3A_271 = arith.constant 15 : i32
      %swap3A_272 = arith.index_cast %swap3A_271 : i32 to index
      %swap3A_273 = memref.load %arg13[%swap3A_272] : memref<16xi32, #tpu.memory_space<smem>>
      memref.store %squeeze3A_270, %arg13[%swap3A_272] : memref<16xi32, #tpu.memory_space<smem>>
      %scan3A_274 = arith.constant 0 : i32
      %scan3A_275 = arith.constant 0 : i32
      %scan3A_276 = arith.constant 12 : i32
      %scan3A_277 = arith.addi %scan3A_275, %scan3A_276 : i32
      %scan3A_278 = arith.constant 1 : i32
      scf.for %scan3A_532 = %scan3A_275 to %scan3A_277 step %scan3A_278  : i32 {
        %mul3A_533 = arith.constant 2 : i32
        %mul3A_534 = arith.muli %scan3A_532, %mul3A_533 : i32
        %add3A_535 = arith.constant 0 : i32
        %add3A_536 = arith.addi %mul3A_534, %add3A_535 : i32
        %mul3A_537 = arith.constant 16 : i32
        %mul3A_538 = arith.muli %add3A_536, %mul3A_537 : i32
        %mul3A_539 = arith.constant 2 : i32
        %mul3A_540 = arith.muli %add3A_536, %mul3A_539 : i32
        %mul3A_541 = arith.constant 16 : i32
        %mul3A_542 = arith.muli %mul3A_540, %mul3A_541 : i32
        %mul3A_543 = arith.constant 2 : i32
        %mul3A_544 = arith.muli %add3A_536, %mul3A_543 : i32
        %mul3A_545 = arith.constant 16 : i32
        %mul3A_546 = arith.muli %mul3A_544, %mul3A_545 : i32
        %add3A_547 = arith.constant 16 : i32
        %add3A_548 = arith.addi %mul3A_546, %add3A_547 : i32
        %get3A_549 = arith.constant 0 : i32
        %get3A_550 = arith.index_cast %get3A_549 : i32 to index
        %get3A_551 = memref.load %arg13[%get3A_550] : memref<16xi32, #tpu.memory_space<smem>>
        %add3A_552 = arith.addi %get3A_551, %mul3A_538 : i32
        %get3A_553 = arith.index_cast %add3A_552 : i32 to index
        %get3A_554 = tpu.vector_load %arg9[%get3A_553] {strides = array<i32>} : memref<98304xi32, #tpu.memory_space<vmem>>, vector<16xi32>,
        %get3A_555 = vector.shape_cast %get3A_554 : vector<16xi32> to vector<16xi32>
        %get3A_556 = arith.constant 8 : i32
        %get3A_557 = arith.index_cast %get3A_556 : i32 to index
        %get3A_558 = memref.load %arg13[%get3A_557] : memref<16xi32, #tpu.memory_space<smem>>
        %add3A_559 = arith.addi %get3A_558, %mul3A_538 : i32
        %get3A_560 = arith.index_cast %add3A_559 : i32 to index
        %get3A_561 = tpu.vector_load %arg9[%get3A_560] {strides = array<i32>} : memref<98304xi32, #tpu.memory_space<vmem>>, vector<16xi32>,
        %get3A_562 = vector.shape_cast %get3A_561 : vector<16xi32> to vector<16xi32>
        %shift_left3A = arith.constant 16 : i32
        %shift_left3A_563 = vector.broadcast %shift_left3A : i32 to vector<16xi32>
        %shift_left3A_564 = arith.shli %get3A_555, %shift_left3A_563 : vector<16xi32>
        %bitcast_convert_type3A = tpu.bitcast %shift_left3A_564 : vector<16xi32> -> vector<16xf32>
        %and3A = arith.constant -65536 : i32
        %and3A_565 = vector.broadcast %and3A : i32 to vector<16xi32>
        %and3A_566 = arith.andi %get3A_555, %and3A_565 : vector<16xi32>
        %bitcast_convert_type3A_567 = tpu.bitcast %and3A_566 : vector<16xi32> -> vector<16xf32>
        %shift_left3A_568 = arith.constant 16 : i32
        %shift_left3A_569 = vector.broadcast %shift_left3A_568 : i32 to vector<16xi32>
        %shift_left3A_570 = arith.shli %get3A_562, %shift_left3A_569 : vector<16xi32>
        %bitcast_convert_type3A_571 = tpu.bitcast %shift_left3A_570 : vector<16xi32> -> vector<16xf32>
        %and3A_572 = arith.constant -65536 : i32
        %and3A_573 = vector.broadcast %and3A_572 : i32 to vector<16xi32>
        %and3A_574 = arith.andi %get3A_562, %and3A_573 : vector<16xi32>
        %bitcast_convert_type3A_575 = tpu.bitcast %and3A_574 : vector<16xi32> -> vector<16xf32>
        %add3A_576 = arith.addf %bitcast_convert_type3A, %bitcast_convert_type3A_571 : vector<16xf32>
        %swap3A_577 = arith.constant 0 : i32
        %swap3A_578 = arith.index_cast %swap3A_577 : i32 to index
        %swap3A_579 = arith.index_cast %mul3A_542 : i32 to index
        %swap3A_580 = tpu.vector_load %arg15[%swap3A_578, %swap3A_579] {strides = array<i32>} : memref<8x768xf32, #tpu.memory_space<vmem>>, vector<1x16xf32>,
        %swap3A_581 = vector.shape_cast %swap3A_580 : vector<1x16xf32> to vector<16xf32>
        %swap3A_582 = vector.shape_cast %add3A_576 : vector<16xf32> to vector<1x16xf32>
        tpu.vector_store %arg15[%swap3A_578, %swap3A_579], %swap3A_582 {add = true, strides = array<i32>} : memref<8x768xf32, #tpu.memory_space<vmem>>, vector<1x16xf32>,
        %add3A_583 = arith.addf %bitcast_convert_type3A_567, %bitcast_convert_type3A_575 : vector<16xf32>
        %swap3A_584 = arith.constant 0 : i32
        %swap3A_585 = arith.index_cast %swap3A_584 : i32 to index
        %swap3A_586 = arith.index_cast %add3A_548 : i32 to index
        %swap3A_587 = tpu.vector_load %arg15[%swap3A_585, %swap3A_586] {strides = array<i32>} : memref<8x768xf32, #tpu.memory_space<vmem>>, vector<1x16xf32>,
        %swap3A_588 = vector.shape_cast %swap3A_587 : vector<1x16xf32> to vector<16xf32>
        %swap3A_589 = vector.shape_cast %add3A_583 : vector<16xf32> to vector<1x16xf32>
        tpu.vector_store %arg15[%swap3A_585, %swap3A_586], %swap3A_589 {add = true, strides = array<i32>} : memref<8x768xf32, #tpu.memory_space<vmem>>, vector<1x16xf32>,
        %get3A_590 = arith.constant 1 : i32
        %get3A_591 = arith.index_cast %get3A_590 : i32 to index
        %get3A_592 = memref.load %arg13[%get3A_591] : memref<16xi32, #tpu.memory_space<smem>>
        %add3A_593 = arith.addi %get3A_592, %mul3A_538 : i32
        %get3A_594 = arith.index_cast %add3A_593 : i32 to index
        %get3A_595 = tpu.vector_load %arg9[%get3A_594] {strides = array<i32>} : memref<98304xi32, #tpu.memory_space<vmem>>, vector<16xi32>,
        %get3A_596 = vector.shape_cast %get3A_595 : vector<16xi32> to vector<16xi32>
        %get3A_597 = arith.constant 9 : i32
        %get3A_598 = arith.index_cast %get3A_597 : i32 to index
        %get3A_599 = memref.load %arg13[%get3A_598] : memref<16xi32, #tpu.memory_space<smem>>
        %add3A_600 = arith.addi %get3A_599, %mul3A_538 : i32
        %get3A_601 = arith.index_cast %add3A_600 : i32 to index
        %get3A_602 = tpu.vector_load %arg9[%get3A_601] {strides = array<i32>} : memref<98304xi32, #tpu.memory_space<vmem>>, vector<16xi32>,
        %get3A_603 = vector.shape_cast %get3A_602 : vector<16xi32> to vector<16xi32>
        %shift_left3A_604 = arith.constant 16 : i32
        %shift_left3A_605 = vector.broadcast %shift_left3A_604 : i32 to vector<16xi32>
        %shift_left3A_606 = arith.shli %get3A_596, %shift_left3A_605 : vector<16xi32>
        %bitcast_convert_type3A_607 = tpu.bitcast %shift_left3A_606 : vector<16xi32> -> vector<16xf32>
        %and3A_608 = arith.constant -65536 : i32
        %and3A_609 = vector.broadcast %and3A_608 : i32 to vector<16xi32>
        %and3A_610 = arith.andi %get3A_596, %and3A_609 : vector<16xi32>
        %bitcast_convert_type3A_611 = tpu.bitcast %and3A_610 : vector<16xi32> -> vector<16xf32>
        %shift_left3A_612 = arith.constant 16 : i32
        %shift_left3A_613 = vector.broadcast %shift_left3A_612 : i32 to vector<16xi32>
        %shift_left3A_614 = arith.shli %get3A_603, %shift_left3A_613 : vector<16xi32>
        %bitcast_convert_type3A_615 = tpu.bitcast %shift_left3A_614 : vector<16xi32> -> vector<16xf32>
        %and3A_616 = arith.constant -65536 : i32
        %and3A_617 = vector.broadcast %and3A_616 : i32 to vector<16xi32>
        %and3A_618 = arith.andi %get3A_603, %and3A_617 : vector<16xi32>
        %bitcast_convert_type3A_619 = tpu.bitcast %and3A_618 : vector<16xi32> -> vector<16xf32>
        %add3A_620 = arith.addf %bitcast_convert_type3A_607, %bitcast_convert_type3A_615 : vector<16xf32>
        %swap3A_621 = arith.constant 1 : i32
        %swap3A_622 = arith.index_cast %swap3A_621 : i32 to index
        %swap3A_623 = arith.index_cast %mul3A_542 : i32 to index
        %swap3A_624 = tpu.vector_load %arg15[%swap3A_622, %swap3A_623] {strides = array<i32>} : memref<8x768xf32, #tpu.memory_space<vmem>>, vector<1x16xf32>,
        %swap3A_625 = vector.shape_cast %swap3A_624 : vector<1x16xf32> to vector<16xf32>
        %swap3A_626 = vector.shape_cast %add3A_620 : vector<16xf32> to vector<1x16xf32>
        tpu.vector_store %arg15[%swap3A_622, %swap3A_623], %swap3A_626 {add = true, strides = array<i32>} : memref<8x768xf32, #tpu.memory_space<vmem>>, vector<1x16xf32>,
        %add3A_627 = arith.addf %bitcast_convert_type3A_611, %bitcast_convert_type3A_619 : vector<16xf32>
        %swap3A_628 = arith.constant 1 : i32
        %swap3A_629 = arith.index_cast %swap3A_628 : i32 to index
        %swap3A_630 = arith.index_cast %add3A_548 : i32 to index
        %swap3A_631 = tpu.vector_load %arg15[%swap3A_629, %swap3A_630] {strides = array<i32>} : memref<8x768xf32, #tpu.memory_space<vmem>>, vector<1x16xf32>,
        %swap3A_632 = vector.shape_cast %swap3A_631 : vector<1x16xf32> to vector<16xf32>
        %swap3A_633 = vector.shape_cast %add3A_627 : vector<16xf32> to vector<1x16xf32>
        tpu.vector_store %arg15[%swap3A_629, %swap3A_630], %swap3A_633 {add = true, strides = array<i32>} : memref<8x768xf32, #tpu.memory_space<vmem>>, vector<1x16xf32>,
        %get3A_634 = arith.constant 2 : i32
        %get3A_635 = arith.index_cast %get3A_634 : i32 to index
        %get3A_636 = memref.load %arg13[%get3A_635] : memref<16xi32, #tpu.memory_space<smem>>
        %add3A_637 = arith.addi %get3A_636, %mul3A_538 : i32
        %get3A_638 = arith.index_cast %add3A_637 : i32 to index
        %get3A_639 = tpu.vector_load %arg9[%get3A_638] {strides = array<i32>} : memref<98304xi32, #tpu.memory_space<vmem>>, vector<16xi32>,
        %get3A_640 = vector.shape_cast %get3A_639 : vector<16xi32> to vector<16xi32>
        %get3A_641 = arith.constant 10 : i32
        %get3A_642 = arith.index_cast %get3A_641 : i32 to index
        %get3A_643 = memref.load %arg13[%get3A_642] : memref<16xi32, #tpu.memory_space<smem>>
        %add3A_644 = arith.addi %get3A_643, %mul3A_538 : i32
        %get3A_645 = arith.index_cast %add3A_644 : i32 to index
        %get3A_646 = tpu.vector_load %arg9[%get3A_645] {strides = array<i32>} : memref<98304xi32, #tpu.memory_space<vmem>>, vector<16xi32>,
        %get3A_647 = vector.shape_cast %get3A_646 : vector<16xi32> to vector<16xi32>
        %shift_left3A_648 = arith.constant 16 : i32
        %shift_left3A_649 = vector.broadcast %shift_left3A_648 : i32 to vector<16xi32>
        %shift_left3A_650 = arith.shli %get3A_640, %shift_left3A_649 : vector<16xi32>
        %bitcast_convert_type3A_651 = tpu.bitcast %shift_left3A_650 : vector<16xi32> -> vector<16xf32>
        %and3A_652 = arith.constant -65536 : i32
        %and3A_653 = vector.broadcast %and3A_652 : i32 to vector<16xi32>
        %and3A_654 = arith.andi %get3A_640, %and3A_653 : vector<16xi32>
        %bitcast_convert_type3A_655 = tpu.bitcast %and3A_654 : vector<16xi32> -> vector<16xf32>
        %shift_left3A_656 = arith.constant 16 : i32
        %shift_left3A_657 = vector.broadcast %shift_left3A_656 : i32 to vector<16xi32>
        %shift_left3A_658 = arith.shli %get3A_647, %shift_left3A_657 : vector<16xi32>
        %bitcast_convert_type3A_659 = tpu.bitcast %shift_left3A_658 : vector<16xi32> -> vector<16xf32>
        %and3A_660 = arith.constant -65536 : i32
        %and3A_661 = vector.broadcast %and3A_660 : i32 to vector<16xi32>
        %and3A_662 = arith.andi %get3A_647, %and3A_661 : vector<16xi32>
        %bitcast_convert_type3A_663 = tpu.bitcast %and3A_662 : vector<16xi32> -> vector<16xf32>
        %add3A_664 = arith.addf %bitcast_convert_type3A_651, %bitcast_convert_type3A_659 : vector<16xf32>
        %swap3A_665 = arith.constant 2 : i32
        %swap3A_666 = arith.index_cast %swap3A_665 : i32 to index
        %swap3A_667 = arith.index_cast %mul3A_542 : i32 to index
        %swap3A_668 = tpu.vector_load %arg15[%swap3A_666, %swap3A_667] {strides = array<i32>} : memref<8x768xf32, #tpu.memory_space<vmem>>, vector<1x16xf32>,
        %swap3A_669 = vector.shape_cast %swap3A_668 : vector<1x16xf32> to vector<16xf32>
        %swap3A_670 = vector.shape_cast %add3A_664 : vector<16xf32> to vector<1x16xf32>
        tpu.vector_store %arg15[%swap3A_666, %swap3A_667], %swap3A_670 {add = true, strides = array<i32>} : memref<8x768xf32, #tpu.memory_space<vmem>>, vector<1x16xf32>,
        %add3A_671 = arith.addf %bitcast_convert_type3A_655, %bitcast_convert_type3A_663 : vector<16xf32>
        %swap3A_672 = arith.constant 2 : i32
        %swap3A_673 = arith.index_cast %swap3A_672 : i32 to index
        %swap3A_674 = arith.index_cast %add3A_548 : i32 to index
        %swap3A_675 = tpu.vector_load %arg15[%swap3A_673, %swap3A_674] {strides = array<i32>} : memref<8x768xf32, #tpu.memory_space<vmem>>, vector<1x16xf32>,
        %swap3A_676 = vector.shape_cast %swap3A_675 : vector<1x16xf32> to vector<16xf32>
        %swap3A_677 = vector.shape_cast %add3A_671 : vector<16xf32> to vector<1x16xf32>
        tpu.vector_store %arg15[%swap3A_673, %swap3A_674], %swap3A_677 {add = true, strides = array<i32>} : memref<8x768xf32, #tpu.memory_space<vmem>>, vector<1x16xf32>,
        %get3A_678 = arith.constant 3 : i32
        %get3A_679 = arith.index_cast %get3A_678 : i32 to index
        %get3A_680 = memref.load %arg13[%get3A_679] : memref<16xi32, #tpu.memory_space<smem>>
        %add3A_681 = arith.addi %get3A_680, %mul3A_538 : i32
        %get3A_682 = arith.index_cast %add3A_681 : i32 to index
        %get3A_683 = tpu.vector_load %arg9[%get3A_682] {strides = array<i32>} : memref<98304xi32, #tpu.memory_space<vmem>>, vector<16xi32>,
        %get3A_684 = vector.shape_cast %get3A_683 : vector<16xi32> to vector<16xi32>
        %get3A_685 = arith.constant 11 : i32
        %get3A_686 = arith.index_cast %get3A_685 : i32 to index
        %get3A_687 = memref.load %arg13[%get3A_686] : memref<16xi32, #tpu.memory_space<smem>>
        %add3A_688 = arith.addi %get3A_687, %mul3A_538 : i32
        %get3A_689 = arith.index_cast %add3A_688 : i32 to index
        %get3A_690 = tpu.vector_load %arg9[%get3A_689] {strides = array<i32>} : memref<98304xi32, #tpu.memory_space<vmem>>, vector<16xi32>,
        %get3A_691 = vector.shape_cast %get3A_690 : vector<16xi32> to vector<16xi32>
        %shift_left3A_692 = arith.constant 16 : i32
        %shift_left3A_693 = vector.broadcast %shift_left3A_692 : i32 to vector<16xi32>
        %shift_left3A_694 = arith.shli %get3A_684, %shift_left3A_693 : vector<16xi32>
        %bitcast_convert_type3A_695 = tpu.bitcast %shift_left3A_694 : vector<16xi32> -> vector<16xf32>
        %and3A_696 = arith.constant -65536 : i32
        %and3A_697 = vector.broadcast %and3A_696 : i32 to vector<16xi32>
        %and3A_698 = arith.andi %get3A_684, %and3A_697 : vector<16xi32>
        %bitcast_convert_type3A_699 = tpu.bitcast %and3A_698 : vector<16xi32> -> vector<16xf32>
        %shift_left3A_700 = arith.constant 16 : i32
        %shift_left3A_701 = vector.broadcast %shift_left3A_700 : i32 to vector<16xi32>
        %shift_left3A_702 = arith.shli %get3A_691, %shift_left3A_701 : vector<16xi32>
        %bitcast_convert_type3A_703 = tpu.bitcast %shift_left3A_702 : vector<16xi32> -> vector<16xf32>
        %and3A_704 = arith.constant -65536 : i32
        %and3A_705 = vector.broadcast %and3A_704 : i32 to vector<16xi32>
        %and3A_706 = arith.andi %get3A_691, %and3A_705 : vector<16xi32>
        %bitcast_convert_type3A_707 = tpu.bitcast %and3A_706 : vector<16xi32> -> vector<16xf32>
        %add3A_708 = arith.addf %bitcast_convert_type3A_695, %bitcast_convert_type3A_703 : vector<16xf32>
        %swap3A_709 = arith.constant 3 : i32
        %swap3A_710 = arith.index_cast %swap3A_709 : i32 to index
        %swap3A_711 = arith.index_cast %mul3A_542 : i32 to index
        %swap3A_712 = tpu.vector_load %arg15[%swap3A_710, %swap3A_711] {strides = array<i32>} : memref<8x768xf32, #tpu.memory_space<vmem>>, vector<1x16xf32>,
        %swap3A_713 = vector.shape_cast %swap3A_712 : vector<1x16xf32> to vector<16xf32>
        %swap3A_714 = vector.shape_cast %add3A_708 : vector<16xf32> to vector<1x16xf32>
        tpu.vector_store %arg15[%swap3A_710, %swap3A_711], %swap3A_714 {add = true, strides = array<i32>} : memref<8x768xf32, #tpu.memory_space<vmem>>, vector<1x16xf32>,
        %add3A_715 = arith.addf %bitcast_convert_type3A_699, %bitcast_convert_type3A_707 : vector<16xf32>
        %swap3A_716 = arith.constant 3 : i32
        %swap3A_717 = arith.index_cast %swap3A_716 : i32 to index
        %swap3A_718 = arith.index_cast %add3A_548 : i32 to index
        %swap3A_719 = tpu.vector_load %arg15[%swap3A_717, %swap3A_718] {strides = array<i32>} : memref<8x768xf32, #tpu.memory_space<vmem>>, vector<1x16xf32>,
        %swap3A_720 = vector.shape_cast %swap3A_719 : vector<1x16xf32> to vector<16xf32>
        %swap3A_721 = vector.shape_cast %add3A_715 : vector<16xf32> to vector<1x16xf32>
        tpu.vector_store %arg15[%swap3A_717, %swap3A_718], %swap3A_721 {add = true, strides = array<i32>} : memref<8x768xf32, #tpu.memory_space<vmem>>, vector<1x16xf32>,
        %get3A_722 = arith.constant 4 : i32
        %get3A_723 = arith.index_cast %get3A_722 : i32 to index
        %get3A_724 = memref.load %arg13[%get3A_723] : memref<16xi32, #tpu.memory_space<smem>>
        %add3A_725 = arith.addi %get3A_724, %mul3A_538 : i32
        %get3A_726 = arith.index_cast %add3A_725 : i32 to index
        %get3A_727 = tpu.vector_load %arg9[%get3A_726] {strides = array<i32>} : memref<98304xi32, #tpu.memory_space<vmem>>, vector<16xi32>,
        %get3A_728 = vector.shape_cast %get3A_727 : vector<16xi32> to vector<16xi32>
        %get3A_729 = arith.constant 12 : i32
        %get3A_730 = arith.index_cast %get3A_729 : i32 to index
        %get3A_731 = memref.load %arg13[%get3A_730] : memref<16xi32, #tpu.memory_space<smem>>
        %add3A_732 = arith.addi %get3A_731, %mul3A_538 : i32
        %get3A_733 = arith.index_cast %add3A_732 : i32 to index
        %get3A_734 = tpu.vector_load %arg9[%get3A_733] {strides = array<i32>} : memref<98304xi32, #tpu.memory_space<vmem>>, vector<16xi32>,
        %get3A_735 = vector.shape_cast %get3A_734 : vector<16xi32> to vector<16xi32>
        %shift_left3A_736 = arith.constant 16 : i32
        %shift_left3A_737 = vector.broadcast %shift_left3A_736 : i32 to vector<16xi32>
        %shift_left3A_738 = arith.shli %get3A_728, %shift_left3A_737 : vector<16xi32>
        %bitcast_convert_type3A_739 = tpu.bitcast %shift_left3A_738 : vector<16xi32> -> vector<16xf32>
        %and3A_740 = arith.constant -65536 : i32
        %and3A_741 = vector.broadcast %and3A_740 : i32 to vector<16xi32>
        %and3A_742 = arith.andi %get3A_728, %and3A_741 : vector<16xi32>
        %bitcast_convert_type3A_743 = tpu.bitcast %and3A_742 : vector<16xi32> -> vector<16xf32>
        %shift_left3A_744 = arith.constant 16 : i32
        %shift_left3A_745 = vector.broadcast %shift_left3A_744 : i32 to vector<16xi32>
        %shift_left3A_746 = arith.shli %get3A_735, %shift_left3A_745 : vector<16xi32>
        %bitcast_convert_type3A_747 = tpu.bitcast %shift_left3A_746 : vector<16xi32> -> vector<16xf32>
        %and3A_748 = arith.constant -65536 : i32
        %and3A_749 = vector.broadcast %and3A_748 : i32 to vector<16xi32>
        %and3A_750 = arith.andi %get3A_735, %and3A_749 : vector<16xi32>
        %bitcast_convert_type3A_751 = tpu.bitcast %and3A_750 : vector<16xi32> -> vector<16xf32>
        %add3A_752 = arith.addf %bitcast_convert_type3A_739, %bitcast_convert_type3A_747 : vector<16xf32>
        %swap3A_753 = arith.constant 4 : i32
        %swap3A_754 = arith.index_cast %swap3A_753 : i32 to index
        %swap3A_755 = arith.index_cast %mul3A_542 : i32 to index
        %swap3A_756 = tpu.vector_load %arg15[%swap3A_754, %swap3A_755] {strides = array<i32>} : memref<8x768xf32, #tpu.memory_space<vmem>>, vector<1x16xf32>,
        %swap3A_757 = vector.shape_cast %swap3A_756 : vector<1x16xf32> to vector<16xf32>
        %swap3A_758 = vector.shape_cast %add3A_752 : vector<16xf32> to vector<1x16xf32>
        tpu.vector_store %arg15[%swap3A_754, %swap3A_755], %swap3A_758 {add = true, strides = array<i32>} : memref<8x768xf32, #tpu.memory_space<vmem>>, vector<1x16xf32>,
        %add3A_759 = arith.addf %bitcast_convert_type3A_743, %bitcast_convert_type3A_751 : vector<16xf32>
        %swap3A_760 = arith.constant 4 : i32
        %swap3A_761 = arith.index_cast %swap3A_760 : i32 to index
        %swap3A_762 = arith.index_cast %add3A_548 : i32 to index
        %swap3A_763 = tpu.vector_load %arg15[%swap3A_761, %swap3A_762] {strides = array<i32>} : memref<8x768xf32, #tpu.memory_space<vmem>>, vector<1x16xf32>,
        %swap3A_764 = vector.shape_cast %swap3A_763 : vector<1x16xf32> to vector<16xf32>
        %swap3A_765 = vector.shape_cast %add3A_759 : vector<16xf32> to vector<1x16xf32>
        tpu.vector_store %arg15[%swap3A_761, %swap3A_762], %swap3A_765 {add = true, strides = array<i32>} : memref<8x768xf32, #tpu.memory_space<vmem>>, vector<1x16xf32>,
        %get3A_766 = arith.constant 5 : i32
        %get3A_767 = arith.index_cast %get3A_766 : i32 to index
        %get3A_768 = memref.load %arg13[%get3A_767] : memref<16xi32, #tpu.memory_space<smem>>
        %add3A_769 = arith.addi %get3A_768, %mul3A_538 : i32
        %get3A_770 = arith.index_cast %add3A_769 : i32 to index
        %get3A_771 = tpu.vector_load %arg9[%get3A_770] {strides = array<i32>} : memref<98304xi32, #tpu.memory_space<vmem>>, vector<16xi32>,
        %get3A_772 = vector.shape_cast %get3A_771 : vector<16xi32> to vector<16xi32>
        %get3A_773 = arith.constant 13 : i32
        %get3A_774 = arith.index_cast %get3A_773 : i32 to index
        %get3A_775 = memref.load %arg13[%get3A_774] : memref<16xi32, #tpu.memory_space<smem>>
        %add3A_776 = arith.addi %get3A_775, %mul3A_538 : i32
        %get3A_777 = arith.index_cast %add3A_776 : i32 to index
        %get3A_778 = tpu.vector_load %arg9[%get3A_777] {strides = array<i32>} : memref<98304xi32, #tpu.memory_space<vmem>>, vector<16xi32>,
        %get3A_779 = vector.shape_cast %get3A_778 : vector<16xi32> to vector<16xi32>
        %shift_left3A_780 = arith.constant 16 : i32
        %shift_left3A_781 = vector.broadcast %shift_left3A_780 : i32 to vector<16xi32>
        %shift_left3A_782 = arith.shli %get3A_772, %shift_left3A_781 : vector<16xi32>
        %bitcast_convert_type3A_783 = tpu.bitcast %shift_left3A_782 : vector<16xi32> -> vector<16xf32>
        %and3A_784 = arith.constant -65536 : i32
        %and3A_785 = vector.broadcast %and3A_784 : i32 to vector<16xi32>
        %and3A_786 = arith.andi %get3A_772, %and3A_785 : vector<16xi32>
        %bitcast_convert_type3A_787 = tpu.bitcast %and3A_786 : vector<16xi32> -> vector<16xf32>
        %shift_left3A_788 = arith.constant 16 : i32
        %shift_left3A_789 = vector.broadcast %shift_left3A_788 : i32 to vector<16xi32>
        %shift_left3A_790 = arith.shli %get3A_779, %shift_left3A_789 : vector<16xi32>
        %bitcast_convert_type3A_791 = tpu.bitcast %shift_left3A_790 : vector<16xi32> -> vector<16xf32>
        %and3A_792 = arith.constant -65536 : i32
        %and3A_793 = vector.broadcast %and3A_792 : i32 to vector<16xi32>
        %and3A_794 = arith.andi %get3A_779, %and3A_793 : vector<16xi32>
        %bitcast_convert_type3A_795 = tpu.bitcast %and3A_794 : vector<16xi32> -> vector<16xf32>
        %add3A_796 = arith.addf %bitcast_convert_type3A_783, %bitcast_convert_type3A_791 : vector<16xf32>
        %swap3A_797 = arith.constant 5 : i32
        %swap3A_798 = arith.index_cast %swap3A_797 : i32 to index
        %swap3A_799 = arith.index_cast %mul3A_542 : i32 to index
        %swap3A_800 = tpu.vector_load %arg15[%swap3A_798, %swap3A_799] {strides = array<i32>} : memref<8x768xf32, #tpu.memory_space<vmem>>, vector<1x16xf32>,
        %swap3A_801 = vector.shape_cast %swap3A_800 : vector<1x16xf32> to vector<16xf32>
        %swap3A_802 = vector.shape_cast %add3A_796 : vector<16xf32> to vector<1x16xf32>
        tpu.vector_store %arg15[%swap3A_798, %swap3A_799], %swap3A_802 {add = true, strides = array<i32>} : memref<8x768xf32, #tpu.memory_space<vmem>>, vector<1x16xf32>,
        %add3A_803 = arith.addf %bitcast_convert_type3A_787, %bitcast_convert_type3A_795 : vector<16xf32>
        %swap3A_804 = arith.constant 5 : i32
        %swap3A_805 = arith.index_cast %swap3A_804 : i32 to index
        %swap3A_806 = arith.index_cast %add3A_548 : i32 to index
        %swap3A_807 = tpu.vector_load %arg15[%swap3A_805, %swap3A_806] {strides = array<i32>} : memref<8x768xf32, #tpu.memory_space<vmem>>, vector<1x16xf32>,
        %swap3A_808 = vector.shape_cast %swap3A_807 : vector<1x16xf32> to vector<16xf32>
        %swap3A_809 = vector.shape_cast %add3A_803 : vector<16xf32> to vector<1x16xf32>
        tpu.vector_store %arg15[%swap3A_805, %swap3A_806], %swap3A_809 {add = true, strides = array<i32>} : memref<8x768xf32, #tpu.memory_space<vmem>>, vector<1x16xf32>,
        %get3A_810 = arith.constant 6 : i32
        %get3A_811 = arith.index_cast %get3A_810 : i32 to index
        %get3A_812 = memref.load %arg13[%get3A_811] : memref<16xi32, #tpu.memory_space<smem>>
        %add3A_813 = arith.addi %get3A_812, %mul3A_538 : i32
        %get3A_814 = arith.index_cast %add3A_813 : i32 to index
        %get3A_815 = tpu.vector_load %arg9[%get3A_814] {strides = array<i32>} : memref<98304xi32, #tpu.memory_space<vmem>>, vector<16xi32>,
        %get3A_816 = vector.shape_cast %get3A_815 : vector<16xi32> to vector<16xi32>
        %get3A_817 = arith.constant 14 : i32
        %get3A_818 = arith.index_cast %get3A_817 : i32 to index
        %get3A_819 = memref.load %arg13[%get3A_818] : memref<16xi32, #tpu.memory_space<smem>>
        %add3A_820 = arith.addi %get3A_819, %mul3A_538 : i32
        %get3A_821 = arith.index_cast %add3A_820 : i32 to index
        %get3A_822 = tpu.vector_load %arg9[%get3A_821] {strides = array<i32>} : memref<98304xi32, #tpu.memory_space<vmem>>, vector<16xi32>,
        %get3A_823 = vector.shape_cast %get3A_822 : vector<16xi32> to vector<16xi32>
        %shift_left3A_824 = arith.constant 16 : i32
        %shift_left3A_825 = vector.broadcast %shift_left3A_824 : i32 to vector<16xi32>
        %shift_left3A_826 = arith.shli %get3A_816, %shift_left3A_825 : vector<16xi32>
        %bitcast_convert_type3A_827 = tpu.bitcast %shift_left3A_826 : vector<16xi32> -> vector<16xf32>
        %and3A_828 = arith.constant -65536 : i32
        %and3A_829 = vector.broadcast %and3A_828 : i32 to vector<16xi32>
        %and3A_830 = arith.andi %get3A_816, %and3A_829 : vector<16xi32>
        %bitcast_convert_type3A_831 = tpu.bitcast %and3A_830 : vector<16xi32> -> vector<16xf32>
        %shift_left3A_832 = arith.constant 16 : i32
        %shift_left3A_833 = vector.broadcast %shift_left3A_832 : i32 to vector<16xi32>
        %shift_left3A_834 = arith.shli %get3A_823, %shift_left3A_833 : vector<16xi32>
        %bitcast_convert_type3A_835 = tpu.bitcast %shift_left3A_834 : vector<16xi32> -> vector<16xf32>
        %and3A_836 = arith.constant -65536 : i32
        %and3A_837 = vector.broadcast %and3A_836 : i32 to vector<16xi32>
        %and3A_838 = arith.andi %get3A_823, %and3A_837 : vector<16xi32>
        %bitcast_convert_type3A_839 = tpu.bitcast %and3A_838 : vector<16xi32> -> vector<16xf32>
        %add3A_840 = arith.addf %bitcast_convert_type3A_827, %bitcast_convert_type3A_835 : vector<16xf32>
        %swap3A_841 = arith.constant 6 : i32
        %swap3A_842 = arith.index_cast %swap3A_841 : i32 to index
        %swap3A_843 = arith.index_cast %mul3A_542 : i32 to index
        %swap3A_844 = tpu.vector_load %arg15[%swap3A_842, %swap3A_843] {strides = array<i32>} : memref<8x768xf32, #tpu.memory_space<vmem>>, vector<1x16xf32>,
        %swap3A_845 = vector.shape_cast %swap3A_844 : vector<1x16xf32> to vector<16xf32>
        %swap3A_846 = vector.shape_cast %add3A_840 : vector<16xf32> to vector<1x16xf32>
        tpu.vector_store %arg15[%swap3A_842, %swap3A_843], %swap3A_846 {add = true, strides = array<i32>} : memref<8x768xf32, #tpu.memory_space<vmem>>, vector<1x16xf32>,
        %add3A_847 = arith.addf %bitcast_convert_type3A_831, %bitcast_convert_type3A_839 : vector<16xf32>
        %swap3A_848 = arith.constant 6 : i32
        %swap3A_849 = arith.index_cast %swap3A_848 : i32 to index
        %swap3A_850 = arith.index_cast %add3A_548 : i32 to index
        %swap3A_851 = tpu.vector_load %arg15[%swap3A_849, %swap3A_850] {strides = array<i32>} : memref<8x768xf32, #tpu.memory_space<vmem>>, vector<1x16xf32>,
        %swap3A_852 = vector.shape_cast %swap3A_851 : vector<1x16xf32> to vector<16xf32>
        %swap3A_853 = vector.shape_cast %add3A_847 : vector<16xf32> to vector<1x16xf32>
        tpu.vector_store %arg15[%swap3A_849, %swap3A_850], %swap3A_853 {add = true, strides = array<i32>} : memref<8x768xf32, #tpu.memory_space<vmem>>, vector<1x16xf32>,
        %get3A_854 = arith.constant 7 : i32
        %get3A_855 = arith.index_cast %get3A_854 : i32 to index
        %get3A_856 = memref.load %arg13[%get3A_855] : memref<16xi32, #tpu.memory_space<smem>>
        %add3A_857 = arith.addi %get3A_856, %mul3A_538 : i32
        %get3A_858 = arith.index_cast %add3A_857 : i32 to index
        %get3A_859 = tpu.vector_load %arg9[%get3A_858] {strides = array<i32>} : memref<98304xi32, #tpu.memory_space<vmem>>, vector<16xi32>,
        %get3A_860 = vector.shape_cast %get3A_859 : vector<16xi32> to vector<16xi32>
        %get3A_861 = arith.constant 15 : i32
        %get3A_862 = arith.index_cast %get3A_861 : i32 to index
        %get3A_863 = memref.load %arg13[%get3A_862] : memref<16xi32, #tpu.memory_space<smem>>
        %add3A_864 = arith.addi %get3A_863, %mul3A_538 : i32
        %get3A_865 = arith.index_cast %add3A_864 : i32 to index
        %get3A_866 = tpu.vector_load %arg9[%get3A_865] {strides = array<i32>} : memref<98304xi32, #tpu.memory_space<vmem>>, vector<16xi32>,
        %get3A_867 = vector.shape_cast %get3A_866 : vector<16xi32> to vector<16xi32>
        %shift_left3A_868 = arith.constant 16 : i32
        %shift_left3A_869 = vector.broadcast %shift_left3A_868 : i32 to vector<16xi32>
        %shift_left3A_870 = arith.shli %get3A_860, %shift_left3A_869 : vector<16xi32>
        %bitcast_convert_type3A_871 = tpu.bitcast %shift_left3A_870 : vector<16xi32> -> vector<16xf32>
        %and3A_872 = arith.constant -65536 : i32
        %and3A_873 = vector.broadcast %and3A_872 : i32 to vector<16xi32>
        %and3A_874 = arith.andi %get3A_860, %and3A_873 : vector<16xi32>
        %bitcast_convert_type3A_875 = tpu.bitcast %and3A_874 : vector<16xi32> -> vector<16xf32>
        %shift_left3A_876 = arith.constant 16 : i32
        %shift_left3A_877 = vector.broadcast %shift_left3A_876 : i32 to vector<16xi32>
        %shift_left3A_878 = arith.shli %get3A_867, %shift_left3A_877 : vector<16xi32>
        %bitcast_convert_type3A_879 = tpu.bitcast %shift_left3A_878 : vector<16xi32> -> vector<16xf32>
        %and3A_880 = arith.constant -65536 : i32
        %and3A_881 = vector.broadcast %and3A_880 : i32 to vector<16xi32>
        %and3A_882 = arith.andi %get3A_867, %and3A_881 : vector<16xi32>
        %bitcast_convert_type3A_883 = tpu.bitcast %and3A_882 : vector<16xi32> -> vector<16xf32>
        %add3A_884 = arith.addf %bitcast_convert_type3A_871, %bitcast_convert_type3A_879 : vector<16xf32>
        %swap3A_885 = arith.constant 7 : i32
        %swap3A_886 = arith.index_cast %swap3A_885 : i32 to index
        %swap3A_887 = arith.index_cast %mul3A_542 : i32 to index
        %swap3A_888 = tpu.vector_load %arg15[%swap3A_886, %swap3A_887] {strides = array<i32>} : memref<8x768xf32, #tpu.memory_space<vmem>>, vector<1x16xf32>,
        %swap3A_889 = vector.shape_cast %swap3A_888 : vector<1x16xf32> to vector<16xf32>
        %swap3A_890 = vector.shape_cast %add3A_884 : vector<16xf32> to vector<1x16xf32>
        tpu.vector_store %arg15[%swap3A_886, %swap3A_887], %swap3A_890 {add = true, strides = array<i32>} : memref<8x768xf32, #tpu.memory_space<vmem>>, vector<1x16xf32>,
        %add3A_891 = arith.addf %bitcast_convert_type3A_875, %bitcast_convert_type3A_883 : vector<16xf32>
        %swap3A_892 = arith.constant 7 : i32
        %swap3A_893 = arith.index_cast %swap3A_892 : i32 to index
        %swap3A_894 = arith.index_cast %add3A_548 : i32 to index
        %swap3A_895 = tpu.vector_load %arg15[%swap3A_893, %swap3A_894] {strides = array<i32>} : memref<8x768xf32, #tpu.memory_space<vmem>>, vector<1x16xf32>,
        %swap3A_896 = vector.shape_cast %swap3A_895 : vector<1x16xf32> to vector<16xf32>
        %swap3A_897 = vector.shape_cast %add3A_891 : vector<16xf32> to vector<1x16xf32>
        tpu.vector_store %arg15[%swap3A_893, %swap3A_894], %swap3A_897 {add = true, strides = array<i32>} : memref<8x768xf32, #tpu.memory_space<vmem>>, vector<1x16xf32>,
        %mul3A_898 = arith.constant 2 : i32
        %mul3A_899 = arith.muli %scan3A_532, %mul3A_898 : i32
        %add3A_900 = arith.constant 1 : i32
        %add3A_901 = arith.addi %mul3A_899, %add3A_900 : i32
        %mul3A_902 = arith.constant 16 : i32
        %mul3A_903 = arith.muli %add3A_901, %mul3A_902 : i32
        %mul3A_904 = arith.constant 2 : i32
        %mul3A_905 = arith.muli %add3A_901, %mul3A_904 : i32
        %mul3A_906 = arith.constant 16 : i32
        %mul3A_907 = arith.muli %mul3A_905, %mul3A_906 : i32
        %mul3A_908 = arith.constant 2 : i32
        %mul3A_909 = arith.muli %add3A_901, %mul3A_908 : i32
        %mul3A_910 = arith.constant 16 : i32
        %mul3A_911 = arith.muli %mul3A_909, %mul3A_910 : i32
        %add3A_912 = arith.constant 16 : i32
        %add3A_913 = arith.addi %mul3A_911, %add3A_912 : i32
        %get3A_914 = arith.constant 0 : i32
        %get3A_915 = arith.index_cast %get3A_914 : i32 to index
        %get3A_916 = memref.load %arg13[%get3A_915] : memref<16xi32, #tpu.memory_space<smem>>
        %add3A_917 = arith.addi %get3A_916, %mul3A_903 : i32
        %get3A_918 = arith.index_cast %add3A_917 : i32 to index
        %get3A_919 = tpu.vector_load %arg9[%get3A_918] {strides = array<i32>} : memref<98304xi32, #tpu.memory_space<vmem>>, vector<16xi32>,
        %get3A_920 = vector.shape_cast %get3A_919 : vector<16xi32> to vector<16xi32>
        %get3A_921 = arith.constant 8 : i32
        %get3A_922 = arith.index_cast %get3A_921 : i32 to index
        %get3A_923 = memref.load %arg13[%get3A_922] : memref<16xi32, #tpu.memory_space<smem>>
        %add3A_924 = arith.addi %get3A_923, %mul3A_903 : i32
        %get3A_925 = arith.index_cast %add3A_924 : i32 to index
        %get3A_926 = tpu.vector_load %arg9[%get3A_925] {strides = array<i32>} : memref<98304xi32, #tpu.memory_space<vmem>>, vector<16xi32>,
        %get3A_927 = vector.shape_cast %get3A_926 : vector<16xi32> to vector<16xi32>
        %shift_left3A_928 = arith.constant 16 : i32
        %shift_left3A_929 = vector.broadcast %shift_left3A_928 : i32 to vector<16xi32>
        %shift_left3A_930 = arith.shli %get3A_920, %shift_left3A_929 : vector<16xi32>
        %bitcast_convert_type3A_931 = tpu.bitcast %shift_left3A_930 : vector<16xi32> -> vector<16xf32>
        %and3A_932 = arith.constant -65536 : i32
        %and3A_933 = vector.broadcast %and3A_932 : i32 to vector<16xi32>
        %and3A_934 = arith.andi %get3A_920, %and3A_933 : vector<16xi32>
        %bitcast_convert_type3A_935 = tpu.bitcast %and3A_934 : vector<16xi32> -> vector<16xf32>
        %shift_left3A_936 = arith.constant 16 : i32
        %shift_left3A_937 = vector.broadcast %shift_left3A_936 : i32 to vector<16xi32>
        %shift_left3A_938 = arith.shli %get3A_927, %shift_left3A_937 : vector<16xi32>
        %bitcast_convert_type3A_939 = tpu.bitcast %shift_left3A_938 : vector<16xi32> -> vector<16xf32>
        %and3A_940 = arith.constant -65536 : i32
        %and3A_941 = vector.broadcast %and3A_940 : i32 to vector<16xi32>
        %and3A_942 = arith.andi %get3A_927, %and3A_941 : vector<16xi32>
        %bitcast_convert_type3A_943 = tpu.bitcast %and3A_942 : vector<16xi32> -> vector<16xf32>
        %add3A_944 = arith.addf %bitcast_convert_type3A_931, %bitcast_convert_type3A_939 : vector<16xf32>
        %swap3A_945 = arith.constant 0 : i32
        %swap3A_946 = arith.index_cast %swap3A_945 : i32 to index
        %swap3A_947 = arith.index_cast %mul3A_907 : i32 to index
        %swap3A_948 = tpu.vector_load %arg15[%swap3A_946, %swap3A_947] {strides = array<i32>} : memref<8x768xf32, #tpu.memory_space<vmem>>, vector<1x16xf32>,
        %swap3A_949 = vector.shape_cast %swap3A_948 : vector<1x16xf32> to vector<16xf32>
        %swap3A_950 = vector.shape_cast %add3A_944 : vector<16xf32> to vector<1x16xf32>
        tpu.vector_store %arg15[%swap3A_946, %swap3A_947], %swap3A_950 {add = true, strides = array<i32>} : memref<8x768xf32, #tpu.memory_space<vmem>>, vector<1x16xf32>,
        %add3A_951 = arith.addf %bitcast_convert_type3A_935, %bitcast_convert_type3A_943 : vector<16xf32>
        %swap3A_952 = arith.constant 0 : i32
        %swap3A_953 = arith.index_cast %swap3A_952 : i32 to index
        %swap3A_954 = arith.index_cast %add3A_913 : i32 to index
        %swap3A_955 = tpu.vector_load %arg15[%swap3A_953, %swap3A_954] {strides = array<i32>} : memref<8x768xf32, #tpu.memory_space<vmem>>, vector<1x16xf32>,
        %swap3A_956 = vector.shape_cast %swap3A_955 : vector<1x16xf32> to vector<16xf32>
        %swap3A_957 = vector.shape_cast %add3A_951 : vector<16xf32> to vector<1x16xf32>
        tpu.vector_store %arg15[%swap3A_953, %swap3A_954], %swap3A_957 {add = true, strides = array<i32>} : memref<8x768xf32, #tpu.memory_space<vmem>>, vector<1x16xf32>,
        %get3A_958 = arith.constant 1 : i32
        %get3A_959 = arith.index_cast %get3A_958 : i32 to index
        %get3A_960 = memref.load %arg13[%get3A_959] : memref<16xi32, #tpu.memory_space<smem>>
        %add3A_961 = arith.addi %get3A_960, %mul3A_903 : i32
        %get3A_962 = arith.index_cast %add3A_961 : i32 to index
        %get3A_963 = tpu.vector_load %arg9[%get3A_962] {strides = array<i32>} : memref<98304xi32, #tpu.memory_space<vmem>>, vector<16xi32>,
        %get3A_964 = vector.shape_cast %get3A_963 : vector<16xi32> to vector<16xi32>
        %get3A_965 = arith.constant 9 : i32
        %get3A_966 = arith.index_cast %get3A_965 : i32 to index
        %get3A_967 = memref.load %arg13[%get3A_966] : memref<16xi32, #tpu.memory_space<smem>>
        %add3A_968 = arith.addi %get3A_967, %mul3A_903 : i32
        %get3A_969 = arith.index_cast %add3A_968 : i32 to index
        %get3A_970 = tpu.vector_load %arg9[%get3A_969] {strides = array<i32>} : memref<98304xi32, #tpu.memory_space<vmem>>, vector<16xi32>,
        %get3A_971 = vector.shape_cast %get3A_970 : vector<16xi32> to vector<16xi32>
        %shift_left3A_972 = arith.constant 16 : i32
        %shift_left3A_973 = vector.broadcast %shift_left3A_972 : i32 to vector<16xi32>
        %shift_left3A_974 = arith.shli %get3A_964, %shift_left3A_973 : vector<16xi32>
        %bitcast_convert_type3A_975 = tpu.bitcast %shift_left3A_974 : vector<16xi32> -> vector<16xf32>
        %and3A_976 = arith.constant -65536 : i32
        %and3A_977 = vector.broadcast %and3A_976 : i32 to vector<16xi32>
        %and3A_978 = arith.andi %get3A_964, %and3A_977 : vector<16xi32>
        %bitcast_convert_type3A_979 = tpu.bitcast %and3A_978 : vector<16xi32> -> vector<16xf32>
        %shift_left3A_980 = arith.constant 16 : i32
        %shift_left3A_981 = vector.broadcast %shift_left3A_980 : i32 to vector<16xi32>
        %shift_left3A_982 = arith.shli %get3A_971, %shift_left3A_981 : vector<16xi32>
        %bitcast_convert_type3A_983 = tpu.bitcast %shift_left3A_982 : vector<16xi32> -> vector<16xf32>
        %and3A_984 = arith.constant -65536 : i32
        %and3A_985 = vector.broadcast %and3A_984 : i32 to vector<16xi32>
        %and3A_986 = arith.andi %get3A_971, %and3A_985 : vector<16xi32>
        %bitcast_convert_type3A_987 = tpu.bitcast %and3A_986 : vector<16xi32> -> vector<16xf32>
        %add3A_988 = arith.addf %bitcast_convert_type3A_975, %bitcast_convert_type3A_983 : vector<16xf32>
        %swap3A_989 = arith.constant 1 : i32
        %swap3A_990 = arith.index_cast %swap3A_989 : i32 to index
        %swap3A_991 = arith.index_cast %mul3A_907 : i32 to index
        %swap3A_992 = tpu.vector_load %arg15[%swap3A_990, %swap3A_991] {strides = array<i32>} : memref<8x768xf32, #tpu.memory_space<vmem>>, vector<1x16xf32>,
        %swap3A_993 = vector.shape_cast %swap3A_992 : vector<1x16xf32> to vector<16xf32>
        %swap3A_994 = vector.shape_cast %add3A_988 : vector<16xf32> to vector<1x16xf32>
        tpu.vector_store %arg15[%swap3A_990, %swap3A_991], %swap3A_994 {add = true, strides = array<i32>} : memref<8x768xf32, #tpu.memory_space<vmem>>, vector<1x16xf32>,
        %add3A_995 = arith.addf %bitcast_convert_type3A_979, %bitcast_convert_type3A_987 : vector<16xf32>
        %swap3A_996 = arith.constant 1 : i32
        %swap3A_997 = arith.index_cast %swap3A_996 : i32 to index
        %swap3A_998 = arith.index_cast %add3A_913 : i32 to index
        %swap3A_999 = tpu.vector_load %arg15[%swap3A_997, %swap3A_998] {strides = array<i32>} : memref<8x768xf32, #tpu.memory_space<vmem>>, vector<1x16xf32>,
        %swap3A_1000 = vector.shape_cast %swap3A_999 : vector<1x16xf32> to vector<16xf32>
        %swap3A_1001 = vector.shape_cast %add3A_995 : vector<16xf32> to vector<1x16xf32>
        tpu.vector_store %arg15[%swap3A_997, %swap3A_998], %swap3A_1001 {add = true, strides = array<i32>} : memref<8x768xf32, #tpu.memory_space<vmem>>, vector<1x16xf32>,
        %get3A_1002 = arith.constant 2 : i32
        %get3A_1003 = arith.index_cast %get3A_1002 : i32 to index
        %get3A_1004 = memref.load %arg13[%get3A_1003] : memref<16xi32, #tpu.memory_space<smem>>
        %add3A_1005 = arith.addi %get3A_1004, %mul3A_903 : i32
        %get3A_1006 = arith.index_cast %add3A_1005 : i32 to index
        %get3A_1007 = tpu.vector_load %arg9[%get3A_1006] {strides = array<i32>} : memref<98304xi32, #tpu.memory_space<vmem>>, vector<16xi32>,
        %get3A_1008 = vector.shape_cast %get3A_1007 : vector<16xi32> to vector<16xi32>
        %get3A_1009 = arith.constant 10 : i32
        %get3A_1010 = arith.index_cast %get3A_1009 : i32 to index
        %get3A_1011 = memref.load %arg13[%get3A_1010] : memref<16xi32, #tpu.memory_space<smem>>
        %add3A_1012 = arith.addi %get3A_1011, %mul3A_903 : i32
        %get3A_1013 = arith.index_cast %add3A_1012 : i32 to index
        %get3A_1014 = tpu.vector_load %arg9[%get3A_1013] {strides = array<i32>} : memref<98304xi32, #tpu.memory_space<vmem>>, vector<16xi32>,
        %get3A_1015 = vector.shape_cast %get3A_1014 : vector<16xi32> to vector<16xi32>
        %shift_left3A_1016 = arith.constant 16 : i32
        %shift_left3A_1017 = vector.broadcast %shift_left3A_1016 : i32 to vector<16xi32>
        %shift_left3A_1018 = arith.shli %get3A_1008, %shift_left3A_1017 : vector<16xi32>
        %bitcast_convert_type3A_1019 = tpu.bitcast %shift_left3A_1018 : vector<16xi32> -> vector<16xf32>
        %and3A_1020 = arith.constant -65536 : i32
        %and3A_1021 = vector.broadcast %and3A_1020 : i32 to vector<16xi32>
        %and3A_1022 = arith.andi %get3A_1008, %and3A_1021 : vector<16xi32>
        %bitcast_convert_type3A_1023 = tpu.bitcast %and3A_1022 : vector<16xi32> -> vector<16xf32>
        %shift_left3A_1024 = arith.constant 16 : i32
        %shift_left3A_1025 = vector.broadcast %shift_left3A_1024 : i32 to vector<16xi32>
        %shift_left3A_1026 = arith.shli %get3A_1015, %shift_left3A_1025 : vector<16xi32>
        %bitcast_convert_type3A_1027 = tpu.bitcast %shift_left3A_1026 : vector<16xi32> -> vector<16xf32>
        %and3A_1028 = arith.constant -65536 : i32
        %and3A_1029 = vector.broadcast %and3A_1028 : i32 to vector<16xi32>
        %and3A_1030 = arith.andi %get3A_1015, %and3A_1029 : vector<16xi32>
        %bitcast_convert_type3A_1031 = tpu.bitcast %and3A_1030 : vector<16xi32> -> vector<16xf32>
        %add3A_1032 = arith.addf %bitcast_convert_type3A_1019, %bitcast_convert_type3A_1027 : vector<16xf32>
        %swap3A_1033 = arith.constant 2 : i32
        %swap3A_1034 = arith.index_cast %swap3A_1033 : i32 to index
        %swap3A_1035 = arith.index_cast %mul3A_907 : i32 to index
        %swap3A_1036 = tpu.vector_load %arg15[%swap3A_1034, %swap3A_1035] {strides = array<i32>} : memref<8x768xf32, #tpu.memory_space<vmem>>, vector<1x16xf32>,
        %swap3A_1037 = vector.shape_cast %swap3A_1036 : vector<1x16xf32> to vector<16xf32>
        %swap3A_1038 = vector.shape_cast %add3A_1032 : vector<16xf32> to vector<1x16xf32>
        tpu.vector_store %arg15[%swap3A_1034, %swap3A_1035], %swap3A_1038 {add = true, strides = array<i32>} : memref<8x768xf32, #tpu.memory_space<vmem>>, vector<1x16xf32>,
        %add3A_1039 = arith.addf %bitcast_convert_type3A_1023, %bitcast_convert_type3A_1031 : vector<16xf32>
        %swap3A_1040 = arith.constant 2 : i32
        %swap3A_1041 = arith.index_cast %swap3A_1040 : i32 to index
        %swap3A_1042 = arith.index_cast %add3A_913 : i32 to index
        %swap3A_1043 = tpu.vector_load %arg15[%swap3A_1041, %swap3A_1042] {strides = array<i32>} : memref<8x768xf32, #tpu.memory_space<vmem>>, vector<1x16xf32>,
        %swap3A_1044 = vector.shape_cast %swap3A_1043 : vector<1x16xf32> to vector<16xf32>
        %swap3A_1045 = vector.shape_cast %add3A_1039 : vector<16xf32> to vector<1x16xf32>
        tpu.vector_store %arg15[%swap3A_1041, %swap3A_1042], %swap3A_1045 {add = true, strides = array<i32>} : memref<8x768xf32, #tpu.memory_space<vmem>>, vector<1x16xf32>,
        %get3A_1046 = arith.constant 3 : i32
        %get3A_1047 = arith.index_cast %get3A_1046 : i32 to index
        %get3A_1048 = memref.load %arg13[%get3A_1047] : memref<16xi32, #tpu.memory_space<smem>>
        %add3A_1049 = arith.addi %get3A_1048, %mul3A_903 : i32
        %get3A_1050 = arith.index_cast %add3A_1049 : i32 to index
        %get3A_1051 = tpu.vector_load %arg9[%get3A_1050] {strides = array<i32>} : memref<98304xi32, #tpu.memory_space<vmem>>, vector<16xi32>,
        %get3A_1052 = vector.shape_cast %get3A_1051 : vector<16xi32> to vector<16xi32>
        %get3A_1053 = arith.constant 11 : i32
        %get3A_1054 = arith.index_cast %get3A_1053 : i32 to index
        %get3A_1055 = memref.load %arg13[%get3A_1054] : memref<16xi32, #tpu.memory_space<smem>>
        %add3A_1056 = arith.addi %get3A_1055, %mul3A_903 : i32
        %get3A_1057 = arith.index_cast %add3A_1056 : i32 to index
        %get3A_1058 = tpu.vector_load %arg9[%get3A_1057] {strides = array<i32>} : memref<98304xi32, #tpu.memory_space<vmem>>, vector<16xi32>,
        %get3A_1059 = vector.shape_cast %get3A_1058 : vector<16xi32> to vector<16xi32>
        %shift_left3A_1060 = arith.constant 16 : i32
        %shift_left3A_1061 = vector.broadcast %shift_left3A_1060 : i32 to vector<16xi32>
        %shift_left3A_1062 = arith.shli %get3A_1052, %shift_left3A_1061 : vector<16xi32>
        %bitcast_convert_type3A_1063 = tpu.bitcast %shift_left3A_1062 : vector<16xi32> -> vector<16xf32>
        %and3A_1064 = arith.constant -65536 : i32
        %and3A_1065 = vector.broadcast %and3A_1064 : i32 to vector<16xi32>
        %and3A_1066 = arith.andi %get3A_1052, %and3A_1065 : vector<16xi32>
        %bitcast_convert_type3A_1067 = tpu.bitcast %and3A_1066 : vector<16xi32> -> vector<16xf32>
        %shift_left3A_1068 = arith.constant 16 : i32
        %shift_left3A_1069 = vector.broadcast %shift_left3A_1068 : i32 to vector<16xi32>
        %shift_left3A_1070 = arith.shli %get3A_1059, %shift_left3A_1069 : vector<16xi32>
        %bitcast_convert_type3A_1071 = tpu.bitcast %shift_left3A_1070 : vector<16xi32> -> vector<16xf32>
        %and3A_1072 = arith.constant -65536 : i32
        %and3A_1073 = vector.broadcast %and3A_1072 : i32 to vector<16xi32>
        %and3A_1074 = arith.andi %get3A_1059, %and3A_1073 : vector<16xi32>
        %bitcast_convert_type3A_1075 = tpu.bitcast %and3A_1074 : vector<16xi32> -> vector<16xf32>
        %add3A_1076 = arith.addf %bitcast_convert_type3A_1063, %bitcast_convert_type3A_1071 : vector<16xf32>
        %swap3A_1077 = arith.constant 3 : i32
        %swap3A_1078 = arith.index_cast %swap3A_1077 : i32 to index
        %swap3A_1079 = arith.index_cast %mul3A_907 : i32 to index
        %swap3A_1080 = tpu.vector_load %arg15[%swap3A_1078, %swap3A_1079] {strides = array<i32>} : memref<8x768xf32, #tpu.memory_space<vmem>>, vector<1x16xf32>,
        %swap3A_1081 = vector.shape_cast %swap3A_1080 : vector<1x16xf32> to vector<16xf32>
        %swap3A_1082 = vector.shape_cast %add3A_1076 : vector<16xf32> to vector<1x16xf32>
        tpu.vector_store %arg15[%swap3A_1078, %swap3A_1079], %swap3A_1082 {add = true, strides = array<i32>} : memref<8x768xf32, #tpu.memory_space<vmem>>, vector<1x16xf32>,
        %add3A_1083 = arith.addf %bitcast_convert_type3A_1067, %bitcast_convert_type3A_1075 : vector<16xf32>
        %swap3A_1084 = arith.constant 3 : i32
        %swap3A_1085 = arith.index_cast %swap3A_1084 : i32 to index
        %swap3A_1086 = arith.index_cast %add3A_913 : i32 to index
        %swap3A_1087 = tpu.vector_load %arg15[%swap3A_1085, %swap3A_1086] {strides = array<i32>} : memref<8x768xf32, #tpu.memory_space<vmem>>, vector<1x16xf32>,
        %swap3A_1088 = vector.shape_cast %swap3A_1087 : vector<1x16xf32> to vector<16xf32>
        %swap3A_1089 = vector.shape_cast %add3A_1083 : vector<16xf32> to vector<1x16xf32>
        tpu.vector_store %arg15[%swap3A_1085, %swap3A_1086], %swap3A_1089 {add = true, strides = array<i32>} : memref<8x768xf32, #tpu.memory_space<vmem>>, vector<1x16xf32>,
        %get3A_1090 = arith.constant 4 : i32
        %get3A_1091 = arith.index_cast %get3A_1090 : i32 to index
        %get3A_1092 = memref.load %arg13[%get3A_1091] : memref<16xi32, #tpu.memory_space<smem>>
        %add3A_1093 = arith.addi %get3A_1092, %mul3A_903 : i32
        %get3A_1094 = arith.index_cast %add3A_1093 : i32 to index
        %get3A_1095 = tpu.vector_load %arg9[%get3A_1094] {strides = array<i32>} : memref<98304xi32, #tpu.memory_space<vmem>>, vector<16xi32>,
        %get3A_1096 = vector.shape_cast %get3A_1095 : vector<16xi32> to vector<16xi32>
        %get3A_1097 = arith.constant 12 : i32
        %get3A_1098 = arith.index_cast %get3A_1097 : i32 to index
        %get3A_1099 = memref.load %arg13[%get3A_1098] : memref<16xi32, #tpu.memory_space<smem>>
        %add3A_1100 = arith.addi %get3A_1099, %mul3A_903 : i32
        %get3A_1101 = arith.index_cast %add3A_1100 : i32 to index
        %get3A_1102 = tpu.vector_load %arg9[%get3A_1101] {strides = array<i32>} : memref<98304xi32, #tpu.memory_space<vmem>>, vector<16xi32>,
        %get3A_1103 = vector.shape_cast %get3A_1102 : vector<16xi32> to vector<16xi32>
        %shift_left3A_1104 = arith.constant 16 : i32
        %shift_left3A_1105 = vector.broadcast %shift_left3A_1104 : i32 to vector<16xi32>
        %shift_left3A_1106 = arith.shli %get3A_1096, %shift_left3A_1105 : vector<16xi32>
        %bitcast_convert_type3A_1107 = tpu.bitcast %shift_left3A_1106 : vector<16xi32> -> vector<16xf32>
        %and3A_1108 = arith.constant -65536 : i32
        %and3A_1109 = vector.broadcast %and3A_1108 : i32 to vector<16xi32>
        %and3A_1110 = arith.andi %get3A_1096, %and3A_1109 : vector<16xi32>
        %bitcast_convert_type3A_1111 = tpu.bitcast %and3A_1110 : vector<16xi32> -> vector<16xf32>
        %shift_left3A_1112 = arith.constant 16 : i32
        %shift_left3A_1113 = vector.broadcast %shift_left3A_1112 : i32 to vector<16xi32>
        %shift_left3A_1114 = arith.shli %get3A_1103, %shift_left3A_1113 : vector<16xi32>
        %bitcast_convert_type3A_1115 = tpu.bitcast %shift_left3A_1114 : vector<16xi32> -> vector<16xf32>
        %and3A_1116 = arith.constant -65536 : i32
        %and3A_1117 = vector.broadcast %and3A_1116 : i32 to vector<16xi32>
        %and3A_1118 = arith.andi %get3A_1103, %and3A_1117 : vector<16xi32>
        %bitcast_convert_type3A_1119 = tpu.bitcast %and3A_1118 : vector<16xi32> -> vector<16xf32>
        %add3A_1120 = arith.addf %bitcast_convert_type3A_1107, %bitcast_convert_type3A_1115 : vector<16xf32>
        %swap3A_1121 = arith.constant 4 : i32
        %swap3A_1122 = arith.index_cast %swap3A_1121 : i32 to index
        %swap3A_1123 = arith.index_cast %mul3A_907 : i32 to index
        %swap3A_1124 = tpu.vector_load %arg15[%swap3A_1122, %swap3A_1123] {strides = array<i32>} : memref<8x768xf32, #tpu.memory_space<vmem>>, vector<1x16xf32>,
        %swap3A_1125 = vector.shape_cast %swap3A_1124 : vector<1x16xf32> to vector<16xf32>
        %swap3A_1126 = vector.shape_cast %add3A_1120 : vector<16xf32> to vector<1x16xf32>
        tpu.vector_store %arg15[%swap3A_1122, %swap3A_1123], %swap3A_1126 {add = true, strides = array<i32>} : memref<8x768xf32, #tpu.memory_space<vmem>>, vector<1x16xf32>,
        %add3A_1127 = arith.addf %bitcast_convert_type3A_1111, %bitcast_convert_type3A_1119 : vector<16xf32>
        %swap3A_1128 = arith.constant 4 : i32
        %swap3A_1129 = arith.index_cast %swap3A_1128 : i32 to index
        %swap3A_1130 = arith.index_cast %add3A_913 : i32 to index
        %swap3A_1131 = tpu.vector_load %arg15[%swap3A_1129, %swap3A_1130] {strides = array<i32>} : memref<8x768xf32, #tpu.memory_space<vmem>>, vector<1x16xf32>,
        %swap3A_1132 = vector.shape_cast %swap3A_1131 : vector<1x16xf32> to vector<16xf32>
        %swap3A_1133 = vector.shape_cast %add3A_1127 : vector<16xf32> to vector<1x16xf32>
        tpu.vector_store %arg15[%swap3A_1129, %swap3A_1130], %swap3A_1133 {add = true, strides = array<i32>} : memref<8x768xf32, #tpu.memory_space<vmem>>, vector<1x16xf32>,
        %get3A_1134 = arith.constant 5 : i32
        %get3A_1135 = arith.index_cast %get3A_1134 : i32 to index
        %get3A_1136 = memref.load %arg13[%get3A_1135] : memref<16xi32, #tpu.memory_space<smem>>
        %add3A_1137 = arith.addi %get3A_1136, %mul3A_903 : i32
        %get3A_1138 = arith.index_cast %add3A_1137 : i32 to index
        %get3A_1139 = tpu.vector_load %arg9[%get3A_1138] {strides = array<i32>} : memref<98304xi32, #tpu.memory_space<vmem>>, vector<16xi32>,
        %get3A_1140 = vector.shape_cast %get3A_1139 : vector<16xi32> to vector<16xi32>
        %get3A_1141 = arith.constant 13 : i32
        %get3A_1142 = arith.index_cast %get3A_1141 : i32 to index
        %get3A_1143 = memref.load %arg13[%get3A_1142] : memref<16xi32, #tpu.memory_space<smem>>
        %add3A_1144 = arith.addi %get3A_1143, %mul3A_903 : i32
        %get3A_1145 = arith.index_cast %add3A_1144 : i32 to index
        %get3A_1146 = tpu.vector_load %arg9[%get3A_1145] {strides = array<i32>} : memref<98304xi32, #tpu.memory_space<vmem>>, vector<16xi32>,
        %get3A_1147 = vector.shape_cast %get3A_1146 : vector<16xi32> to vector<16xi32>
        %shift_left3A_1148 = arith.constant 16 : i32
        %shift_left3A_1149 = vector.broadcast %shift_left3A_1148 : i32 to vector<16xi32>
        %shift_left3A_1150 = arith.shli %get3A_1140, %shift_left3A_1149 : vector<16xi32>
        %bitcast_convert_type3A_1151 = tpu.bitcast %shift_left3A_1150 : vector<16xi32> -> vector<16xf32>
        %and3A_1152 = arith.constant -65536 : i32
        %and3A_1153 = vector.broadcast %and3A_1152 : i32 to vector<16xi32>
        %and3A_1154 = arith.andi %get3A_1140, %and3A_1153 : vector<16xi32>
        %bitcast_convert_type3A_1155 = tpu.bitcast %and3A_1154 : vector<16xi32> -> vector<16xf32>
        %shift_left3A_1156 = arith.constant 16 : i32
        %shift_left3A_1157 = vector.broadcast %shift_left3A_1156 : i32 to vector<16xi32>
        %shift_left3A_1158 = arith.shli %get3A_1147, %shift_left3A_1157 : vector<16xi32>
        %bitcast_convert_type3A_1159 = tpu.bitcast %shift_left3A_1158 : vector<16xi32> -> vector<16xf32>
        %and3A_1160 = arith.constant -65536 : i32
        %and3A_1161 = vector.broadcast %and3A_1160 : i32 to vector<16xi32>
        %and3A_1162 = arith.andi %get3A_1147, %and3A_1161 : vector<16xi32>
        %bitcast_convert_type3A_1163 = tpu.bitcast %and3A_1162 : vector<16xi32> -> vector<16xf32>
        %add3A_1164 = arith.addf %bitcast_convert_type3A_1151, %bitcast_convert_type3A_1159 : vector<16xf32>
        %swap3A_1165 = arith.constant 5 : i32
        %swap3A_1166 = arith.index_cast %swap3A_1165 : i32 to index
        %swap3A_1167 = arith.index_cast %mul3A_907 : i32 to index
        %swap3A_1168 = tpu.vector_load %arg15[%swap3A_1166, %swap3A_1167] {strides = array<i32>} : memref<8x768xf32, #tpu.memory_space<vmem>>, vector<1x16xf32>,
        %swap3A_1169 = vector.shape_cast %swap3A_1168 : vector<1x16xf32> to vector<16xf32>
        %swap3A_1170 = vector.shape_cast %add3A_1164 : vector<16xf32> to vector<1x16xf32>
        tpu.vector_store %arg15[%swap3A_1166, %swap3A_1167], %swap3A_1170 {add = true, strides = array<i32>} : memref<8x768xf32, #tpu.memory_space<vmem>>, vector<1x16xf32>,
        %add3A_1171 = arith.addf %bitcast_convert_type3A_1155, %bitcast_convert_type3A_1163 : vector<16xf32>
        %swap3A_1172 = arith.constant 5 : i32
        %swap3A_1173 = arith.index_cast %swap3A_1172 : i32 to index
        %swap3A_1174 = arith.index_cast %add3A_913 : i32 to index
        %swap3A_1175 = tpu.vector_load %arg15[%swap3A_1173, %swap3A_1174] {strides = array<i32>} : memref<8x768xf32, #tpu.memory_space<vmem>>, vector<1x16xf32>,
        %swap3A_1176 = vector.shape_cast %swap3A_1175 : vector<1x16xf32> to vector<16xf32>
        %swap3A_1177 = vector.shape_cast %add3A_1171 : vector<16xf32> to vector<1x16xf32>
        tpu.vector_store %arg15[%swap3A_1173, %swap3A_1174], %swap3A_1177 {add = true, strides = array<i32>} : memref<8x768xf32, #tpu.memory_space<vmem>>, vector<1x16xf32>,
        %get3A_1178 = arith.constant 6 : i32
        %get3A_1179 = arith.index_cast %get3A_1178 : i32 to index
        %get3A_1180 = memref.load %arg13[%get3A_1179] : memref<16xi32, #tpu.memory_space<smem>>
        %add3A_1181 = arith.addi %get3A_1180, %mul3A_903 : i32
        %get3A_1182 = arith.index_cast %add3A_1181 : i32 to index
        %get3A_1183 = tpu.vector_load %arg9[%get3A_1182] {strides = array<i32>} : memref<98304xi32, #tpu.memory_space<vmem>>, vector<16xi32>,
        %get3A_1184 = vector.shape_cast %get3A_1183 : vector<16xi32> to vector<16xi32>
        %get3A_1185 = arith.constant 14 : i32
        %get3A_1186 = arith.index_cast %get3A_1185 : i32 to index
        %get3A_1187 = memref.load %arg13[%get3A_1186] : memref<16xi32, #tpu.memory_space<smem>>
        %add3A_1188 = arith.addi %get3A_1187, %mul3A_903 : i32
        %get3A_1189 = arith.index_cast %add3A_1188 : i32 to index
        %get3A_1190 = tpu.vector_load %arg9[%get3A_1189] {strides = array<i32>} : memref<98304xi32, #tpu.memory_space<vmem>>, vector<16xi32>,
        %get3A_1191 = vector.shape_cast %get3A_1190 : vector<16xi32> to vector<16xi32>
        %shift_left3A_1192 = arith.constant 16 : i32
        %shift_left3A_1193 = vector.broadcast %shift_left3A_1192 : i32 to vector<16xi32>
        %shift_left3A_1194 = arith.shli %get3A_1184, %shift_left3A_1193 : vector<16xi32>
        %bitcast_convert_type3A_1195 = tpu.bitcast %shift_left3A_1194 : vector<16xi32> -> vector<16xf32>
        %and3A_1196 = arith.constant -65536 : i32
        %and3A_1197 = vector.broadcast %and3A_1196 : i32 to vector<16xi32>
        %and3A_1198 = arith.andi %get3A_1184, %and3A_1197 : vector<16xi32>
        %bitcast_convert_type3A_1199 = tpu.bitcast %and3A_1198 : vector<16xi32> -> vector<16xf32>
        %shift_left3A_1200 = arith.constant 16 : i32
        %shift_left3A_1201 = vector.broadcast %shift_left3A_1200 : i32 to vector<16xi32>
        %shift_left3A_1202 = arith.shli %get3A_1191, %shift_left3A_1201 : vector<16xi32>
        %bitcast_convert_type3A_1203 = tpu.bitcast %shift_left3A_1202 : vector<16xi32> -> vector<16xf32>
        %and3A_1204 = arith.constant -65536 : i32
        %and3A_1205 = vector.broadcast %and3A_1204 : i32 to vector<16xi32>
        %and3A_1206 = arith.andi %get3A_1191, %and3A_1205 : vector<16xi32>
        %bitcast_convert_type3A_1207 = tpu.bitcast %and3A_1206 : vector<16xi32> -> vector<16xf32>
        %add3A_1208 = arith.addf %bitcast_convert_type3A_1195, %bitcast_convert_type3A_1203 : vector<16xf32>
        %swap3A_1209 = arith.constant 6 : i32
        %swap3A_1210 = arith.index_cast %swap3A_1209 : i32 to index
        %swap3A_1211 = arith.index_cast %mul3A_907 : i32 to index
        %swap3A_1212 = tpu.vector_load %arg15[%swap3A_1210, %swap3A_1211] {strides = array<i32>} : memref<8x768xf32, #tpu.memory_space<vmem>>, vector<1x16xf32>,
        %swap3A_1213 = vector.shape_cast %swap3A_1212 : vector<1x16xf32> to vector<16xf32>
        %swap3A_1214 = vector.shape_cast %add3A_1208 : vector<16xf32> to vector<1x16xf32>
        tpu.vector_store %arg15[%swap3A_1210, %swap3A_1211], %swap3A_1214 {add = true, strides = array<i32>} : memref<8x768xf32, #tpu.memory_space<vmem>>, vector<1x16xf32>,
        %add3A_1215 = arith.addf %bitcast_convert_type3A_1199, %bitcast_convert_type3A_1207 : vector<16xf32>
        %swap3A_1216 = arith.constant 6 : i32
        %swap3A_1217 = arith.index_cast %swap3A_1216 : i32 to index
        %swap3A_1218 = arith.index_cast %add3A_913 : i32 to index
        %swap3A_1219 = tpu.vector_load %arg15[%swap3A_1217, %swap3A_1218] {strides = array<i32>} : memref<8x768xf32, #tpu.memory_space<vmem>>, vector<1x16xf32>,
        %swap3A_1220 = vector.shape_cast %swap3A_1219 : vector<1x16xf32> to vector<16xf32>
        %swap3A_1221 = vector.shape_cast %add3A_1215 : vector<16xf32> to vector<1x16xf32>
        tpu.vector_store %arg15[%swap3A_1217, %swap3A_1218], %swap3A_1221 {add = true, strides = array<i32>} : memref<8x768xf32, #tpu.memory_space<vmem>>, vector<1x16xf32>,
        %get3A_1222 = arith.constant 7 : i32
        %get3A_1223 = arith.index_cast %get3A_1222 : i32 to index
        %get3A_1224 = memref.load %arg13[%get3A_1223] : memref<16xi32, #tpu.memory_space<smem>>
        %add3A_1225 = arith.addi %get3A_1224, %mul3A_903 : i32
        %get3A_1226 = arith.index_cast %add3A_1225 : i32 to index
        %get3A_1227 = tpu.vector_load %arg9[%get3A_1226] {strides = array<i32>} : memref<98304xi32, #tpu.memory_space<vmem>>, vector<16xi32>,
        %get3A_1228 = vector.shape_cast %get3A_1227 : vector<16xi32> to vector<16xi32>
        %get3A_1229 = arith.constant 15 : i32
        %get3A_1230 = arith.index_cast %get3A_1229 : i32 to index
        %get3A_1231 = memref.load %arg13[%get3A_1230] : memref<16xi32, #tpu.memory_space<smem>>
        %add3A_1232 = arith.addi %get3A_1231, %mul3A_903 : i32
        %get3A_1233 = arith.index_cast %add3A_1232 : i32 to index
        %get3A_1234 = tpu.vector_load %arg9[%get3A_1233] {strides = array<i32>} : memref<98304xi32, #tpu.memory_space<vmem>>, vector<16xi32>,
        %get3A_1235 = vector.shape_cast %get3A_1234 : vector<16xi32> to vector<16xi32>
        %shift_left3A_1236 = arith.constant 16 : i32
        %shift_left3A_1237 = vector.broadcast %shift_left3A_1236 : i32 to vector<16xi32>
        %shift_left3A_1238 = arith.shli %get3A_1228, %shift_left3A_1237 : vector<16xi32>
        %bitcast_convert_type3A_1239 = tpu.bitcast %shift_left3A_1238 : vector<16xi32> -> vector<16xf32>
        %and3A_1240 = arith.constant -65536 : i32
        %and3A_1241 = vector.broadcast %and3A_1240 : i32 to vector<16xi32>
        %and3A_1242 = arith.andi %get3A_1228, %and3A_1241 : vector<16xi32>
        %bitcast_convert_type3A_1243 = tpu.bitcast %and3A_1242 : vector<16xi32> -> vector<16xf32>
        %shift_left3A_1244 = arith.constant 16 : i32
        %shift_left3A_1245 = vector.broadcast %shift_left3A_1244 : i32 to vector<16xi32>
        %shift_left3A_1246 = arith.shli %get3A_1235, %shift_left3A_1245 : vector<16xi32>
        %bitcast_convert_type3A_1247 = tpu.bitcast %shift_left3A_1246 : vector<16xi32> -> vector<16xf32>
        %and3A_1248 = arith.constant -65536 : i32
        %and3A_1249 = vector.broadcast %and3A_1248 : i32 to vector<16xi32>
        %and3A_1250 = arith.andi %get3A_1235, %and3A_1249 : vector<16xi32>
        %bitcast_convert_type3A_1251 = tpu.bitcast %and3A_1250 : vector<16xi32> -> vector<16xf32>
        %add3A_1252 = arith.addf %bitcast_convert_type3A_1239, %bitcast_convert_type3A_1247 : vector<16xf32>
        %swap3A_1253 = arith.constant 7 : i32
        %swap3A_1254 = arith.index_cast %swap3A_1253 : i32 to index
        %swap3A_1255 = arith.index_cast %mul3A_907 : i32 to index
        %swap3A_1256 = tpu.vector_load %arg15[%swap3A_1254, %swap3A_1255] {strides = array<i32>} : memref<8x768xf32, #tpu.memory_space<vmem>>, vector<1x16xf32>,
        %swap3A_1257 = vector.shape_cast %swap3A_1256 : vector<1x16xf32> to vector<16xf32>
        %swap3A_1258 = vector.shape_cast %add3A_1252 : vector<16xf32> to vector<1x16xf32>
        tpu.vector_store %arg15[%swap3A_1254, %swap3A_1255], %swap3A_1258 {add = true, strides = array<i32>} : memref<8x768xf32, #tpu.memory_space<vmem>>, vector<1x16xf32>,
        %add3A_1259 = arith.addf %bitcast_convert_type3A_1243, %bitcast_convert_type3A_1251 : vector<16xf32>
        %swap3A_1260 = arith.constant 7 : i32
        %swap3A_1261 = arith.index_cast %swap3A_1260 : i32 to index
        %swap3A_1262 = arith.index_cast %add3A_913 : i32 to index
        %swap3A_1263 = tpu.vector_load %arg15[%swap3A_1261, %swap3A_1262] {strides = array<i32>} : memref<8x768xf32, #tpu.memory_space<vmem>>, vector<1x16xf32>,
        %swap3A_1264 = vector.shape_cast %swap3A_1263 : vector<1x16xf32> to vector<16xf32>
        %swap3A_1265 = vector.shape_cast %add3A_1259 : vector<16xf32> to vector<1x16xf32>
        tpu.vector_store %arg15[%swap3A_1261, %swap3A_1262], %swap3A_1265 {add = true, strides = array<i32>} : memref<8x768xf32, #tpu.memory_space<vmem>>, vector<1x16xf32>,
      }
      %scan3A_279 = arith.constant 12 : i32
      %dma_start3A_280 = arith.constant 0 : i32
      %dma_start3A_281 = tpu.memref_slice %arg8[%add3A_173, %dma_start3A_280] : memref<32768x768xf32, #tpu.memory_space<hbm>> -> memref<8x768xf32, #tpu.memory_space<hbm>>
      %dma_start3A_282 = arith.constant 0 : i32
      %dma_start3A_283 = tpu.memref_slice %arg8[%add3A_173, %dma_start3A_282] : memref<32768x768xf32, #tpu.memory_space<hbm>> -> memref<8x768xf32, #tpu.memory_space<hbm>>
      tpu.enqueue_dma source(%arg15 : memref<8x768xf32, #tpu.memory_space<vmem>>) target(%dma_start3A_283 : memref<8x768xf32, #tpu.memory_space<hbm>>) target_semaphore(%arg23 : memref<!tpu.dma_semaphore, #tpu.memory_space<semaphore_mem>>)
      %mul3A_284 = arith.constant 4 : i32
      %mul3A_285 = arith.muli %scan3A_43, %mul3A_284 : i32
      %add3A_286 = arith.constant 2 : i32
      %add3A_287 = arith.addi %mul3A_285, %add3A_286 : i32
      %add3A_288 = arith.constant 2 : i32
      %add3A_289 = arith.addi %add3A_287, %add3A_288 : i32
      %lt3A_290 = arith.constant 128 : i32
      %lt3A_291 = arith.cmpi slt, %add3A_289, %lt3A_290 : i32
      %convert_element_type3A_292 = arith.extui %lt3A_291 : i1 to i32
      %cond3A_293 = arith.constant 0 : i32
      %cond3A_294 = arith.cmpi ne, %convert_element_type3A_292, %cond3A_293 : i32
      scf.if %cond3A_294 {
        %ge3A = arith.constant 4 : i32
        %ge3A_532 = arith.cmpi sge, %add3A_289, %ge3A : i32
        %convert_element_type3A_533 = arith.extui %ge3A_532 : i1 to i32
        %cond3A_534 = arith.constant 0 : i32
        %cond3A_535 = arith.cmpi ne, %convert_element_type3A_533, %cond3A_534 : i32
        scf.if %cond3A_535 {
          %dma_wait3A_543 = arith.constant 0 : i32
          %dma_wait3A_544 = tpu.memref_slice %arg8[%mul3A_2, %dma_wait3A_543] : memref<32768x768xf32, #tpu.memory_space<hbm>> -> memref<8x768xf32, #tpu.memory_space<hbm>>
          %dma_wait3A_545 = arith.constant 0 : i32
          %dma_wait3A_546 = tpu.memref_slice %arg8[%mul3A_2, %dma_wait3A_545] : memref<32768x768xf32, #tpu.memory_space<hbm>> -> memref<8x768xf32, #tpu.memory_space<hbm>>
          tpu.wait_dma2 semaphore(%arg22 : memref<!tpu.dma_semaphore, #tpu.memory_space<semaphore_mem>>) src(%arg14 : memref<8x768xf32, #tpu.memory_space<vmem>>) dst(%dma_wait3A_546 : memref<8x768xf32, #tpu.memory_space<hbm>>)
        } else {
        }
        %mul3A_536 = arith.constant 8 : i32
        %mul3A_537 = arith.muli %add3A_289, %mul3A_536 : i32
        %add3A_538 = arith.addi %mul3A_2, %mul3A_537 : i32
        %dma_start3A_539 = arith.constant 0 : i32
        %dma_start3A_540 = tpu.memref_slice %arg2[%add3A_538, %dma_start3A_539] : memref<32768x768xf32, #tpu.memory_space<hbm>> -> memref<8x768xf32, #tpu.memory_space<hbm>>
        %dma_start3A_541 = arith.constant 0 : i32
        %dma_start3A_542 = tpu.memref_slice %arg2[%add3A_538, %dma_start3A_541] : memref<32768x768xf32, #tpu.memory_space<hbm>> -> memref<8x768xf32, #tpu.memory_space<hbm>>
        tpu.enqueue_dma source(%dma_start3A_542 : memref<8x768xf32, #tpu.memory_space<hbm>>) target(%arg14 : memref<8x768xf32, #tpu.memory_space<vmem>>) target_semaphore(%arg18 : memref<!tpu.dma_semaphore, #tpu.memory_space<semaphore_mem>>)
      } else {
      }
      %mul3A_295 = arith.constant 8 : i32
      %mul3A_296 = arith.muli %add3A_287, %mul3A_295 : i32
      %add3A_297 = arith.addi %mul3A_2, %mul3A_296 : i32
      %dma_wait3A_298 = arith.constant 0 : i32
      %dma_wait3A_299 = tpu.memref_slice %arg2[%add3A_297, %dma_wait3A_298] : memref<32768x768xf32, #tpu.memory_space<hbm>> -> memref<8x768xf32, #tpu.memory_space<hbm>>
      %dma_wait3A_300 = arith.constant 0 : i32
      %dma_wait3A_301 = tpu.memref_slice %arg2[%add3A_297, %dma_wait3A_300] : memref<32768x768xf32, #tpu.memory_space<hbm>> -> memref<8x768xf32, #tpu.memory_space<hbm>>
      tpu.wait_dma2 semaphore(%arg20 : memref<!tpu.dma_semaphore, #tpu.memory_space<semaphore_mem>>) src(%dma_wait3A_301 : memref<8x768xf32, #tpu.memory_space<hbm>>) dst(%arg16 : memref<8x768xf32, #tpu.memory_space<vmem>>)
      %sub3A_302 = arith.constant 0 : i32
      %sub3A_303 = arith.subi %add3A_287, %sub3A_302 : i32
      %mul3A_304 = arith.constant 8 : i32
      %mul3A_305 = arith.muli %sub3A_303, %mul3A_304 : i32
      %get3A_306 = arith.index_cast %mul3A_305 : i32 to index
      %get3A_307 = tpu.vector_load %arg11[%get3A_306] {strides = array<i32>} : memref<1024xi32, #tpu.memory_space<vmem>>, vector<16xi32>,
      %get3A_308 = vector.shape_cast %get3A_307 : vector<16xi32> to vector<16xi32>
      %mul3A_309 = arith.constant 384 : i32
      %mul3A_310 = vector.broadcast %mul3A_309 : i32 to vector<16xi32>
      %mul3A_311 = arith.muli %get3A_308, %mul3A_310 : vector<16xi32>
      %get3A_312 = arith.index_cast %mul3A_305 : i32 to index
      %get3A_313 = tpu.vector_load %arg12[%get3A_312] {strides = array<i32>} : memref<1024xi32, #tpu.memory_space<vmem>>, vector<16xi32>,
      %get3A_314 = vector.shape_cast %get3A_313 : vector<16xi32> to vector<16xi32>
      %mul3A_315 = arith.constant 384 : i32
      %mul3A_316 = vector.broadcast %mul3A_315 : i32 to vector<16xi32>
      %mul3A_317 = arith.muli %get3A_314, %mul3A_316 : vector<16xi32>
      %slice3A_318 = vector.extract_strided_slice %mul3A_311 {offsets = [0], sizes = [1], strides = [1]} : vector<16xi32> to vector<1xi32>
      %squeeze3A_319 = vector.extract %slice3A_318[0] : i32 from vector<1xi32>
      %swap3A_320 = arith.constant 0 : i32
      %swap3A_321 = arith.index_cast %swap3A_320 : i32 to index
      %swap3A_322 = memref.load %arg13[%swap3A_321] : memref<16xi32, #tpu.memory_space<smem>>
      memref.store %squeeze3A_319, %arg13[%swap3A_321] : memref<16xi32, #tpu.memory_space<smem>>
      %slice3A_323 = vector.extract_strided_slice %mul3A_317 {offsets = [0], sizes = [1], strides = [1]} : vector<16xi32> to vector<1xi32>
      %squeeze3A_324 = vector.extract %slice3A_323[0] : i32 from vector<1xi32>
      %swap3A_325 = arith.constant 8 : i32
      %swap3A_326 = arith.index_cast %swap3A_325 : i32 to index
      %swap3A_327 = memref.load %arg13[%swap3A_326] : memref<16xi32, #tpu.memory_space<smem>>
      memref.store %squeeze3A_324, %arg13[%swap3A_326] : memref<16xi32, #tpu.memory_space<smem>>
      %slice3A_328 = vector.extract_strided_slice %mul3A_311 {offsets = [1], sizes = [1], strides = [1]} : vector<16xi32> to vector<1xi32>
      %squeeze3A_329 = vector.extract %slice3A_328[0] : i32 from vector<1xi32>
      %swap3A_330 = arith.constant 1 : i32
      %swap3A_331 = arith.index_cast %swap3A_330 : i32 to index
      %swap3A_332 = memref.load %arg13[%swap3A_331] : memref<16xi32, #tpu.memory_space<smem>>
      memref.store %squeeze3A_329, %arg13[%swap3A_331] : memref<16xi32, #tpu.memory_space<smem>>
      %slice3A_333 = vector.extract_strided_slice %mul3A_317 {offsets = [1], sizes = [1], strides = [1]} : vector<16xi32> to vector<1xi32>
      %squeeze3A_334 = vector.extract %slice3A_333[0] : i32 from vector<1xi32>
      %swap3A_335 = arith.constant 9 : i32
      %swap3A_336 = arith.index_cast %swap3A_335 : i32 to index
      %swap3A_337 = memref.load %arg13[%swap3A_336] : memref<16xi32, #tpu.memory_space<smem>>
      memref.store %squeeze3A_334, %arg13[%swap3A_336] : memref<16xi32, #tpu.memory_space<smem>>
      %slice3A_338 = vector.extract_strided_slice %mul3A_311 {offsets = [2], sizes = [1], strides = [1]} : vector<16xi32> to vector<1xi32>
      %squeeze3A_339 = vector.extract %slice3A_338[0] : i32 from vector<1xi32>
      %swap3A_340 = arith.constant 2 : i32
      %swap3A_341 = arith.index_cast %swap3A_340 : i32 to index
      %swap3A_342 = memref.load %arg13[%swap3A_341] : memref<16xi32, #tpu.memory_space<smem>>
      memref.store %squeeze3A_339, %arg13[%swap3A_341] : memref<16xi32, #tpu.memory_space<smem>>
      %slice3A_343 = vector.extract_strided_slice %mul3A_317 {offsets = [2], sizes = [1], strides = [1]} : vector<16xi32> to vector<1xi32>
      %squeeze3A_344 = vector.extract %slice3A_343[0] : i32 from vector<1xi32>
      %swap3A_345 = arith.constant 10 : i32
      %swap3A_346 = arith.index_cast %swap3A_345 : i32 to index
      %swap3A_347 = memref.load %arg13[%swap3A_346] : memref<16xi32, #tpu.memory_space<smem>>
      memref.store %squeeze3A_344, %arg13[%swap3A_346] : memref<16xi32, #tpu.memory_space<smem>>
      %slice3A_348 = vector.extract_strided_slice %mul3A_311 {offsets = [3], sizes = [1], strides = [1]} : vector<16xi32> to vector<1xi32>
      %squeeze3A_349 = vector.extract %slice3A_348[0] : i32 from vector<1xi32>
      %swap3A_350 = arith.constant 3 : i32
      %swap3A_351 = arith.index_cast %swap3A_350 : i32 to index
      %swap3A_352 = memref.load %arg13[%swap3A_351] : memref<16xi32, #tpu.memory_space<smem>>
      memref.store %squeeze3A_349, %arg13[%swap3A_351] : memref<16xi32, #tpu.memory_space<smem>>
      %slice3A_353 = vector.extract_strided_slice %mul3A_317 {offsets = [3], sizes = [1], strides = [1]} : vector<16xi32> to vector<1xi32>
      %squeeze3A_354 = vector.extract %slice3A_353[0] : i32 from vector<1xi32>
      %swap3A_355 = arith.constant 11 : i32
      %swap3A_356 = arith.index_cast %swap3A_355 : i32 to index
      %swap3A_357 = memref.load %arg13[%swap3A_356] : memref<16xi32, #tpu.memory_space<smem>>
      memref.store %squeeze3A_354, %arg13[%swap3A_356] : memref<16xi32, #tpu.memory_space<smem>>
      %slice3A_358 = vector.extract_strided_slice %mul3A_311 {offsets = [4], sizes = [1], strides = [1]} : vector<16xi32> to vector<1xi32>
      %squeeze3A_359 = vector.extract %slice3A_358[0] : i32 from vector<1xi32>
      %swap3A_360 = arith.constant 4 : i32
      %swap3A_361 = arith.index_cast %swap3A_360 : i32 to index
      %swap3A_362 = memref.load %arg13[%swap3A_361] : memref<16xi32, #tpu.memory_space<smem>>
      memref.store %squeeze3A_359, %arg13[%swap3A_361] : memref<16xi32, #tpu.memory_space<smem>>
      %slice3A_363 = vector.extract_strided_slice %mul3A_317 {offsets = [4], sizes = [1], strides = [1]} : vector<16xi32> to vector<1xi32>
      %squeeze3A_364 = vector.extract %slice3A_363[0] : i32 from vector<1xi32>
      %swap3A_365 = arith.constant 12 : i32
      %swap3A_366 = arith.index_cast %swap3A_365 : i32 to index
      %swap3A_367 = memref.load %arg13[%swap3A_366] : memref<16xi32, #tpu.memory_space<smem>>
      memref.store %squeeze3A_364, %arg13[%swap3A_366] : memref<16xi32, #tpu.memory_space<smem>>
      %slice3A_368 = vector.extract_strided_slice %mul3A_311 {offsets = [5], sizes = [1], strides = [1]} : vector<16xi32> to vector<1xi32>
      %squeeze3A_369 = vector.extract %slice3A_368[0] : i32 from vector<1xi32>
      %swap3A_370 = arith.constant 5 : i32
      %swap3A_371 = arith.index_cast %swap3A_370 : i32 to index
      %swap3A_372 = memref.load %arg13[%swap3A_371] : memref<16xi32, #tpu.memory_space<smem>>
      memref.store %squeeze3A_369, %arg13[%swap3A_371] : memref<16xi32, #tpu.memory_space<smem>>
      %slice3A_373 = vector.extract_strided_slice %mul3A_317 {offsets = [5], sizes = [1], strides = [1]} : vector<16xi32> to vector<1xi32>
      %squeeze3A_374 = vector.extract %slice3A_373[0] : i32 from vector<1xi32>
      %swap3A_375 = arith.constant 13 : i32
      %swap3A_376 = arith.index_cast %swap3A_375 : i32 to index
      %swap3A_377 = memref.load %arg13[%swap3A_376] : memref<16xi32, #tpu.memory_space<smem>>
      memref.store %squeeze3A_374, %arg13[%swap3A_376] : memref<16xi32, #tpu.memory_space<smem>>
      %slice3A_378 = vector.extract_strided_slice %mul3A_311 {offsets = [6], sizes = [1], strides = [1]} : vector<16xi32> to vector<1xi32>
      %squeeze3A_379 = vector.extract %slice3A_378[0] : i32 from vector<1xi32>
      %swap3A_380 = arith.constant 6 : i32
      %swap3A_381 = arith.index_cast %swap3A_380 : i32 to index
      %swap3A_382 = memref.load %arg13[%swap3A_381] : memref<16xi32, #tpu.memory_space<smem>>
      memref.store %squeeze3A_379, %arg13[%swap3A_381] : memref<16xi32, #tpu.memory_space<smem>>
      %slice3A_383 = vector.extract_strided_slice %mul3A_317 {offsets = [6], sizes = [1], strides = [1]} : vector<16xi32> to vector<1xi32>
      %squeeze3A_384 = vector.extract %slice3A_383[0] : i32 from vector<1xi32>
      %swap3A_385 = arith.constant 14 : i32
      %swap3A_386 = arith.index_cast %swap3A_385 : i32 to index
      %swap3A_387 = memref.load %arg13[%swap3A_386] : memref<16xi32, #tpu.memory_space<smem>>
      memref.store %squeeze3A_384, %arg13[%swap3A_386] : memref<16xi32, #tpu.memory_space<smem>>
      %slice3A_388 = vector.extract_strided_slice %mul3A_311 {offsets = [7], sizes = [1], strides = [1]} : vector<16xi32> to vector<1xi32>
      %squeeze3A_389 = vector.extract %slice3A_388[0] : i32 from vector<1xi32>
      %swap3A_390 = arith.constant 7 : i32
      %swap3A_391 = arith.index_cast %swap3A_390 : i32 to index
      %swap3A_392 = memref.load %arg13[%swap3A_391] : memref<16xi32, #tpu.memory_space<smem>>
      memref.store %squeeze3A_389, %arg13[%swap3A_391] : memref<16xi32, #tpu.memory_space<smem>>
      %slice3A_393 = vector.extract_strided_slice %mul3A_317 {offsets = [7], sizes = [1], strides = [1]} : vector<16xi32> to vector<1xi32>
      %squeeze3A_394 = vector.extract %slice3A_393[0] : i32 from vector<1xi32>
      %swap3A_395 = arith.constant 15 : i32
      %swap3A_396 = arith.index_cast %swap3A_395 : i32 to index
      %swap3A_397 = memref.load %arg13[%swap3A_396] : memref<16xi32, #tpu.memory_space<smem>>
      memref.store %squeeze3A_394, %arg13[%swap3A_396] : memref<16xi32, #tpu.memory_space<smem>>
      %scan3A_398 = arith.constant 0 : i32
      %scan3A_399 = arith.constant 0 : i32
      %scan3A_400 = arith.constant 12 : i32
      %scan3A_401 = arith.addi %scan3A_399, %scan3A_400 : i32
      %scan3A_402 = arith.constant 1 : i32
      scf.for %scan3A_532 = %scan3A_399 to %scan3A_401 step %scan3A_402  : i32 {
        %mul3A_533 = arith.constant 2 : i32
        %mul3A_534 = arith.muli %scan3A_532, %mul3A_533 : i32
        %add3A_535 = arith.constant 0 : i32
        %add3A_536 = arith.addi %mul3A_534, %add3A_535 : i32
        %mul3A_537 = arith.constant 16 : i32
        %mul3A_538 = arith.muli %add3A_536, %mul3A_537 : i32
        %mul3A_539 = arith.constant 2 : i32
        %mul3A_540 = arith.muli %add3A_536, %mul3A_539 : i32
        %mul3A_541 = arith.constant 16 : i32
        %mul3A_542 = arith.muli %mul3A_540, %mul3A_541 : i32
        %mul3A_543 = arith.constant 2 : i32
        %mul3A_544 = arith.muli %add3A_536, %mul3A_543 : i32
        %mul3A_545 = arith.constant 16 : i32
        %mul3A_546 = arith.muli %mul3A_544, %mul3A_545 : i32
        %add3A_547 = arith.constant 16 : i32
        %add3A_548 = arith.addi %mul3A_546, %add3A_547 : i32
        %get3A_549 = arith.constant 0 : i32
        %get3A_550 = arith.index_cast %get3A_549 : i32 to index
        %get3A_551 = memref.load %arg13[%get3A_550] : memref<16xi32, #tpu.memory_space<smem>>
        %add3A_552 = arith.addi %get3A_551, %mul3A_538 : i32
        %get3A_553 = arith.index_cast %add3A_552 : i32 to index
        %get3A_554 = tpu.vector_load %arg9[%get3A_553] {strides = array<i32>} : memref<98304xi32, #tpu.memory_space<vmem>>, vector<16xi32>,
        %get3A_555 = vector.shape_cast %get3A_554 : vector<16xi32> to vector<16xi32>
        %get3A_556 = arith.constant 8 : i32
        %get3A_557 = arith.index_cast %get3A_556 : i32 to index
        %get3A_558 = memref.load %arg13[%get3A_557] : memref<16xi32, #tpu.memory_space<smem>>
        %add3A_559 = arith.addi %get3A_558, %mul3A_538 : i32
        %get3A_560 = arith.index_cast %add3A_559 : i32 to index
        %get3A_561 = tpu.vector_load %arg9[%get3A_560] {strides = array<i32>} : memref<98304xi32, #tpu.memory_space<vmem>>, vector<16xi32>,
        %get3A_562 = vector.shape_cast %get3A_561 : vector<16xi32> to vector<16xi32>
        %shift_left3A = arith.constant 16 : i32
        %shift_left3A_563 = vector.broadcast %shift_left3A : i32 to vector<16xi32>
        %shift_left3A_564 = arith.shli %get3A_555, %shift_left3A_563 : vector<16xi32>
        %bitcast_convert_type3A = tpu.bitcast %shift_left3A_564 : vector<16xi32> -> vector<16xf32>
        %and3A = arith.constant -65536 : i32
        %and3A_565 = vector.broadcast %and3A : i32 to vector<16xi32>
        %and3A_566 = arith.andi %get3A_555, %and3A_565 : vector<16xi32>
        %bitcast_convert_type3A_567 = tpu.bitcast %and3A_566 : vector<16xi32> -> vector<16xf32>
        %shift_left3A_568 = arith.constant 16 : i32
        %shift_left3A_569 = vector.broadcast %shift_left3A_568 : i32 to vector<16xi32>
        %shift_left3A_570 = arith.shli %get3A_562, %shift_left3A_569 : vector<16xi32>
        %bitcast_convert_type3A_571 = tpu.bitcast %shift_left3A_570 : vector<16xi32> -> vector<16xf32>
        %and3A_572 = arith.constant -65536 : i32
        %and3A_573 = vector.broadcast %and3A_572 : i32 to vector<16xi32>
        %and3A_574 = arith.andi %get3A_562, %and3A_573 : vector<16xi32>
        %bitcast_convert_type3A_575 = tpu.bitcast %and3A_574 : vector<16xi32> -> vector<16xf32>
        %add3A_576 = arith.addf %bitcast_convert_type3A, %bitcast_convert_type3A_571 : vector<16xf32>
        %swap3A_577 = arith.constant 0 : i32
        %swap3A_578 = arith.index_cast %swap3A_577 : i32 to index
        %swap3A_579 = arith.index_cast %mul3A_542 : i32 to index
        %swap3A_580 = tpu.vector_load %arg16[%swap3A_578, %swap3A_579] {strides = array<i32>} : memref<8x768xf32, #tpu.memory_space<vmem>>, vector<1x16xf32>,
        %swap3A_581 = vector.shape_cast %swap3A_580 : vector<1x16xf32> to vector<16xf32>
        %swap3A_582 = vector.shape_cast %add3A_576 : vector<16xf32> to vector<1x16xf32>
        tpu.vector_store %arg16[%swap3A_578, %swap3A_579], %swap3A_582 {add = true, strides = array<i32>} : memref<8x768xf32, #tpu.memory_space<vmem>>, vector<1x16xf32>,
        %add3A_583 = arith.addf %bitcast_convert_type3A_567, %bitcast_convert_type3A_575 : vector<16xf32>
        %swap3A_584 = arith.constant 0 : i32
        %swap3A_585 = arith.index_cast %swap3A_584 : i32 to index
        %swap3A_586 = arith.index_cast %add3A_548 : i32 to index
        %swap3A_587 = tpu.vector_load %arg16[%swap3A_585, %swap3A_586] {strides = array<i32>} : memref<8x768xf32, #tpu.memory_space<vmem>>, vector<1x16xf32>,
        %swap3A_588 = vector.shape_cast %swap3A_587 : vector<1x16xf32> to vector<16xf32>
        %swap3A_589 = vector.shape_cast %add3A_583 : vector<16xf32> to vector<1x16xf32>
        tpu.vector_store %arg16[%swap3A_585, %swap3A_586], %swap3A_589 {add = true, strides = array<i32>} : memref<8x768xf32, #tpu.memory_space<vmem>>, vector<1x16xf32>,
        %get3A_590 = arith.constant 1 : i32
        %get3A_591 = arith.index_cast %get3A_590 : i32 to index
        %get3A_592 = memref.load %arg13[%get3A_591] : memref<16xi32, #tpu.memory_space<smem>>
        %add3A_593 = arith.addi %get3A_592, %mul3A_538 : i32
        %get3A_594 = arith.index_cast %add3A_593 : i32 to index
        %get3A_595 = tpu.vector_load %arg9[%get3A_594] {strides = array<i32>} : memref<98304xi32, #tpu.memory_space<vmem>>, vector<16xi32>,
        %get3A_596 = vector.shape_cast %get3A_595 : vector<16xi32> to vector<16xi32>
        %get3A_597 = arith.constant 9 : i32
        %get3A_598 = arith.index_cast %get3A_597 : i32 to index
        %get3A_599 = memref.load %arg13[%get3A_598] : memref<16xi32, #tpu.memory_space<smem>>
        %add3A_600 = arith.addi %get3A_599, %mul3A_538 : i32
        %get3A_601 = arith.index_cast %add3A_600 : i32 to index
        %get3A_602 = tpu.vector_load %arg9[%get3A_601] {strides = array<i32>} : memref<98304xi32, #tpu.memory_space<vmem>>, vector<16xi32>,
        %get3A_603 = vector.shape_cast %get3A_602 : vector<16xi32> to vector<16xi32>
        %shift_left3A_604 = arith.constant 16 : i32
        %shift_left3A_605 = vector.broadcast %shift_left3A_604 : i32 to vector<16xi32>
        %shift_left3A_606 = arith.shli %get3A_596, %shift_left3A_605 : vector<16xi32>
        %bitcast_convert_type3A_607 = tpu.bitcast %shift_left3A_606 : vector<16xi32> -> vector<16xf32>
        %and3A_608 = arith.constant -65536 : i32
        %and3A_609 = vector.broadcast %and3A_608 : i32 to vector<16xi32>
        %and3A_610 = arith.andi %get3A_596, %and3A_609 : vector<16xi32>
        %bitcast_convert_type3A_611 = tpu.bitcast %and3A_610 : vector<16xi32> -> vector<16xf32>
        %shift_left3A_612 = arith.constant 16 : i32
        %shift_left3A_613 = vector.broadcast %shift_left3A_612 : i32 to vector<16xi32>
        %shift_left3A_614 = arith.shli %get3A_603, %shift_left3A_613 : vector<16xi32>
        %bitcast_convert_type3A_615 = tpu.bitcast %shift_left3A_614 : vector<16xi32> -> vector<16xf32>
        %and3A_616 = arith.constant -65536 : i32
        %and3A_617 = vector.broadcast %and3A_616 : i32 to vector<16xi32>
        %and3A_618 = arith.andi %get3A_603, %and3A_617 : vector<16xi32>
        %bitcast_convert_type3A_619 = tpu.bitcast %and3A_618 : vector<16xi32> -> vector<16xf32>
        %add3A_620 = arith.addf %bitcast_convert_type3A_607, %bitcast_convert_type3A_615 : vector<16xf32>
        %swap3A_621 = arith.constant 1 : i32
        %swap3A_622 = arith.index_cast %swap3A_621 : i32 to index
        %swap3A_623 = arith.index_cast %mul3A_542 : i32 to index
        %swap3A_624 = tpu.vector_load %arg16[%swap3A_622, %swap3A_623] {strides = array<i32>} : memref<8x768xf32, #tpu.memory_space<vmem>>, vector<1x16xf32>,
        %swap3A_625 = vector.shape_cast %swap3A_624 : vector<1x16xf32> to vector<16xf32>
        %swap3A_626 = vector.shape_cast %add3A_620 : vector<16xf32> to vector<1x16xf32>
        tpu.vector_store %arg16[%swap3A_622, %swap3A_623], %swap3A_626 {add = true, strides = array<i32>} : memref<8x768xf32, #tpu.memory_space<vmem>>, vector<1x16xf32>,
        %add3A_627 = arith.addf %bitcast_convert_type3A_611, %bitcast_convert_type3A_619 : vector<16xf32>
        %swap3A_628 = arith.constant 1 : i32
        %swap3A_629 = arith.index_cast %swap3A_628 : i32 to index
        %swap3A_630 = arith.index_cast %add3A_548 : i32 to index
        %swap3A_631 = tpu.vector_load %arg16[%swap3A_629, %swap3A_630] {strides = array<i32>} : memref<8x768xf32, #tpu.memory_space<vmem>>, vector<1x16xf32>,
        %swap3A_632 = vector.shape_cast %swap3A_631 : vector<1x16xf32> to vector<16xf32>
        %swap3A_633 = vector.shape_cast %add3A_627 : vector<16xf32> to vector<1x16xf32>
        tpu.vector_store %arg16[%swap3A_629, %swap3A_630], %swap3A_633 {add = true, strides = array<i32>} : memref<8x768xf32, #tpu.memory_space<vmem>>, vector<1x16xf32>,
        %get3A_634 = arith.constant 2 : i32
        %get3A_635 = arith.index_cast %get3A_634 : i32 to index
        %get3A_636 = memref.load %arg13[%get3A_635] : memref<16xi32, #tpu.memory_space<smem>>
        %add3A_637 = arith.addi %get3A_636, %mul3A_538 : i32
        %get3A_638 = arith.index_cast %add3A_637 : i32 to index
        %get3A_639 = tpu.vector_load %arg9[%get3A_638] {strides = array<i32>} : memref<98304xi32, #tpu.memory_space<vmem>>, vector<16xi32>,
        %get3A_640 = vector.shape_cast %get3A_639 : vector<16xi32> to vector<16xi32>
        %get3A_641 = arith.constant 10 : i32
        %get3A_642 = arith.index_cast %get3A_641 : i32 to index
        %get3A_643 = memref.load %arg13[%get3A_642] : memref<16xi32, #tpu.memory_space<smem>>
        %add3A_644 = arith.addi %get3A_643, %mul3A_538 : i32
        %get3A_645 = arith.index_cast %add3A_644 : i32 to index
        %get3A_646 = tpu.vector_load %arg9[%get3A_645] {strides = array<i32>} : memref<98304xi32, #tpu.memory_space<vmem>>, vector<16xi32>,
        %get3A_647 = vector.shape_cast %get3A_646 : vector<16xi32> to vector<16xi32>
        %shift_left3A_648 = arith.constant 16 : i32
        %shift_left3A_649 = vector.broadcast %shift_left3A_648 : i32 to vector<16xi32>
        %shift_left3A_650 = arith.shli %get3A_640, %shift_left3A_649 : vector<16xi32>
        %bitcast_convert_type3A_651 = tpu.bitcast %shift_left3A_650 : vector<16xi32> -> vector<16xf32>
        %and3A_652 = arith.constant -65536 : i32
        %and3A_653 = vector.broadcast %and3A_652 : i32 to vector<16xi32>
        %and3A_654 = arith.andi %get3A_640, %and3A_653 : vector<16xi32>
        %bitcast_convert_type3A_655 = tpu.bitcast %and3A_654 : vector<16xi32> -> vector<16xf32>
        %shift_left3A_656 = arith.constant 16 : i32
        %shift_left3A_657 = vector.broadcast %shift_left3A_656 : i32 to vector<16xi32>
        %shift_left3A_658 = arith.shli %get3A_647, %shift_left3A_657 : vector<16xi32>
        %bitcast_convert_type3A_659 = tpu.bitcast %shift_left3A_658 : vector<16xi32> -> vector<16xf32>
        %and3A_660 = arith.constant -65536 : i32
        %and3A_661 = vector.broadcast %and3A_660 : i32 to vector<16xi32>
        %and3A_662 = arith.andi %get3A_647, %and3A_661 : vector<16xi32>
        %bitcast_convert_type3A_663 = tpu.bitcast %and3A_662 : vector<16xi32> -> vector<16xf32>
        %add3A_664 = arith.addf %bitcast_convert_type3A_651, %bitcast_convert_type3A_659 : vector<16xf32>
        %swap3A_665 = arith.constant 2 : i32
        %swap3A_666 = arith.index_cast %swap3A_665 : i32 to index
        %swap3A_667 = arith.index_cast %mul3A_542 : i32 to index
        %swap3A_668 = tpu.vector_load %arg16[%swap3A_666, %swap3A_667] {strides = array<i32>} : memref<8x768xf32, #tpu.memory_space<vmem>>, vector<1x16xf32>,
        %swap3A_669 = vector.shape_cast %swap3A_668 : vector<1x16xf32> to vector<16xf32>
        %swap3A_670 = vector.shape_cast %add3A_664 : vector<16xf32> to vector<1x16xf32>
        tpu.vector_store %arg16[%swap3A_666, %swap3A_667], %swap3A_670 {add = true, strides = array<i32>} : memref<8x768xf32, #tpu.memory_space<vmem>>, vector<1x16xf32>,
        %add3A_671 = arith.addf %bitcast_convert_type3A_655, %bitcast_convert_type3A_663 : vector<16xf32>
        %swap3A_672 = arith.constant 2 : i32
        %swap3A_673 = arith.index_cast %swap3A_672 : i32 to index
        %swap3A_674 = arith.index_cast %add3A_548 : i32 to index
        %swap3A_675 = tpu.vector_load %arg16[%swap3A_673, %swap3A_674] {strides = array<i32>} : memref<8x768xf32, #tpu.memory_space<vmem>>, vector<1x16xf32>,
        %swap3A_676 = vector.shape_cast %swap3A_675 : vector<1x16xf32> to vector<16xf32>
        %swap3A_677 = vector.shape_cast %add3A_671 : vector<16xf32> to vector<1x16xf32>
        tpu.vector_store %arg16[%swap3A_673, %swap3A_674], %swap3A_677 {add = true, strides = array<i32>} : memref<8x768xf32, #tpu.memory_space<vmem>>, vector<1x16xf32>,
        %get3A_678 = arith.constant 3 : i32
        %get3A_679 = arith.index_cast %get3A_678 : i32 to index
        %get3A_680 = memref.load %arg13[%get3A_679] : memref<16xi32, #tpu.memory_space<smem>>
        %add3A_681 = arith.addi %get3A_680, %mul3A_538 : i32
        %get3A_682 = arith.index_cast %add3A_681 : i32 to index
        %get3A_683 = tpu.vector_load %arg9[%get3A_682] {strides = array<i32>} : memref<98304xi32, #tpu.memory_space<vmem>>, vector<16xi32>,
        %get3A_684 = vector.shape_cast %get3A_683 : vector<16xi32> to vector<16xi32>
        %get3A_685 = arith.constant 11 : i32
        %get3A_686 = arith.index_cast %get3A_685 : i32 to index
        %get3A_687 = memref.load %arg13[%get3A_686] : memref<16xi32, #tpu.memory_space<smem>>
        %add3A_688 = arith.addi %get3A_687, %mul3A_538 : i32
        %get3A_689 = arith.index_cast %add3A_688 : i32 to index
        %get3A_690 = tpu.vector_load %arg9[%get3A_689] {strides = array<i32>} : memref<98304xi32, #tpu.memory_space<vmem>>, vector<16xi32>,
        %get3A_691 = vector.shape_cast %get3A_690 : vector<16xi32> to vector<16xi32>
        %shift_left3A_692 = arith.constant 16 : i32
        %shift_left3A_693 = vector.broadcast %shift_left3A_692 : i32 to vector<16xi32>
        %shift_left3A_694 = arith.shli %get3A_684, %shift_left3A_693 : vector<16xi32>
        %bitcast_convert_type3A_695 = tpu.bitcast %shift_left3A_694 : vector<16xi32> -> vector<16xf32>
        %and3A_696 = arith.constant -65536 : i32
        %and3A_697 = vector.broadcast %and3A_696 : i32 to vector<16xi32>
        %and3A_698 = arith.andi %get3A_684, %and3A_697 : vector<16xi32>
        %bitcast_convert_type3A_699 = tpu.bitcast %and3A_698 : vector<16xi32> -> vector<16xf32>
        %shift_left3A_700 = arith.constant 16 : i32
        %shift_left3A_701 = vector.broadcast %shift_left3A_700 : i32 to vector<16xi32>
        %shift_left3A_702 = arith.shli %get3A_691, %shift_left3A_701 : vector<16xi32>
        %bitcast_convert_type3A_703 = tpu.bitcast %shift_left3A_702 : vector<16xi32> -> vector<16xf32>
        %and3A_704 = arith.constant -65536 : i32
        %and3A_705 = vector.broadcast %and3A_704 : i32 to vector<16xi32>
        %and3A_706 = arith.andi %get3A_691, %and3A_705 : vector<16xi32>
        %bitcast_convert_type3A_707 = tpu.bitcast %and3A_706 : vector<16xi32> -> vector<16xf32>
        %add3A_708 = arith.addf %bitcast_convert_type3A_695, %bitcast_convert_type3A_703 : vector<16xf32>
        %swap3A_709 = arith.constant 3 : i32
        %swap3A_710 = arith.index_cast %swap3A_709 : i32 to index
        %swap3A_711 = arith.index_cast %mul3A_542 : i32 to index
        %swap3A_712 = tpu.vector_load %arg16[%swap3A_710, %swap3A_711] {strides = array<i32>} : memref<8x768xf32, #tpu.memory_space<vmem>>, vector<1x16xf32>,
        %swap3A_713 = vector.shape_cast %swap3A_712 : vector<1x16xf32> to vector<16xf32>
        %swap3A_714 = vector.shape_cast %add3A_708 : vector<16xf32> to vector<1x16xf32>
        tpu.vector_store %arg16[%swap3A_710, %swap3A_711], %swap3A_714 {add = true, strides = array<i32>} : memref<8x768xf32, #tpu.memory_space<vmem>>, vector<1x16xf32>,
        %add3A_715 = arith.addf %bitcast_convert_type3A_699, %bitcast_convert_type3A_707 : vector<16xf32>
        %swap3A_716 = arith.constant 3 : i32
        %swap3A_717 = arith.index_cast %swap3A_716 : i32 to index
        %swap3A_718 = arith.index_cast %add3A_548 : i32 to index
        %swap3A_719 = tpu.vector_load %arg16[%swap3A_717, %swap3A_718] {strides = array<i32>} : memref<8x768xf32, #tpu.memory_space<vmem>>, vector<1x16xf32>,
        %swap3A_720 = vector.shape_cast %swap3A_719 : vector<1x16xf32> to vector<16xf32>
        %swap3A_721 = vector.shape_cast %add3A_715 : vector<16xf32> to vector<1x16xf32>
        tpu.vector_store %arg16[%swap3A_717, %swap3A_718], %swap3A_721 {add = true, strides = array<i32>} : memref<8x768xf32, #tpu.memory_space<vmem>>, vector<1x16xf32>,
        %get3A_722 = arith.constant 4 : i32
        %get3A_723 = arith.index_cast %get3A_722 : i32 to index
        %get3A_724 = memref.load %arg13[%get3A_723] : memref<16xi32, #tpu.memory_space<smem>>
        %add3A_725 = arith.addi %get3A_724, %mul3A_538 : i32
        %get3A_726 = arith.index_cast %add3A_725 : i32 to index
        %get3A_727 = tpu.vector_load %arg9[%get3A_726] {strides = array<i32>} : memref<98304xi32, #tpu.memory_space<vmem>>, vector<16xi32>,
        %get3A_728 = vector.shape_cast %get3A_727 : vector<16xi32> to vector<16xi32>
        %get3A_729 = arith.constant 12 : i32
        %get3A_730 = arith.index_cast %get3A_729 : i32 to index
        %get3A_731 = memref.load %arg13[%get3A_730] : memref<16xi32, #tpu.memory_space<smem>>
        %add3A_732 = arith.addi %get3A_731, %mul3A_538 : i32
        %get3A_733 = arith.index_cast %add3A_732 : i32 to index
        %get3A_734 = tpu.vector_load %arg9[%get3A_733] {strides = array<i32>} : memref<98304xi32, #tpu.memory_space<vmem>>, vector<16xi32>,
        %get3A_735 = vector.shape_cast %get3A_734 : vector<16xi32> to vector<16xi32>
        %shift_left3A_736 = arith.constant 16 : i32
        %shift_left3A_737 = vector.broadcast %shift_left3A_736 : i32 to vector<16xi32>
        %shift_left3A_738 = arith.shli %get3A_728, %shift_left3A_737 : vector<16xi32>
        %bitcast_convert_type3A_739 = tpu.bitcast %shift_left3A_738 : vector<16xi32> -> vector<16xf32>
        %and3A_740 = arith.constant -65536 : i32
        %and3A_741 = vector.broadcast %and3A_740 : i32 to vector<16xi32>
        %and3A_742 = arith.andi %get3A_728, %and3A_741 : vector<16xi32>
        %bitcast_convert_type3A_743 = tpu.bitcast %and3A_742 : vector<16xi32> -> vector<16xf32>
        %shift_left3A_744 = arith.constant 16 : i32
        %shift_left3A_745 = vector.broadcast %shift_left3A_744 : i32 to vector<16xi32>
        %shift_left3A_746 = arith.shli %get3A_735, %shift_left3A_745 : vector<16xi32>
        %bitcast_convert_type3A_747 = tpu.bitcast %shift_left3A_746 : vector<16xi32> -> vector<16xf32>
        %and3A_748 = arith.constant -65536 : i32
        %and3A_749 = vector.broadcast %and3A_748 : i32 to vector<16xi32>
        %and3A_750 = arith.andi %get3A_735, %and3A_749 : vector<16xi32>
        %bitcast_convert_type3A_751 = tpu.bitcast %and3A_750 : vector<16xi32> -> vector<16xf32>
        %add3A_752 = arith.addf %bitcast_convert_type3A_739, %bitcast_convert_type3A_747 : vector<16xf32>
        %swap3A_753 = arith.constant 4 : i32
        %swap3A_754 = arith.index_cast %swap3A_753 : i32 to index
        %swap3A_755 = arith.index_cast %mul3A_542 : i32 to index
        %swap3A_756 = tpu.vector_load %arg16[%swap3A_754, %swap3A_755] {strides = array<i32>} : memref<8x768xf32, #tpu.memory_space<vmem>>, vector<1x16xf32>,
        %swap3A_757 = vector.shape_cast %swap3A_756 : vector<1x16xf32> to vector<16xf32>
        %swap3A_758 = vector.shape_cast %add3A_752 : vector<16xf32> to vector<1x16xf32>
        tpu.vector_store %arg16[%swap3A_754, %swap3A_755], %swap3A_758 {add = true, strides = array<i32>} : memref<8x768xf32, #tpu.memory_space<vmem>>, vector<1x16xf32>,
        %add3A_759 = arith.addf %bitcast_convert_type3A_743, %bitcast_convert_type3A_751 : vector<16xf32>
        %swap3A_760 = arith.constant 4 : i32
        %swap3A_761 = arith.index_cast %swap3A_760 : i32 to index
        %swap3A_762 = arith.index_cast %add3A_548 : i32 to index
        %swap3A_763 = tpu.vector_load %arg16[%swap3A_761, %swap3A_762] {strides = array<i32>} : memref<8x768xf32, #tpu.memory_space<vmem>>, vector<1x16xf32>,
        %swap3A_764 = vector.shape_cast %swap3A_763 : vector<1x16xf32> to vector<16xf32>
        %swap3A_765 = vector.shape_cast %add3A_759 : vector<16xf32> to vector<1x16xf32>
        tpu.vector_store %arg16[%swap3A_761, %swap3A_762], %swap3A_765 {add = true, strides = array<i32>} : memref<8x768xf32, #tpu.memory_space<vmem>>, vector<1x16xf32>,
        %get3A_766 = arith.constant 5 : i32
        %get3A_767 = arith.index_cast %get3A_766 : i32 to index
        %get3A_768 = memref.load %arg13[%get3A_767] : memref<16xi32, #tpu.memory_space<smem>>
        %add3A_769 = arith.addi %get3A_768, %mul3A_538 : i32
        %get3A_770 = arith.index_cast %add3A_769 : i32 to index
        %get3A_771 = tpu.vector_load %arg9[%get3A_770] {strides = array<i32>} : memref<98304xi32, #tpu.memory_space<vmem>>, vector<16xi32>,
        %get3A_772 = vector.shape_cast %get3A_771 : vector<16xi32> to vector<16xi32>
        %get3A_773 = arith.constant 13 : i32
        %get3A_774 = arith.index_cast %get3A_773 : i32 to index
        %get3A_775 = memref.load %arg13[%get3A_774] : memref<16xi32, #tpu.memory_space<smem>>
        %add3A_776 = arith.addi %get3A_775, %mul3A_538 : i32
        %get3A_777 = arith.index_cast %add3A_776 : i32 to index
        %get3A_778 = tpu.vector_load %arg9[%get3A_777] {strides = array<i32>} : memref<98304xi32, #tpu.memory_space<vmem>>, vector<16xi32>,
        %get3A_779 = vector.shape_cast %get3A_778 : vector<16xi32> to vector<16xi32>
        %shift_left3A_780 = arith.constant 16 : i32
        %shift_left3A_781 = vector.broadcast %shift_left3A_780 : i32 to vector<16xi32>
        %shift_left3A_782 = arith.shli %get3A_772, %shift_left3A_781 : vector<16xi32>
        %bitcast_convert_type3A_783 = tpu.bitcast %shift_left3A_782 : vector<16xi32> -> vector<16xf32>
        %and3A_784 = arith.constant -65536 : i32
        %and3A_785 = vector.broadcast %and3A_784 : i32 to vector<16xi32>
        %and3A_786 = arith.andi %get3A_772, %and3A_785 : vector<16xi32>
        %bitcast_convert_type3A_787 = tpu.bitcast %and3A_786 : vector<16xi32> -> vector<16xf32>
        %shift_left3A_788 = arith.constant 16 : i32
        %shift_left3A_789 = vector.broadcast %shift_left3A_788 : i32 to vector<16xi32>
        %shift_left3A_790 = arith.shli %get3A_779, %shift_left3A_789 : vector<16xi32>
        %bitcast_convert_type3A_791 = tpu.bitcast %shift_left3A_790 : vector<16xi32> -> vector<16xf32>
        %and3A_792 = arith.constant -65536 : i32
        %and3A_793 = vector.broadcast %and3A_792 : i32 to vector<16xi32>
        %and3A_794 = arith.andi %get3A_779, %and3A_793 : vector<16xi32>
        %bitcast_convert_type3A_795 = tpu.bitcast %and3A_794 : vector<16xi32> -> vector<16xf32>
        %add3A_796 = arith.addf %bitcast_convert_type3A_783, %bitcast_convert_type3A_791 : vector<16xf32>
        %swap3A_797 = arith.constant 5 : i32
        %swap3A_798 = arith.index_cast %swap3A_797 : i32 to index
        %swap3A_799 = arith.index_cast %mul3A_542 : i32 to index
        %swap3A_800 = tpu.vector_load %arg16[%swap3A_798, %swap3A_799] {strides = array<i32>} : memref<8x768xf32, #tpu.memory_space<vmem>>, vector<1x16xf32>,
        %swap3A_801 = vector.shape_cast %swap3A_800 : vector<1x16xf32> to vector<16xf32>
        %swap3A_802 = vector.shape_cast %add3A_796 : vector<16xf32> to vector<1x16xf32>
        tpu.vector_store %arg16[%swap3A_798, %swap3A_799], %swap3A_802 {add = true, strides = array<i32>} : memref<8x768xf32, #tpu.memory_space<vmem>>, vector<1x16xf32>,
        %add3A_803 = arith.addf %bitcast_convert_type3A_787, %bitcast_convert_type3A_795 : vector<16xf32>
        %swap3A_804 = arith.constant 5 : i32
        %swap3A_805 = arith.index_cast %swap3A_804 : i32 to index
        %swap3A_806 = arith.index_cast %add3A_548 : i32 to index
        %swap3A_807 = tpu.vector_load %arg16[%swap3A_805, %swap3A_806] {strides = array<i32>} : memref<8x768xf32, #tpu.memory_space<vmem>>, vector<1x16xf32>,
        %swap3A_808 = vector.shape_cast %swap3A_807 : vector<1x16xf32> to vector<16xf32>
        %swap3A_809 = vector.shape_cast %add3A_803 : vector<16xf32> to vector<1x16xf32>
        tpu.vector_store %arg16[%swap3A_805, %swap3A_806], %swap3A_809 {add = true, strides = array<i32>} : memref<8x768xf32, #tpu.memory_space<vmem>>, vector<1x16xf32>,
        %get3A_810 = arith.constant 6 : i32
        %get3A_811 = arith.index_cast %get3A_810 : i32 to index
        %get3A_812 = memref.load %arg13[%get3A_811] : memref<16xi32, #tpu.memory_space<smem>>
        %add3A_813 = arith.addi %get3A_812, %mul3A_538 : i32
        %get3A_814 = arith.index_cast %add3A_813 : i32 to index
        %get3A_815 = tpu.vector_load %arg9[%get3A_814] {strides = array<i32>} : memref<98304xi32, #tpu.memory_space<vmem>>, vector<16xi32>,
        %get3A_816 = vector.shape_cast %get3A_815 : vector<16xi32> to vector<16xi32>
        %get3A_817 = arith.constant 14 : i32
        %get3A_818 = arith.index_cast %get3A_817 : i32 to index
        %get3A_819 = memref.load %arg13[%get3A_818] : memref<16xi32, #tpu.memory_space<smem>>
        %add3A_820 = arith.addi %get3A_819, %mul3A_538 : i32
        %get3A_821 = arith.index_cast %add3A_820 : i32 to index
        %get3A_822 = tpu.vector_load %arg9[%get3A_821] {strides = array<i32>} : memref<98304xi32, #tpu.memory_space<vmem>>, vector<16xi32>,
        %get3A_823 = vector.shape_cast %get3A_822 : vector<16xi32> to vector<16xi32>
        %shift_left3A_824 = arith.constant 16 : i32
        %shift_left3A_825 = vector.broadcast %shift_left3A_824 : i32 to vector<16xi32>
        %shift_left3A_826 = arith.shli %get3A_816, %shift_left3A_825 : vector<16xi32>
        %bitcast_convert_type3A_827 = tpu.bitcast %shift_left3A_826 : vector<16xi32> -> vector<16xf32>
        %and3A_828 = arith.constant -65536 : i32
        %and3A_829 = vector.broadcast %and3A_828 : i32 to vector<16xi32>
        %and3A_830 = arith.andi %get3A_816, %and3A_829 : vector<16xi32>
        %bitcast_convert_type3A_831 = tpu.bitcast %and3A_830 : vector<16xi32> -> vector<16xf32>
        %shift_left3A_832 = arith.constant 16 : i32
        %shift_left3A_833 = vector.broadcast %shift_left3A_832 : i32 to vector<16xi32>
        %shift_left3A_834 = arith.shli %get3A_823, %shift_left3A_833 : vector<16xi32>
        %bitcast_convert_type3A_835 = tpu.bitcast %shift_left3A_834 : vector<16xi32> -> vector<16xf32>
        %and3A_836 = arith.constant -65536 : i32
        %and3A_837 = vector.broadcast %and3A_836 : i32 to vector<16xi32>
        %and3A_838 = arith.andi %get3A_823, %and3A_837 : vector<16xi32>
        %bitcast_convert_type3A_839 = tpu.bitcast %and3A_838 : vector<16xi32> -> vector<16xf32>
        %add3A_840 = arith.addf %bitcast_convert_type3A_827, %bitcast_convert_type3A_835 : vector<16xf32>
        %swap3A_841 = arith.constant 6 : i32
        %swap3A_842 = arith.index_cast %swap3A_841 : i32 to index
        %swap3A_843 = arith.index_cast %mul3A_542 : i32 to index
        %swap3A_844 = tpu.vector_load %arg16[%swap3A_842, %swap3A_843] {strides = array<i32>} : memref<8x768xf32, #tpu.memory_space<vmem>>, vector<1x16xf32>,
        %swap3A_845 = vector.shape_cast %swap3A_844 : vector<1x16xf32> to vector<16xf32>
        %swap3A_846 = vector.shape_cast %add3A_840 : vector<16xf32> to vector<1x16xf32>
        tpu.vector_store %arg16[%swap3A_842, %swap3A_843], %swap3A_846 {add = true, strides = array<i32>} : memref<8x768xf32, #tpu.memory_space<vmem>>, vector<1x16xf32>,
        %add3A_847 = arith.addf %bitcast_convert_type3A_831, %bitcast_convert_type3A_839 : vector<16xf32>
        %swap3A_848 = arith.constant 6 : i32
        %swap3A_849 = arith.index_cast %swap3A_848 : i32 to index
        %swap3A_850 = arith.index_cast %add3A_548 : i32 to index
        %swap3A_851 = tpu.vector_load %arg16[%swap3A_849, %swap3A_850] {strides = array<i32>} : memref<8x768xf32, #tpu.memory_space<vmem>>, vector<1x16xf32>,
        %swap3A_852 = vector.shape_cast %swap3A_851 : vector<1x16xf32> to vector<16xf32>
        %swap3A_853 = vector.shape_cast %add3A_847 : vector<16xf32> to vector<1x16xf32>
        tpu.vector_store %arg16[%swap3A_849, %swap3A_850], %swap3A_853 {add = true, strides = array<i32>} : memref<8x768xf32, #tpu.memory_space<vmem>>, vector<1x16xf32>,
        %get3A_854 = arith.constant 7 : i32
        %get3A_855 = arith.index_cast %get3A_854 : i32 to index
        %get3A_856 = memref.load %arg13[%get3A_855] : memref<16xi32, #tpu.memory_space<smem>>
        %add3A_857 = arith.addi %get3A_856, %mul3A_538 : i32
        %get3A_858 = arith.index_cast %add3A_857 : i32 to index
        %get3A_859 = tpu.vector_load %arg9[%get3A_858] {strides = array<i32>} : memref<98304xi32, #tpu.memory_space<vmem>>, vector<16xi32>,
        %get3A_860 = vector.shape_cast %get3A_859 : vector<16xi32> to vector<16xi32>
        %get3A_861 = arith.constant 15 : i32
        %get3A_862 = arith.index_cast %get3A_861 : i32 to index
        %get3A_863 = memref.load %arg13[%get3A_862] : memref<16xi32, #tpu.memory_space<smem>>
        %add3A_864 = arith.addi %get3A_863, %mul3A_538 : i32
        %get3A_865 = arith.index_cast %add3A_864 : i32 to index
        %get3A_866 = tpu.vector_load %arg9[%get3A_865] {strides = array<i32>} : memref<98304xi32, #tpu.memory_space<vmem>>, vector<16xi32>,
        %get3A_867 = vector.shape_cast %get3A_866 : vector<16xi32> to vector<16xi32>
        %shift_left3A_868 = arith.constant 16 : i32
        %shift_left3A_869 = vector.broadcast %shift_left3A_868 : i32 to vector<16xi32>
        %shift_left3A_870 = arith.shli %get3A_860, %shift_left3A_869 : vector<16xi32>
        %bitcast_convert_type3A_871 = tpu.bitcast %shift_left3A_870 : vector<16xi32> -> vector<16xf32>
        %and3A_872 = arith.constant -65536 : i32
        %and3A_873 = vector.broadcast %and3A_872 : i32 to vector<16xi32>
        %and3A_874 = arith.andi %get3A_860, %and3A_873 : vector<16xi32>
        %bitcast_convert_type3A_875 = tpu.bitcast %and3A_874 : vector<16xi32> -> vector<16xf32>
        %shift_left3A_876 = arith.constant 16 : i32
        %shift_left3A_877 = vector.broadcast %shift_left3A_876 : i32 to vector<16xi32>
        %shift_left3A_878 = arith.shli %get3A_867, %shift_left3A_877 : vector<16xi32>
        %bitcast_convert_type3A_879 = tpu.bitcast %shift_left3A_878 : vector<16xi32> -> vector<16xf32>
        %and3A_880 = arith.constant -65536 : i32
        %and3A_881 = vector.broadcast %and3A_880 : i32 to vector<16xi32>
        %and3A_882 = arith.andi %get3A_867, %and3A_881 : vector<16xi32>
        %bitcast_convert_type3A_883 = tpu.bitcast %and3A_882 : vector<16xi32> -> vector<16xf32>
        %add3A_884 = arith.addf %bitcast_convert_type3A_871, %bitcast_convert_type3A_879 : vector<16xf32>
        %swap3A_885 = arith.constant 7 : i32
        %swap3A_886 = arith.index_cast %swap3A_885 : i32 to index
        %swap3A_887 = arith.index_cast %mul3A_542 : i32 to index
        %swap3A_888 = tpu.vector_load %arg16[%swap3A_886, %swap3A_887] {strides = array<i32>} : memref<8x768xf32, #tpu.memory_space<vmem>>, vector<1x16xf32>,
        %swap3A_889 = vector.shape_cast %swap3A_888 : vector<1x16xf32> to vector<16xf32>
        %swap3A_890 = vector.shape_cast %add3A_884 : vector<16xf32> to vector<1x16xf32>
        tpu.vector_store %arg16[%swap3A_886, %swap3A_887], %swap3A_890 {add = true, strides = array<i32>} : memref<8x768xf32, #tpu.memory_space<vmem>>, vector<1x16xf32>,
        %add3A_891 = arith.addf %bitcast_convert_type3A_875, %bitcast_convert_type3A_883 : vector<16xf32>
        %swap3A_892 = arith.constant 7 : i32
        %swap3A_893 = arith.index_cast %swap3A_892 : i32 to index
        %swap3A_894 = arith.index_cast %add3A_548 : i32 to index
        %swap3A_895 = tpu.vector_load %arg16[%swap3A_893, %swap3A_894] {strides = array<i32>} : memref<8x768xf32, #tpu.memory_space<vmem>>, vector<1x16xf32>,
        %swap3A_896 = vector.shape_cast %swap3A_895 : vector<1x16xf32> to vector<16xf32>
        %swap3A_897 = vector.shape_cast %add3A_891 : vector<16xf32> to vector<1x16xf32>
        tpu.vector_store %arg16[%swap3A_893, %swap3A_894], %swap3A_897 {add = true, strides = array<i32>} : memref<8x768xf32, #tpu.memory_space<vmem>>, vector<1x16xf32>,
        %mul3A_898 = arith.constant 2 : i32
        %mul3A_899 = arith.muli %scan3A_532, %mul3A_898 : i32
        %add3A_900 = arith.constant 1 : i32
        %add3A_901 = arith.addi %mul3A_899, %add3A_900 : i32
        %mul3A_902 = arith.constant 16 : i32
        %mul3A_903 = arith.muli %add3A_901, %mul3A_902 : i32
        %mul3A_904 = arith.constant 2 : i32
        %mul3A_905 = arith.muli %add3A_901, %mul3A_904 : i32
        %mul3A_906 = arith.constant 16 : i32
        %mul3A_907 = arith.muli %mul3A_905, %mul3A_906 : i32
        %mul3A_908 = arith.constant 2 : i32
        %mul3A_909 = arith.muli %add3A_901, %mul3A_908 : i32
        %mul3A_910 = arith.constant 16 : i32
        %mul3A_911 = arith.muli %mul3A_909, %mul3A_910 : i32
        %add3A_912 = arith.constant 16 : i32
        %add3A_913 = arith.addi %mul3A_911, %add3A_912 : i32
        %get3A_914 = arith.constant 0 : i32
        %get3A_915 = arith.index_cast %get3A_914 : i32 to index
        %get3A_916 = memref.load %arg13[%get3A_915] : memref<16xi32, #tpu.memory_space<smem>>
        %add3A_917 = arith.addi %get3A_916, %mul3A_903 : i32
        %get3A_918 = arith.index_cast %add3A_917 : i32 to index
        %get3A_919 = tpu.vector_load %arg9[%get3A_918] {strides = array<i32>} : memref<98304xi32, #tpu.memory_space<vmem>>, vector<16xi32>,
        %get3A_920 = vector.shape_cast %get3A_919 : vector<16xi32> to vector<16xi32>
        %get3A_921 = arith.constant 8 : i32
        %get3A_922 = arith.index_cast %get3A_921 : i32 to index
        %get3A_923 = memref.load %arg13[%get3A_922] : memref<16xi32, #tpu.memory_space<smem>>
        %add3A_924 = arith.addi %get3A_923, %mul3A_903 : i32
        %get3A_925 = arith.index_cast %add3A_924 : i32 to index
        %get3A_926 = tpu.vector_load %arg9[%get3A_925] {strides = array<i32>} : memref<98304xi32, #tpu.memory_space<vmem>>, vector<16xi32>,
        %get3A_927 = vector.shape_cast %get3A_926 : vector<16xi32> to vector<16xi32>
        %shift_left3A_928 = arith.constant 16 : i32
        %shift_left3A_929 = vector.broadcast %shift_left3A_928 : i32 to vector<16xi32>
        %shift_left3A_930 = arith.shli %get3A_920, %shift_left3A_929 : vector<16xi32>
        %bitcast_convert_type3A_931 = tpu.bitcast %shift_left3A_930 : vector<16xi32> -> vector<16xf32>
        %and3A_932 = arith.constant -65536 : i32
        %and3A_933 = vector.broadcast %and3A_932 : i32 to vector<16xi32>
        %and3A_934 = arith.andi %get3A_920, %and3A_933 : vector<16xi32>
        %bitcast_convert_type3A_935 = tpu.bitcast %and3A_934 : vector<16xi32> -> vector<16xf32>
        %shift_left3A_936 = arith.constant 16 : i32
        %shift_left3A_937 = vector.broadcast %shift_left3A_936 : i32 to vector<16xi32>
        %shift_left3A_938 = arith.shli %get3A_927, %shift_left3A_937 : vector<16xi32>
        %bitcast_convert_type3A_939 = tpu.bitcast %shift_left3A_938 : vector<16xi32> -> vector<16xf32>
        %and3A_940 = arith.constant -65536 : i32
        %and3A_941 = vector.broadcast %and3A_940 : i32 to vector<16xi32>
        %and3A_942 = arith.andi %get3A_927, %and3A_941 : vector<16xi32>
        %bitcast_convert_type3A_943 = tpu.bitcast %and3A_942 : vector<16xi32> -> vector<16xf32>
        %add3A_944 = arith.addf %bitcast_convert_type3A_931, %bitcast_convert_type3A_939 : vector<16xf32>
        %swap3A_945 = arith.constant 0 : i32
        %swap3A_946 = arith.index_cast %swap3A_945 : i32 to index
        %swap3A_947 = arith.index_cast %mul3A_907 : i32 to index
        %swap3A_948 = tpu.vector_load %arg16[%swap3A_946, %swap3A_947] {strides = array<i32>} : memref<8x768xf32, #tpu.memory_space<vmem>>, vector<1x16xf32>,
        %swap3A_949 = vector.shape_cast %swap3A_948 : vector<1x16xf32> to vector<16xf32>
        %swap3A_950 = vector.shape_cast %add3A_944 : vector<16xf32> to vector<1x16xf32>
        tpu.vector_store %arg16[%swap3A_946, %swap3A_947], %swap3A_950 {add = true, strides = array<i32>} : memref<8x768xf32, #tpu.memory_space<vmem>>, vector<1x16xf32>,
        %add3A_951 = arith.addf %bitcast_convert_type3A_935, %bitcast_convert_type3A_943 : vector<16xf32>
        %swap3A_952 = arith.constant 0 : i32
        %swap3A_953 = arith.index_cast %swap3A_952 : i32 to index
        %swap3A_954 = arith.index_cast %add3A_913 : i32 to index
        %swap3A_955 = tpu.vector_load %arg16[%swap3A_953, %swap3A_954] {strides = array<i32>} : memref<8x768xf32, #tpu.memory_space<vmem>>, vector<1x16xf32>,
        %swap3A_956 = vector.shape_cast %swap3A_955 : vector<1x16xf32> to vector<16xf32>
        %swap3A_957 = vector.shape_cast %add3A_951 : vector<16xf32> to vector<1x16xf32>
        tpu.vector_store %arg16[%swap3A_953, %swap3A_954], %swap3A_957 {add = true, strides = array<i32>} : memref<8x768xf32, #tpu.memory_space<vmem>>, vector<1x16xf32>,
        %get3A_958 = arith.constant 1 : i32
        %get3A_959 = arith.index_cast %get3A_958 : i32 to index
        %get3A_960 = memref.load %arg13[%get3A_959] : memref<16xi32, #tpu.memory_space<smem>>
        %add3A_961 = arith.addi %get3A_960, %mul3A_903 : i32
        %get3A_962 = arith.index_cast %add3A_961 : i32 to index
        %get3A_963 = tpu.vector_load %arg9[%get3A_962] {strides = array<i32>} : memref<98304xi32, #tpu.memory_space<vmem>>, vector<16xi32>,
        %get3A_964 = vector.shape_cast %get3A_963 : vector<16xi32> to vector<16xi32>
        %get3A_965 = arith.constant 9 : i32
        %get3A_966 = arith.index_cast %get3A_965 : i32 to index
        %get3A_967 = memref.load %arg13[%get3A_966] : memref<16xi32, #tpu.memory_space<smem>>
        %add3A_968 = arith.addi %get3A_967, %mul3A_903 : i32
        %get3A_969 = arith.index_cast %add3A_968 : i32 to index
        %get3A_970 = tpu.vector_load %arg9[%get3A_969] {strides = array<i32>} : memref<98304xi32, #tpu.memory_space<vmem>>, vector<16xi32>,
        %get3A_971 = vector.shape_cast %get3A_970 : vector<16xi32> to vector<16xi32>
        %shift_left3A_972 = arith.constant 16 : i32
        %shift_left3A_973 = vector.broadcast %shift_left3A_972 : i32 to vector<16xi32>
        %shift_left3A_974 = arith.shli %get3A_964, %shift_left3A_973 : vector<16xi32>
        %bitcast_convert_type3A_975 = tpu.bitcast %shift_left3A_974 : vector<16xi32> -> vector<16xf32>
        %and3A_976 = arith.constant -65536 : i32
        %and3A_977 = vector.broadcast %and3A_976 : i32 to vector<16xi32>
        %and3A_978 = arith.andi %get3A_964, %and3A_977 : vector<16xi32>
        %bitcast_convert_type3A_979 = tpu.bitcast %and3A_978 : vector<16xi32> -> vector<16xf32>
        %shift_left3A_980 = arith.constant 16 : i32
        %shift_left3A_981 = vector.broadcast %shift_left3A_980 : i32 to vector<16xi32>
        %shift_left3A_982 = arith.shli %get3A_971, %shift_left3A_981 : vector<16xi32>
        %bitcast_convert_type3A_983 = tpu.bitcast %shift_left3A_982 : vector<16xi32> -> vector<16xf32>
        %and3A_984 = arith.constant -65536 : i32
        %and3A_985 = vector.broadcast %and3A_984 : i32 to vector<16xi32>
        %and3A_986 = arith.andi %get3A_971, %and3A_985 : vector<16xi32>
        %bitcast_convert_type3A_987 = tpu.bitcast %and3A_986 : vector<16xi32> -> vector<16xf32>
        %add3A_988 = arith.addf %bitcast_convert_type3A_975, %bitcast_convert_type3A_983 : vector<16xf32>
        %swap3A_989 = arith.constant 1 : i32
        %swap3A_990 = arith.index_cast %swap3A_989 : i32 to index
        %swap3A_991 = arith.index_cast %mul3A_907 : i32 to index
        %swap3A_992 = tpu.vector_load %arg16[%swap3A_990, %swap3A_991] {strides = array<i32>} : memref<8x768xf32, #tpu.memory_space<vmem>>, vector<1x16xf32>,
        %swap3A_993 = vector.shape_cast %swap3A_992 : vector<1x16xf32> to vector<16xf32>
        %swap3A_994 = vector.shape_cast %add3A_988 : vector<16xf32> to vector<1x16xf32>
        tpu.vector_store %arg16[%swap3A_990, %swap3A_991], %swap3A_994 {add = true, strides = array<i32>} : memref<8x768xf32, #tpu.memory_space<vmem>>, vector<1x16xf32>,
        %add3A_995 = arith.addf %bitcast_convert_type3A_979, %bitcast_convert_type3A_987 : vector<16xf32>
        %swap3A_996 = arith.constant 1 : i32
        %swap3A_997 = arith.index_cast %swap3A_996 : i32 to index
        %swap3A_998 = arith.index_cast %add3A_913 : i32 to index
        %swap3A_999 = tpu.vector_load %arg16[%swap3A_997, %swap3A_998] {strides = array<i32>} : memref<8x768xf32, #tpu.memory_space<vmem>>, vector<1x16xf32>,
        %swap3A_1000 = vector.shape_cast %swap3A_999 : vector<1x16xf32> to vector<16xf32>
        %swap3A_1001 = vector.shape_cast %add3A_995 : vector<16xf32> to vector<1x16xf32>
        tpu.vector_store %arg16[%swap3A_997, %swap3A_998], %swap3A_1001 {add = true, strides = array<i32>} : memref<8x768xf32, #tpu.memory_space<vmem>>, vector<1x16xf32>,
        %get3A_1002 = arith.constant 2 : i32
        %get3A_1003 = arith.index_cast %get3A_1002 : i32 to index
        %get3A_1004 = memref.load %arg13[%get3A_1003] : memref<16xi32, #tpu.memory_space<smem>>
        %add3A_1005 = arith.addi %get3A_1004, %mul3A_903 : i32
        %get3A_1006 = arith.index_cast %add3A_1005 : i32 to index
        %get3A_1007 = tpu.vector_load %arg9[%get3A_1006] {strides = array<i32>} : memref<98304xi32, #tpu.memory_space<vmem>>, vector<16xi32>,
        %get3A_1008 = vector.shape_cast %get3A_1007 : vector<16xi32> to vector<16xi32>
        %get3A_1009 = arith.constant 10 : i32
        %get3A_1010 = arith.index_cast %get3A_1009 : i32 to index
        %get3A_1011 = memref.load %arg13[%get3A_1010] : memref<16xi32, #tpu.memory_space<smem>>
        %add3A_1012 = arith.addi %get3A_1011, %mul3A_903 : i32
        %get3A_1013 = arith.index_cast %add3A_1012 : i32 to index
        %get3A_1014 = tpu.vector_load %arg9[%get3A_1013] {strides = array<i32>} : memref<98304xi32, #tpu.memory_space<vmem>>, vector<16xi32>,
        %get3A_1015 = vector.shape_cast %get3A_1014 : vector<16xi32> to vector<16xi32>
        %shift_left3A_1016 = arith.constant 16 : i32
        %shift_left3A_1017 = vector.broadcast %shift_left3A_1016 : i32 to vector<16xi32>
        %shift_left3A_1018 = arith.shli %get3A_1008, %shift_left3A_1017 : vector<16xi32>
        %bitcast_convert_type3A_1019 = tpu.bitcast %shift_left3A_1018 : vector<16xi32> -> vector<16xf32>
        %and3A_1020 = arith.constant -65536 : i32
        %and3A_1021 = vector.broadcast %and3A_1020 : i32 to vector<16xi32>
        %and3A_1022 = arith.andi %get3A_1008, %and3A_1021 : vector<16xi32>
        %bitcast_convert_type3A_1023 = tpu.bitcast %and3A_1022 : vector<16xi32> -> vector<16xf32>
        %shift_left3A_1024 = arith.constant 16 : i32
        %shift_left3A_1025 = vector.broadcast %shift_left3A_1024 : i32 to vector<16xi32>
        %shift_left3A_1026 = arith.shli %get3A_1015, %shift_left3A_1025 : vector<16xi32>
        %bitcast_convert_type3A_1027 = tpu.bitcast %shift_left3A_1026 : vector<16xi32> -> vector<16xf32>
        %and3A_1028 = arith.constant -65536 : i32
        %and3A_1029 = vector.broadcast %and3A_1028 : i32 to vector<16xi32>
        %and3A_1030 = arith.andi %get3A_1015, %and3A_1029 : vector<16xi32>
        %bitcast_convert_type3A_1031 = tpu.bitcast %and3A_1030 : vector<16xi32> -> vector<16xf32>
        %add3A_1032 = arith.addf %bitcast_convert_type3A_1019, %bitcast_convert_type3A_1027 : vector<16xf32>
        %swap3A_1033 = arith.constant 2 : i32
        %swap3A_1034 = arith.index_cast %swap3A_1033 : i32 to index
        %swap3A_1035 = arith.index_cast %mul3A_907 : i32 to index
        %swap3A_1036 = tpu.vector_load %arg16[%swap3A_1034, %swap3A_1035] {strides = array<i32>} : memref<8x768xf32, #tpu.memory_space<vmem>>, vector<1x16xf32>,
        %swap3A_1037 = vector.shape_cast %swap3A_1036 : vector<1x16xf32> to vector<16xf32>
        %swap3A_1038 = vector.shape_cast %add3A_1032 : vector<16xf32> to vector<1x16xf32>
        tpu.vector_store %arg16[%swap3A_1034, %swap3A_1035], %swap3A_1038 {add = true, strides = array<i32>} : memref<8x768xf32, #tpu.memory_space<vmem>>, vector<1x16xf32>,
        %add3A_1039 = arith.addf %bitcast_convert_type3A_1023, %bitcast_convert_type3A_1031 : vector<16xf32>
        %swap3A_1040 = arith.constant 2 : i32
        %swap3A_1041 = arith.index_cast %swap3A_1040 : i32 to index
        %swap3A_1042 = arith.index_cast %add3A_913 : i32 to index
        %swap3A_1043 = tpu.vector_load %arg16[%swap3A_1041, %swap3A_1042] {strides = array<i32>} : memref<8x768xf32, #tpu.memory_space<vmem>>, vector<1x16xf32>,
        %swap3A_1044 = vector.shape_cast %swap3A_1043 : vector<1x16xf32> to vector<16xf32>
        %swap3A_1045 = vector.shape_cast %add3A_1039 : vector<16xf32> to vector<1x16xf32>
        tpu.vector_store %arg16[%swap3A_1041, %swap3A_1042], %swap3A_1045 {add = true, strides = array<i32>} : memref<8x768xf32, #tpu.memory_space<vmem>>, vector<1x16xf32>,
        %get3A_1046 = arith.constant 3 : i32
        %get3A_1047 = arith.index_cast %get3A_1046 : i32 to index
        %get3A_1048 = memref.load %arg13[%get3A_1047] : memref<16xi32, #tpu.memory_space<smem>>
        %add3A_1049 = arith.addi %get3A_1048, %mul3A_903 : i32
        %get3A_1050 = arith.index_cast %add3A_1049 : i32 to index
        %get3A_1051 = tpu.vector_load %arg9[%get3A_1050] {strides = array<i32>} : memref<98304xi32, #tpu.memory_space<vmem>>, vector<16xi32>,
        %get3A_1052 = vector.shape_cast %get3A_1051 : vector<16xi32> to vector<16xi32>
        %get3A_1053 = arith.constant 11 : i32
        %get3A_1054 = arith.index_cast %get3A_1053 : i32 to index
        %get3A_1055 = memref.load %arg13[%get3A_1054] : memref<16xi32, #tpu.memory_space<smem>>
        %add3A_1056 = arith.addi %get3A_1055, %mul3A_903 : i32
        %get3A_1057 = arith.index_cast %add3A_1056 : i32 to index
        %get3A_1058 = tpu.vector_load %arg9[%get3A_1057] {strides = array<i32>} : memref<98304xi32, #tpu.memory_space<vmem>>, vector<16xi32>,
        %get3A_1059 = vector.shape_cast %get3A_1058 : vector<16xi32> to vector<16xi32>
        %shift_left3A_1060 = arith.constant 16 : i32
        %shift_left3A_1061 = vector.broadcast %shift_left3A_1060 : i32 to vector<16xi32>
        %shift_left3A_1062 = arith.shli %get3A_1052, %shift_left3A_1061 : vector<16xi32>
        %bitcast_convert_type3A_1063 = tpu.bitcast %shift_left3A_1062 : vector<16xi32> -> vector<16xf32>
        %and3A_1064 = arith.constant -65536 : i32
        %and3A_1065 = vector.broadcast %and3A_1064 : i32 to vector<16xi32>
        %and3A_1066 = arith.andi %get3A_1052, %and3A_1065 : vector<16xi32>
        %bitcast_convert_type3A_1067 = tpu.bitcast %and3A_1066 : vector<16xi32> -> vector<16xf32>
        %shift_left3A_1068 = arith.constant 16 : i32
        %shift_left3A_1069 = vector.broadcast %shift_left3A_1068 : i32 to vector<16xi32>
        %shift_left3A_1070 = arith.shli %get3A_1059, %shift_left3A_1069 : vector<16xi32>
        %bitcast_convert_type3A_1071 = tpu.bitcast %shift_left3A_1070 : vector<16xi32> -> vector<16xf32>
        %and3A_1072 = arith.constant -65536 : i32
        %and3A_1073 = vector.broadcast %and3A_1072 : i32 to vector<16xi32>
        %and3A_1074 = arith.andi %get3A_1059, %and3A_1073 : vector<16xi32>
        %bitcast_convert_type3A_1075 = tpu.bitcast %and3A_1074 : vector<16xi32> -> vector<16xf32>
        %add3A_1076 = arith.addf %bitcast_convert_type3A_1063, %bitcast_convert_type3A_1071 : vector<16xf32>
        %swap3A_1077 = arith.constant 3 : i32
        %swap3A_1078 = arith.index_cast %swap3A_1077 : i32 to index
        %swap3A_1079 = arith.index_cast %mul3A_907 : i32 to index
        %swap3A_1080 = tpu.vector_load %arg16[%swap3A_1078, %swap3A_1079] {strides = array<i32>} : memref<8x768xf32, #tpu.memory_space<vmem>>, vector<1x16xf32>,
        %swap3A_1081 = vector.shape_cast %swap3A_1080 : vector<1x16xf32> to vector<16xf32>
        %swap3A_1082 = vector.shape_cast %add3A_1076 : vector<16xf32> to vector<1x16xf32>
        tpu.vector_store %arg16[%swap3A_1078, %swap3A_1079], %swap3A_1082 {add = true, strides = array<i32>} : memref<8x768xf32, #tpu.memory_space<vmem>>, vector<1x16xf32>,
        %add3A_1083 = arith.addf %bitcast_convert_type3A_1067, %bitcast_convert_type3A_1075 : vector<16xf32>
        %swap3A_1084 = arith.constant 3 : i32
        %swap3A_1085 = arith.index_cast %swap3A_1084 : i32 to index
        %swap3A_1086 = arith.index_cast %add3A_913 : i32 to index
        %swap3A_1087 = tpu.vector_load %arg16[%swap3A_1085, %swap3A_1086] {strides = array<i32>} : memref<8x768xf32, #tpu.memory_space<vmem>>, vector<1x16xf32>,
        %swap3A_1088 = vector.shape_cast %swap3A_1087 : vector<1x16xf32> to vector<16xf32>
        %swap3A_1089 = vector.shape_cast %add3A_1083 : vector<16xf32> to vector<1x16xf32>
        tpu.vector_store %arg16[%swap3A_1085, %swap3A_1086], %swap3A_1089 {add = true, strides = array<i32>} : memref<8x768xf32, #tpu.memory_space<vmem>>, vector<1x16xf32>,
        %get3A_1090 = arith.constant 4 : i32
        %get3A_1091 = arith.index_cast %get3A_1090 : i32 to index
        %get3A_1092 = memref.load %arg13[%get3A_1091] : memref<16xi32, #tpu.memory_space<smem>>
        %add3A_1093 = arith.addi %get3A_1092, %mul3A_903 : i32
        %get3A_1094 = arith.index_cast %add3A_1093 : i32 to index
        %get3A_1095 = tpu.vector_load %arg9[%get3A_1094] {strides = array<i32>} : memref<98304xi32, #tpu.memory_space<vmem>>, vector<16xi32>,
        %get3A_1096 = vector.shape_cast %get3A_1095 : vector<16xi32> to vector<16xi32>
        %get3A_1097 = arith.constant 12 : i32
        %get3A_1098 = arith.index_cast %get3A_1097 : i32 to index
        %get3A_1099 = memref.load %arg13[%get3A_1098] : memref<16xi32, #tpu.memory_space<smem>>
        %add3A_1100 = arith.addi %get3A_1099, %mul3A_903 : i32
        %get3A_1101 = arith.index_cast %add3A_1100 : i32 to index
        %get3A_1102 = tpu.vector_load %arg9[%get3A_1101] {strides = array<i32>} : memref<98304xi32, #tpu.memory_space<vmem>>, vector<16xi32>,
        %get3A_1103 = vector.shape_cast %get3A_1102 : vector<16xi32> to vector<16xi32>
        %shift_left3A_1104 = arith.constant 16 : i32
        %shift_left3A_1105 = vector.broadcast %shift_left3A_1104 : i32 to vector<16xi32>
        %shift_left3A_1106 = arith.shli %get3A_1096, %shift_left3A_1105 : vector<16xi32>
        %bitcast_convert_type3A_1107 = tpu.bitcast %shift_left3A_1106 : vector<16xi32> -> vector<16xf32>
        %and3A_1108 = arith.constant -65536 : i32
        %and3A_1109 = vector.broadcast %and3A_1108 : i32 to vector<16xi32>
        %and3A_1110 = arith.andi %get3A_1096, %and3A_1109 : vector<16xi32>
        %bitcast_convert_type3A_1111 = tpu.bitcast %and3A_1110 : vector<16xi32> -> vector<16xf32>
        %shift_left3A_1112 = arith.constant 16 : i32
        %shift_left3A_1113 = vector.broadcast %shift_left3A_1112 : i32 to vector<16xi32>
        %shift_left3A_1114 = arith.shli %get3A_1103, %shift_left3A_1113 : vector<16xi32>
        %bitcast_convert_type3A_1115 = tpu.bitcast %shift_left3A_1114 : vector<16xi32> -> vector<16xf32>
        %and3A_1116 = arith.constant -65536 : i32
        %and3A_1117 = vector.broadcast %and3A_1116 : i32 to vector<16xi32>
        %and3A_1118 = arith.andi %get3A_1103, %and3A_1117 : vector<16xi32>
        %bitcast_convert_type3A_1119 = tpu.bitcast %and3A_1118 : vector<16xi32> -> vector<16xf32>
        %add3A_1120 = arith.addf %bitcast_convert_type3A_1107, %bitcast_convert_type3A_1115 : vector<16xf32>
        %swap3A_1121 = arith.constant 4 : i32
        %swap3A_1122 = arith.index_cast %swap3A_1121 : i32 to index
        %swap3A_1123 = arith.index_cast %mul3A_907 : i32 to index
        %swap3A_1124 = tpu.vector_load %arg16[%swap3A_1122, %swap3A_1123] {strides = array<i32>} : memref<8x768xf32, #tpu.memory_space<vmem>>, vector<1x16xf32>,
        %swap3A_1125 = vector.shape_cast %swap3A_1124 : vector<1x16xf32> to vector<16xf32>
        %swap3A_1126 = vector.shape_cast %add3A_1120 : vector<16xf32> to vector<1x16xf32>
        tpu.vector_store %arg16[%swap3A_1122, %swap3A_1123], %swap3A_1126 {add = true, strides = array<i32>} : memref<8x768xf32, #tpu.memory_space<vmem>>, vector<1x16xf32>,
        %add3A_1127 = arith.addf %bitcast_convert_type3A_1111, %bitcast_convert_type3A_1119 : vector<16xf32>
        %swap3A_1128 = arith.constant 4 : i32
        %swap3A_1129 = arith.index_cast %swap3A_1128 : i32 to index
        %swap3A_1130 = arith.index_cast %add3A_913 : i32 to index
        %swap3A_1131 = tpu.vector_load %arg16[%swap3A_1129, %swap3A_1130] {strides = array<i32>} : memref<8x768xf32, #tpu.memory_space<vmem>>, vector<1x16xf32>,
        %swap3A_1132 = vector.shape_cast %swap3A_1131 : vector<1x16xf32> to vector<16xf32>
        %swap3A_1133 = vector.shape_cast %add3A_1127 : vector<16xf32> to vector<1x16xf32>
        tpu.vector_store %arg16[%swap3A_1129, %swap3A_1130], %swap3A_1133 {add = true, strides = array<i32>} : memref<8x768xf32, #tpu.memory_space<vmem>>, vector<1x16xf32>,
        %get3A_1134 = arith.constant 5 : i32
        %get3A_1135 = arith.index_cast %get3A_1134 : i32 to index
        %get3A_1136 = memref.load %arg13[%get3A_1135] : memref<16xi32, #tpu.memory_space<smem>>
        %add3A_1137 = arith.addi %get3A_1136, %mul3A_903 : i32
        %get3A_1138 = arith.index_cast %add3A_1137 : i32 to index
        %get3A_1139 = tpu.vector_load %arg9[%get3A_1138] {strides = array<i32>} : memref<98304xi32, #tpu.memory_space<vmem>>, vector<16xi32>,
        %get3A_1140 = vector.shape_cast %get3A_1139 : vector<16xi32> to vector<16xi32>
        %get3A_1141 = arith.constant 13 : i32
        %get3A_1142 = arith.index_cast %get3A_1141 : i32 to index
        %get3A_1143 = memref.load %arg13[%get3A_1142] : memref<16xi32, #tpu.memory_space<smem>>
        %add3A_1144 = arith.addi %get3A_1143, %mul3A_903 : i32
        %get3A_1145 = arith.index_cast %add3A_1144 : i32 to index
        %get3A_1146 = tpu.vector_load %arg9[%get3A_1145] {strides = array<i32>} : memref<98304xi32, #tpu.memory_space<vmem>>, vector<16xi32>,
        %get3A_1147 = vector.shape_cast %get3A_1146 : vector<16xi32> to vector<16xi32>
        %shift_left3A_1148 = arith.constant 16 : i32
        %shift_left3A_1149 = vector.broadcast %shift_left3A_1148 : i32 to vector<16xi32>
        %shift_left3A_1150 = arith.shli %get3A_1140, %shift_left3A_1149 : vector<16xi32>
        %bitcast_convert_type3A_1151 = tpu.bitcast %shift_left3A_1150 : vector<16xi32> -> vector<16xf32>
        %and3A_1152 = arith.constant -65536 : i32
        %and3A_1153 = vector.broadcast %and3A_1152 : i32 to vector<16xi32>
        %and3A_1154 = arith.andi %get3A_1140, %and3A_1153 : vector<16xi32>
        %bitcast_convert_type3A_1155 = tpu.bitcast %and3A_1154 : vector<16xi32> -> vector<16xf32>
        %shift_left3A_1156 = arith.constant 16 : i32
        %shift_left3A_1157 = vector.broadcast %shift_left3A_1156 : i32 to vector<16xi32>
        %shift_left3A_1158 = arith.shli %get3A_1147, %shift_left3A_1157 : vector<16xi32>
        %bitcast_convert_type3A_1159 = tpu.bitcast %shift_left3A_1158 : vector<16xi32> -> vector<16xf32>
        %and3A_1160 = arith.constant -65536 : i32
        %and3A_1161 = vector.broadcast %and3A_1160 : i32 to vector<16xi32>
        %and3A_1162 = arith.andi %get3A_1147, %and3A_1161 : vector<16xi32>
        %bitcast_convert_type3A_1163 = tpu.bitcast %and3A_1162 : vector<16xi32> -> vector<16xf32>
        %add3A_1164 = arith.addf %bitcast_convert_type3A_1151, %bitcast_convert_type3A_1159 : vector<16xf32>
        %swap3A_1165 = arith.constant 5 : i32
        %swap3A_1166 = arith.index_cast %swap3A_1165 : i32 to index
        %swap3A_1167 = arith.index_cast %mul3A_907 : i32 to index
        %swap3A_1168 = tpu.vector_load %arg16[%swap3A_1166, %swap3A_1167] {strides = array<i32>} : memref<8x768xf32, #tpu.memory_space<vmem>>, vector<1x16xf32>,
        %swap3A_1169 = vector.shape_cast %swap3A_1168 : vector<1x16xf32> to vector<16xf32>
        %swap3A_1170 = vector.shape_cast %add3A_1164 : vector<16xf32> to vector<1x16xf32>
        tpu.vector_store %arg16[%swap3A_1166, %swap3A_1167], %swap3A_1170 {add = true, strides = array<i32>} : memref<8x768xf32, #tpu.memory_space<vmem>>, vector<1x16xf32>,
        %add3A_1171 = arith.addf %bitcast_convert_type3A_1155, %bitcast_convert_type3A_1163 : vector<16xf32>
        %swap3A_1172 = arith.constant 5 : i32
        %swap3A_1173 = arith.index_cast %swap3A_1172 : i32 to index
        %swap3A_1174 = arith.index_cast %add3A_913 : i32 to index
        %swap3A_1175 = tpu.vector_load %arg16[%swap3A_1173, %swap3A_1174] {strides = array<i32>} : memref<8x768xf32, #tpu.memory_space<vmem>>, vector<1x16xf32>,
        %swap3A_1176 = vector.shape_cast %swap3A_1175 : vector<1x16xf32> to vector<16xf32>
        %swap3A_1177 = vector.shape_cast %add3A_1171 : vector<16xf32> to vector<1x16xf32>
        tpu.vector_store %arg16[%swap3A_1173, %swap3A_1174], %swap3A_1177 {add = true, strides = array<i32>} : memref<8x768xf32, #tpu.memory_space<vmem>>, vector<1x16xf32>,
        %get3A_1178 = arith.constant 6 : i32
        %get3A_1179 = arith.index_cast %get3A_1178 : i32 to index
        %get3A_1180 = memref.load %arg13[%get3A_1179] : memref<16xi32, #tpu.memory_space<smem>>
        %add3A_1181 = arith.addi %get3A_1180, %mul3A_903 : i32
        %get3A_1182 = arith.index_cast %add3A_1181 : i32 to index
        %get3A_1183 = tpu.vector_load %arg9[%get3A_1182] {strides = array<i32>} : memref<98304xi32, #tpu.memory_space<vmem>>, vector<16xi32>,
        %get3A_1184 = vector.shape_cast %get3A_1183 : vector<16xi32> to vector<16xi32>
        %get3A_1185 = arith.constant 14 : i32
        %get3A_1186 = arith.index_cast %get3A_1185 : i32 to index
        %get3A_1187 = memref.load %arg13[%get3A_1186] : memref<16xi32, #tpu.memory_space<smem>>
        %add3A_1188 = arith.addi %get3A_1187, %mul3A_903 : i32
        %get3A_1189 = arith.index_cast %add3A_1188 : i32 to index
        %get3A_1190 = tpu.vector_load %arg9[%get3A_1189] {strides = array<i32>} : memref<98304xi32, #tpu.memory_space<vmem>>, vector<16xi32>,
        %get3A_1191 = vector.shape_cast %get3A_1190 : vector<16xi32> to vector<16xi32>
        %shift_left3A_1192 = arith.constant 16 : i32
        %shift_left3A_1193 = vector.broadcast %shift_left3A_1192 : i32 to vector<16xi32>
        %shift_left3A_1194 = arith.shli %get3A_1184, %shift_left3A_1193 : vector<16xi32>
        %bitcast_convert_type3A_1195 = tpu.bitcast %shift_left3A_1194 : vector<16xi32> -> vector<16xf32>
        %and3A_1196 = arith.constant -65536 : i32
        %and3A_1197 = vector.broadcast %and3A_1196 : i32 to vector<16xi32>
        %and3A_1198 = arith.andi %get3A_1184, %and3A_1197 : vector<16xi32>
        %bitcast_convert_type3A_1199 = tpu.bitcast %and3A_1198 : vector<16xi32> -> vector<16xf32>
        %shift_left3A_1200 = arith.constant 16 : i32
        %shift_left3A_1201 = vector.broadcast %shift_left3A_1200 : i32 to vector<16xi32>
        %shift_left3A_1202 = arith.shli %get3A_1191, %shift_left3A_1201 : vector<16xi32>
        %bitcast_convert_type3A_1203 = tpu.bitcast %shift_left3A_1202 : vector<16xi32> -> vector<16xf32>
        %and3A_1204 = arith.constant -65536 : i32
        %and3A_1205 = vector.broadcast %and3A_1204 : i32 to vector<16xi32>
        %and3A_1206 = arith.andi %get3A_1191, %and3A_1205 : vector<16xi32>
        %bitcast_convert_type3A_1207 = tpu.bitcast %and3A_1206 : vector<16xi32> -> vector<16xf32>
        %add3A_1208 = arith.addf %bitcast_convert_type3A_1195, %bitcast_convert_type3A_1203 : vector<16xf32>
        %swap3A_1209 = arith.constant 6 : i32
        %swap3A_1210 = arith.index_cast %swap3A_1209 : i32 to index
        %swap3A_1211 = arith.index_cast %mul3A_907 : i32 to index
        %swap3A_1212 = tpu.vector_load %arg16[%swap3A_1210, %swap3A_1211] {strides = array<i32>} : memref<8x768xf32, #tpu.memory_space<vmem>>, vector<1x16xf32>,
        %swap3A_1213 = vector.shape_cast %swap3A_1212 : vector<1x16xf32> to vector<16xf32>
        %swap3A_1214 = vector.shape_cast %add3A_1208 : vector<16xf32> to vector<1x16xf32>
        tpu.vector_store %arg16[%swap3A_1210, %swap3A_1211], %swap3A_1214 {add = true, strides = array<i32>} : memref<8x768xf32, #tpu.memory_space<vmem>>, vector<1x16xf32>,
        %add3A_1215 = arith.addf %bitcast_convert_type3A_1199, %bitcast_convert_type3A_1207 : vector<16xf32>
        %swap3A_1216 = arith.constant 6 : i32
        %swap3A_1217 = arith.index_cast %swap3A_1216 : i32 to index
        %swap3A_1218 = arith.index_cast %add3A_913 : i32 to index
        %swap3A_1219 = tpu.vector_load %arg16[%swap3A_1217, %swap3A_1218] {strides = array<i32>} : memref<8x768xf32, #tpu.memory_space<vmem>>, vector<1x16xf32>,
        %swap3A_1220 = vector.shape_cast %swap3A_1219 : vector<1x16xf32> to vector<16xf32>
        %swap3A_1221 = vector.shape_cast %add3A_1215 : vector<16xf32> to vector<1x16xf32>
        tpu.vector_store %arg16[%swap3A_1217, %swap3A_1218], %swap3A_1221 {add = true, strides = array<i32>} : memref<8x768xf32, #tpu.memory_space<vmem>>, vector<1x16xf32>,
        %get3A_1222 = arith.constant 7 : i32
        %get3A_1223 = arith.index_cast %get3A_1222 : i32 to index
        %get3A_1224 = memref.load %arg13[%get3A_1223] : memref<16xi32, #tpu.memory_space<smem>>
        %add3A_1225 = arith.addi %get3A_1224, %mul3A_903 : i32
        %get3A_1226 = arith.index_cast %add3A_1225 : i32 to index
        %get3A_1227 = tpu.vector_load %arg9[%get3A_1226] {strides = array<i32>} : memref<98304xi32, #tpu.memory_space<vmem>>, vector<16xi32>,
        %get3A_1228 = vector.shape_cast %get3A_1227 : vector<16xi32> to vector<16xi32>
        %get3A_1229 = arith.constant 15 : i32
        %get3A_1230 = arith.index_cast %get3A_1229 : i32 to index
        %get3A_1231 = memref.load %arg13[%get3A_1230] : memref<16xi32, #tpu.memory_space<smem>>
        %add3A_1232 = arith.addi %get3A_1231, %mul3A_903 : i32
        %get3A_1233 = arith.index_cast %add3A_1232 : i32 to index
        %get3A_1234 = tpu.vector_load %arg9[%get3A_1233] {strides = array<i32>} : memref<98304xi32, #tpu.memory_space<vmem>>, vector<16xi32>,
        %get3A_1235 = vector.shape_cast %get3A_1234 : vector<16xi32> to vector<16xi32>
        %shift_left3A_1236 = arith.constant 16 : i32
        %shift_left3A_1237 = vector.broadcast %shift_left3A_1236 : i32 to vector<16xi32>
        %shift_left3A_1238 = arith.shli %get3A_1228, %shift_left3A_1237 : vector<16xi32>
        %bitcast_convert_type3A_1239 = tpu.bitcast %shift_left3A_1238 : vector<16xi32> -> vector<16xf32>
        %and3A_1240 = arith.constant -65536 : i32
        %and3A_1241 = vector.broadcast %and3A_1240 : i32 to vector<16xi32>
        %and3A_1242 = arith.andi %get3A_1228, %and3A_1241 : vector<16xi32>
        %bitcast_convert_type3A_1243 = tpu.bitcast %and3A_1242 : vector<16xi32> -> vector<16xf32>
        %shift_left3A_1244 = arith.constant 16 : i32
        %shift_left3A_1245 = vector.broadcast %shift_left3A_1244 : i32 to vector<16xi32>
        %shift_left3A_1246 = arith.shli %get3A_1235, %shift_left3A_1245 : vector<16xi32>
        %bitcast_convert_type3A_1247 = tpu.bitcast %shift_left3A_1246 : vector<16xi32> -> vector<16xf32>
        %and3A_1248 = arith.constant -65536 : i32
        %and3A_1249 = vector.broadcast %and3A_1248 : i32 to vector<16xi32>
        %and3A_1250 = arith.andi %get3A_1235, %and3A_1249 : vector<16xi32>
        %bitcast_convert_type3A_1251 = tpu.bitcast %and3A_1250 : vector<16xi32> -> vector<16xf32>
        %add3A_1252 = arith.addf %bitcast_convert_type3A_1239, %bitcast_convert_type3A_1247 : vector<16xf32>
        %swap3A_1253 = arith.constant 7 : i32
        %swap3A_1254 = arith.index_cast %swap3A_1253 : i32 to index
        %swap3A_1255 = arith.index_cast %mul3A_907 : i32 to index
        %swap3A_1256 = tpu.vector_load %arg16[%swap3A_1254, %swap3A_1255] {strides = array<i32>} : memref<8x768xf32, #tpu.memory_space<vmem>>, vector<1x16xf32>,
        %swap3A_1257 = vector.shape_cast %swap3A_1256 : vector<1x16xf32> to vector<16xf32>
        %swap3A_1258 = vector.shape_cast %add3A_1252 : vector<16xf32> to vector<1x16xf32>
        tpu.vector_store %arg16[%swap3A_1254, %swap3A_1255], %swap3A_1258 {add = true, strides = array<i32>} : memref<8x768xf32, #tpu.memory_space<vmem>>, vector<1x16xf32>,
        %add3A_1259 = arith.addf %bitcast_convert_type3A_1243, %bitcast_convert_type3A_1251 : vector<16xf32>
        %swap3A_1260 = arith.constant 7 : i32
        %swap3A_1261 = arith.index_cast %swap3A_1260 : i32 to index
        %swap3A_1262 = arith.index_cast %add3A_913 : i32 to index
        %swap3A_1263 = tpu.vector_load %arg16[%swap3A_1261, %swap3A_1262] {strides = array<i32>} : memref<8x768xf32, #tpu.memory_space<vmem>>, vector<1x16xf32>,
        %swap3A_1264 = vector.shape_cast %swap3A_1263 : vector<1x16xf32> to vector<16xf32>
        %swap3A_1265 = vector.shape_cast %add3A_1259 : vector<16xf32> to vector<1x16xf32>
        tpu.vector_store %arg16[%swap3A_1261, %swap3A_1262], %swap3A_1265 {add = true, strides = array<i32>} : memref<8x768xf32, #tpu.memory_space<vmem>>, vector<1x16xf32>,
      }
      %scan3A_403 = arith.constant 12 : i32
      %dma_start3A_404 = arith.constant 0 : i32
      %dma_start3A_405 = tpu.memref_slice %arg8[%add3A_297, %dma_start3A_404] : memref<32768x768xf32, #tpu.memory_space<hbm>> -> memref<8x768xf32, #tpu.memory_space<hbm>>
      %dma_start3A_406 = arith.constant 0 : i32
      %dma_start3A_407 = tpu.memref_slice %arg8[%add3A_297, %dma_start3A_406] : memref<32768x768xf32, #tpu.memory_space<hbm>> -> memref<8x768xf32, #tpu.memory_space<hbm>>
      tpu.enqueue_dma source(%arg16 : memref<8x768xf32, #tpu.memory_space<vmem>>) target(%dma_start3A_407 : memref<8x768xf32, #tpu.memory_space<hbm>>) target_semaphore(%arg24 : memref<!tpu.dma_semaphore, #tpu.memory_space<semaphore_mem>>)
      %mul3A_408 = arith.constant 4 : i32
      %mul3A_409 = arith.muli %scan3A_43, %mul3A_408 : i32
      %add3A_410 = arith.constant 3 : i32
      %add3A_411 = arith.addi %mul3A_409, %add3A_410 : i32
      %add3A_412 = arith.constant 2 : i32
      %add3A_413 = arith.addi %add3A_411, %add3A_412 : i32
      %lt3A_414 = arith.constant 128 : i32
      %lt3A_415 = arith.cmpi slt, %add3A_413, %lt3A_414 : i32
      %convert_element_type3A_416 = arith.extui %lt3A_415 : i1 to i32
      %cond3A_417 = arith.constant 0 : i32
      %cond3A_418 = arith.cmpi ne, %convert_element_type3A_416, %cond3A_417 : i32
      scf.if %cond3A_418 {
        %ge3A = arith.constant 4 : i32
        %ge3A_532 = arith.cmpi sge, %add3A_413, %ge3A : i32
        %convert_element_type3A_533 = arith.extui %ge3A_532 : i1 to i32
        %cond3A_534 = arith.constant 0 : i32
        %cond3A_535 = arith.cmpi ne, %convert_element_type3A_533, %cond3A_534 : i32
        scf.if %cond3A_535 {
          %dma_wait3A_543 = arith.constant 0 : i32
          %dma_wait3A_544 = tpu.memref_slice %arg8[%mul3A_2, %dma_wait3A_543] : memref<32768x768xf32, #tpu.memory_space<hbm>> -> memref<8x768xf32, #tpu.memory_space<hbm>>
          %dma_wait3A_545 = arith.constant 0 : i32
          %dma_wait3A_546 = tpu.memref_slice %arg8[%mul3A_2, %dma_wait3A_545] : memref<32768x768xf32, #tpu.memory_space<hbm>> -> memref<8x768xf32, #tpu.memory_space<hbm>>
          tpu.wait_dma2 semaphore(%arg23 : memref<!tpu.dma_semaphore, #tpu.memory_space<semaphore_mem>>) src(%arg15 : memref<8x768xf32, #tpu.memory_space<vmem>>) dst(%dma_wait3A_546 : memref<8x768xf32, #tpu.memory_space<hbm>>)
        } else {
        }
        %mul3A_536 = arith.constant 8 : i32
        %mul3A_537 = arith.muli %add3A_413, %mul3A_536 : i32
        %add3A_538 = arith.addi %mul3A_2, %mul3A_537 : i32
        %dma_start3A_539 = arith.constant 0 : i32
        %dma_start3A_540 = tpu.memref_slice %arg2[%add3A_538, %dma_start3A_539] : memref<32768x768xf32, #tpu.memory_space<hbm>> -> memref<8x768xf32, #tpu.memory_space<hbm>>
        %dma_start3A_541 = arith.constant 0 : i32
        %dma_start3A_542 = tpu.memref_slice %arg2[%add3A_538, %dma_start3A_541] : memref<32768x768xf32, #tpu.memory_space<hbm>> -> memref<8x768xf32, #tpu.memory_space<hbm>>
        tpu.enqueue_dma source(%dma_start3A_542 : memref<8x768xf32, #tpu.memory_space<hbm>>) target(%arg15 : memref<8x768xf32, #tpu.memory_space<vmem>>) target_semaphore(%arg19 : memref<!tpu.dma_semaphore, #tpu.memory_space<semaphore_mem>>)
      } else {
      }
      %mul3A_419 = arith.constant 8 : i32
      %mul3A_420 = arith.muli %add3A_411, %mul3A_419 : i32
      %add3A_421 = arith.addi %mul3A_2, %mul3A_420 : i32
      %dma_wait3A_422 = arith.constant 0 : i32
      %dma_wait3A_423 = tpu.memref_slice %arg2[%add3A_421, %dma_wait3A_422] : memref<32768x768xf32, #tpu.memory_space<hbm>> -> memref<8x768xf32, #tpu.memory_space<hbm>>
      %dma_wait3A_424 = arith.constant 0 : i32
      %dma_wait3A_425 = tpu.memref_slice %arg2[%add3A_421, %dma_wait3A_424] : memref<32768x768xf32, #tpu.memory_space<hbm>> -> memref<8x768xf32, #tpu.memory_space<hbm>>
      tpu.wait_dma2 semaphore(%arg21 : memref<!tpu.dma_semaphore, #tpu.memory_space<semaphore_mem>>) src(%dma_wait3A_425 : memref<8x768xf32, #tpu.memory_space<hbm>>) dst(%arg17 : memref<8x768xf32, #tpu.memory_space<vmem>>)
      %sub3A_426 = arith.constant 1 : i32
      %sub3A_427 = arith.subi %add3A_411, %sub3A_426 : i32
      %mul3A_428 = arith.constant 8 : i32
      %mul3A_429 = arith.muli %sub3A_427, %mul3A_428 : i32
      %get3A_430 = arith.index_cast %mul3A_429 : i32 to index
      %get3A_431 = tpu.vector_load %arg11[%get3A_430] {strides = array<i32>} : memref<1024xi32, #tpu.memory_space<vmem>>, vector<16xi32>,
      %get3A_432 = vector.shape_cast %get3A_431 : vector<16xi32> to vector<16xi32>
      %mul3A_433 = arith.constant 384 : i32
      %mul3A_434 = vector.broadcast %mul3A_433 : i32 to vector<16xi32>
      %mul3A_435 = arith.muli %get3A_432, %mul3A_434 : vector<16xi32>
      %get3A_436 = arith.index_cast %mul3A_429 : i32 to index
      %get3A_437 = tpu.vector_load %arg12[%get3A_436] {strides = array<i32>} : memref<1024xi32, #tpu.memory_space<vmem>>, vector<16xi32>,
      %get3A_438 = vector.shape_cast %get3A_437 : vector<16xi32> to vector<16xi32>
      %mul3A_439 = arith.constant 384 : i32
      %mul3A_440 = vector.broadcast %mul3A_439 : i32 to vector<16xi32>
      %mul3A_441 = arith.muli %get3A_438, %mul3A_440 : vector<16xi32>
      %slice3A_442 = vector.extract_strided_slice %mul3A_435 {offsets = [8], sizes = [1], strides = [1]} : vector<16xi32> to vector<1xi32>
      %squeeze3A_443 = vector.extract %slice3A_442[0] : i32 from vector<1xi32>
      %swap3A_444 = arith.constant 0 : i32
      %swap3A_445 = arith.index_cast %swap3A_444 : i32 to index
      %swap3A_446 = memref.load %arg13[%swap3A_445] : memref<16xi32, #tpu.memory_space<smem>>
      memref.store %squeeze3A_443, %arg13[%swap3A_445] : memref<16xi32, #tpu.memory_space<smem>>
      %slice3A_447 = vector.extract_strided_slice %mul3A_441 {offsets = [8], sizes = [1], strides = [1]} : vector<16xi32> to vector<1xi32>
      %squeeze3A_448 = vector.extract %slice3A_447[0] : i32 from vector<1xi32>
      %swap3A_449 = arith.constant 8 : i32
      %swap3A_450 = arith.index_cast %swap3A_449 : i32 to index
      %swap3A_451 = memref.load %arg13[%swap3A_450] : memref<16xi32, #tpu.memory_space<smem>>
      memref.store %squeeze3A_448, %arg13[%swap3A_450] : memref<16xi32, #tpu.memory_space<smem>>
      %slice3A_452 = vector.extract_strided_slice %mul3A_435 {offsets = [9], sizes = [1], strides = [1]} : vector<16xi32> to vector<1xi32>
      %squeeze3A_453 = vector.extract %slice3A_452[0] : i32 from vector<1xi32>
      %swap3A_454 = arith.constant 1 : i32
      %swap3A_455 = arith.index_cast %swap3A_454 : i32 to index
      %swap3A_456 = memref.load %arg13[%swap3A_455] : memref<16xi32, #tpu.memory_space<smem>>
      memref.store %squeeze3A_453, %arg13[%swap3A_455] : memref<16xi32, #tpu.memory_space<smem>>
      %slice3A_457 = vector.extract_strided_slice %mul3A_441 {offsets = [9], sizes = [1], strides = [1]} : vector<16xi32> to vector<1xi32>
      %squeeze3A_458 = vector.extract %slice3A_457[0] : i32 from vector<1xi32>
      %swap3A_459 = arith.constant 9 : i32
      %swap3A_460 = arith.index_cast %swap3A_459 : i32 to index
      %swap3A_461 = memref.load %arg13[%swap3A_460] : memref<16xi32, #tpu.memory_space<smem>>
      memref.store %squeeze3A_458, %arg13[%swap3A_460] : memref<16xi32, #tpu.memory_space<smem>>
      %slice3A_462 = vector.extract_strided_slice %mul3A_435 {offsets = [10], sizes = [1], strides = [1]} : vector<16xi32> to vector<1xi32>
      %squeeze3A_463 = vector.extract %slice3A_462[0] : i32 from vector<1xi32>
      %swap3A_464 = arith.constant 2 : i32
      %swap3A_465 = arith.index_cast %swap3A_464 : i32 to index
      %swap3A_466 = memref.load %arg13[%swap3A_465] : memref<16xi32, #tpu.memory_space<smem>>
      memref.store %squeeze3A_463, %arg13[%swap3A_465] : memref<16xi32, #tpu.memory_space<smem>>
      %slice3A_467 = vector.extract_strided_slice %mul3A_441 {offsets = [10], sizes = [1], strides = [1]} : vector<16xi32> to vector<1xi32>
      %squeeze3A_468 = vector.extract %slice3A_467[0] : i32 from vector<1xi32>
      %swap3A_469 = arith.constant 10 : i32
      %swap3A_470 = arith.index_cast %swap3A_469 : i32 to index
      %swap3A_471 = memref.load %arg13[%swap3A_470] : memref<16xi32, #tpu.memory_space<smem>>
      memref.store %squeeze3A_468, %arg13[%swap3A_470] : memref<16xi32, #tpu.memory_space<smem>>
      %slice3A_472 = vector.extract_strided_slice %mul3A_435 {offsets = [11], sizes = [1], strides = [1]} : vector<16xi32> to vector<1xi32>
      %squeeze3A_473 = vector.extract %slice3A_472[0] : i32 from vector<1xi32>
      %swap3A_474 = arith.constant 3 : i32
      %swap3A_475 = arith.index_cast %swap3A_474 : i32 to index
      %swap3A_476 = memref.load %arg13[%swap3A_475] : memref<16xi32, #tpu.memory_space<smem>>
      memref.store %squeeze3A_473, %arg13[%swap3A_475] : memref<16xi32, #tpu.memory_space<smem>>
      %slice3A_477 = vector.extract_strided_slice %mul3A_441 {offsets = [11], sizes = [1], strides = [1]} : vector<16xi32> to vector<1xi32>
      %squeeze3A_478 = vector.extract %slice3A_477[0] : i32 from vector<1xi32>
      %swap3A_479 = arith.constant 11 : i32
      %swap3A_480 = arith.index_cast %swap3A_479 : i32 to index
      %swap3A_481 = memref.load %arg13[%swap3A_480] : memref<16xi32, #tpu.memory_space<smem>>
      memref.store %squeeze3A_478, %arg13[%swap3A_480] : memref<16xi32, #tpu.memory_space<smem>>
      %slice3A_482 = vector.extract_strided_slice %mul3A_435 {offsets = [12], sizes = [1], strides = [1]} : vector<16xi32> to vector<1xi32>
      %squeeze3A_483 = vector.extract %slice3A_482[0] : i32 from vector<1xi32>
      %swap3A_484 = arith.constant 4 : i32
      %swap3A_485 = arith.index_cast %swap3A_484 : i32 to index
      %swap3A_486 = memref.load %arg13[%swap3A_485] : memref<16xi32, #tpu.memory_space<smem>>
      memref.store %squeeze3A_483, %arg13[%swap3A_485] : memref<16xi32, #tpu.memory_space<smem>>
      %slice3A_487 = vector.extract_strided_slice %mul3A_441 {offsets = [12], sizes = [1], strides = [1]} : vector<16xi32> to vector<1xi32>
      %squeeze3A_488 = vector.extract %slice3A_487[0] : i32 from vector<1xi32>
      %swap3A_489 = arith.constant 12 : i32
      %swap3A_490 = arith.index_cast %swap3A_489 : i32 to index
      %swap3A_491 = memref.load %arg13[%swap3A_490] : memref<16xi32, #tpu.memory_space<smem>>
      memref.store %squeeze3A_488, %arg13[%swap3A_490] : memref<16xi32, #tpu.memory_space<smem>>
      %slice3A_492 = vector.extract_strided_slice %mul3A_435 {offsets = [13], sizes = [1], strides = [1]} : vector<16xi32> to vector<1xi32>
      %squeeze3A_493 = vector.extract %slice3A_492[0] : i32 from vector<1xi32>
      %swap3A_494 = arith.constant 5 : i32
      %swap3A_495 = arith.index_cast %swap3A_494 : i32 to index
      %swap3A_496 = memref.load %arg13[%swap3A_495] : memref<16xi32, #tpu.memory_space<smem>>
      memref.store %squeeze3A_493, %arg13[%swap3A_495] : memref<16xi32, #tpu.memory_space<smem>>
      %slice3A_497 = vector.extract_strided_slice %mul3A_441 {offsets = [13], sizes = [1], strides = [1]} : vector<16xi32> to vector<1xi32>
      %squeeze3A_498 = vector.extract %slice3A_497[0] : i32 from vector<1xi32>
      %swap3A_499 = arith.constant 13 : i32
      %swap3A_500 = arith.index_cast %swap3A_499 : i32 to index
      %swap3A_501 = memref.load %arg13[%swap3A_500] : memref<16xi32, #tpu.memory_space<smem>>
      memref.store %squeeze3A_498, %arg13[%swap3A_500] : memref<16xi32, #tpu.memory_space<smem>>
      %slice3A_502 = vector.extract_strided_slice %mul3A_435 {offsets = [14], sizes = [1], strides = [1]} : vector<16xi32> to vector<1xi32>
      %squeeze3A_503 = vector.extract %slice3A_502[0] : i32 from vector<1xi32>
      %swap3A_504 = arith.constant 6 : i32
      %swap3A_505 = arith.index_cast %swap3A_504 : i32 to index
      %swap3A_506 = memref.load %arg13[%swap3A_505] : memref<16xi32, #tpu.memory_space<smem>>
      memref.store %squeeze3A_503, %arg13[%swap3A_505] : memref<16xi32, #tpu.memory_space<smem>>
      %slice3A_507 = vector.extract_strided_slice %mul3A_441 {offsets = [14], sizes = [1], strides = [1]} : vector<16xi32> to vector<1xi32>
      %squeeze3A_508 = vector.extract %slice3A_507[0] : i32 from vector<1xi32>
      %swap3A_509 = arith.constant 14 : i32
      %swap3A_510 = arith.index_cast %swap3A_509 : i32 to index
      %swap3A_511 = memref.load %arg13[%swap3A_510] : memref<16xi32, #tpu.memory_space<smem>>
      memref.store %squeeze3A_508, %arg13[%swap3A_510] : memref<16xi32, #tpu.memory_space<smem>>
      %slice3A_512 = vector.extract_strided_slice %mul3A_435 {offsets = [15], sizes = [1], strides = [1]} : vector<16xi32> to vector<1xi32>
      %squeeze3A_513 = vector.extract %slice3A_512[0] : i32 from vector<1xi32>
      %swap3A_514 = arith.constant 7 : i32
      %swap3A_515 = arith.index_cast %swap3A_514 : i32 to index
      %swap3A_516 = memref.load %arg13[%swap3A_515] : memref<16xi32, #tpu.memory_space<smem>>
      memref.store %squeeze3A_513, %arg13[%swap3A_515] : memref<16xi32, #tpu.memory_space<smem>>
      %slice3A_517 = vector.extract_strided_slice %mul3A_441 {offsets = [15], sizes = [1], strides = [1]} : vector<16xi32> to vector<1xi32>
      %squeeze3A_518 = vector.extract %slice3A_517[0] : i32 from vector<1xi32>
      %swap3A_519 = arith.constant 15 : i32
      %swap3A_520 = arith.index_cast %swap3A_519 : i32 to index
      %swap3A_521 = memref.load %arg13[%swap3A_520] : memref<16xi32, #tpu.memory_space<smem>>
      memref.store %squeeze3A_518, %arg13[%swap3A_520] : memref<16xi32, #tpu.memory_space<smem>>
      %scan3A_522 = arith.constant 0 : i32
      %scan3A_523 = arith.constant 0 : i32
      %scan3A_524 = arith.constant 12 : i32
      %scan3A_525 = arith.addi %scan3A_523, %scan3A_524 : i32
      %scan3A_526 = arith.constant 1 : i32
      scf.for %scan3A_532 = %scan3A_523 to %scan3A_525 step %scan3A_526  : i32 {
        %mul3A_533 = arith.constant 2 : i32
        %mul3A_534 = arith.muli %scan3A_532, %mul3A_533 : i32
        %add3A_535 = arith.constant 0 : i32
        %add3A_536 = arith.addi %mul3A_534, %add3A_535 : i32
        %mul3A_537 = arith.constant 16 : i32
        %mul3A_538 = arith.muli %add3A_536, %mul3A_537 : i32
        %mul3A_539 = arith.constant 2 : i32
        %mul3A_540 = arith.muli %add3A_536, %mul3A_539 : i32
        %mul3A_541 = arith.constant 16 : i32
        %mul3A_542 = arith.muli %mul3A_540, %mul3A_541 : i32
        %mul3A_543 = arith.constant 2 : i32
        %mul3A_544 = arith.muli %add3A_536, %mul3A_543 : i32
        %mul3A_545 = arith.constant 16 : i32
        %mul3A_546 = arith.muli %mul3A_544, %mul3A_545 : i32
        %add3A_547 = arith.constant 16 : i32
        %add3A_548 = arith.addi %mul3A_546, %add3A_547 : i32
        %get3A_549 = arith.constant 0 : i32
        %get3A_550 = arith.index_cast %get3A_549 : i32 to index
        %get3A_551 = memref.load %arg13[%get3A_550] : memref<16xi32, #tpu.memory_space<smem>>
        %add3A_552 = arith.addi %get3A_551, %mul3A_538 : i32
        %get3A_553 = arith.index_cast %add3A_552 : i32 to index
        %get3A_554 = tpu.vector_load %arg9[%get3A_553] {strides = array<i32>} : memref<98304xi32, #tpu.memory_space<vmem>>, vector<16xi32>,
        %get3A_555 = vector.shape_cast %get3A_554 : vector<16xi32> to vector<16xi32>
        %get3A_556 = arith.constant 8 : i32
        %get3A_557 = arith.index_cast %get3A_556 : i32 to index
        %get3A_558 = memref.load %arg13[%get3A_557] : memref<16xi32, #tpu.memory_space<smem>>
        %add3A_559 = arith.addi %get3A_558, %mul3A_538 : i32
        %get3A_560 = arith.index_cast %add3A_559 : i32 to index
        %get3A_561 = tpu.vector_load %arg9[%get3A_560] {strides = array<i32>} : memref<98304xi32, #tpu.memory_space<vmem>>, vector<16xi32>,
        %get3A_562 = vector.shape_cast %get3A_561 : vector<16xi32> to vector<16xi32>
        %shift_left3A = arith.constant 16 : i32
        %shift_left3A_563 = vector.broadcast %shift_left3A : i32 to vector<16xi32>
        %shift_left3A_564 = arith.shli %get3A_555, %shift_left3A_563 : vector<16xi32>
        %bitcast_convert_type3A = tpu.bitcast %shift_left3A_564 : vector<16xi32> -> vector<16xf32>
        %and3A = arith.constant -65536 : i32
        %and3A_565 = vector.broadcast %and3A : i32 to vector<16xi32>
        %and3A_566 = arith.andi %get3A_555, %and3A_565 : vector<16xi32>
        %bitcast_convert_type3A_567 = tpu.bitcast %and3A_566 : vector<16xi32> -> vector<16xf32>
        %shift_left3A_568 = arith.constant 16 : i32
        %shift_left3A_569 = vector.broadcast %shift_left3A_568 : i32 to vector<16xi32>
        %shift_left3A_570 = arith.shli %get3A_562, %shift_left3A_569 : vector<16xi32>
        %bitcast_convert_type3A_571 = tpu.bitcast %shift_left3A_570 : vector<16xi32> -> vector<16xf32>
        %and3A_572 = arith.constant -65536 : i32
        %and3A_573 = vector.broadcast %and3A_572 : i32 to vector<16xi32>
        %and3A_574 = arith.andi %get3A_562, %and3A_573 : vector<16xi32>
        %bitcast_convert_type3A_575 = tpu.bitcast %and3A_574 : vector<16xi32> -> vector<16xf32>
        %add3A_576 = arith.addf %bitcast_convert_type3A, %bitcast_convert_type3A_571 : vector<16xf32>
        %swap3A_577 = arith.constant 0 : i32
        %swap3A_578 = arith.index_cast %swap3A_577 : i32 to index
        %swap3A_579 = arith.index_cast %mul3A_542 : i32 to index
        %swap3A_580 = tpu.vector_load %arg17[%swap3A_578, %swap3A_579] {strides = array<i32>} : memref<8x768xf32, #tpu.memory_space<vmem>>, vector<1x16xf32>,
        %swap3A_581 = vector.shape_cast %swap3A_580 : vector<1x16xf32> to vector<16xf32>
        %swap3A_582 = vector.shape_cast %add3A_576 : vector<16xf32> to vector<1x16xf32>
        tpu.vector_store %arg17[%swap3A_578, %swap3A_579], %swap3A_582 {add = true, strides = array<i32>} : memref<8x768xf32, #tpu.memory_space<vmem>>, vector<1x16xf32>,
        %add3A_583 = arith.addf %bitcast_convert_type3A_567, %bitcast_convert_type3A_575 : vector<16xf32>
        %swap3A_584 = arith.constant 0 : i32
        %swap3A_585 = arith.index_cast %swap3A_584 : i32 to index
        %swap3A_586 = arith.index_cast %add3A_548 : i32 to index
        %swap3A_587 = tpu.vector_load %arg17[%swap3A_585, %swap3A_586] {strides = array<i32>} : memref<8x768xf32, #tpu.memory_space<vmem>>, vector<1x16xf32>,
        %swap3A_588 = vector.shape_cast %swap3A_587 : vector<1x16xf32> to vector<16xf32>
        %swap3A_589 = vector.shape_cast %add3A_583 : vector<16xf32> to vector<1x16xf32>
        tpu.vector_store %arg17[%swap3A_585, %swap3A_586], %swap3A_589 {add = true, strides = array<i32>} : memref<8x768xf32, #tpu.memory_space<vmem>>, vector<1x16xf32>,
        %get3A_590 = arith.constant 1 : i32
        %get3A_591 = arith.index_cast %get3A_590 : i32 to index
        %get3A_592 = memref.load %arg13[%get3A_591] : memref<16xi32, #tpu.memory_space<smem>>
        %add3A_593 = arith.addi %get3A_592, %mul3A_538 : i32
        %get3A_594 = arith.index_cast %add3A_593 : i32 to index
        %get3A_595 = tpu.vector_load %arg9[%get3A_594] {strides = array<i32>} : memref<98304xi32, #tpu.memory_space<vmem>>, vector<16xi32>,
        %get3A_596 = vector.shape_cast %get3A_595 : vector<16xi32> to vector<16xi32>
        %get3A_597 = arith.constant 9 : i32
        %get3A_598 = arith.index_cast %get3A_597 : i32 to index
        %get3A_599 = memref.load %arg13[%get3A_598] : memref<16xi32, #tpu.memory_space<smem>>
        %add3A_600 = arith.addi %get3A_599, %mul3A_538 : i32
        %get3A_601 = arith.index_cast %add3A_600 : i32 to index
        %get3A_602 = tpu.vector_load %arg9[%get3A_601] {strides = array<i32>} : memref<98304xi32, #tpu.memory_space<vmem>>, vector<16xi32>,
        %get3A_603 = vector.shape_cast %get3A_602 : vector<16xi32> to vector<16xi32>
        %shift_left3A_604 = arith.constant 16 : i32
        %shift_left3A_605 = vector.broadcast %shift_left3A_604 : i32 to vector<16xi32>
        %shift_left3A_606 = arith.shli %get3A_596, %shift_left3A_605 : vector<16xi32>
        %bitcast_convert_type3A_607 = tpu.bitcast %shift_left3A_606 : vector<16xi32> -> vector<16xf32>
        %and3A_608 = arith.constant -65536 : i32
        %and3A_609 = vector.broadcast %and3A_608 : i32 to vector<16xi32>
        %and3A_610 = arith.andi %get3A_596, %and3A_609 : vector<16xi32>
        %bitcast_convert_type3A_611 = tpu.bitcast %and3A_610 : vector<16xi32> -> vector<16xf32>
        %shift_left3A_612 = arith.constant 16 : i32
        %shift_left3A_613 = vector.broadcast %shift_left3A_612 : i32 to vector<16xi32>
        %shift_left3A_614 = arith.shli %get3A_603, %shift_left3A_613 : vector<16xi32>
        %bitcast_convert_type3A_615 = tpu.bitcast %shift_left3A_614 : vector<16xi32> -> vector<16xf32>
        %and3A_616 = arith.constant -65536 : i32
        %and3A_617 = vector.broadcast %and3A_616 : i32 to vector<16xi32>
        %and3A_618 = arith.andi %get3A_603, %and3A_617 : vector<16xi32>
        %bitcast_convert_type3A_619 = tpu.bitcast %and3A_618 : vector<16xi32> -> vector<16xf32>
        %add3A_620 = arith.addf %bitcast_convert_type3A_607, %bitcast_convert_type3A_615 : vector<16xf32>
        %swap3A_621 = arith.constant 1 : i32
        %swap3A_622 = arith.index_cast %swap3A_621 : i32 to index
        %swap3A_623 = arith.index_cast %mul3A_542 : i32 to index
        %swap3A_624 = tpu.vector_load %arg17[%swap3A_622, %swap3A_623] {strides = array<i32>} : memref<8x768xf32, #tpu.memory_space<vmem>>, vector<1x16xf32>,
        %swap3A_625 = vector.shape_cast %swap3A_624 : vector<1x16xf32> to vector<16xf32>
        %swap3A_626 = vector.shape_cast %add3A_620 : vector<16xf32> to vector<1x16xf32>
        tpu.vector_store %arg17[%swap3A_622, %swap3A_623], %swap3A_626 {add = true, strides = array<i32>} : memref<8x768xf32, #tpu.memory_space<vmem>>, vector<1x16xf32>,
        %add3A_627 = arith.addf %bitcast_convert_type3A_611, %bitcast_convert_type3A_619 : vector<16xf32>
        %swap3A_628 = arith.constant 1 : i32
        %swap3A_629 = arith.index_cast %swap3A_628 : i32 to index
        %swap3A_630 = arith.index_cast %add3A_548 : i32 to index
        %swap3A_631 = tpu.vector_load %arg17[%swap3A_629, %swap3A_630] {strides = array<i32>} : memref<8x768xf32, #tpu.memory_space<vmem>>, vector<1x16xf32>,
        %swap3A_632 = vector.shape_cast %swap3A_631 : vector<1x16xf32> to vector<16xf32>
        %swap3A_633 = vector.shape_cast %add3A_627 : vector<16xf32> to vector<1x16xf32>
        tpu.vector_store %arg17[%swap3A_629, %swap3A_630], %swap3A_633 {add = true, strides = array<i32>} : memref<8x768xf32, #tpu.memory_space<vmem>>, vector<1x16xf32>,
        %get3A_634 = arith.constant 2 : i32
        %get3A_635 = arith.index_cast %get3A_634 : i32 to index
        %get3A_636 = memref.load %arg13[%get3A_635] : memref<16xi32, #tpu.memory_space<smem>>
        %add3A_637 = arith.addi %get3A_636, %mul3A_538 : i32
        %get3A_638 = arith.index_cast %add3A_637 : i32 to index
        %get3A_639 = tpu.vector_load %arg9[%get3A_638] {strides = array<i32>} : memref<98304xi32, #tpu.memory_space<vmem>>, vector<16xi32>,
        %get3A_640 = vector.shape_cast %get3A_639 : vector<16xi32> to vector<16xi32>
        %get3A_641 = arith.constant 10 : i32
        %get3A_642 = arith.index_cast %get3A_641 : i32 to index
        %get3A_643 = memref.load %arg13[%get3A_642] : memref<16xi32, #tpu.memory_space<smem>>
        %add3A_644 = arith.addi %get3A_643, %mul3A_538 : i32
        %get3A_645 = arith.index_cast %add3A_644 : i32 to index
        %get3A_646 = tpu.vector_load %arg9[%get3A_645] {strides = array<i32>} : memref<98304xi32, #tpu.memory_space<vmem>>, vector<16xi32>,
        %get3A_647 = vector.shape_cast %get3A_646 : vector<16xi32> to vector<16xi32>
        %shift_left3A_648 = arith.constant 16 : i32
        %shift_left3A_649 = vector.broadcast %shift_left3A_648 : i32 to vector<16xi32>
        %shift_left3A_650 = arith.shli %get3A_640, %shift_left3A_649 : vector<16xi32>
        %bitcast_convert_type3A_651 = tpu.bitcast %shift_left3A_650 : vector<16xi32> -> vector<16xf32>
        %and3A_652 = arith.constant -65536 : i32
        %and3A_653 = vector.broadcast %and3A_652 : i32 to vector<16xi32>
        %and3A_654 = arith.andi %get3A_640, %and3A_653 : vector<16xi32>
        %bitcast_convert_type3A_655 = tpu.bitcast %and3A_654 : vector<16xi32> -> vector<16xf32>
        %shift_left3A_656 = arith.constant 16 : i32
        %shift_left3A_657 = vector.broadcast %shift_left3A_656 : i32 to vector<16xi32>
        %shift_left3A_658 = arith.shli %get3A_647, %shift_left3A_657 : vector<16xi32>
        %bitcast_convert_type3A_659 = tpu.bitcast %shift_left3A_658 : vector<16xi32> -> vector<16xf32>
        %and3A_660 = arith.constant -65536 : i32
        %and3A_661 = vector.broadcast %and3A_660 : i32 to vector<16xi32>
        %and3A_662 = arith.andi %get3A_647, %and3A_661 : vector<16xi32>
        %bitcast_convert_type3A_663 = tpu.bitcast %and3A_662 : vector<16xi32> -> vector<16xf32>
        %add3A_664 = arith.addf %bitcast_convert_type3A_651, %bitcast_convert_type3A_659 : vector<16xf32>
        %swap3A_665 = arith.constant 2 : i32
        %swap3A_666 = arith.index_cast %swap3A_665 : i32 to index
        %swap3A_667 = arith.index_cast %mul3A_542 : i32 to index
        %swap3A_668 = tpu.vector_load %arg17[%swap3A_666, %swap3A_667] {strides = array<i32>} : memref<8x768xf32, #tpu.memory_space<vmem>>, vector<1x16xf32>,
        %swap3A_669 = vector.shape_cast %swap3A_668 : vector<1x16xf32> to vector<16xf32>
        %swap3A_670 = vector.shape_cast %add3A_664 : vector<16xf32> to vector<1x16xf32>
        tpu.vector_store %arg17[%swap3A_666, %swap3A_667], %swap3A_670 {add = true, strides = array<i32>} : memref<8x768xf32, #tpu.memory_space<vmem>>, vector<1x16xf32>,
        %add3A_671 = arith.addf %bitcast_convert_type3A_655, %bitcast_convert_type3A_663 : vector<16xf32>
        %swap3A_672 = arith.constant 2 : i32
        %swap3A_673 = arith.index_cast %swap3A_672 : i32 to index
        %swap3A_674 = arith.index_cast %add3A_548 : i32 to index
        %swap3A_675 = tpu.vector_load %arg17[%swap3A_673, %swap3A_674] {strides = array<i32>} : memref<8x768xf32, #tpu.memory_space<vmem>>, vector<1x16xf32>,
        %swap3A_676 = vector.shape_cast %swap3A_675 : vector<1x16xf32> to vector<16xf32>
        %swap3A_677 = vector.shape_cast %add3A_671 : vector<16xf32> to vector<1x16xf32>
        tpu.vector_store %arg17[%swap3A_673, %swap3A_674], %swap3A_677 {add = true, strides = array<i32>} : memref<8x768xf32, #tpu.memory_space<vmem>>, vector<1x16xf32>,
        %get3A_678 = arith.constant 3 : i32
        %get3A_679 = arith.index_cast %get3A_678 : i32 to index
        %get3A_680 = memref.load %arg13[%get3A_679] : memref<16xi32, #tpu.memory_space<smem>>
        %add3A_681 = arith.addi %get3A_680, %mul3A_538 : i32
        %get3A_682 = arith.index_cast %add3A_681 : i32 to index
        %get3A_683 = tpu.vector_load %arg9[%get3A_682] {strides = array<i32>} : memref<98304xi32, #tpu.memory_space<vmem>>, vector<16xi32>,
        %get3A_684 = vector.shape_cast %get3A_683 : vector<16xi32> to vector<16xi32>
        %get3A_685 = arith.constant 11 : i32
        %get3A_686 = arith.index_cast %get3A_685 : i32 to index
        %get3A_687 = memref.load %arg13[%get3A_686] : memref<16xi32, #tpu.memory_space<smem>>
        %add3A_688 = arith.addi %get3A_687, %mul3A_538 : i32
        %get3A_689 = arith.index_cast %add3A_688 : i32 to index
        %get3A_690 = tpu.vector_load %arg9[%get3A_689] {strides = array<i32>} : memref<98304xi32, #tpu.memory_space<vmem>>, vector<16xi32>,
        %get3A_691 = vector.shape_cast %get3A_690 : vector<16xi32> to vector<16xi32>
        %shift_left3A_692 = arith.constant 16 : i32
        %shift_left3A_693 = vector.broadcast %shift_left3A_692 : i32 to vector<16xi32>
        %shift_left3A_694 = arith.shli %get3A_684, %shift_left3A_693 : vector<16xi32>
        %bitcast_convert_type3A_695 = tpu.bitcast %shift_left3A_694 : vector<16xi32> -> vector<16xf32>
        %and3A_696 = arith.constant -65536 : i32
        %and3A_697 = vector.broadcast %and3A_696 : i32 to vector<16xi32>
        %and3A_698 = arith.andi %get3A_684, %and3A_697 : vector<16xi32>
        %bitcast_convert_type3A_699 = tpu.bitcast %and3A_698 : vector<16xi32> -> vector<16xf32>
        %shift_left3A_700 = arith.constant 16 : i32
        %shift_left3A_701 = vector.broadcast %shift_left3A_700 : i32 to vector<16xi32>
        %shift_left3A_702 = arith.shli %get3A_691, %shift_left3A_701 : vector<16xi32>
        %bitcast_convert_type3A_703 = tpu.bitcast %shift_left3A_702 : vector<16xi32> -> vector<16xf32>
        %and3A_704 = arith.constant -65536 : i32
        %and3A_705 = vector.broadcast %and3A_704 : i32 to vector<16xi32>
        %and3A_706 = arith.andi %get3A_691, %and3A_705 : vector<16xi32>
        %bitcast_convert_type3A_707 = tpu.bitcast %and3A_706 : vector<16xi32> -> vector<16xf32>
        %add3A_708 = arith.addf %bitcast_convert_type3A_695, %bitcast_convert_type3A_703 : vector<16xf32>
        %swap3A_709 = arith.constant 3 : i32
        %swap3A_710 = arith.index_cast %swap3A_709 : i32 to index
        %swap3A_711 = arith.index_cast %mul3A_542 : i32 to index
        %swap3A_712 = tpu.vector_load %arg17[%swap3A_710, %swap3A_711] {strides = array<i32>} : memref<8x768xf32, #tpu.memory_space<vmem>>, vector<1x16xf32>,
        %swap3A_713 = vector.shape_cast %swap3A_712 : vector<1x16xf32> to vector<16xf32>
        %swap3A_714 = vector.shape_cast %add3A_708 : vector<16xf32> to vector<1x16xf32>
        tpu.vector_store %arg17[%swap3A_710, %swap3A_711], %swap3A_714 {add = true, strides = array<i32>} : memref<8x768xf32, #tpu.memory_space<vmem>>, vector<1x16xf32>,
        %add3A_715 = arith.addf %bitcast_convert_type3A_699, %bitcast_convert_type3A_707 : vector<16xf32>
        %swap3A_716 = arith.constant 3 : i32
        %swap3A_717 = arith.index_cast %swap3A_716 : i32 to index
        %swap3A_718 = arith.index_cast %add3A_548 : i32 to index
        %swap3A_719 = tpu.vector_load %arg17[%swap3A_717, %swap3A_718] {strides = array<i32>} : memref<8x768xf32, #tpu.memory_space<vmem>>, vector<1x16xf32>,
        %swap3A_720 = vector.shape_cast %swap3A_719 : vector<1x16xf32> to vector<16xf32>
        %swap3A_721 = vector.shape_cast %add3A_715 : vector<16xf32> to vector<1x16xf32>
        tpu.vector_store %arg17[%swap3A_717, %swap3A_718], %swap3A_721 {add = true, strides = array<i32>} : memref<8x768xf32, #tpu.memory_space<vmem>>, vector<1x16xf32>,
        %get3A_722 = arith.constant 4 : i32
        %get3A_723 = arith.index_cast %get3A_722 : i32 to index
        %get3A_724 = memref.load %arg13[%get3A_723] : memref<16xi32, #tpu.memory_space<smem>>
        %add3A_725 = arith.addi %get3A_724, %mul3A_538 : i32
        %get3A_726 = arith.index_cast %add3A_725 : i32 to index
        %get3A_727 = tpu.vector_load %arg9[%get3A_726] {strides = array<i32>} : memref<98304xi32, #tpu.memory_space<vmem>>, vector<16xi32>,
        %get3A_728 = vector.shape_cast %get3A_727 : vector<16xi32> to vector<16xi32>
        %get3A_729 = arith.constant 12 : i32
        %get3A_730 = arith.index_cast %get3A_729 : i32 to index
        %get3A_731 = memref.load %arg13[%get3A_730] : memref<16xi32, #tpu.memory_space<smem>>
        %add3A_732 = arith.addi %get3A_731, %mul3A_538 : i32
        %get3A_733 = arith.index_cast %add3A_732 : i32 to index
        %get3A_734 = tpu.vector_load %arg9[%get3A_733] {strides = array<i32>} : memref<98304xi32, #tpu.memory_space<vmem>>, vector<16xi32>,
        %get3A_735 = vector.shape_cast %get3A_734 : vector<16xi32> to vector<16xi32>
        %shift_left3A_736 = arith.constant 16 : i32
        %shift_left3A_737 = vector.broadcast %shift_left3A_736 : i32 to vector<16xi32>
        %shift_left3A_738 = arith.shli %get3A_728, %shift_left3A_737 : vector<16xi32>
        %bitcast_convert_type3A_739 = tpu.bitcast %shift_left3A_738 : vector<16xi32> -> vector<16xf32>
        %and3A_740 = arith.constant -65536 : i32
        %and3A_741 = vector.broadcast %and3A_740 : i32 to vector<16xi32>
        %and3A_742 = arith.andi %get3A_728, %and3A_741 : vector<16xi32>
        %bitcast_convert_type3A_743 = tpu.bitcast %and3A_742 : vector<16xi32> -> vector<16xf32>
        %shift_left3A_744 = arith.constant 16 : i32
        %shift_left3A_745 = vector.broadcast %shift_left3A_744 : i32 to vector<16xi32>
        %shift_left3A_746 = arith.shli %get3A_735, %shift_left3A_745 : vector<16xi32>
        %bitcast_convert_type3A_747 = tpu.bitcast %shift_left3A_746 : vector<16xi32> -> vector<16xf32>
        %and3A_748 = arith.constant -65536 : i32
        %and3A_749 = vector.broadcast %and3A_748 : i32 to vector<16xi32>
        %and3A_750 = arith.andi %get3A_735, %and3A_749 : vector<16xi32>
        %bitcast_convert_type3A_751 = tpu.bitcast %and3A_750 : vector<16xi32> -> vector<16xf32>
        %add3A_752 = arith.addf %bitcast_convert_type3A_739, %bitcast_convert_type3A_747 : vector<16xf32>
        %swap3A_753 = arith.constant 4 : i32
        %swap3A_754 = arith.index_cast %swap3A_753 : i32 to index
        %swap3A_755 = arith.index_cast %mul3A_542 : i32 to index
        %swap3A_756 = tpu.vector_load %arg17[%swap3A_754, %swap3A_755] {strides = array<i32>} : memref<8x768xf32, #tpu.memory_space<vmem>>, vector<1x16xf32>,
        %swap3A_757 = vector.shape_cast %swap3A_756 : vector<1x16xf32> to vector<16xf32>
        %swap3A_758 = vector.shape_cast %add3A_752 : vector<16xf32> to vector<1x16xf32>
        tpu.vector_store %arg17[%swap3A_754, %swap3A_755], %swap3A_758 {add = true, strides = array<i32>} : memref<8x768xf32, #tpu.memory_space<vmem>>, vector<1x16xf32>,
        %add3A_759 = arith.addf %bitcast_convert_type3A_743, %bitcast_convert_type3A_751 : vector<16xf32>
        %swap3A_760 = arith.constant 4 : i32
        %swap3A_761 = arith.index_cast %swap3A_760 : i32 to index
        %swap3A_762 = arith.index_cast %add3A_548 : i32 to index
        %swap3A_763 = tpu.vector_load %arg17[%swap3A_761, %swap3A_762] {strides = array<i32>} : memref<8x768xf32, #tpu.memory_space<vmem>>, vector<1x16xf32>,
        %swap3A_764 = vector.shape_cast %swap3A_763 : vector<1x16xf32> to vector<16xf32>
        %swap3A_765 = vector.shape_cast %add3A_759 : vector<16xf32> to vector<1x16xf32>
        tpu.vector_store %arg17[%swap3A_761, %swap3A_762], %swap3A_765 {add = true, strides = array<i32>} : memref<8x768xf32, #tpu.memory_space<vmem>>, vector<1x16xf32>,
        %get3A_766 = arith.constant 5 : i32
        %get3A_767 = arith.index_cast %get3A_766 : i32 to index
        %get3A_768 = memref.load %arg13[%get3A_767] : memref<16xi32, #tpu.memory_space<smem>>
        %add3A_769 = arith.addi %get3A_768, %mul3A_538 : i32
        %get3A_770 = arith.index_cast %add3A_769 : i32 to index
        %get3A_771 = tpu.vector_load %arg9[%get3A_770] {strides = array<i32>} : memref<98304xi32, #tpu.memory_space<vmem>>, vector<16xi32>,
        %get3A_772 = vector.shape_cast %get3A_771 : vector<16xi32> to vector<16xi32>
        %get3A_773 = arith.constant 13 : i32
        %get3A_774 = arith.index_cast %get3A_773 : i32 to index
        %get3A_775 = memref.load %arg13[%get3A_774] : memref<16xi32, #tpu.memory_space<smem>>
        %add3A_776 = arith.addi %get3A_775, %mul3A_538 : i32
        %get3A_777 = arith.index_cast %add3A_776 : i32 to index
        %get3A_778 = tpu.vector_load %arg9[%get3A_777] {strides = array<i32>} : memref<98304xi32, #tpu.memory_space<vmem>>, vector<16xi32>,
        %get3A_779 = vector.shape_cast %get3A_778 : vector<16xi32> to vector<16xi32>
        %shift_left3A_780 = arith.constant 16 : i32
        %shift_left3A_781 = vector.broadcast %shift_left3A_780 : i32 to vector<16xi32>
        %shift_left3A_782 = arith.shli %get3A_772, %shift_left3A_781 : vector<16xi32>
        %bitcast_convert_type3A_783 = tpu.bitcast %shift_left3A_782 : vector<16xi32> -> vector<16xf32>
        %and3A_784 = arith.constant -65536 : i32
        %and3A_785 = vector.broadcast %and3A_784 : i32 to vector<16xi32>
        %and3A_786 = arith.andi %get3A_772, %and3A_785 : vector<16xi32>
        %bitcast_convert_type3A_787 = tpu.bitcast %and3A_786 : vector<16xi32> -> vector<16xf32>
        %shift_left3A_788 = arith.constant 16 : i32
        %shift_left3A_789 = vector.broadcast %shift_left3A_788 : i32 to vector<16xi32>
        %shift_left3A_790 = arith.shli %get3A_779, %shift_left3A_789 : vector<16xi32>
        %bitcast_convert_type3A_791 = tpu.bitcast %shift_left3A_790 : vector<16xi32> -> vector<16xf32>
        %and3A_792 = arith.constant -65536 : i32
        %and3A_793 = vector.broadcast %and3A_792 : i32 to vector<16xi32>
        %and3A_794 = arith.andi %get3A_779, %and3A_793 : vector<16xi32>
        %bitcast_convert_type3A_795 = tpu.bitcast %and3A_794 : vector<16xi32> -> vector<16xf32>
        %add3A_796 = arith.addf %bitcast_convert_type3A_783, %bitcast_convert_type3A_791 : vector<16xf32>
        %swap3A_797 = arith.constant 5 : i32
        %swap3A_798 = arith.index_cast %swap3A_797 : i32 to index
        %swap3A_799 = arith.index_cast %mul3A_542 : i32 to index
        %swap3A_800 = tpu.vector_load %arg17[%swap3A_798, %swap3A_799] {strides = array<i32>} : memref<8x768xf32, #tpu.memory_space<vmem>>, vector<1x16xf32>,
        %swap3A_801 = vector.shape_cast %swap3A_800 : vector<1x16xf32> to vector<16xf32>
        %swap3A_802 = vector.shape_cast %add3A_796 : vector<16xf32> to vector<1x16xf32>
        tpu.vector_store %arg17[%swap3A_798, %swap3A_799], %swap3A_802 {add = true, strides = array<i32>} : memref<8x768xf32, #tpu.memory_space<vmem>>, vector<1x16xf32>,
        %add3A_803 = arith.addf %bitcast_convert_type3A_787, %bitcast_convert_type3A_795 : vector<16xf32>
        %swap3A_804 = arith.constant 5 : i32
        %swap3A_805 = arith.index_cast %swap3A_804 : i32 to index
        %swap3A_806 = arith.index_cast %add3A_548 : i32 to index
        %swap3A_807 = tpu.vector_load %arg17[%swap3A_805, %swap3A_806] {strides = array<i32>} : memref<8x768xf32, #tpu.memory_space<vmem>>, vector<1x16xf32>,
        %swap3A_808 = vector.shape_cast %swap3A_807 : vector<1x16xf32> to vector<16xf32>
        %swap3A_809 = vector.shape_cast %add3A_803 : vector<16xf32> to vector<1x16xf32>
        tpu.vector_store %arg17[%swap3A_805, %swap3A_806], %swap3A_809 {add = true, strides = array<i32>} : memref<8x768xf32, #tpu.memory_space<vmem>>, vector<1x16xf32>,
        %get3A_810 = arith.constant 6 : i32
        %get3A_811 = arith.index_cast %get3A_810 : i32 to index
        %get3A_812 = memref.load %arg13[%get3A_811] : memref<16xi32, #tpu.memory_space<smem>>
        %add3A_813 = arith.addi %get3A_812, %mul3A_538 : i32
        %get3A_814 = arith.index_cast %add3A_813 : i32 to index
        %get3A_815 = tpu.vector_load %arg9[%get3A_814] {strides = array<i32>} : memref<98304xi32, #tpu.memory_space<vmem>>, vector<16xi32>,
        %get3A_816 = vector.shape_cast %get3A_815 : vector<16xi32> to vector<16xi32>
        %get3A_817 = arith.constant 14 : i32
        %get3A_818 = arith.index_cast %get3A_817 : i32 to index
        %get3A_819 = memref.load %arg13[%get3A_818] : memref<16xi32, #tpu.memory_space<smem>>
        %add3A_820 = arith.addi %get3A_819, %mul3A_538 : i32
        %get3A_821 = arith.index_cast %add3A_820 : i32 to index
        %get3A_822 = tpu.vector_load %arg9[%get3A_821] {strides = array<i32>} : memref<98304xi32, #tpu.memory_space<vmem>>, vector<16xi32>,
        %get3A_823 = vector.shape_cast %get3A_822 : vector<16xi32> to vector<16xi32>
        %shift_left3A_824 = arith.constant 16 : i32
        %shift_left3A_825 = vector.broadcast %shift_left3A_824 : i32 to vector<16xi32>
        %shift_left3A_826 = arith.shli %get3A_816, %shift_left3A_825 : vector<16xi32>
        %bitcast_convert_type3A_827 = tpu.bitcast %shift_left3A_826 : vector<16xi32> -> vector<16xf32>
        %and3A_828 = arith.constant -65536 : i32
        %and3A_829 = vector.broadcast %and3A_828 : i32 to vector<16xi32>
        %and3A_830 = arith.andi %get3A_816, %and3A_829 : vector<16xi32>
        %bitcast_convert_type3A_831 = tpu.bitcast %and3A_830 : vector<16xi32> -> vector<16xf32>
        %shift_left3A_832 = arith.constant 16 : i32
        %shift_left3A_833 = vector.broadcast %shift_left3A_832 : i32 to vector<16xi32>
        %shift_left3A_834 = arith.shli %get3A_823, %shift_left3A_833 : vector<16xi32>
        %bitcast_convert_type3A_835 = tpu.bitcast %shift_left3A_834 : vector<16xi32> -> vector<16xf32>
        %and3A_836 = arith.constant -65536 : i32
        %and3A_837 = vector.broadcast %and3A_836 : i32 to vector<16xi32>
        %and3A_838 = arith.andi %get3A_823, %and3A_837 : vector<16xi32>
        %bitcast_convert_type3A_839 = tpu.bitcast %and3A_838 : vector<16xi32> -> vector<16xf32>
        %add3A_840 = arith.addf %bitcast_convert_type3A_827, %bitcast_convert_type3A_835 : vector<16xf32>
        %swap3A_841 = arith.constant 6 : i32
        %swap3A_842 = arith.index_cast %swap3A_841 : i32 to index
        %swap3A_843 = arith.index_cast %mul3A_542 : i32 to index
        %swap3A_844 = tpu.vector_load %arg17[%swap3A_842, %swap3A_843] {strides = array<i32>} : memref<8x768xf32, #tpu.memory_space<vmem>>, vector<1x16xf32>,
        %swap3A_845 = vector.shape_cast %swap3A_844 : vector<1x16xf32> to vector<16xf32>
        %swap3A_846 = vector.shape_cast %add3A_840 : vector<16xf32> to vector<1x16xf32>
        tpu.vector_store %arg17[%swap3A_842, %swap3A_843], %swap3A_846 {add = true, strides = array<i32>} : memref<8x768xf32, #tpu.memory_space<vmem>>, vector<1x16xf32>,
        %add3A_847 = arith.addf %bitcast_convert_type3A_831, %bitcast_convert_type3A_839 : vector<16xf32>
        %swap3A_848 = arith.constant 6 : i32
        %swap3A_849 = arith.index_cast %swap3A_848 : i32 to index
        %swap3A_850 = arith.index_cast %add3A_548 : i32 to index
        %swap3A_851 = tpu.vector_load %arg17[%swap3A_849, %swap3A_850] {strides = array<i32>} : memref<8x768xf32, #tpu.memory_space<vmem>>, vector<1x16xf32>,
        %swap3A_852 = vector.shape_cast %swap3A_851 : vector<1x16xf32> to vector<16xf32>
        %swap3A_853 = vector.shape_cast %add3A_847 : vector<16xf32> to vector<1x16xf32>
        tpu.vector_store %arg17[%swap3A_849, %swap3A_850], %swap3A_853 {add = true, strides = array<i32>} : memref<8x768xf32, #tpu.memory_space<vmem>>, vector<1x16xf32>,
        %get3A_854 = arith.constant 7 : i32
        %get3A_855 = arith.index_cast %get3A_854 : i32 to index
        %get3A_856 = memref.load %arg13[%get3A_855] : memref<16xi32, #tpu.memory_space<smem>>
        %add3A_857 = arith.addi %get3A_856, %mul3A_538 : i32
        %get3A_858 = arith.index_cast %add3A_857 : i32 to index
        %get3A_859 = tpu.vector_load %arg9[%get3A_858] {strides = array<i32>} : memref<98304xi32, #tpu.memory_space<vmem>>, vector<16xi32>,
        %get3A_860 = vector.shape_cast %get3A_859 : vector<16xi32> to vector<16xi32>
        %get3A_861 = arith.constant 15 : i32
        %get3A_862 = arith.index_cast %get3A_861 : i32 to index
        %get3A_863 = memref.load %arg13[%get3A_862] : memref<16xi32, #tpu.memory_space<smem>>
        %add3A_864 = arith.addi %get3A_863, %mul3A_538 : i32
        %get3A_865 = arith.index_cast %add3A_864 : i32 to index
        %get3A_866 = tpu.vector_load %arg9[%get3A_865] {strides = array<i32>} : memref<98304xi32, #tpu.memory_space<vmem>>, vector<16xi32>,
        %get3A_867 = vector.shape_cast %get3A_866 : vector<16xi32> to vector<16xi32>
        %shift_left3A_868 = arith.constant 16 : i32
        %shift_left3A_869 = vector.broadcast %shift_left3A_868 : i32 to vector<16xi32>
        %shift_left3A_870 = arith.shli %get3A_860, %shift_left3A_869 : vector<16xi32>
        %bitcast_convert_type3A_871 = tpu.bitcast %shift_left3A_870 : vector<16xi32> -> vector<16xf32>
        %and3A_872 = arith.constant -65536 : i32
        %and3A_873 = vector.broadcast %and3A_872 : i32 to vector<16xi32>
        %and3A_874 = arith.andi %get3A_860, %and3A_873 : vector<16xi32>
        %bitcast_convert_type3A_875 = tpu.bitcast %and3A_874 : vector<16xi32> -> vector<16xf32>
        %shift_left3A_876 = arith.constant 16 : i32
        %shift_left3A_877 = vector.broadcast %shift_left3A_876 : i32 to vector<16xi32>
        %shift_left3A_878 = arith.shli %get3A_867, %shift_left3A_877 : vector<16xi32>
        %bitcast_convert_type3A_879 = tpu.bitcast %shift_left3A_878 : vector<16xi32> -> vector<16xf32>
        %and3A_880 = arith.constant -65536 : i32
        %and3A_881 = vector.broadcast %and3A_880 : i32 to vector<16xi32>
        %and3A_882 = arith.andi %get3A_867, %and3A_881 : vector<16xi32>
        %bitcast_convert_type3A_883 = tpu.bitcast %and3A_882 : vector<16xi32> -> vector<16xf32>
        %add3A_884 = arith.addf %bitcast_convert_type3A_871, %bitcast_convert_type3A_879 : vector<16xf32>
        %swap3A_885 = arith.constant 7 : i32
        %swap3A_886 = arith.index_cast %swap3A_885 : i32 to index
        %swap3A_887 = arith.index_cast %mul3A_542 : i32 to index
        %swap3A_888 = tpu.vector_load %arg17[%swap3A_886, %swap3A_887] {strides = array<i32>} : memref<8x768xf32, #tpu.memory_space<vmem>>, vector<1x16xf32>,
        %swap3A_889 = vector.shape_cast %swap3A_888 : vector<1x16xf32> to vector<16xf32>
        %swap3A_890 = vector.shape_cast %add3A_884 : vector<16xf32> to vector<1x16xf32>
        tpu.vector_store %arg17[%swap3A_886, %swap3A_887], %swap3A_890 {add = true, strides = array<i32>} : memref<8x768xf32, #tpu.memory_space<vmem>>, vector<1x16xf32>,
        %add3A_891 = arith.addf %bitcast_convert_type3A_875, %bitcast_convert_type3A_883 : vector<16xf32>
        %swap3A_892 = arith.constant 7 : i32
        %swap3A_893 = arith.index_cast %swap3A_892 : i32 to index
        %swap3A_894 = arith.index_cast %add3A_548 : i32 to index
        %swap3A_895 = tpu.vector_load %arg17[%swap3A_893, %swap3A_894] {strides = array<i32>} : memref<8x768xf32, #tpu.memory_space<vmem>>, vector<1x16xf32>,
        %swap3A_896 = vector.shape_cast %swap3A_895 : vector<1x16xf32> to vector<16xf32>
        %swap3A_897 = vector.shape_cast %add3A_891 : vector<16xf32> to vector<1x16xf32>
        tpu.vector_store %arg17[%swap3A_893, %swap3A_894], %swap3A_897 {add = true, strides = array<i32>} : memref<8x768xf32, #tpu.memory_space<vmem>>, vector<1x16xf32>,
        %mul3A_898 = arith.constant 2 : i32
        %mul3A_899 = arith.muli %scan3A_532, %mul3A_898 : i32
        %add3A_900 = arith.constant 1 : i32
        %add3A_901 = arith.addi %mul3A_899, %add3A_900 : i32
        %mul3A_902 = arith.constant 16 : i32
        %mul3A_903 = arith.muli %add3A_901, %mul3A_902 : i32
        %mul3A_904 = arith.constant 2 : i32
        %mul3A_905 = arith.muli %add3A_901, %mul3A_904 : i32
        %mul3A_906 = arith.constant 16 : i32
        %mul3A_907 = arith.muli %mul3A_905, %mul3A_906 : i32
        %mul3A_908 = arith.constant 2 : i32
        %mul3A_909 = arith.muli %add3A_901, %mul3A_908 : i32
        %mul3A_910 = arith.constant 16 : i32
        %mul3A_911 = arith.muli %mul3A_909, %mul3A_910 : i32
        %add3A_912 = arith.constant 16 : i32
        %add3A_913 = arith.addi %mul3A_911, %add3A_912 : i32
        %get3A_914 = arith.constant 0 : i32
        %get3A_915 = arith.index_cast %get3A_914 : i32 to index
        %get3A_916 = memref.load %arg13[%get3A_915] : memref<16xi32, #tpu.memory_space<smem>>
        %add3A_917 = arith.addi %get3A_916, %mul3A_903 : i32
        %get3A_918 = arith.index_cast %add3A_917 : i32 to index
        %get3A_919 = tpu.vector_load %arg9[%get3A_918] {strides = array<i32>} : memref<98304xi32, #tpu.memory_space<vmem>>, vector<16xi32>,
        %get3A_920 = vector.shape_cast %get3A_919 : vector<16xi32> to vector<16xi32>
        %get3A_921 = arith.constant 8 : i32
        %get3A_922 = arith.index_cast %get3A_921 : i32 to index
        %get3A_923 = memref.load %arg13[%get3A_922] : memref<16xi32, #tpu.memory_space<smem>>
        %add3A_924 = arith.addi %get3A_923, %mul3A_903 : i32
        %get3A_925 = arith.index_cast %add3A_924 : i32 to index
        %get3A_926 = tpu.vector_load %arg9[%get3A_925] {strides = array<i32>} : memref<98304xi32, #tpu.memory_space<vmem>>, vector<16xi32>,
        %get3A_927 = vector.shape_cast %get3A_926 : vector<16xi32> to vector<16xi32>
        %shift_left3A_928 = arith.constant 16 : i32
        %shift_left3A_929 = vector.broadcast %shift_left3A_928 : i32 to vector<16xi32>
        %shift_left3A_930 = arith.shli %get3A_920, %shift_left3A_929 : vector<16xi32>
        %bitcast_convert_type3A_931 = tpu.bitcast %shift_left3A_930 : vector<16xi32> -> vector<16xf32>
        %and3A_932 = arith.constant -65536 : i32
        %and3A_933 = vector.broadcast %and3A_932 : i32 to vector<16xi32>
        %and3A_934 = arith.andi %get3A_920, %and3A_933 : vector<16xi32>
        %bitcast_convert_type3A_935 = tpu.bitcast %and3A_934 : vector<16xi32> -> vector<16xf32>
        %shift_left3A_936 = arith.constant 16 : i32
        %shift_left3A_937 = vector.broadcast %shift_left3A_936 : i32 to vector<16xi32>
        %shift_left3A_938 = arith.shli %get3A_927, %shift_left3A_937 : vector<16xi32>
        %bitcast_convert_type3A_939 = tpu.bitcast %shift_left3A_938 : vector<16xi32> -> vector<16xf32>
        %and3A_940 = arith.constant -65536 : i32
        %and3A_941 = vector.broadcast %and3A_940 : i32 to vector<16xi32>
        %and3A_942 = arith.andi %get3A_927, %and3A_941 : vector<16xi32>
        %bitcast_convert_type3A_943 = tpu.bitcast %and3A_942 : vector<16xi32> -> vector<16xf32>
        %add3A_944 = arith.addf %bitcast_convert_type3A_931, %bitcast_convert_type3A_939 : vector<16xf32>
        %swap3A_945 = arith.constant 0 : i32
        %swap3A_946 = arith.index_cast %swap3A_945 : i32 to index
        %swap3A_947 = arith.index_cast %mul3A_907 : i32 to index
        %swap3A_948 = tpu.vector_load %arg17[%swap3A_946, %swap3A_947] {strides = array<i32>} : memref<8x768xf32, #tpu.memory_space<vmem>>, vector<1x16xf32>,
        %swap3A_949 = vector.shape_cast %swap3A_948 : vector<1x16xf32> to vector<16xf32>
        %swap3A_950 = vector.shape_cast %add3A_944 : vector<16xf32> to vector<1x16xf32>
        tpu.vector_store %arg17[%swap3A_946, %swap3A_947], %swap3A_950 {add = true, strides = array<i32>} : memref<8x768xf32, #tpu.memory_space<vmem>>, vector<1x16xf32>,
        %add3A_951 = arith.addf %bitcast_convert_type3A_935, %bitcast_convert_type3A_943 : vector<16xf32>
        %swap3A_952 = arith.constant 0 : i32
        %swap3A_953 = arith.index_cast %swap3A_952 : i32 to index
        %swap3A_954 = arith.index_cast %add3A_913 : i32 to index
        %swap3A_955 = tpu.vector_load %arg17[%swap3A_953, %swap3A_954] {strides = array<i32>} : memref<8x768xf32, #tpu.memory_space<vmem>>, vector<1x16xf32>,
        %swap3A_956 = vector.shape_cast %swap3A_955 : vector<1x16xf32> to vector<16xf32>
        %swap3A_957 = vector.shape_cast %add3A_951 : vector<16xf32> to vector<1x16xf32>
        tpu.vector_store %arg17[%swap3A_953, %swap3A_954], %swap3A_957 {add = true, strides = array<i32>} : memref<8x768xf32, #tpu.memory_space<vmem>>, vector<1x16xf32>,
        %get3A_958 = arith.constant 1 : i32
        %get3A_959 = arith.index_cast %get3A_958 : i32 to index
        %get3A_960 = memref.load %arg13[%get3A_959] : memref<16xi32, #tpu.memory_space<smem>>
        %add3A_961 = arith.addi %get3A_960, %mul3A_903 : i32
        %get3A_962 = arith.index_cast %add3A_961 : i32 to index
        %get3A_963 = tpu.vector_load %arg9[%get3A_962] {strides = array<i32>} : memref<98304xi32, #tpu.memory_space<vmem>>, vector<16xi32>,
        %get3A_964 = vector.shape_cast %get3A_963 : vector<16xi32> to vector<16xi32>
        %get3A_965 = arith.constant 9 : i32
        %get3A_966 = arith.index_cast %get3A_965 : i32 to index
        %get3A_967 = memref.load %arg13[%get3A_966] : memref<16xi32, #tpu.memory_space<smem>>
        %add3A_968 = arith.addi %get3A_967, %mul3A_903 : i32
        %get3A_969 = arith.index_cast %add3A_968 : i32 to index
        %get3A_970 = tpu.vector_load %arg9[%get3A_969] {strides = array<i32>} : memref<98304xi32, #tpu.memory_space<vmem>>, vector<16xi32>,
        %get3A_971 = vector.shape_cast %get3A_970 : vector<16xi32> to vector<16xi32>
        %shift_left3A_972 = arith.constant 16 : i32
        %shift_left3A_973 = vector.broadcast %shift_left3A_972 : i32 to vector<16xi32>
        %shift_left3A_974 = arith.shli %get3A_964, %shift_left3A_973 : vector<16xi32>
        %bitcast_convert_type3A_975 = tpu.bitcast %shift_left3A_974 : vector<16xi32> -> vector<16xf32>
        %and3A_976 = arith.constant -65536 : i32
        %and3A_977 = vector.broadcast %and3A_976 : i32 to vector<16xi32>
        %and3A_978 = arith.andi %get3A_964, %and3A_977 : vector<16xi32>
        %bitcast_convert_type3A_979 = tpu.bitcast %and3A_978 : vector<16xi32> -> vector<16xf32>
        %shift_left3A_980 = arith.constant 16 : i32
        %shift_left3A_981 = vector.broadcast %shift_left3A_980 : i32 to vector<16xi32>
        %shift_left3A_982 = arith.shli %get3A_971, %shift_left3A_981 : vector<16xi32>
        %bitcast_convert_type3A_983 = tpu.bitcast %shift_left3A_982 : vector<16xi32> -> vector<16xf32>
        %and3A_984 = arith.constant -65536 : i32
        %and3A_985 = vector.broadcast %and3A_984 : i32 to vector<16xi32>
        %and3A_986 = arith.andi %get3A_971, %and3A_985 : vector<16xi32>
        %bitcast_convert_type3A_987 = tpu.bitcast %and3A_986 : vector<16xi32> -> vector<16xf32>
        %add3A_988 = arith.addf %bitcast_convert_type3A_975, %bitcast_convert_type3A_983 : vector<16xf32>
        %swap3A_989 = arith.constant 1 : i32
        %swap3A_990 = arith.index_cast %swap3A_989 : i32 to index
        %swap3A_991 = arith.index_cast %mul3A_907 : i32 to index
        %swap3A_992 = tpu.vector_load %arg17[%swap3A_990, %swap3A_991] {strides = array<i32>} : memref<8x768xf32, #tpu.memory_space<vmem>>, vector<1x16xf32>,
        %swap3A_993 = vector.shape_cast %swap3A_992 : vector<1x16xf32> to vector<16xf32>
        %swap3A_994 = vector.shape_cast %add3A_988 : vector<16xf32> to vector<1x16xf32>
        tpu.vector_store %arg17[%swap3A_990, %swap3A_991], %swap3A_994 {add = true, strides = array<i32>} : memref<8x768xf32, #tpu.memory_space<vmem>>, vector<1x16xf32>,
        %add3A_995 = arith.addf %bitcast_convert_type3A_979, %bitcast_convert_type3A_987 : vector<16xf32>
        %swap3A_996 = arith.constant 1 : i32
        %swap3A_997 = arith.index_cast %swap3A_996 : i32 to index
        %swap3A_998 = arith.index_cast %add3A_913 : i32 to index
        %swap3A_999 = tpu.vector_load %arg17[%swap3A_997, %swap3A_998] {strides = array<i32>} : memref<8x768xf32, #tpu.memory_space<vmem>>, vector<1x16xf32>,
        %swap3A_1000 = vector.shape_cast %swap3A_999 : vector<1x16xf32> to vector<16xf32>
        %swap3A_1001 = vector.shape_cast %add3A_995 : vector<16xf32> to vector<1x16xf32>
        tpu.vector_store %arg17[%swap3A_997, %swap3A_998], %swap3A_1001 {add = true, strides = array<i32>} : memref<8x768xf32, #tpu.memory_space<vmem>>, vector<1x16xf32>,
        %get3A_1002 = arith.constant 2 : i32
        %get3A_1003 = arith.index_cast %get3A_1002 : i32 to index
        %get3A_1004 = memref.load %arg13[%get3A_1003] : memref<16xi32, #tpu.memory_space<smem>>
        %add3A_1005 = arith.addi %get3A_1004, %mul3A_903 : i32
        %get3A_1006 = arith.index_cast %add3A_1005 : i32 to index
        %get3A_1007 = tpu.vector_load %arg9[%get3A_1006] {strides = array<i32>} : memref<98304xi32, #tpu.memory_space<vmem>>, vector<16xi32>,
        %get3A_1008 = vector.shape_cast %get3A_1007 : vector<16xi32> to vector<16xi32>
        %get3A_1009 = arith.constant 10 : i32
        %get3A_1010 = arith.index_cast %get3A_1009 : i32 to index
        %get3A_1011 = memref.load %arg13[%get3A_1010] : memref<16xi32, #tpu.memory_space<smem>>
        %add3A_1012 = arith.addi %get3A_1011, %mul3A_903 : i32
        %get3A_1013 = arith.index_cast %add3A_1012 : i32 to index
        %get3A_1014 = tpu.vector_load %arg9[%get3A_1013] {strides = array<i32>} : memref<98304xi32, #tpu.memory_space<vmem>>, vector<16xi32>,
        %get3A_1015 = vector.shape_cast %get3A_1014 : vector<16xi32> to vector<16xi32>
        %shift_left3A_1016 = arith.constant 16 : i32
        %shift_left3A_1017 = vector.broadcast %shift_left3A_1016 : i32 to vector<16xi32>
        %shift_left3A_1018 = arith.shli %get3A_1008, %shift_left3A_1017 : vector<16xi32>
        %bitcast_convert_type3A_1019 = tpu.bitcast %shift_left3A_1018 : vector<16xi32> -> vector<16xf32>
        %and3A_1020 = arith.constant -65536 : i32
        %and3A_1021 = vector.broadcast %and3A_1020 : i32 to vector<16xi32>
        %and3A_1022 = arith.andi %get3A_1008, %and3A_1021 : vector<16xi32>
        %bitcast_convert_type3A_1023 = tpu.bitcast %and3A_1022 : vector<16xi32> -> vector<16xf32>
        %shift_left3A_1024 = arith.constant 16 : i32
        %shift_left3A_1025 = vector.broadcast %shift_left3A_1024 : i32 to vector<16xi32>
        %shift_left3A_1026 = arith.shli %get3A_1015, %shift_left3A_1025 : vector<16xi32>
        %bitcast_convert_type3A_1027 = tpu.bitcast %shift_left3A_1026 : vector<16xi32> -> vector<16xf32>
        %and3A_1028 = arith.constant -65536 : i32
        %and3A_1029 = vector.broadcast %and3A_1028 : i32 to vector<16xi32>
        %and3A_1030 = arith.andi %get3A_1015, %and3A_1029 : vector<16xi32>
        %bitcast_convert_type3A_1031 = tpu.bitcast %and3A_1030 : vector<16xi32> -> vector<16xf32>
        %add3A_1032 = arith.addf %bitcast_convert_type3A_1019, %bitcast_convert_type3A_1027 : vector<16xf32>
        %swap3A_1033 = arith.constant 2 : i32
        %swap3A_1034 = arith.index_cast %swap3A_1033 : i32 to index
        %swap3A_1035 = arith.index_cast %mul3A_907 : i32 to index
        %swap3A_1036 = tpu.vector_load %arg17[%swap3A_1034, %swap3A_1035] {strides = array<i32>} : memref<8x768xf32, #tpu.memory_space<vmem>>, vector<1x16xf32>,
        %swap3A_1037 = vector.shape_cast %swap3A_1036 : vector<1x16xf32> to vector<16xf32>
        %swap3A_1038 = vector.shape_cast %add3A_1032 : vector<16xf32> to vector<1x16xf32>
        tpu.vector_store %arg17[%swap3A_1034, %swap3A_1035], %swap3A_1038 {add = true, strides = array<i32>} : memref<8x768xf32, #tpu.memory_space<vmem>>, vector<1x16xf32>,
        %add3A_1039 = arith.addf %bitcast_convert_type3A_1023, %bitcast_convert_type3A_1031 : vector<16xf32>
        %swap3A_1040 = arith.constant 2 : i32
        %swap3A_1041 = arith.index_cast %swap3A_1040 : i32 to index
        %swap3A_1042 = arith.index_cast %add3A_913 : i32 to index
        %swap3A_1043 = tpu.vector_load %arg17[%swap3A_1041, %swap3A_1042] {strides = array<i32>} : memref<8x768xf32, #tpu.memory_space<vmem>>, vector<1x16xf32>,
        %swap3A_1044 = vector.shape_cast %swap3A_1043 : vector<1x16xf32> to vector<16xf32>
        %swap3A_1045 = vector.shape_cast %add3A_1039 : vector<16xf32> to vector<1x16xf32>
        tpu.vector_store %arg17[%swap3A_1041, %swap3A_1042], %swap3A_1045 {add = true, strides = array<i32>} : memref<8x768xf32, #tpu.memory_space<vmem>>, vector<1x16xf32>,
        %get3A_1046 = arith.constant 3 : i32
        %get3A_1047 = arith.index_cast %get3A_1046 : i32 to index
        %get3A_1048 = memref.load %arg13[%get3A_1047] : memref<16xi32, #tpu.memory_space<smem>>
        %add3A_1049 = arith.addi %get3A_1048, %mul3A_903 : i32
        %get3A_1050 = arith.index_cast %add3A_1049 : i32 to index
        %get3A_1051 = tpu.vector_load %arg9[%get3A_1050] {strides = array<i32>} : memref<98304xi32, #tpu.memory_space<vmem>>, vector<16xi32>,
        %get3A_1052 = vector.shape_cast %get3A_1051 : vector<16xi32> to vector<16xi32>
        %get3A_1053 = arith.constant 11 : i32
        %get3A_1054 = arith.index_cast %get3A_1053 : i32 to index
        %get3A_1055 = memref.load %arg13[%get3A_1054] : memref<16xi32, #tpu.memory_space<smem>>
        %add3A_1056 = arith.addi %get3A_1055, %mul3A_903 : i32
        %get3A_1057 = arith.index_cast %add3A_1056 : i32 to index
        %get3A_1058 = tpu.vector_load %arg9[%get3A_1057] {strides = array<i32>} : memref<98304xi32, #tpu.memory_space<vmem>>, vector<16xi32>,
        %get3A_1059 = vector.shape_cast %get3A_1058 : vector<16xi32> to vector<16xi32>
        %shift_left3A_1060 = arith.constant 16 : i32
        %shift_left3A_1061 = vector.broadcast %shift_left3A_1060 : i32 to vector<16xi32>
        %shift_left3A_1062 = arith.shli %get3A_1052, %shift_left3A_1061 : vector<16xi32>
        %bitcast_convert_type3A_1063 = tpu.bitcast %shift_left3A_1062 : vector<16xi32> -> vector<16xf32>
        %and3A_1064 = arith.constant -65536 : i32
        %and3A_1065 = vector.broadcast %and3A_1064 : i32 to vector<16xi32>
        %and3A_1066 = arith.andi %get3A_1052, %and3A_1065 : vector<16xi32>
        %bitcast_convert_type3A_1067 = tpu.bitcast %and3A_1066 : vector<16xi32> -> vector<16xf32>
        %shift_left3A_1068 = arith.constant 16 : i32
        %shift_left3A_1069 = vector.broadcast %shift_left3A_1068 : i32 to vector<16xi32>
        %shift_left3A_1070 = arith.shli %get3A_1059, %shift_left3A_1069 : vector<16xi32>
        %bitcast_convert_type3A_1071 = tpu.bitcast %shift_left3A_1070 : vector<16xi32> -> vector<16xf32>
        %and3A_1072 = arith.constant -65536 : i32
        %and3A_1073 = vector.broadcast %and3A_1072 : i32 to vector<16xi32>
        %and3A_1074 = arith.andi %get3A_1059, %and3A_1073 : vector<16xi32>
        %bitcast_convert_type3A_1075 = tpu.bitcast %and3A_1074 : vector<16xi32> -> vector<16xf32>
        %add3A_1076 = arith.addf %bitcast_convert_type3A_1063, %bitcast_convert_type3A_1071 : vector<16xf32>
        %swap3A_1077 = arith.constant 3 : i32
        %swap3A_1078 = arith.index_cast %swap3A_1077 : i32 to index
        %swap3A_1079 = arith.index_cast %mul3A_907 : i32 to index
        %swap3A_1080 = tpu.vector_load %arg17[%swap3A_1078, %swap3A_1079] {strides = array<i32>} : memref<8x768xf32, #tpu.memory_space<vmem>>, vector<1x16xf32>,
        %swap3A_1081 = vector.shape_cast %swap3A_1080 : vector<1x16xf32> to vector<16xf32>
        %swap3A_1082 = vector.shape_cast %add3A_1076 : vector<16xf32> to vector<1x16xf32>
        tpu.vector_store %arg17[%swap3A_1078, %swap3A_1079], %swap3A_1082 {add = true, strides = array<i32>} : memref<8x768xf32, #tpu.memory_space<vmem>>, vector<1x16xf32>,
        %add3A_1083 = arith.addf %bitcast_convert_type3A_1067, %bitcast_convert_type3A_1075 : vector<16xf32>
        %swap3A_1084 = arith.constant 3 : i32
        %swap3A_1085 = arith.index_cast %swap3A_1084 : i32 to index
        %swap3A_1086 = arith.index_cast %add3A_913 : i32 to index
        %swap3A_1087 = tpu.vector_load %arg17[%swap3A_1085, %swap3A_1086] {strides = array<i32>} : memref<8x768xf32, #tpu.memory_space<vmem>>, vector<1x16xf32>,
        %swap3A_1088 = vector.shape_cast %swap3A_1087 : vector<1x16xf32> to vector<16xf32>
        %swap3A_1089 = vector.shape_cast %add3A_1083 : vector<16xf32> to vector<1x16xf32>
        tpu.vector_store %arg17[%swap3A_1085, %swap3A_1086], %swap3A_1089 {add = true, strides = array<i32>} : memref<8x768xf32, #tpu.memory_space<vmem>>, vector<1x16xf32>,
        %get3A_1090 = arith.constant 4 : i32
        %get3A_1091 = arith.index_cast %get3A_1090 : i32 to index
        %get3A_1092 = memref.load %arg13[%get3A_1091] : memref<16xi32, #tpu.memory_space<smem>>
        %add3A_1093 = arith.addi %get3A_1092, %mul3A_903 : i32
        %get3A_1094 = arith.index_cast %add3A_1093 : i32 to index
        %get3A_1095 = tpu.vector_load %arg9[%get3A_1094] {strides = array<i32>} : memref<98304xi32, #tpu.memory_space<vmem>>, vector<16xi32>,
        %get3A_1096 = vector.shape_cast %get3A_1095 : vector<16xi32> to vector<16xi32>
        %get3A_1097 = arith.constant 12 : i32
        %get3A_1098 = arith.index_cast %get3A_1097 : i32 to index
        %get3A_1099 = memref.load %arg13[%get3A_1098] : memref<16xi32, #tpu.memory_space<smem>>
        %add3A_1100 = arith.addi %get3A_1099, %mul3A_903 : i32
        %get3A_1101 = arith.index_cast %add3A_1100 : i32 to index
        %get3A_1102 = tpu.vector_load %arg9[%get3A_1101] {strides = array<i32>} : memref<98304xi32, #tpu.memory_space<vmem>>, vector<16xi32>,
        %get3A_1103 = vector.shape_cast %get3A_1102 : vector<16xi32> to vector<16xi32>
        %shift_left3A_1104 = arith.constant 16 : i32
        %shift_left3A_1105 = vector.broadcast %shift_left3A_1104 : i32 to vector<16xi32>
        %shift_left3A_1106 = arith.shli %get3A_1096, %shift_left3A_1105 : vector<16xi32>
        %bitcast_convert_type3A_1107 = tpu.bitcast %shift_left3A_1106 : vector<16xi32> -> vector<16xf32>
        %and3A_1108 = arith.constant -65536 : i32
        %and3A_1109 = vector.broadcast %and3A_1108 : i32 to vector<16xi32>
        %and3A_1110 = arith.andi %get3A_1096, %and3A_1109 : vector<16xi32>
        %bitcast_convert_type3A_1111 = tpu.bitcast %and3A_1110 : vector<16xi32> -> vector<16xf32>
        %shift_left3A_1112 = arith.constant 16 : i32
        %shift_left3A_1113 = vector.broadcast %shift_left3A_1112 : i32 to vector<16xi32>
        %shift_left3A_1114 = arith.shli %get3A_1103, %shift_left3A_1113 : vector<16xi32>
        %bitcast_convert_type3A_1115 = tpu.bitcast %shift_left3A_1114 : vector<16xi32> -> vector<16xf32>
        %and3A_1116 = arith.constant -65536 : i32
        %and3A_1117 = vector.broadcast %and3A_1116 : i32 to vector<16xi32>
        %and3A_1118 = arith.andi %get3A_1103, %and3A_1117 : vector<16xi32>
        %bitcast_convert_type3A_1119 = tpu.bitcast %and3A_1118 : vector<16xi32> -> vector<16xf32>
        %add3A_1120 = arith.addf %bitcast_convert_type3A_1107, %bitcast_convert_type3A_1115 : vector<16xf32>
        %swap3A_1121 = arith.constant 4 : i32
        %swap3A_1122 = arith.index_cast %swap3A_1121 : i32 to index
        %swap3A_1123 = arith.index_cast %mul3A_907 : i32 to index
        %swap3A_1124 = tpu.vector_load %arg17[%swap3A_1122, %swap3A_1123] {strides = array<i32>} : memref<8x768xf32, #tpu.memory_space<vmem>>, vector<1x16xf32>,
        %swap3A_1125 = vector.shape_cast %swap3A_1124 : vector<1x16xf32> to vector<16xf32>
        %swap3A_1126 = vector.shape_cast %add3A_1120 : vector<16xf32> to vector<1x16xf32>
        tpu.vector_store %arg17[%swap3A_1122, %swap3A_1123], %swap3A_1126 {add = true, strides = array<i32>} : memref<8x768xf32, #tpu.memory_space<vmem>>, vector<1x16xf32>,
        %add3A_1127 = arith.addf %bitcast_convert_type3A_1111, %bitcast_convert_type3A_1119 : vector<16xf32>
        %swap3A_1128 = arith.constant 4 : i32
        %swap3A_1129 = arith.index_cast %swap3A_1128 : i32 to index
        %swap3A_1130 = arith.index_cast %add3A_913 : i32 to index
        %swap3A_1131 = tpu.vector_load %arg17[%swap3A_1129, %swap3A_1130] {strides = array<i32>} : memref<8x768xf32, #tpu.memory_space<vmem>>, vector<1x16xf32>,
        %swap3A_1132 = vector.shape_cast %swap3A_1131 : vector<1x16xf32> to vector<16xf32>
        %swap3A_1133 = vector.shape_cast %add3A_1127 : vector<16xf32> to vector<1x16xf32>
        tpu.vector_store %arg17[%swap3A_1129, %swap3A_1130], %swap3A_1133 {add = true, strides = array<i32>} : memref<8x768xf32, #tpu.memory_space<vmem>>, vector<1x16xf32>,
        %get3A_1134 = arith.constant 5 : i32
        %get3A_1135 = arith.index_cast %get3A_1134 : i32 to index
        %get3A_1136 = memref.load %arg13[%get3A_1135] : memref<16xi32, #tpu.memory_space<smem>>
        %add3A_1137 = arith.addi %get3A_1136, %mul3A_903 : i32
        %get3A_1138 = arith.index_cast %add3A_1137 : i32 to index
        %get3A_1139 = tpu.vector_load %arg9[%get3A_1138] {strides = array<i32>} : memref<98304xi32, #tpu.memory_space<vmem>>, vector<16xi32>,
        %get3A_1140 = vector.shape_cast %get3A_1139 : vector<16xi32> to vector<16xi32>
        %get3A_1141 = arith.constant 13 : i32
        %get3A_1142 = arith.index_cast %get3A_1141 : i32 to index
        %get3A_1143 = memref.load %arg13[%get3A_1142] : memref<16xi32, #tpu.memory_space<smem>>
        %add3A_1144 = arith.addi %get3A_1143, %mul3A_903 : i32
        %get3A_1145 = arith.index_cast %add3A_1144 : i32 to index
        %get3A_1146 = tpu.vector_load %arg9[%get3A_1145] {strides = array<i32>} : memref<98304xi32, #tpu.memory_space<vmem>>, vector<16xi32>,
        %get3A_1147 = vector.shape_cast %get3A_1146 : vector<16xi32> to vector<16xi32>
        %shift_left3A_1148 = arith.constant 16 : i32
        %shift_left3A_1149 = vector.broadcast %shift_left3A_1148 : i32 to vector<16xi32>
        %shift_left3A_1150 = arith.shli %get3A_1140, %shift_left3A_1149 : vector<16xi32>
        %bitcast_convert_type3A_1151 = tpu.bitcast %shift_left3A_1150 : vector<16xi32> -> vector<16xf32>
        %and3A_1152 = arith.constant -65536 : i32
        %and3A_1153 = vector.broadcast %and3A_1152 : i32 to vector<16xi32>
        %and3A_1154 = arith.andi %get3A_1140, %and3A_1153 : vector<16xi32>
        %bitcast_convert_type3A_1155 = tpu.bitcast %and3A_1154 : vector<16xi32> -> vector<16xf32>
        %shift_left3A_1156 = arith.constant 16 : i32
        %shift_left3A_1157 = vector.broadcast %shift_left3A_1156 : i32 to vector<16xi32>
        %shift_left3A_1158 = arith.shli %get3A_1147, %shift_left3A_1157 : vector<16xi32>
        %bitcast_convert_type3A_1159 = tpu.bitcast %shift_left3A_1158 : vector<16xi32> -> vector<16xf32>
        %and3A_1160 = arith.constant -65536 : i32
        %and3A_1161 = vector.broadcast %and3A_1160 : i32 to vector<16xi32>
        %and3A_1162 = arith.andi %get3A_1147, %and3A_1161 : vector<16xi32>
        %bitcast_convert_type3A_1163 = tpu.bitcast %and3A_1162 : vector<16xi32> -> vector<16xf32>
        %add3A_1164 = arith.addf %bitcast_convert_type3A_1151, %bitcast_convert_type3A_1159 : vector<16xf32>
        %swap3A_1165 = arith.constant 5 : i32
        %swap3A_1166 = arith.index_cast %swap3A_1165 : i32 to index
        %swap3A_1167 = arith.index_cast %mul3A_907 : i32 to index
        %swap3A_1168 = tpu.vector_load %arg17[%swap3A_1166, %swap3A_1167] {strides = array<i32>} : memref<8x768xf32, #tpu.memory_space<vmem>>, vector<1x16xf32>,
        %swap3A_1169 = vector.shape_cast %swap3A_1168 : vector<1x16xf32> to vector<16xf32>
        %swap3A_1170 = vector.shape_cast %add3A_1164 : vector<16xf32> to vector<1x16xf32>
        tpu.vector_store %arg17[%swap3A_1166, %swap3A_1167], %swap3A_1170 {add = true, strides = array<i32>} : memref<8x768xf32, #tpu.memory_space<vmem>>, vector<1x16xf32>,
        %add3A_1171 = arith.addf %bitcast_convert_type3A_1155, %bitcast_convert_type3A_1163 : vector<16xf32>
        %swap3A_1172 = arith.constant 5 : i32
        %swap3A_1173 = arith.index_cast %swap3A_1172 : i32 to index
        %swap3A_1174 = arith.index_cast %add3A_913 : i32 to index
        %swap3A_1175 = tpu.vector_load %arg17[%swap3A_1173, %swap3A_1174] {strides = array<i32>} : memref<8x768xf32, #tpu.memory_space<vmem>>, vector<1x16xf32>,
        %swap3A_1176 = vector.shape_cast %swap3A_1175 : vector<1x16xf32> to vector<16xf32>
        %swap3A_1177 = vector.shape_cast %add3A_1171 : vector<16xf32> to vector<1x16xf32>
        tpu.vector_store %arg17[%swap3A_1173, %swap3A_1174], %swap3A_1177 {add = true, strides = array<i32>} : memref<8x768xf32, #tpu.memory_space<vmem>>, vector<1x16xf32>,
        %get3A_1178 = arith.constant 6 : i32
        %get3A_1179 = arith.index_cast %get3A_1178 : i32 to index
        %get3A_1180 = memref.load %arg13[%get3A_1179] : memref<16xi32, #tpu.memory_space<smem>>
        %add3A_1181 = arith.addi %get3A_1180, %mul3A_903 : i32
        %get3A_1182 = arith.index_cast %add3A_1181 : i32 to index
        %get3A_1183 = tpu.vector_load %arg9[%get3A_1182] {strides = array<i32>} : memref<98304xi32, #tpu.memory_space<vmem>>, vector<16xi32>,
        %get3A_1184 = vector.shape_cast %get3A_1183 : vector<16xi32> to vector<16xi32>
        %get3A_1185 = arith.constant 14 : i32
        %get3A_1186 = arith.index_cast %get3A_1185 : i32 to index
        %get3A_1187 = memref.load %arg13[%get3A_1186] : memref<16xi32, #tpu.memory_space<smem>>
        %add3A_1188 = arith.addi %get3A_1187, %mul3A_903 : i32
        %get3A_1189 = arith.index_cast %add3A_1188 : i32 to index
        %get3A_1190 = tpu.vector_load %arg9[%get3A_1189] {strides = array<i32>} : memref<98304xi32, #tpu.memory_space<vmem>>, vector<16xi32>,
        %get3A_1191 = vector.shape_cast %get3A_1190 : vector<16xi32> to vector<16xi32>
        %shift_left3A_1192 = arith.constant 16 : i32
        %shift_left3A_1193 = vector.broadcast %shift_left3A_1192 : i32 to vector<16xi32>
        %shift_left3A_1194 = arith.shli %get3A_1184, %shift_left3A_1193 : vector<16xi32>
        %bitcast_convert_type3A_1195 = tpu.bitcast %shift_left3A_1194 : vector<16xi32> -> vector<16xf32>
        %and3A_1196 = arith.constant -65536 : i32
        %and3A_1197 = vector.broadcast %and3A_1196 : i32 to vector<16xi32>
        %and3A_1198 = arith.andi %get3A_1184, %and3A_1197 : vector<16xi32>
        %bitcast_convert_type3A_1199 = tpu.bitcast %and3A_1198 : vector<16xi32> -> vector<16xf32>
        %shift_left3A_1200 = arith.constant 16 : i32
        %shift_left3A_1201 = vector.broadcast %shift_left3A_1200 : i32 to vector<16xi32>
        %shift_left3A_1202 = arith.shli %get3A_1191, %shift_left3A_1201 : vector<16xi32>
        %bitcast_convert_type3A_1203 = tpu.bitcast %shift_left3A_1202 : vector<16xi32> -> vector<16xf32>
        %and3A_1204 = arith.constant -65536 : i32
        %and3A_1205 = vector.broadcast %and3A_1204 : i32 to vector<16xi32>
        %and3A_1206 = arith.andi %get3A_1191, %and3A_1205 : vector<16xi32>
        %bitcast_convert_type3A_1207 = tpu.bitcast %and3A_1206 : vector<16xi32> -> vector<16xf32>
        %add3A_1208 = arith.addf %bitcast_convert_type3A_1195, %bitcast_convert_type3A_1203 : vector<16xf32>
        %swap3A_1209 = arith.constant 6 : i32
        %swap3A_1210 = arith.index_cast %swap3A_1209 : i32 to index
        %swap3A_1211 = arith.index_cast %mul3A_907 : i32 to index
        %swap3A_1212 = tpu.vector_load %arg17[%swap3A_1210, %swap3A_1211] {strides = array<i32>} : memref<8x768xf32, #tpu.memory_space<vmem>>, vector<1x16xf32>,
        %swap3A_1213 = vector.shape_cast %swap3A_1212 : vector<1x16xf32> to vector<16xf32>
        %swap3A_1214 = vector.shape_cast %add3A_1208 : vector<16xf32> to vector<1x16xf32>
        tpu.vector_store %arg17[%swap3A_1210, %swap3A_1211], %swap3A_1214 {add = true, strides = array<i32>} : memref<8x768xf32, #tpu.memory_space<vmem>>, vector<1x16xf32>,
        %add3A_1215 = arith.addf %bitcast_convert_type3A_1199, %bitcast_convert_type3A_1207 : vector<16xf32>
        %swap3A_1216 = arith.constant 6 : i32
        %swap3A_1217 = arith.index_cast %swap3A_1216 : i32 to index
        %swap3A_1218 = arith.index_cast %add3A_913 : i32 to index
        %swap3A_1219 = tpu.vector_load %arg17[%swap3A_1217, %swap3A_1218] {strides = array<i32>} : memref<8x768xf32, #tpu.memory_space<vmem>>, vector<1x16xf32>,
        %swap3A_1220 = vector.shape_cast %swap3A_1219 : vector<1x16xf32> to vector<16xf32>
        %swap3A_1221 = vector.shape_cast %add3A_1215 : vector<16xf32> to vector<1x16xf32>
        tpu.vector_store %arg17[%swap3A_1217, %swap3A_1218], %swap3A_1221 {add = true, strides = array<i32>} : memref<8x768xf32, #tpu.memory_space<vmem>>, vector<1x16xf32>,
        %get3A_1222 = arith.constant 7 : i32
        %get3A_1223 = arith.index_cast %get3A_1222 : i32 to index
        %get3A_1224 = memref.load %arg13[%get3A_1223] : memref<16xi32, #tpu.memory_space<smem>>
        %add3A_1225 = arith.addi %get3A_1224, %mul3A_903 : i32
        %get3A_1226 = arith.index_cast %add3A_1225 : i32 to index
        %get3A_1227 = tpu.vector_load %arg9[%get3A_1226] {strides = array<i32>} : memref<98304xi32, #tpu.memory_space<vmem>>, vector<16xi32>,
        %get3A_1228 = vector.shape_cast %get3A_1227 : vector<16xi32> to vector<16xi32>
        %get3A_1229 = arith.constant 15 : i32
        %get3A_1230 = arith.index_cast %get3A_1229 : i32 to index
        %get3A_1231 = memref.load %arg13[%get3A_1230] : memref<16xi32, #tpu.memory_space<smem>>
        %add3A_1232 = arith.addi %get3A_1231, %mul3A_903 : i32
        %get3A_1233 = arith.index_cast %add3A_1232 : i32 to index
        %get3A_1234 = tpu.vector_load %arg9[%get3A_1233] {strides = array<i32>} : memref<98304xi32, #tpu.memory_space<vmem>>, vector<16xi32>,
        %get3A_1235 = vector.shape_cast %get3A_1234 : vector<16xi32> to vector<16xi32>
        %shift_left3A_1236 = arith.constant 16 : i32
        %shift_left3A_1237 = vector.broadcast %shift_left3A_1236 : i32 to vector<16xi32>
        %shift_left3A_1238 = arith.shli %get3A_1228, %shift_left3A_1237 : vector<16xi32>
        %bitcast_convert_type3A_1239 = tpu.bitcast %shift_left3A_1238 : vector<16xi32> -> vector<16xf32>
        %and3A_1240 = arith.constant -65536 : i32
        %and3A_1241 = vector.broadcast %and3A_1240 : i32 to vector<16xi32>
        %and3A_1242 = arith.andi %get3A_1228, %and3A_1241 : vector<16xi32>
        %bitcast_convert_type3A_1243 = tpu.bitcast %and3A_1242 : vector<16xi32> -> vector<16xf32>
        %shift_left3A_1244 = arith.constant 16 : i32
        %shift_left3A_1245 = vector.broadcast %shift_left3A_1244 : i32 to vector<16xi32>
        %shift_left3A_1246 = arith.shli %get3A_1235, %shift_left3A_1245 : vector<16xi32>
        %bitcast_convert_type3A_1247 = tpu.bitcast %shift_left3A_1246 : vector<16xi32> -> vector<16xf32>
        %and3A_1248 = arith.constant -65536 : i32
        %and3A_1249 = vector.broadcast %and3A_1248 : i32 to vector<16xi32>
        %and3A_1250 = arith.andi %get3A_1235, %and3A_1249 : vector<16xi32>
        %bitcast_convert_type3A_1251 = tpu.bitcast %and3A_1250 : vector<16xi32> -> vector<16xf32>
        %add3A_1252 = arith.addf %bitcast_convert_type3A_1239, %bitcast_convert_type3A_1247 : vector<16xf32>
        %swap3A_1253 = arith.constant 7 : i32
        %swap3A_1254 = arith.index_cast %swap3A_1253 : i32 to index
        %swap3A_1255 = arith.index_cast %mul3A_907 : i32 to index
        %swap3A_1256 = tpu.vector_load %arg17[%swap3A_1254, %swap3A_1255] {strides = array<i32>} : memref<8x768xf32, #tpu.memory_space<vmem>>, vector<1x16xf32>,
        %swap3A_1257 = vector.shape_cast %swap3A_1256 : vector<1x16xf32> to vector<16xf32>
        %swap3A_1258 = vector.shape_cast %add3A_1252 : vector<16xf32> to vector<1x16xf32>
        tpu.vector_store %arg17[%swap3A_1254, %swap3A_1255], %swap3A_1258 {add = true, strides = array<i32>} : memref<8x768xf32, #tpu.memory_space<vmem>>, vector<1x16xf32>,
        %add3A_1259 = arith.addf %bitcast_convert_type3A_1243, %bitcast_convert_type3A_1251 : vector<16xf32>
        %swap3A_1260 = arith.constant 7 : i32
        %swap3A_1261 = arith.index_cast %swap3A_1260 : i32 to index
        %swap3A_1262 = arith.index_cast %add3A_913 : i32 to index
        %swap3A_1263 = tpu.vector_load %arg17[%swap3A_1261, %swap3A_1262] {strides = array<i32>} : memref<8x768xf32, #tpu.memory_space<vmem>>, vector<1x16xf32>,
        %swap3A_1264 = vector.shape_cast %swap3A_1263 : vector<1x16xf32> to vector<16xf32>
        %swap3A_1265 = vector.shape_cast %add3A_1259 : vector<16xf32> to vector<1x16xf32>
        tpu.vector_store %arg17[%swap3A_1261, %swap3A_1262], %swap3A_1265 {add = true, strides = array<i32>} : memref<8x768xf32, #tpu.memory_space<vmem>>, vector<1x16xf32>,
      }
      %scan3A_527 = arith.constant 12 : i32
      %dma_start3A_528 = arith.constant 0 : i32
      %dma_start3A_529 = tpu.memref_slice %arg8[%add3A_421, %dma_start3A_528] : memref<32768x768xf32, #tpu.memory_space<hbm>> -> memref<8x768xf32, #tpu.memory_space<hbm>>
      %dma_start3A_530 = arith.constant 0 : i32
      %dma_start3A_531 = tpu.memref_slice %arg8[%add3A_421, %dma_start3A_530] : memref<32768x768xf32, #tpu.memory_space<hbm>> -> memref<8x768xf32, #tpu.memory_space<hbm>>
      tpu.enqueue_dma source(%arg17 : memref<8x768xf32, #tpu.memory_space<vmem>>) target(%dma_start3A_531 : memref<8x768xf32, #tpu.memory_space<hbm>>) target_semaphore(%arg25 : memref<!tpu.dma_semaphore, #tpu.memory_space<semaphore_mem>>)
    }
    %scan3A_27 = arith.constant 32 : i32
    %dma_wait3A = arith.constant 0 : i32
    %dma_wait3A_28 = tpu.memref_slice %arg8[%mul3A_2, %dma_wait3A] : memref<32768x768xf32, #tpu.memory_space<hbm>> -> memref<8x768xf32, #tpu.memory_space<hbm>>
    %dma_wait3A_29 = arith.constant 0 : i32
    %dma_wait3A_30 = tpu.memref_slice %arg8[%mul3A_2, %dma_wait3A_29] : memref<32768x768xf32, #tpu.memory_space<hbm>> -> memref<8x768xf32, #tpu.memory_space<hbm>>
    tpu.wait_dma2 semaphore(%arg22 : memref<!tpu.dma_semaphore, #tpu.memory_space<semaphore_mem>>) src(%arg14 : memref<8x768xf32, #tpu.memory_space<vmem>>) dst(%dma_wait3A_30 : memref<8x768xf32, #tpu.memory_space<hbm>>)
    %dma_wait3A_31 = arith.constant 0 : i32
    %dma_wait3A_32 = tpu.memref_slice %arg8[%mul3A_2, %dma_wait3A_31] : memref<32768x768xf32, #tpu.memory_space<hbm>> -> memref<8x768xf32, #tpu.memory_space<hbm>>
    %dma_wait3A_33 = arith.constant 0 : i32
    %dma_wait3A_34 = tpu.memref_slice %arg8[%mul3A_2, %dma_wait3A_33] : memref<32768x768xf32, #tpu.memory_space<hbm>> -> memref<8x768xf32, #tpu.memory_space<hbm>>
    tpu.wait_dma2 semaphore(%arg23 : memref<!tpu.dma_semaphore, #tpu.memory_space<semaphore_mem>>) src(%arg15 : memref<8x768xf32, #tpu.memory_space<vmem>>) dst(%dma_wait3A_34 : memref<8x768xf32, #tpu.memory_space<hbm>>)
    %dma_wait3A_35 = arith.constant 0 : i32
    %dma_wait3A_36 = tpu.memref_slice %arg8[%mul3A_2, %dma_wait3A_35] : memref<32768x768xf32, #tpu.memory_space<hbm>> -> memref<8x768xf32, #tpu.memory_space<hbm>>
    %dma_wait3A_37 = arith.constant 0 : i32
    %dma_wait3A_38 = tpu.memref_slice %arg8[%mul3A_2, %dma_wait3A_37] : memref<32768x768xf32, #tpu.memory_space<hbm>> -> memref<8x768xf32, #tpu.memory_space<hbm>>
    tpu.wait_dma2 semaphore(%arg24 : memref<!tpu.dma_semaphore, #tpu.memory_space<semaphore_mem>>) src(%arg16 : memref<8x768xf32, #tpu.memory_space<vmem>>) dst(%dma_wait3A_38 : memref<8x768xf32, #tpu.memory_space<hbm>>)
    %dma_wait3A_39 = arith.constant 0 : i32
    %dma_wait3A_40 = tpu.memref_slice %arg8[%mul3A_2, %dma_wait3A_39] : memref<32768x768xf32, #tpu.memory_space<hbm>> -> memref<8x768xf32, #tpu.memory_space<hbm>>
    %dma_wait3A_41 = arith.constant 0 : i32
    %dma_wait3A_42 = tpu.memref_slice %arg8[%mul3A_2, %dma_wait3A_41] : memref<32768x768xf32, #tpu.memory_space<hbm>> -> memref<8x768xf32, #tpu.memory_space<hbm>>
    tpu.wait_dma2 semaphore(%arg25 : memref<!tpu.dma_semaphore, #tpu.memory_space<semaphore_mem>>) src(%arg17 : memref<8x768xf32, #tpu.memory_space<vmem>>) dst(%dma_wait3A_42 : memref<8x768xf32, #tpu.memory_space<hbm>>)
    return
  }
}

</mosaic_0001>

<sc_bundles>
// kernel: kernel.3.cloned.1.call-start
scs
__scs_entry_jumppad:
0x0: {  	(pc) =	sbr.rel $0x88, $3  }
0x1: {  	(tag) =	ssettag $0x0;
	lr =	simm.s32 $0x1  }
0x2: {  	[smem:$0x3F9A] =	sst lr;
	_ =	strace $0xD0000000  }
0x3: {  	_ = 	snop  }
0x4: {  	_ = 	snop  }
0x5: {  	_ = 	snop  }
0x6: {  	_ = 	snop  }
0x7: {  	_ = 	snop  }
__scs_overlays_trampoline_lowered:
0x8: {  	[smem:$0x3FA9] =	sst s0  }
0x9: {  	[smem:$0x3FAA] =	sst s1  }
0xa: {  	[smem:$0x3FAB] =	sst s2  }
0xb: {  	[smem:$0x3FAC] =	sst s3  }
0xc: {  	[smem:$0x3FAD] =	sst s4  }
0xd: {  	[smem:$0x3FAE] =	sst s5  }
0xe: {  	[smem:$0x3FAF] =	sst s6  }
0xf: {  	[smem:$0x3FB0] =	sst s7  }
0x10: {  	[smem:$0x3FB1] =	sst s8  }
0x11: {  	[smem:$0x3FB2] =	sst s9;
	s0 =	simm.s32 @!p0 $0x0  }
0x12: {  	s1 =	sld [smem:$0x3F98];
	s0 =	simm.s32 @p0 $0x1  }
0x13: {  	[smem:$0x3FB3] =	sst s0;
	s0 =	simm.s32 @!p1 $0x0  }
0x14: {  	s2 =	sld [smem:$0x3F97];
	s0 =	simm.s32 @p1 $0x1  }
0x15: {  	[smem:$0x3FB4] =	sst s0;
	s0 =	simm.s32 @!p2 $0x0  }
0x16: {  	s3 =	sld [smem:$0x3FDB];
	s0 =	simm.s32 @p2 $0x1  }
0x17: {  	s4 =	simm.s32 $0x1BF5;
	[smem:$0x3FB6] =	sst s0  }
0x18: {  	s0 =	sld [smem:$0x3F99];
	_ =	swait.ge [sflag:s4], $0x0  }
0x19: {  	s7 =	sld [smem:$0x3F9A]  }
0x1a: {  	s8 =	sadd.s32 $0xFFFFE003, lr  }
0x1b: {  	s9 =	sadd.s32 $0xFFFFFEF7, lr;
	s5 =	simm.s32 $0xFFFFFFFF;
	p2 =	slt.u32 s8, $0xFFFFF086  }
0x1c: {  	p1 =	slt.u32 s9, $0xF7A;
	s5 =	simm.s32 @!p2 $0x0  }
0x1d: {  	s5 =	simm.s32 @p1 $0x1;
	p0 =	seq.s32 s7, s2  }
0x1e: {  	s7 =	smul.u32 @!p0 $0xF7A, s2;
	p2 =	seq.s32 @!p0 s5, $0x0  }
0x1f: {  	s9 =	smul.u32 $0xF7A, s1;
	s8 =	simm.s32 @!p0 $0x1BF5;
	p2 =	por !p2, p0  }
0x20: {  	[sflag:s8] =	ssyncset.s32 @!p0 $0xFFFFF086;
	s6 =	sadd.s32 @!p0 s3, s7;
	s7 =	simm.s32 @!p0 $0x108  }
0x21: {  	s3 =	sadd.s32 s3, s9;
	s6 =	sadd.s32 @!p0 $0x88, s6;
	s7 =	simm.s32 @p2 $0x1082  }
0x22: {  	[simem:s7], [sflag:s8] =	dma.local @!p0 [hbm:s6], $0xF7A  }
0x23: {  	s9 =	sor.u32 $0xD0000000, s2;
	s6 =	simm.s32 $0x108;
	_ =	swait.ge @!p0 [sflag:s8], $0x0  }
0x24: {  	s3 =	sadd.s32 $0x88, s3;
	s6 =	simm.s32 @!p1 $0x1082;
	[sflag:s4] =	ssyncset.s32 $0xFFFFF086  }
0x25: {  	[simem:s6], [sflag:s4] =	dma.local [hbm:s3], $0xF7A  }
0x26: {  	[smem:$0x3F9A] =	sst s1;
	(tag) =	ssettag s2;
	_ =	strace s9  }
0x27: {  	s1 =	sld [smem:$0x3FAA]  }
0x28: {  	s2 =	sld [smem:$0x3FAB]  }
0x29: {  	s4 =	sld [smem:$0x3FAD]  }
0x2a: {  	p0 =	seq.s32 s5, $0x0;
	s5 =	sld [smem:$0x3FAE]  }
0x2b: {  	s6 =	sld [smem:$0x3FAF]  }
0x2c: {  	s7 =	sld [smem:$0x3FB0]  }
0x2d: {  	s3 =	simm.s32 $0x108;
	s8 =	sld [smem:$0x3FB1]  }
0x2e: {  	s3 =	simm.s32 @!p0 $0x1082;
	s9 =	sld [smem:$0x3FB2]  }
0x2f: {  	lr =	sadd.s32 s0, s3;
	s0 =	sld [smem:$0x3FA9]  }
0x30: {  	s3 =	sld [smem:$0x3FAC]  }
0x31: {  	[smem:$0x3FB5] =	sst s10  }
0x32: {  	s10 =	sld [smem:$0x3FB3];
	_ =	sdelay $0x3  }
0x33: {  	p0 =	seq.s32 s10, $0x1;
	s10 =	sld [smem:$0x3FB5];
	_ =	sdelay $0x3  }
0x34: {  	[smem:$0x3FB5] =	sst s10  }
0x35: {  	s10 =	sld [smem:$0x3FB4];
	_ =	sdelay $0x3  }
0x36: {  	p1 =	seq.s32 s10, $0x1;
	s10 =	sld [smem:$0x3FB5];
	_ =	sdelay $0x3  }
0x37: {  	[smem:$0x3FB5] =	sst s10  }
0x38: {  	s10 =	sld [smem:$0x3FB6]  }
0x39: {  	_ = 	snop;
	(pc) =	sbr.ind lr, $3  }
0x3a: {  	_ = 	snop  }
0x3b: {  	_ = 	snop  }
0x3c: {  	p2 =	seq.s32 s10, $0x1;
	s10 =	sld [smem:$0x3FB5]  }
0x3d: {  	_ =	shalt  }
0x3e: {  	_ =	shalt  }
0x3f: {  	_ =	shalt  }
0x40: {  	_ =	shalt  }
0x41: {  	_ =	shalt  }
0x42: {  	_ =	shalt  }
0x43: {  	_ =	shalt  }
0x44: {  	_ =	shalt  }
0x45: {  	_ =	shalt  }
0x46: {  	_ =	shalt  }
0x47: {  	_ =	shalt  }
0x48: {  	_ =	shalt  }
0x49: {  	_ =	shalt  }
0x4a: {  	_ =	shalt  }
0x4b: {  	_ =	shalt  }
0x4c: {  	_ =	shalt  }
0x4d: {  	_ =	shalt  }
0x4e: {  	_ =	shalt  }
0x4f: {  	_ =	shalt  }
0x50: {  	_ =	shalt  }
0x51: {  	_ =	shalt  }
0x52: {  	_ =	shalt  }
0x53: {  	_ =	shalt  }
0x54: {  	_ =	shalt  }
0x55: {  	_ =	shalt  }
0x56: {  	_ =	shalt  }
0x57: {  	_ =	shalt  }
0x58: {  	_ =	shalt  }
0x59: {  	_ =	shalt  }
0x5a: {  	_ =	shalt  }
0x5b: {  	_ =	shalt  }
0x5c: {  	_ =	shalt  }
0x5d: {  	_ =	shalt  }
0x5e: {  	_ =	shalt  }
0x5f: {  	_ =	shalt  }
0x60: {  	_ =	shalt  }
0x61: {  	_ =	shalt  }
0x62: {  	_ =	shalt  }
0x63: {  	_ =	shalt  }
0x64: {  	_ =	shalt  }
0x65: {  	_ =	shalt  }
0x66: {  	_ =	shalt  }
0x67: {  	_ =	shalt  }
0x68: {  	_ =	shalt  }
0x69: {  	_ =	shalt  }
0x6a: {  	_ =	shalt  }
0x6b: {  	_ =	shalt  }
0x6c: {  	_ =	shalt  }
0x6d: {  	_ =	shalt  }
0x6e: {  	_ =	shalt  }
0x6f: {  	_ =	shalt  }
0x70: {  	_ =	shalt  }
0x71: {  	_ =	shalt  }
0x72: {  	_ =	shalt  }
0x73: {  	_ =	shalt  }
0x74: {  	_ =	shalt  }
0x75: {  	_ =	shalt  }
0x76: {  	_ =	shalt  }
0x77: {  	_ =	shalt  }
0x78: {  	_ =	shalt  }
0x79: {  	_ =	shalt  }
0x7a: {  	_ =	shalt  }
0x7b: {  	_ =	shalt  }
0x7c: {  	_ =	shalt  }
0x7d: {  	_ =	shalt  }
0x7e: {  	_ =	shalt  }
0x7f: {  	_ =	shalt  }
0x80: {  	_ =	shalt  }
0x81: {  	_ =	shalt  }
0x82: {  	_ =	shalt  }
0x83: {  	_ =	shalt  }
0x84: {  	_ =	shalt  }
0x85: {  	_ =	shalt  }
0x86: {  	_ =	shalt  }
0x87: {  	_ =	shalt  }
.Lfunc_end0:
.L_simem_size_0:
called_computation_lowered:
.L_overlay_start_0:
0x88: {  	s2 =	sld [smem:$0x3FD9]  }
0x89: {  	s3 =	sld [smem:$0x3FFE];
	_ =	sdelay $0x1  }
0x8a: {  	s1 =	srdreg.scid  }
0x8b: {  	s0 =	sand.u32 $0x1, s1  }
0x8c: {  	s17 =	sshll.u32 s0, $0xA;
	s2 =	sadd.s32 s3, s2  }
0x8d: {  	s2 =	sadd.s32 s2, s17  }
0x8e: {  	[smem:$0x3FC1] =	sst s2  }
0x8f: {  	_ = 	snop  }
0x90: {  	s2 =	sld [smem:$0x3FC9]  }
0x91: {  	s18 =	sld [smem:$0x3FD0];
	(tm) =	ssettm $0x1  }
0x92: {  	s4 =	sld [smem:$0x3FFB];
	_ =	sdelay $0x3  }
0x93: {  	_ =	strace s4  }
0x94: {  	s4 =	sld [smem:$0x3FFC];
	_ =	sdelay $0x3  }
0x95: {  	_ =	strace s4  }
0x96: {  	s4 =	sld [smem:$0x3FFD];
	_ =	sdelay $0x3  }
0x97: {  	_ =	strace s4  }
0x98: {  	_ =	strace $0x8FFFFFFF  }
0x99: {  	s19 =	sld [smem:$0x3FDB];
	_ =	sdelay $0x1  }
0x9a: {  	s5 =	simm.s32 $_scs_section_size  }
0x9b: {  	s6 =	simm.s32 $_size__tile_overlayer_lowered;
	s7 =	simm.s32 $_tile_overlayer_lowered  }
0x9c: {  	s22 =	simm.s32 $0x1BFF;
	s21 =	sshll.u32 s7, $0x1;
	s4 =	sadd.s32 s5, s19  }
0x9d: {  	s8 =	simm.s32 $0x0;
	s20 =	sshll.u32 s6, $0x1;
	s6 =	sadd.s32 s21, s4  }
0x9e: {  	[timem:s8], [sflag:s22] =	dma.local [hbm:s6], s20  }
0x9f: {  	_ =	swait.ge [sflag:s22], s20  }
0xa0: {  	s5 =	ssub.s32 $0x0, s20;
	[sflag:s22] =	ssyncset.done $0x0  }
0xa1: {  	[sflag:s22] =	ssyncadd.s32 s5;
	_ =	sdelay $0x1  }
0xa2: {  	s23 =	simm.s32 $0x1B8B  }
0xa3: {  	_ =	swait.ge [sflag:s23], $0x1  }
0xa4: {  	[sflag:s23] =	ssyncset.done $0x0  }
0xa5: {  	s25 =	simm.s32 $0x1B8E;
	s24 =	sld [smem:$0x3FFE];
	[sflag:s23] =	ssyncadd.s32 $0xFFFFFFFF  }
0xa6: {  	s26 =	simm.s32 $execute0_lowered;
	[smem:$0x3FD2] =	sst s25  }
0xa7: {  	s6 =	sshll.u32 s26, $0x1;
	_ =	strace $0x80000046;
	[dreg:$0x1] =	wrdreg $0xFFFFFFFF  }
0xa8: {  	s28 =	simm.s32 $_size_execute0_lowered;
	s4 =	sadd.s32 s4, s6;
	[dreg:$0x0] =	wrdreg $0x0  }
0xa9: {  	s6 =	sshll.u32 s28, $0x1;
	[dreg:$0x2] =	wrdreg s4  }
0xaa: {  	[dreg:$0x3] =	wrdreg s6  }
0xab: {  	[dreg:$0x4] =	wrdreg $0xC0  }
0xac: {  	_ =	task [dreg:s8], $0x5FFFF  }
0xad: {  	[dreg:$0x1] =	wrdreg $0xFFFFFFFF  }
0xae: {  	[dreg:$0x0] =	wrdreg $0x60  }
0xaf: {  	[dreg:$0x2] =	wrdreg s2  }
0xb0: {  	[dreg:$0x3] =	wrdreg s24  }
0xb1: {  	[dreg:$0x4] =	wrdreg s18  }
0xb2: {  	[dreg:$0x5] =	wrdreg $0x9  }
0xb3: {  	_ =	task.clear_ibuf [dreg:s8], $0x6FFFF;
	_ =	strace $0x90000046  }
0xb4: {  	s29 =	simm.s32 $0x9;
	_ =	strace $0x80000048  }
0xb5: {  	_ =	swait.ge [sflag:s29], $0x1  }
0xb6: {  	[sflag:s29] =	ssyncadd.s32 $0xFFFFFFFF  }
0xb7: {  	_ =	strace $0x90000048  }
0xb8: {  	_ =	sfence  }
0xb9: {  	s30 =	sld [smem:$0x0];
	_ =	sdelay $0x2  }
0xba: {  	s31 =	sshll.u32 s1, $0xD;
	s1 =	sshrl.u32 s1, $0x2  }
0xbb: {  	s3 =	sand.u32 $0x4000, s31;
	s1 =	sadd.s32 s1, s30  }
0xbc: {  	s0 =	sor.u32 s3, s0;
	s1 =	sshll.u32 s1, $0x11  }
0xbd: {  	s0 =	sor.u32 s1, s0  }
0xbe: {  	s0 =	sadd.s32 $0x8F2B, s0  }
0xbf: {  	[sflag:s0] =	ssyncadd.remote.s32 $0x1  }
0xc0: {  	_ =	sfence.sel $0xFFFF  }
0xc1: {  	[dreg:$0x0] =	wrdreg $0xFFFFFFFF;
	(pc) =	sbr.abs _section_cstart, $3  }
0xc2: {  	[dreg:$0x1] =	wrdreg $0xFFFFFFFF  }
0xc3: {  	_ =	task.clear_ibuf [dreg:s8], $0x2FFFF;
	_ =	strace $0x9FFFFFFF  }
0xc4: {  	(tm) =	ssettm $0x7FFFFFFF  }
0xc5: {  	_ =	shalt  }
tec
execute0_lowered:
.L_overlay_start_1:
0x0: {  	(tag) =	ssettag $0x1  }
0x1: {  	s4 =	rddreg [dreg:$0x0];
	s0 =	srdreg.scid  }
0x2: {  	s1 =	rddreg [dreg:$0x1];
	s2 =	stileid.u32;
	s0 =	sand.u32 $0x1, s0  }
0x3: {  	s5 =	simm.s32 $0x0;
	s2 =	sshll.u32 s2, $0xB;
	s3 =	sshll.u32 s0, $0xA  }
0x4: {  	[smem:$0x7FF] =	sst s5;
	s2 =	sor.u32 s3, s2  }
0x5: {  	[dreg:$0x4] =	wrdreg s2  }
0x6: {  	s0 =	ssub.s32 $0x2, s0;
	s18 =	sshrl.u32 s2, $0x3;
	_ =	strace $0x80000047  }
0x7: {  	s2 =	sadd.s32 s18, s1;
	s1 =	sadd.s32 $0x4400, s1;
	[dreg:$0x5] =	wrdreg s18  }
0x8: {  	s19 =	sshrl.u32 s0, $0x1;
	s24 =	sor.u32 $0x4, s18;
	[dreg:$0x6] =	wrdreg s1  }
0x9: {  	s0 =	ssub.s32 s0, s19;
	s25 =	sor.u32 $0x5, s18;
	[dreg:$0xd] =	wrdreg s24  }
0xa: {  	s0 =	smax.u32 s0, $0x1;
	[dreg:$0xe] =	wrdreg s25  }
0xb: {  	s6 =	sadd.s32 $0x1400, s2;
	[dreg:$0xf] =	wrdreg s0  }
0xc: {  	s20 =	smul.u32 $0x300, s18;
	s22 =	sadd.s32 $0x2400, s2;
	[dreg:$0x8] =	wrdreg s6  }
0xd: {  	s21 =	sadd.s32 $0x400, s2;
	s2 =	sadd.s32 $0x3400, s2;
	[dreg:$0x9] =	wrdreg s22  }
0xe: {  	[dreg:$0xa] =	wrdreg s2  }
0xf: {  	s23 =	sadd.s32 s4, s20;
	[dreg:$0x7] =	wrdreg s21  }
0x10: {  	s26 =	sadd.s32 $0x10, s21;
	[dreg:$0xb] =	wrdreg s23  }
0x11: {  	s29 =	sadd.s32 $0x20, s21;
	[dreg:$0x10] =	wrdreg s26  }
0x12: {  	s30 =	sadd.s32 $0x30, s21;
	[dreg:$0x11] =	wrdreg s29  }
0x13: {  	s31 =	sadd.s32 $0x40, s21;
	[dreg:$0x12] =	wrdreg s30  }
0x14: {  	s2 =	sadd.s32 $0x300, s23;
	[dreg:$0x13] =	wrdreg s31  }
0x15: {  	s28 =	simm.s32 $0x1C800;
	[dreg:$0xc] =	wrdreg s2;
	s2 =	simm.s32 $0x0  }
.LBB2_1:
0x16: {  	[dreg:$0x14] =	wrdreg s2  }
0x17: {  	s1 =	simm.s32 $0x0;
	s0 =	rddreg [dreg:$0x6];
	s3 =	simm.s32 $0x9  }
0x18: {  	[tilespmem:s1], [sflag:$0x9] =	stream.linear.gather [hbm4b:s0+s1], $0x18000, $0x38;
	[tilespmem:$0x1F800] =	vst v63  }
0x19: {  	_ =	swait.ge [sflag:s3], $0x18000  }
0x1a: {  	[sflag:s3] =	ssyncset.done $0x0  }
0x1b: {  	s18 =	simm.s32 $0x18000;
	s17 =	rddreg [dreg:$0x7];
	[sflag:s3] =	ssyncadd.s32 $0xFFFE8000  }
0x1c: {  	[tilespmem:s18], [sflag:$0x9] =	stream.linear.gather [hbm4b:s17+s1], $0x80, $0x38;
	[tilespmem:$0x1F800] =	vst v63  }
0x1d: {  	s4 =	simm.s32 $0x18200;
	s19 =	rddreg [dreg:$0x10]  }
0x1e: {  	[tilespmem:s4], [sflag:$0x9] =	stream.linear.gather [hbm4b:s19+s1], $0x80, $0x38;
	[tilespmem:$0x1F800] =	vst v63  }
0x1f: {  	s21 =	simm.s32 $0x18400;
	s20 =	rddreg [dreg:$0x11]  }
0x20: {  	[tilespmem:s21], [sflag:$0x9] =	stream.linear.gather [hbm4b:s20+s1], $0x80, $0x38;
	[tilespmem:$0x1F800] =	vst v63  }
0x21: {  	s23 =	simm.s32 $0x18600;
	s22 =	rddreg [dreg:$0x12]  }
0x22: {  	[tilespmem:s23], [sflag:$0x9] =	stream.linear.gather [hbm4b:s22+s1], $0x80, $0x38;
	[tilespmem:$0x1F800] =	vst v63  }
0x23: {  	s25 =	simm.s32 $0x18800;
	s24 =	rddreg [dreg:$0x13]  }
0x24: {  	[tilespmem:s25], [sflag:$0x9] =	stream.linear.gather [hbm4b:s24+s1], $0x80, $0x38;
	[tilespmem:$0x1F800] =	vst v63  }
0x25: {  	s29 =	simm.s32 $0x18A00;
	s26 =	sadd.s32 $0x50, s17  }
0x26: {  	[tilespmem:s29], [sflag:$0x9] =	stream.linear.gather [hbm4b:s26+s1], $0x80, $0x38;
	[tilespmem:$0x1F800] =	vst v63  }
0x27: {  	s31 =	simm.s32 $0x18C00;
	s30 =	sadd.s32 $0x60, s17  }
0x28: {  	[tilespmem:s31], [sflag:$0x9] =	stream.linear.gather [hbm4b:s30+s1], $0x80, $0x38;
	[tilespmem:$0x1F800] =	vst v63  }
0x29: {  	s5 =	simm.s32 $0x18E00;
	s4 =	sadd.s32 $0x70, s17  }
0x2a: {  	[tilespmem:s5], [sflag:$0x9] =	stream.linear.gather [hbm4b:s4+s1], $0x80, $0x38;
	[tilespmem:$0x1F800] =	vst v63  }
0x2b: {  	_ =	swait.ge [sflag:s3], $0x400  }
0x2c: {  	[sflag:s3] =	ssyncset.done $0x0  }
0x2d: {  	s7 =	simm.s32 $0x18080;
	s6 =	rddreg [dreg:$0x8];
	[sflag:s3] =	ssyncadd.s32 $0xFFFFFC00  }
0x2e: {  	[tilespmem:s7], [sflag:$0x9] =	stream.linear.gather [hbm4b:s6+s1], $0x80, $0x38;
	[tilespmem:$0x1F800] =	vst v63  }
0x2f: {  	s9 =	simm.s32 $0x18280;
	s8 =	sadd.s32 $0x10, s6  }
0x30: {  	[tilespmem:s9], [sflag:$0x9] =	stream.linear.gather [hbm4b:s8+s1], $0x80, $0x38;
	[tilespmem:$0x1F800] =	vst v63  }
0x31: {  	s11 =	simm.s32 $0x18480;
	s10 =	sadd.s32 $0x20, s6  }
0x32: {  	[tilespmem:s11], [sflag:$0x9] =	stream.linear.gather [hbm4b:s10+s1], $0x80, $0x38;
	[tilespmem:$0x1F800] =	vst v63  }
0x33: {  	s13 =	simm.s32 $0x18680;
	s12 =	sadd.s32 $0x30, s6  }
0x34: {  	[tilespmem:s13], [sflag:$0x9] =	stream.linear.gather [hbm4b:s12+s1], $0x80, $0x38;
	[tilespmem:$0x1F800] =	vst v63  }
0x35: {  	s15 =	simm.s32 $0x18880;
	s14 =	sadd.s32 $0x40, s6  }
0x36: {  	[tilespmem:s15], [sflag:$0x9] =	stream.linear.gather [hbm4b:s14+s1], $0x80, $0x38;
	[tilespmem:$0x1F800] =	vst v63  }
0x37: {  	s17 =	simm.s32 $0x18A80;
	s16 =	sadd.s32 $0x50, s6  }
0x38: {  	[tilespmem:s17], [sflag:$0x9] =	stream.linear.gather [hbm4b:s16+s1], $0x80, $0x38;
	[tilespmem:$0x1F800] =	vst v63  }
0x39: {  	s19 =	simm.s32 $0x18C80;
	s18 =	sadd.s32 $0x60, s6  }
0x3a: {  	[tilespmem:s19], [sflag:$0x9] =	stream.linear.gather [hbm4b:s18+s1], $0x80, $0x38;
	[tilespmem:$0x1F800] =	vst v63  }
0x3b: {  	s21 =	simm.s32 $0x18E80;
	s20 =	sadd.s32 $0x70, s6  }
0x3c: {  	[tilespmem:s21], [sflag:$0x9] =	stream.linear.gather [hbm4b:s20+s1], $0x80, $0x38;
	[tilespmem:$0x1F800] =	vst v63  }
0x3d: {  	_ =	swait.ge [sflag:s3], $0x400  }
0x3e: {  	[sflag:s3] =	ssyncset.done $0x0  }
0x3f: {  	s23 =	simm.s32 $0x18100;
	s22 =	rddreg [dreg:$0x9];
	[sflag:s3] =	ssyncadd.s32 $0xFFFFFC00  }
0x40: {  	[tilespmem:s23], [sflag:$0x9] =	stream.linear.gather [hbm4b:s22+s1], $0x80, $0x38;
	[tilespmem:$0x1F800] =	vst v63  }
0x41: {  	s25 =	simm.s32 $0x18300;
	s24 =	sadd.s32 $0x10, s22  }
0x42: {  	[tilespmem:s25], [sflag:$0x9] =	stream.linear.gather [hbm4b:s24+s1], $0x80, $0x38;
	[tilespmem:$0x1F800] =	vst v63  }
0x43: {  	s29 =	simm.s32 $0x18500;
	s26 =	sadd.s32 $0x20, s22  }
0x44: {  	[tilespmem:s29], [sflag:$0x9] =	stream.linear.gather [hbm4b:s26+s1], $0x80, $0x38;
	[tilespmem:$0x1F800] =	vst v63  }
0x45: {  	s31 =	simm.s32 $0x18700;
	s30 =	sadd.s32 $0x30, s22  }
0x46: {  	[tilespmem:s31], [sflag:$0x9] =	stream.linear.gather [hbm4b:s30+s1], $0x80, $0x38;
	[tilespmem:$0x1F800] =	vst v63  }
0x47: {  	s6 =	simm.s32 $0x18900;
	s5 =	sadd.s32 $0x40, s22  }
0x48: {  	[tilespmem:s6], [sflag:$0x9] =	stream.linear.gather [hbm4b:s5+s1], $0x80, $0x38;
	[tilespmem:$0x1F800] =	vst v63  }
0x49: {  	s8 =	simm.s32 $0x18B00;
	s7 =	sadd.s32 $0x50, s22  }
0x4a: {  	[tilespmem:s8], [sflag:$0x9] =	stream.linear.gather [hbm4b:s7+s1], $0x80, $0x38;
	[tilespmem:$0x1F800] =	vst v63  }
0x4b: {  	s10 =	simm.s32 $0x18D00;
	s9 =	sadd.s32 $0x60, s22  }
0x4c: {  	[tilespmem:s10], [sflag:$0x9] =	stream.linear.gather [hbm4b:s9+s1], $0x80, $0x38;
	[tilespmem:$0x1F800] =	vst v63  }
0x4d: {  	s12 =	simm.s32 $0x18F00;
	s11 =	sadd.s32 $0x70, s22  }
0x4e: {  	[tilespmem:s12], [sflag:$0x9] =	stream.linear.gather [hbm4b:s11+s1], $0x80, $0x38;
	[tilespmem:$0x1F800] =	vst v63  }
0x4f: {  	_ =	swait.ge [sflag:s3], $0x400  }
0x50: {  	[sflag:s3] =	ssyncset.done $0x0  }
0x51: {  	s14 =	simm.s32 $0x18180;
	s13 =	rddreg [dreg:$0xa];
	[sflag:s3] =	ssyncadd.s32 $0xFFFFFC00  }
0x52: {  	[tilespmem:s14], [sflag:$0x9] =	stream.linear.gather [hbm4b:s13+s1], $0x80, $0x38;
	[tilespmem:$0x1F800] =	vst v63  }
0x53: {  	s16 =	simm.s32 $0x18380;
	s15 =	sadd.s32 $0x10, s13  }
0x54: {  	[tilespmem:s16], [sflag:$0x9] =	stream.linear.gather [hbm4b:s15+s1], $0x80, $0x38;
	[tilespmem:$0x1F800] =	vst v63  }
0x55: {  	s18 =	simm.s32 $0x18580;
	s17 =	sadd.s32 $0x20, s13  }
0x56: {  	[tilespmem:s18], [sflag:$0x9] =	stream.linear.gather [hbm4b:s17+s1], $0x80, $0x38;
	[tilespmem:$0x1F800] =	vst v63  }
0x57: {  	s20 =	simm.s32 $0x18780;
	s19 =	sadd.s32 $0x30, s13  }
0x58: {  	[tilespmem:s20], [sflag:$0x9] =	stream.linear.gather [hbm4b:s19+s1], $0x80, $0x38;
	[tilespmem:$0x1F800] =	vst v63  }
0x59: {  	s22 =	simm.s32 $0x18980;
	s21 =	sadd.s32 $0x40, s13  }
0x5a: {  	[tilespmem:s22], [sflag:$0x9] =	stream.linear.gather [hbm4b:s21+s1], $0x80, $0x38;
	[tilespmem:$0x1F800] =	vst v63  }
0x5b: {  	s24 =	simm.s32 $0x18B80;
	s23 =	sadd.s32 $0x50, s13  }
0x5c: {  	[tilespmem:s24], [sflag:$0x9] =	stream.linear.gather [hbm4b:s23+s1], $0x80, $0x38;
	[tilespmem:$0x1F800] =	vst v63  }
0x5d: {  	s26 =	simm.s32 $0x18D80;
	s25 =	sadd.s32 $0x60, s13  }
0x5e: {  	[tilespmem:s26], [sflag:$0x9] =	stream.linear.gather [hbm4b:s25+s1], $0x80, $0x38;
	[tilespmem:$0x1F800] =	vst v63  }
0x5f: {  	s30 =	simm.s32 $0x18F80;
	s29 =	sadd.s32 $0x70, s13  }
0x60: {  	[tilespmem:s30], [sflag:$0x9] =	stream.linear.gather [hbm4b:s29+s1], $0x80, $0x38;
	[tilespmem:$0x1F800] =	vst v63  }
0x61: {  	_ =	swait.ge [sflag:s3], $0x400  }
0x62: {  	s31 =	sand.u32 $0x70, s1;
	s1 =	sand.u32 $0xE00, s1;
	[sflag:s3] =	ssyncset.done $0x0  }
0x63: {  	s0 =	sor.u32 s31, s1;
	[sflag:s3] =	ssyncadd.s32 $0xFFFFFC00  }
0x64: {  	v0 =	vld [tilespmem:s0+$0x18180]  }
0x65: {  	v1 =	vld [tilespmem:s0+$0x18100]  }
0x66: {  	v2 =	vld [tilespmem:s0+$0x18000]  }
0x67: {  	v3 =	vld [tilespmem:s0+$0x18080];
	_ =	sdelay $0x1  }
0x68: {  	v0 =	vmul.f32 $1.280000000e+02, v0  }
0x69: {  	v1 =	vmul.f32 $1.280000000e+02, v1  }
0x6a: {  	v2 =	vmul.f32 $1.280000000e+02, v2;
	v4 =	vadd.f32 $5.000000000e-01, v0  }
0x6b: {  	v5 =	vadd.f32 $5.000000000e-01, v1;
	v0 =	vmul.f32 $1.280000000e+02, v3  }
0x6c: {  	v2 =	vadd.f32 $5.000000000e-01, v2;
	v1 =	vtrunc.f32 v4  }
0x6d: {  	v3 =	vtrunc.f32 v5;
	v7 =	vadd.f32 $5.000000000e-01, v0;
	v6 =	vcvt.f32.s32 v1  }
0x6e: {  	v1 =	vtrunc.f32 v2;
	v3 =	vcvt.f32.s32 v3  }
0x6f: {  	v0 =	vcvt.f32.s32 v1;
	v1 =	vtrunc.f32 v7  }
0x70: {  	v8 =	vcvt.s32.f32 v6;
	v9 =	vcvt.s32.f32 v3  }
0x71: {  	v1 =	vcvt.f32.s32 v1;
	v10 =	vcvt.s32.f32 v0  }
0x72: {  	v4 =	vsub.f32 v4, v8;
	v5 =	vsub.f32 v5, v9  }
0x73: {  	v63 =	vcvt.s32.f32 v1;
	v2 =	vsub.f32 v2, v10  }
0x74: {  	v4 =	vmul.f32 $1.677721600e+07, v4;
	v5 =	vmul.f32 $1.677721600e+07, v5  }
0x75: {  	v7 =	vsub.f32 v7, v63;
	v2 =	vmul.f32 $1.677721600e+07, v2  }
0x76: {  	v4 =	vtrunc.f32 v4;
	v5 =	vtrunc.f32 v5  }
0x77: {  	v7 =	vmul.f32 $1.677721600e+07, v7;
	v4 =	vcvt.f32.s32 v4  }
0x78: {  	v2 =	vtrunc.f32 v2;
	v5 =	vcvt.f32.s32 v5  }
0x79: {  	v2 =	vcvt.f32.s32 v2;
	v7 =	vtrunc.f32 v7  }
0x7a: {  	vm0 =	vlt.s32 v4, $0x1;
	v7 =	vcvt.f32.s32 v7  }
0x7b: {  	vm1 =	vlt.s32 v5, $0x1;
	v4 =	vnsel vm0, $0x1, v4;
	vm14 =	vlt.s32 v2, $0x1  }
0x7c: {  	v5 =	vnsel vm1, $0x1, v5;
	v2 =	vnsel vm14, $0x1, v2;
	v4 =	vandn.u32 v6, v4  }
0x7d: {  	vm15 =	vlt.s32 v7, $0x1;
	v5 =	vandn.u32 v3, v5;
	v4 =	vand.u32 $0x1, v4  }
0x7e: {  	v7 =	vnsel vm15, $0x1, v7;
	v5 =	vand.u32 $0x1, v5;
	v2 =	vandn.u32 v0, v2  }
0x7f: {  	v6 =	vsub.s32 v6, v4;
	v4 =	vandn.u32 v1, v7;
	v5 =	vsub.s32 v3, v5  }
0x80: {  	s2 =	simm.s32 $0x0;
	s1 =	simm.s32 $0x10;
	s0 =	simm.s32 $0x0;
	v3 =	vand.u32 $0x1, v2;
	v4 =	vand.u32 $0x1, v4;
	v2 =	vadd.s32 v5, v6  }
.LBB2_2:
0x81: {  	p0 =	sne.s32 s1, $0x3F0  }
0x82: {  	v0 =	vsub.s32 v0, v3;
	v1 =	vsub.s32 v1, v4;
	v3 =	vshra.s32 v2, $0x1;
	s2 =	sadd.s32 $0x40, s2;
	s3 =	smov.u32 s1;
	s1 =	sadd.s32 $0x10, s1  }
0x83: {  	v0 =	vadd.s32 v0, v1;
	v1 =	vand.u32 v3, v2  }
0x84: {  	s3 =	sand.u32 $0x70, s3;
	s5 =	sand.u32 $0xE00, s2;
	v2 =	vshra.s32 v0, $0x1;
	v1 =	vand.u32 $0x1, v1  }
0x85: {  	s3 =	sor.u32 s3, s5;
	v0 =	vand.u32 v2, v0;
	v1 =	vadd.s32 v3, v1  }
0x86: {  	v0 =	vand.u32 $0x1, v0;
	vm0 =	vgt.s32 v1, $0x0  }
0x87: {  	v0 =	vadd.s32 v2, v0;
	v1 =	vnsel vm0, $0x0, v1  }
0x88: {  	vm0 =	vgt.s32 v0, $0x0;
	v1 =	vmin.u32 v1, $0x7F  }
0x89: {  	s5 =	sshra.s32 s0, $0x2;
	s0 =	smov.u32 s2;
	v0 =	vnsel vm0, $0x0, v0;
	v1 =	vor.u32 $0x80, v1  }
0x8a: {  	v0 =	vmin.u32 v0, $0x7F;
	[tilespmem:s5+$0x19400] =	vst v1  }
0x8b: {  	[tilespmem:s5+$0x19000] =	vst v0  }
0x8c: {  	v0 =	vld [tilespmem:s3+$0x18180]  }
0x8d: {  	v1 =	vld [tilespmem:s3+$0x18100]  }
0x8e: {  	v2 =	vld [tilespmem:s3+$0x18000];
	_ =	sdelay $0x1  }
0x8f: {  	v3 =	vld [tilespmem:s3+$0x18080]  }
0x90: {  	v0 =	vmul.f32 $1.280000000e+02, v0  }
0x91: {  	v1 =	vmul.f32 $1.280000000e+02, v1  }
0x92: {  	v2 =	vmul.f32 $1.280000000e+02, v2;
	v4 =	vadd.f32 $5.000000000e-01, v0  }
0x93: {  	v5 =	vadd.f32 $5.000000000e-01, v1  }
0x94: {  	v2 =	vadd.f32 $5.000000000e-01, v2;
	v0 =	vmul.f32 $1.280000000e+02, v3;
	v1 =	vtrunc.f32 v4  }
0x95: {  	v3 =	vtrunc.f32 v5;
	v6 =	vcvt.f32.s32 v1  }
0x96: {  	v1 =	vtrunc.f32 v2;
	v7 =	vadd.f32 $5.000000000e-01, v0;
	v3 =	vcvt.f32.s32 v3  }
0x97: {  	v0 =	vcvt.f32.s32 v1;
	v8 =	vcvt.s32.f32 v6  }
0x98: {  	v1 =	vtrunc.f32 v7;
	v9 =	vcvt.s32.f32 v3  }
0x99: {  	v10 =	vcvt.s32.f32 v0;
	v1 =	vcvt.f32.s32 v1;
	v4 =	vsub.f32 v4, v8  }
0x9a: {  	v5 =	vsub.f32 v5, v9  }
0x9b: {  	v2 =	vsub.f32 v2, v10;
	v8 =	vcvt.s32.f32 v1;
	v4 =	vmul.f32 $1.677721600e+07, v4  }
0x9c: {  	v5 =	vmul.f32 $1.677721600e+07, v5  }
0x9d: {  	v2 =	vmul.f32 $1.677721600e+07, v2;
	v7 =	vsub.f32 v7, v8;
	v4 =	vtrunc.f32 v4  }
0x9e: {  	v5 =	vtrunc.f32 v5;
	v4 =	vcvt.f32.s32 v4  }
0x9f: {  	v2 =	vtrunc.f32 v2;
	v7 =	vmul.f32 $1.677721600e+07, v7  }
0xa0: {  	v5 =	vcvt.f32.s32 v5;
	v2 =	vcvt.f32.s32 v2;
	vm0 =	vlt.s32 v4, $0x1  }
0xa1: {  	v7 =	vtrunc.f32 v7;
	v4 =	vnsel vm0, $0x1, v4  }
0xa2: {  	vm1 =	vlt.s32 v5, $0x1;
	vm0 =	vlt.s32 v2, $0x1;
	v7 =	vcvt.f32.s32 v7  }
.Ltmp0:
0xa3: {  	v5 =	vnsel vm1, $0x1, v5;
	v4 =	vandn.u32 v6, v4;
	v2 =	vnsel vm0, $0x1, v2;
	(pc) =	sbr.rel @p0 .LBB2_2-.Ltmp0, $4  }
0xa4: {  	v5 =	vandn.u32 v3, v5;
	v4 =	vand.u32 $0x1, v4;
	vm0 =	vlt.s32 v7, $0x1  }
0xa5: {  	v5 =	vand.u32 $0x1, v5;
	v6 =	vsub.s32 v6, v4;
	v7 =	vnsel vm0, $0x1, v7  }
0xa6: {  	v2 =	vandn.u32 v0, v2;
	v5 =	vsub.s32 v3, v5;
	v4 =	vandn.u32 v1, v7  }
0xa7: {  	v3 =	vand.u32 $0x1, v2;
	v2 =	vadd.s32 v5, v6;
	v4 =	vand.u32 $0x1, v4  }
0xa8: {  	v0 =	vsub.s32 v0, v3;
	v1 =	vsub.s32 v1, v4;
	v61 =	vshra.s32 v2, $0x1  }
0xa9: {  	v0 =	vadd.s32 v0, v1;
	v62 =	vand.u32 v61, v2  }
0xaa: {  	v63 =	vshra.s32 v0, $0x1;
	v1 =	vand.u32 $0x1, v62  }
0xab: {  	v0 =	vand.u32 v63, v0;
	v1 =	vadd.s32 v61, v1  }
0xac: {  	v0 =	vand.u32 $0x1, v0;
	vm0 =	vgt.s32 v1, $0x0  }
0xad: {  	v0 =	vadd.s32 v63, v0;
	v1 =	vnsel vm0, $0x0, v1  }
0xae: {  	vm15 =	vgt.s32 v0, $0x0;
	v1 =	vmin.u32 v1, $0x7F  }
0xaf: {  	s0 =	sshra.s32 s0, $0x2;
	v0 =	vnsel vm15, $0x0, v0;
	v1 =	vor.u32 $0x80, v1  }
0xb0: {  	v0 =	vmin.u32 v0, $0x7F;
	[tilespmem:s0+$0x19400] =	vst v1  }
0xb1: {  	s2 =	simm.s32 $0x0;
	s29 =	rddreg [dreg:$0xb];
	s1 =	simm.s32 $0x19800;
	[tilespmem:s0+$0x19000] =	vst v0  }
0xb2: {  	[tilespmem:s1], [sflag:$0x1] =	stream.linear.gather [hbm4b:s29+s2], $0x1800, $0x38;
	[tilespmem:$0x1F800] =	vst v63  }
0xb3: {  	s30 =	rddreg [dreg:$0xc];
	s31 =	simm.s32 $0x1B000;
	s19 =	simm.s32 $0x0  }
0xb4: {  	[tilespmem:s31], [sflag:$0x2] =	stream.linear.gather [hbm4b:s30+s2], $0x1800, $0x38;
	[tilespmem:$0x1F800] =	vst v63  }
.LBB2_4:
0xb5: {  	p0 =	seq.s32 s19, $0x0  }
0xb6: {  	s21 =	sshll.u32 s19, $0x2;
	s0 =	simm.s32 @!p0 $0x7  }
0xb7: {  	s1 =	rddreg [dreg:$0x5];
	s12 =	sor.u32 $0x2, s21;
	_ =	swait.ge @!p0 [sflag:s0], $0x1800  }
0xb8: {  	s1 =	sor.u32 s1, s12;
	[sflag:s0] =	ssyncset.done @!p0 $0x0  }
0xb9: {  	s23 =	smul.u32 $0x300, s1;
	[sflag:s0] =	ssyncadd.s32 @!p0 $0xFFFFE800  }
0xba: {  	s0 =	rddreg [dreg:$0x0]  }
0xbb: {  	s4 =	simm.s32 $0x0;
	s10 =	simm.s32 $0x1;
	s0 =	sadd.s32 s0, s23  }
0xbc: {  	[tilespmem:s28], [sflag:$0x3] =	stream.linear.gather [hbm4b:s0+s4], $0x1800, $0x38;
	[tilespmem:$0x1F800] =	vst v63  }
0xbd: {  	_ =	swait.ge [sflag:s10], $0x1800  }
0xbe: {  	[sflag:s10] =	ssyncset.done $0x0  }
0xbf: {  	s30 =	sshll.u32 s19, $0x5;
	[sflag:s10] =	ssyncadd.s32 $0xFFFFE800  }
0xc0: {  	v0 =	vld [tilespmem:s30+$0x19000]  }
0xc1: {  	v1 =	vld [tilespmem:s30+$0x19400];
	_ =	sdelay $0x3  }
0xc2: {  	v0 =	vmul.u32 $0x180, v0  }
0xc3: {  	v2 =	vmul.u32 $0x180, v1  }
0xc4: {  	(v2sf) =	vpush v0, $0x0  }
0xc5: {  	(v2sf) =	vpush v2, $0x0;
	_ =	sdelay $0x2  }
0xc6: {  	(v2sf) =	vpush v0, $0x1  }
0xc7: {  	(v2sf) =	vpush v2, $0x1  }
0xc8: {  	(v2sf) =	vpush v0, $0x2  }
0xc9: {  	(v2sf) =	vpush v2, $0x2  }
0xca: {  	(v2sf) =	vpush v0, $0x3  }
0xcb: {  	(v2sf) =	vpush v2, $0x3  }
0xcc: {  	(v2sf) =	vpush v0, $0x4  }
0xcd: {  	(v2sf) =	vpush v2, $0x4  }
0xce: {  	(v2sf) =	vpush v0, $0x5  }
0xcf: {  	(v2sf) =	vpush v2, $0x5  }
0xd0: {  	(v2sf) =	vpush v0, $0x6  }
0xd1: {  	s11 =	spop (v2sf);
	(v2sf) =	vpush v2, $0x6  }
0xd2: {  	s13 =	spop (v2sf);
	(v2sf) =	vpush v0, $0x7;
	_ =	sdelay $0x1  }
0xd3: {  	[smem:$0x0] =	sst s11;
	s0 =	sshll.u32 s11, $0x2  }
0xd4: {  	s2 =	spop (v2sf);
	[smem:$0x8] =	sst s13;
	s1 =	sshll.u32 s13, $0x2  }
0xd5: {  	s0 =	sshra.s32 s0, $0x2;
	s3 =	spop (v2sf);
	[smem:$0x1] =	sst s2  }
0xd6: {  	s1 =	sshra.s32 s1, $0x2;
	s0 =	sor.u32 $0x10, s0;
	s5 =	spop (v2sf)  }
0xd7: {  	[smem:$0x9] =	sst s3;
	s1 =	sor.u32 $0x10, s1;
	v0 =	vmov s0;
	s6 =	spop (v2sf)  }
0xd8: {  	[smem:$0x2] =	sst s5;
	v1 =	vmov s1;
	s14 =	spop (v2sf)  }
0xd9: {  	[smem:$0xA] =	sst s6;
	s15 =	spop (v2sf)  }
0xda: {  	[smem:$0x3] =	sst s14;
	s16 =	spop (v2sf)  }
0xdb: {  	s2 =	simm.s32 $0x0;
	[smem:$0xB] =	sst s15;
	s17 =	spop (v2sf)  }
0xdc: {  	[smem:$0x4] =	sst s16;
	v3 =	vld.idx.msk [tilespmem:v0+s2+$0xFFFFFFF0 ss:$0x1], $0xffff;
	s18 =	spop (v2sf)  }
0xdd: {  	[smem:$0xC] =	sst s17;
	v4 =	vld.idx.msk [tilespmem:v1+s2+$0xFFFFFFF0 ss:$0x1], $0xffff;
	s20 =	spop (v2sf)  }
0xde: {  	s1 =	sld [smem:$0x1];
	s22 =	spop (v2sf)  }
0xdf: {  	[smem:$0x5] =	sst s18;
	s10 =	spop (v2sf)  }
0xe0: {  	[smem:$0x6] =	sst s22;
	s24 =	spop (v2sf)  }
0xe1: {  	s5 =	simm.s32 $0x0;
	[smem:$0x7] =	sst s24  }
0xe2: {  	s7 =	simm.s32 $0x0;
	s25 =	sand.u32 $0x1C00, s5;
	v5 =	vshll.u32 v3, $0x10;
	v6 =	vshll.u32 v4, $0x10;
	s3 =	sld [smem:$0x9]  }
0xe3: {  	s8 =	sand.u32 $0x40, s7;
	s0 =	sadd.s32 $0x19800, s25;
	v3 =	vand.u32 $0xFFFF0000, v3;
	v4 =	vand.u32 $0xFFFF0000, v4;
	v5 =	vadd.f32 v6, v5  }
0xe4: {  	s9 =	sor.u32 s8, s0;
	s1 =	sshll.u32 s1, $0x2;
	v3 =	vadd.f32 v4, v3  }
0xe5: {  	s8 =	sor.u32 $0x10, s9;
	s1 =	sadd.s32 $0x0, s1;
	[tilespmem:s9+$0x0] =	vst.add.f32.msk $0xffff, v5;
	s3 =	sshll.u32 s3, $0x2  }
0xe6: {  	s1 =	sshra.s32 s1, $0x2;
	[tilespmem:s8+$0x0] =	vst.add.f32.msk $0xffff, v3;
	s3 =	sadd.s32 $0x0, s3  }
0xe7: {  	v3 =	vld [tilespmem:s1+$0x0];
	s3 =	sshra.s32 s3, $0x2  }
0xe8: {  	v4 =	vld [tilespmem:s3+$0x0];
	_ =	sdelay $0x2  }
0xe9: {  	[smem:$0xD] =	sst s20  }
0xea: {  	s26 =	sld [smem:$0x2]  }
0xeb: {  	s28 =	sld [smem:$0xA];
	v5 =	vshll.u32 v3, $0x10;
	v6 =	vshll.u32 v4, $0x10  }
0xec: {  	v3 =	vand.u32 $0xFFFF0000, v3;
	v4 =	vand.u32 $0xFFFF0000, v4;
	v5 =	vadd.f32 v6, v5  }
0xed: {  	s11 =	sor.u32 $0x80, s9;
	s6 =	sshll.u32 s26, $0x2;
	v3 =	vadd.f32 v4, v3  }
0xee: {  	s29 =	sor.u32 $0x90, s9;
	s6 =	sadd.s32 $0x0, s6;
	s13 =	sshll.u32 s28, $0x2;
	[tilespmem:s11+$0x0] =	vst.add.f32.msk $0xffff, v5  }
0xef: {  	s8 =	sshra.s32 s6, $0x2;
	s14 =	sadd.s32 $0x0, s13;
	[tilespmem:s29+$0x0] =	vst.add.f32.msk $0xffff, v3  }
0xf0: {  	(v2sf) =	vpush v2, $0x7;
	s13 =	sshra.s32 s14, $0x2;
	v2 =	vld [tilespmem:s8+$0x0]  }
0xf1: {  	v3 =	vld [tilespmem:s13+$0x0];
	_ =	sdelay $0x2  }
0xf2: {  	s15 =	sld [smem:$0x3]  }
0xf3: {  	[smem:$0xE] =	sst s10  }
0xf4: {  	s10 =	sld [smem:$0xB];
	v4 =	vshll.u32 v2, $0x10;
	v5 =	vshll.u32 v3, $0x10  }
0xf5: {  	v3 =	vand.u32 $0xFFFF0000, v3;
	v2 =	vand.u32 $0xFFFF0000, v2;
	v4 =	vadd.f32 v5, v4  }
0xf6: {  	s16 =	sor.u32 $0x100, s9;
	s6 =	sshll.u32 s15, $0x2;
	v2 =	vadd.f32 v3, v2  }
0xf7: {  	s17 =	sor.u32 $0x110, s9;
	s6 =	sadd.s32 $0x0, s6;
	s10 =	sshll.u32 s10, $0x2;
	[tilespmem:s16+$0x0] =	vst.add.f32.msk $0xffff, v4  }
0xf8: {  	s18 =	sadd.s32 $0x0, s10;
	s14 =	sshra.s32 s6, $0x2;
	[tilespmem:s17+$0x0] =	vst.add.f32.msk $0xffff, v2  }
0xf9: {  	s15 =	sshra.s32 s18, $0x2;
	v2 =	vld [tilespmem:s14+$0x0]  }
0xfa: {  	v3 =	vld [tilespmem:s15+$0x0];
	_ =	sdelay $0x2  }
0xfb: {  	s20 =	sld [smem:$0x4];
	s6 =	spop (v2sf)  }
0xfc: {  	[smem:$0xF] =	sst s6  }
0xfd: {  	s22 =	sld [smem:$0xC];
	v4 =	vshll.u32 v2, $0x10;
	v5 =	vshll.u32 v3, $0x10  }
0xfe: {  	v3 =	vand.u32 $0xFFFF0000, v3;
	v2 =	vand.u32 $0xFFFF0000, v2;
	v4 =	vadd.f32 v5, v4  }
0xff: {  	s10 =	sshll.u32 s20, $0x2;
	s16 =	sor.u32 $0x180, s9;
	v2 =	vadd.f32 v3, v2  }
0x100: {  	s10 =	sadd.s32 $0x0, s10;
	s11 =	sshll.u32 s22, $0x2;
	s9 =	sor.u32 $0x190, s9;
	[tilespmem:s16+$0x0] =	vst.add.f32.msk $0xffff, v4  }
0x101: {  	s24 =	sadd.s32 $0x0, s11;
	s16 =	sshra.s32 s10, $0x2;
	[tilespmem:s9+$0x0] =	vst.add.f32.msk $0xffff, v2  }
0x102: {  	s17 =	sshra.s32 s24, $0x2;
	v2 =	vld [tilespmem:s16+$0x0]  }
0x103: {  	v3 =	vld [tilespmem:s17+$0x0];
	_ =	sdelay $0x1  }
0x104: {  	p1 =	por $0x0, $0x0;
	s9 =	simm.s32 $0x1  }
0x105: {  	s9 =	simm.s32 @!p1 $0x0  }
0x106: {  	s25 =	sld [smem:$0x5];
	s9 =	sshll.u32 s9, $0x6  }
0x107: {  	s26 =	sld [smem:$0xD];
	s9 =	sadd.s32 $0x30, s9;
	v4 =	vshll.u32 v2, $0x10;
	v5 =	vshll.u32 v3, $0x10  }
0x108: {  	s22 =	sadd.s32 $0xFFFFFFD0, s9;
	v3 =	vand.u32 $0xFFFF0000, v3;
	v2 =	vand.u32 $0xFFFF0000, v2;
	v4 =	vadd.f32 v5, v4  }
0x109: {  	s10 =	sshll.u32 s25, $0x2;
	s24 =	sadd.s32 $0xFFFFFFE0, s9;
	s28 =	sor.u32 $0x200, s22;
	v2 =	vadd.f32 v3, v2  }
0x10a: {  	s11 =	sshll.u32 s26, $0x2;
	s10 =	sadd.s32 $0x0, s10;
	s29 =	sor.u32 $0x200, s24;
	[tilespmem:s28+$0x19800] =	vst.add.f32.msk $0xffff, v4  }
0x10b: {  	s18 =	sshra.s32 s10, $0x2;
	s10 =	sadd.s32 $0x0, s11;
	[tilespmem:s29+$0x19800] =	vst.add.f32.msk $0xffff, v2  }
0x10c: {  	s20 =	sshra.s32 s10, $0x2;
	v2 =	vld [tilespmem:s18+$0x0]  }
0x10d: {  	v3 =	vld [tilespmem:s20+$0x0];
	_ =	sdelay $0x3  }
0x10e: {  	s11 =	sld [smem:$0x6]  }
0x10f: {  	s25 =	sld [smem:$0xE];
	v4 =	vshll.u32 v2, $0x10;
	v5 =	vshll.u32 v3, $0x10  }
0x110: {  	v3 =	vand.u32 $0xFFFF0000, v3;
	v2 =	vand.u32 $0xFFFF0000, v2;
	v4 =	vadd.f32 v5, v4  }
0x111: {  	s9 =	sshll.u32 s11, $0x2;
	s26 =	sor.u32 $0x280, s22;
	v2 =	vadd.f32 v3, v2  }
0x112: {  	s10 =	sshll.u32 s25, $0x2;
	s9 =	sadd.s32 $0x0, s9;
	s28 =	sor.u32 $0x280, s24;
	[tilespmem:s26+$0x19800] =	vst.add.f32.msk $0xffff, v4  }
0x113: {  	s10 =	sadd.s32 $0x0, s10;
	s9 =	sshra.s32 s9, $0x2;
	[tilespmem:s28+$0x19800] =	vst.add.f32.msk $0xffff, v2  }
0x114: {  	s10 =	sshra.s32 s10, $0x2;
	v3 =	vld [tilespmem:s9+$0x0]  }
0x115: {  	v4 =	vld [tilespmem:s10+$0x0];
	_ =	sdelay $0x4  }
0x116: {  	s29 =	sld [smem:$0x7];
	v2 =	vmov s6;
	v5 =	vshll.u32 v3, $0x10;
	v6 =	vshll.u32 v4, $0x10  }
0x117: {  	v4 =	vand.u32 $0xFFFF0000, v4;
	v3 =	vand.u32 $0xFFFF0000, v3;
	v5 =	vadd.f32 v6, v5  }
0x118: {  	s25 =	sor.u32 $0x300, s22;
	v3 =	vadd.f32 v4, v3  }
0x119: {  	s26 =	sor.u32 $0x300, s24;
	s6 =	sshll.u32 s29, $0x2;
	[tilespmem:s25+$0x19800] =	vst.add.f32.msk $0xffff, v5  }
0x11a: {  	s6 =	sadd.s32 $0x0, s6;
	[tilespmem:s26+$0x19800] =	vst.add.f32.msk $0xffff, v3  }
0x11b: {  	s11 =	sshra.s32 s6, $0x2;
	v3 =	vld.idx.msk [tilespmem:v2+s2+$0x0 ss:$0x1], $0xffff  }
0x11c: {  	v4 =	vld [tilespmem:s11+$0x0];
	_ =	sdelay $0x4  }
0x11d: {  	v5 =	vshll.u32 v4, $0x10;
	v6 =	vshll.u32 v3, $0x10  }
0x11e: {  	s5 =	sor.u32 s5, s7;
	v3 =	vand.u32 $0xFFFF0000, v3;
	v4 =	vand.u32 $0xFFFF0000, v4;
	v5 =	vadd.f32 v6, v5  }
0x11f: {  	s5 =	sor.u32 $0x380, s5;
	v3 =	vadd.f32 v3, v4  }
0x120: {  	s28 =	sor.u32 $0x380, s24;
	[tilespmem:s5+$0x19800] =	vst.add.f32.msk $0xffff, v5  }
0x121: {  	[tilespmem:s28+$0x19800] =	vst.add.f32.msk $0xffff, v3  }
0x122: {  	v3 =	vld.idx.msk [tilespmem:v0+s2+$0x0 ss:$0x1], $0xffff  }
0x123: {  	v4 =	vld.idx.msk [tilespmem:v1+s2+$0x0 ss:$0x1], $0xffff;
	_ =	sdelay $0x4  }
0x124: {  	s25 =	simm.s32 $0x20;
	v5 =	vshll.u32 v3, $0x10;
	v6 =	vshll.u32 v4, $0x10  }
0x125: {  	s29 =	sand.u32 $0x60, s25;
	v4 =	vand.u32 $0xFFFF0000, v4;
	v3 =	vand.u32 $0xFFFF0000, v3;
	v5 =	vadd.f32 v6, v5  }
0x126: {  	s0 =	sor.u32 s29, s0;
	v3 =	vadd.f32 v4, v3  }
0x127: {  	s5 =	sor.u32 $0x10, s0;
	[tilespmem:s0+$0x0] =	vst.add.f32.msk $0xffff, v5  }
0x128: {  	[tilespmem:s5+$0x0] =	vst.add.f32.msk $0xffff, v3  }
0x129: {  	v3 =	vld [tilespmem:s1+$0x10]  }
0x12a: {  	v4 =	vld [tilespmem:s3+$0x10];
	_ =	sdelay $0x4  }
0x12b: {  	v5 =	vshll.u32 v3, $0x10;
	v6 =	vshll.u32 v4, $0x10  }
0x12c: {  	v4 =	vand.u32 $0xFFFF0000, v4;
	v3 =	vand.u32 $0xFFFF0000, v3;
	v5 =	vadd.f32 v6, v5  }
0x12d: {  	s6 =	sor.u32 $0x80, s0;
	v3 =	vadd.f32 v4, v3  }
0x12e: {  	s7 =	sor.u32 $0x90, s0;
	[tilespmem:s6+$0x0] =	vst.add.f32.msk $0xffff, v5  }
0x12f: {  	[tilespmem:s7+$0x0] =	vst.add.f32.msk $0xffff, v3  }
0x130: {  	v3 =	vld [tilespmem:s8+$0x10]  }
0x131: {  	v4 =	vld [tilespmem:s13+$0x10];
	_ =	sdelay $0x4  }
0x132: {  	v5 =	vshll.u32 v3, $0x10;
	v6 =	vshll.u32 v4, $0x10  }
0x133: {  	v3 =	vand.u32 $0xFFFF0000, v3;
	v4 =	vand.u32 $0xFFFF0000, v4;
	v5 =	vadd.f32 v6, v5  }
0x134: {  	s13 =	sor.u32 $0x100, s0;
	v3 =	vadd.f32 v4, v3  }
0x135: {  	s22 =	sor.u32 $0x110, s0;
	[tilespmem:s13+$0x0] =	vst.add.f32.msk $0xffff, v5  }
0x136: {  	[tilespmem:s22+$0x0] =	vst.add.f32.msk $0xffff, v3  }
0x137: {  	v3 =	vld [tilespmem:s15+$0x10]  }
0x138: {  	v4 =	vld [tilespmem:s14+$0x10];
	_ =	sdelay $0x4  }
0x139: {  	v5 =	vshll.u32 v3, $0x10;
	v6 =	vshll.u32 v4, $0x10  }
0x13a: {  	v4 =	vand.u32 $0xFFFF0000, v4;
	v3 =	vand.u32 $0xFFFF0000, v3;
	v5 =	vadd.f32 v5, v6  }
0x13b: {  	s24 =	sor.u32 $0x180, s0;
	v3 =	vadd.f32 v3, v4  }
0x13c: {  	s0 =	sor.u32 $0x190, s0;
	[tilespmem:s24+$0x0] =	vst.add.f32.msk $0xffff, v5  }
0x13d: {  	[tilespmem:s0+$0x0] =	vst.add.f32.msk $0xffff, v3  }
0x13e: {  	v3 =	vld [tilespmem:s16+$0x10]  }
0x13f: {  	v4 =	vld [tilespmem:s17+$0x10];
	_ =	sdelay $0x2  }
0x140: {  	s26 =	sand.u32 $0x3, s4  }
0x141: {  	s0 =	sshll.u32 s26, $0x5  }
0x142: {  	s0 =	sadd.s32 $0x0, s0;
	v5 =	vshll.u32 v3, $0x10;
	v6 =	vshll.u32 v4, $0x10  }
0x143: {  	s8 =	sadd.s32 $0x20, s0;
	v3 =	vand.u32 $0xFFFF0000, v3;
	v4 =	vand.u32 $0xFFFF0000, v4;
	v5 =	vadd.f32 v6, v5  }
0x144: {  	s13 =	sadd.s32 $0x30, s0;
	s28 =	sor.u32 $0x200, s8;
	v3 =	vadd.f32 v4, v3  }
0x145: {  	s29 =	sor.u32 $0x200, s13;
	[tilespmem:s28+$0x19800] =	vst.add.f32.msk $0xffff, v5  }
0x146: {  	[tilespmem:s29+$0x19800] =	vst.add.f32.msk $0xffff, v3  }
0x147: {  	v3 =	vld [tilespmem:s18+$0x10]  }
0x148: {  	v4 =	vld [tilespmem:s20+$0x10]  }
0x149: {  	s31 =	simm.s32 $0x80  }
0x14a: {  	p1 =	por !p1, !p1;
	s7 =	simm.s32 $0x30;
	s17 =	simm.s32 $0x0  }
.LBB2_5:
0x14b: {  	s25 =	sadd.s32 $0x40, s25;
	s7 =	sadd.s32 $0x200, s7;
	s17 =	sadd.s32 $0x2, s17  }
0x14c: {  	p2 =	sne.s32 s31, $0x580;
	s0 =	smov.u32 s31;
	s31 =	sadd.s32 $0x80, s31;
	v5 =	vshll.u32 v3, $0x10  }
0x14d: {  	v6 =	vshll.u32 v4, $0x10  }
0x14e: {  	v3 =	vand.u32 $0xFFFF0000, v3;
	v4 =	vand.u32 $0xFFFF0000, v4;
	v5 =	vadd.f32 v6, v5  }
0x14f: {  	s1 =	sor.u32 $0x280, s8;
	v3 =	vadd.f32 v4, v3  }
0x150: {  	[tilespmem:s1+$0x19800] =	vst.add.f32.msk $0xffff, v5;
	s1 =	sor.u32 $0x280, s13  }
0x151: {  	[tilespmem:s1+$0x19800] =	vst.add.f32.msk $0xffff, v3  }
0x152: {  	v3 =	vld [tilespmem:s9+$0x10]  }
0x153: {  	v4 =	vld [tilespmem:s10+$0x10];
	_ =	sdelay $0x3  }
0x154: {  	v5 =	vshll.u32 v3, $0x10  }
0x155: {  	v6 =	vshll.u32 v4, $0x10;
	v4 =	vand.u32 $0xFFFF0000, v4  }
0x156: {  	s1 =	sshra.s32 s0, $0x2;
	v3 =	vand.u32 $0xFFFF0000, v3;
	v5 =	vadd.f32 v6, v5  }
0x157: {  	s3 =	sor.u32 $0x300, s8;
	v3 =	vadd.f32 v4, v3  }
0x158: {  	[tilespmem:s3+$0x19800] =	vst.add.f32.msk $0xffff, v5;
	s3 =	sor.u32 $0x300, s13  }
0x159: {  	[tilespmem:s3+$0x19800] =	vst.add.f32.msk $0xffff, v3  }
0x15a: {  	v3 =	vld.idx.msk [tilespmem:v2+s2+$0x10 ss:$0x1], $0xffff;
	s2 =	smov.u32 s1  }
0x15b: {  	v4 =	vld [tilespmem:s11+$0x10];
	_ =	sdelay $0x4  }
0x15c: {  	v6 =	vshll.u32 v3, $0x10;
	v3 =	vand.u32 $0xFFFF0000, v3;
	v5 =	vshll.u32 v4, $0x10  }
0x15d: {  	v4 =	vand.u32 $0xFFFF0000, v4;
	v5 =	vadd.f32 v6, v5  }
0x15e: {  	s1 =	sor.u32 $0x380, s8;
	v3 =	vadd.f32 v3, v4  }
0x15f: {  	[tilespmem:s1+$0x19800] =	vst.add.f32.msk $0xffff, v5;
	s1 =	sor.u32 $0x380, s13  }
0x160: {  	[tilespmem:s1+$0x19800] =	vst.add.f32.msk $0xffff, v3  }
0x161: {  	v3 =	vld.idx.msk [tilespmem:v0+s2+$0xFFFFFFF0 ss:$0x1], $0xffff  }
0x162: {  	v4 =	vld.idx.msk [tilespmem:v1+s2+$0xFFFFFFF0 ss:$0x1], $0xffff;
	_ =	sdelay $0x3  }
0x163: {  	s3 =	sld [smem:$0x9]  }
0x164: {  	s5 =	sadd.s32 $0xFFFFFFD0, s7;
	s1 =	sand.u32 $0x3, s17;
	v5 =	vshll.u32 v3, $0x10;
	s6 =	sld [smem:$0x1]  }
0x165: {  	s9 =	sand.u32 $0x1C00, s5;
	s8 =	sadd.s32 $0xFFFFFFE0, s25;
	s1 =	sshll.u32 s1, $0x5;
	v3 =	vand.u32 $0xFFFF0000, v3;
	v6 =	vshll.u32 v4, $0x10;
	v4 =	vand.u32 $0xFFFF0000, v4  }
0x166: {  	s18 =	sadd.s32 $0x19800, s9;
	s10 =	sand.u32 $0x40, s8;
	s16 =	sor.u32 s5, s8;
	v5 =	vadd.f32 v6, v5;
	v3 =	vadd.f32 v4, v3  }
0x167: {  	s9 =	sadd.s32 s5, s1;
	s1 =	sor.u32 s10, s18;
	s5 =	sshll.u32 s6, $0x2  }
0x168: {  	s3 =	sshll.u32 s3, $0x2;
	s6 =	sor.u32 $0x10, s1;
	[tilespmem:s1+$0x0] =	vst.add.f32.msk $0xffff, v5;
	s5 =	sadd.s32 s5, s0  }
0x169: {  	s8 =	sadd.s32 $0x20, s9;
	s3 =	sadd.s32 s3, s0;
	[tilespmem:s6+$0x0] =	vst.add.f32.msk $0xffff, v3;
	s5 =	sshra.s32 s5, $0x2  }
0x16a: {  	s13 =	sadd.s32 $0x30, s9;
	s14 =	sshra.s32 s3, $0x2;
	v3 =	vld [tilespmem:s5+$0x0]  }
0x16b: {  	v4 =	vld [tilespmem:s14+$0x0];
	_ =	sdelay $0x3  }
0x16c: {  	s3 =	sld [smem:$0x2]  }
0x16d: {  	v5 =	vshll.u32 v3, $0x10;
	v6 =	vshll.u32 v4, $0x10;
	v4 =	vand.u32 $0xFFFF0000, v4;
	s6 =	sld [smem:$0xA]  }
0x16e: {  	v3 =	vand.u32 $0xFFFF0000, v3;
	v5 =	vadd.f32 v6, v5  }
0x16f: {  	s9 =	sor.u32 $0x80, s1;
	v3 =	vadd.f32 v4, v3;
	s3 =	sshll.u32 s3, $0x2  }
0x170: {  	[tilespmem:s9+$0x0] =	vst.add.f32.msk $0xffff, v5;
	s9 =	sor.u32 $0x90, s1;
	s3 =	sadd.s32 s3, s0;
	s6 =	sshll.u32 s6, $0x2  }
0x171: {  	[tilespmem:s9+$0x0] =	vst.add.f32.msk $0xffff, v3;
	s15 =	sshra.s32 s3, $0x2;
	s3 =	sadd.s32 s6, s0  }
0x172: {  	v3 =	vld [tilespmem:s15+$0x0];
	s20 =	sshra.s32 s3, $0x2  }
0x173: {  	v4 =	vld [tilespmem:s20+$0x0];
	_ =	sdelay $0x3  }
0x174: {  	v5 =	vshll.u32 v3, $0x10;
	s3 =	sld [smem:$0x3]  }
0x175: {  	v6 =	vshll.u32 v4, $0x10;
	v4 =	vand.u32 $0xFFFF0000, v4;
	s6 =	sld [smem:$0xB]  }
0x176: {  	v3 =	vand.u32 $0xFFFF0000, v3;
	v5 =	vadd.f32 v6, v5  }
0x177: {  	s9 =	sor.u32 $0x100, s1;
	v3 =	vadd.f32 v4, v3;
	s3 =	sshll.u32 s3, $0x2  }
0x178: {  	[tilespmem:s9+$0x0] =	vst.add.f32.msk $0xffff, v5;
	s9 =	sor.u32 $0x110, s1;
	s3 =	sadd.s32 s3, s0;
	s6 =	sshll.u32 s6, $0x2  }
0x179: {  	[tilespmem:s9+$0x0] =	vst.add.f32.msk $0xffff, v3;
	s24 =	sshra.s32 s3, $0x2;
	s3 =	sadd.s32 s6, s0  }
0x17a: {  	v3 =	vld [tilespmem:s24+$0x0];
	s22 =	sshra.s32 s3, $0x2  }
0x17b: {  	v4 =	vld [tilespmem:s22+$0x0];
	_ =	sdelay $0x3  }
0x17c: {  	v5 =	vshll.u32 v3, $0x10;
	s3 =	sld [smem:$0x4]  }
0x17d: {  	v6 =	vshll.u32 v4, $0x10;
	v4 =	vand.u32 $0xFFFF0000, v4;
	s6 =	sld [smem:$0xC]  }
0x17e: {  	v3 =	vand.u32 $0xFFFF0000, v3;
	v5 =	vadd.f32 v6, v5  }
0x17f: {  	s9 =	sor.u32 $0x180, s1;
	v3 =	vadd.f32 v4, v3;
	s3 =	sshll.u32 s3, $0x2  }
0x180: {  	s1 =	sor.u32 $0x190, s1;
	[tilespmem:s9+$0x0] =	vst.add.f32.msk $0xffff, v5;
	s3 =	sadd.s32 s3, s0;
	s6 =	sshll.u32 s6, $0x2  }
0x181: {  	[tilespmem:s1+$0x0] =	vst.add.f32.msk $0xffff, v3;
	s26 =	sshra.s32 s3, $0x2;
	s1 =	sadd.s32 s6, s0  }
0x182: {  	v3 =	vld [tilespmem:s26+$0x0];
	s28 =	sshra.s32 s1, $0x2  }
0x183: {  	v4 =	vld [tilespmem:s28+$0x0];
	_ =	sdelay $0x1  }
0x184: {  	s1 =	simm.s32 $0x1  }
0x185: {  	s1 =	simm.s32 @!p1 $0x0  }
0x186: {  	s1 =	sshll.u32 s1, $0x6;
	s9 =	sld [smem:$0x5]  }
0x187: {  	s1 =	sadd.s32 s7, s1;
	v5 =	vshll.u32 v3, $0x10;
	v6 =	vshll.u32 v4, $0x10;
	v4 =	vand.u32 $0xFFFF0000, v4;
	s10 =	sld [smem:$0xD]  }
0x188: {  	s6 =	sadd.s32 $0xFFFFFFD0, s1;
	s3 =	sadd.s32 $0xFFFFFFE0, s1;
	v3 =	vand.u32 $0xFFFF0000, v3;
	v5 =	vadd.f32 v6, v5  }
0x189: {  	s1 =	sor.u32 $0x200, s6;
	v3 =	vadd.f32 v4, v3;
	s9 =	sshll.u32 s9, $0x2  }
0x18a: {  	[tilespmem:s1+$0x19800] =	vst.add.f32.msk $0xffff, v5;
	s1 =	sor.u32 $0x200, s3;
	s9 =	sadd.s32 s9, s0;
	s10 =	sshll.u32 s10, $0x2  }
0x18b: {  	[tilespmem:s1+$0x19800] =	vst.add.f32.msk $0xffff, v3;
	s29 =	sshra.s32 s9, $0x2;
	s1 =	sadd.s32 s10, s0  }
0x18c: {  	v3 =	vld [tilespmem:s29+$0x0];
	s1 =	sshra.s32 s1, $0x2  }
0x18d: {  	v4 =	vld [tilespmem:s1+$0x0];
	_ =	sdelay $0x3  }
0x18e: {  	v5 =	vshll.u32 v3, $0x10;
	s9 =	sld [smem:$0x6]  }
0x18f: {  	v6 =	vshll.u32 v4, $0x10;
	v4 =	vand.u32 $0xFFFF0000, v4;
	s10 =	sld [smem:$0xE]  }
0x190: {  	v3 =	vand.u32 $0xFFFF0000, v3;
	v5 =	vadd.f32 v6, v5  }
0x191: {  	s11 =	sor.u32 $0x280, s6;
	v3 =	vadd.f32 v4, v3;
	s9 =	sshll.u32 s9, $0x2  }
0x192: {  	[tilespmem:s11+$0x19800] =	vst.add.f32.msk $0xffff, v5;
	s11 =	sor.u32 $0x280, s3;
	s9 =	sadd.s32 s9, s0;
	s10 =	sshll.u32 s10, $0x2  }
0x193: {  	[tilespmem:s11+$0x19800] =	vst.add.f32.msk $0xffff, v3;
	s9 =	sshra.s32 s9, $0x2;
	s10 =	sadd.s32 s10, s0  }
0x194: {  	v3 =	vld [tilespmem:s9+$0x0];
	s10 =	sshra.s32 s10, $0x2  }
0x195: {  	v4 =	vld [tilespmem:s10+$0x0];
	_ =	sdelay $0x3  }
0x196: {  	v5 =	vshll.u32 v3, $0x10  }
0x197: {  	v6 =	vshll.u32 v4, $0x10;
	v4 =	vand.u32 $0xFFFF0000, v4;
	s11 =	sld [smem:$0x7]  }
0x198: {  	v3 =	vand.u32 $0xFFFF0000, v3;
	v5 =	vadd.f32 v6, v5  }
0x199: {  	s6 =	sor.u32 $0x300, s6;
	v3 =	vadd.f32 v4, v3  }
0x19a: {  	[tilespmem:s6+$0x19800] =	vst.add.f32.msk $0xffff, v5;
	s6 =	sor.u32 $0x300, s3;
	s11 =	sshll.u32 s11, $0x2  }
0x19b: {  	[tilespmem:s6+$0x19800] =	vst.add.f32.msk $0xffff, v3;
	s0 =	sadd.s32 s11, s0  }
0x19c: {  	s11 =	sshra.s32 s0, $0x2;
	v3 =	vld.idx.msk [tilespmem:v2+s2+$0x0 ss:$0x1], $0xffff  }
0x19d: {  	v4 =	vld [tilespmem:s11+$0x0];
	_ =	sdelay $0x4  }
0x19e: {  	v6 =	vshll.u32 v3, $0x10;
	v3 =	vand.u32 $0xFFFF0000, v3;
	v5 =	vshll.u32 v4, $0x10  }
0x19f: {  	v4 =	vand.u32 $0xFFFF0000, v4;
	v5 =	vadd.f32 v6, v5  }
0x1a0: {  	s0 =	sor.u32 $0x380, s16;
	v3 =	vadd.f32 v3, v4  }
0x1a1: {  	[tilespmem:s0+$0x19800] =	vst.add.f32.msk $0xffff, v5;
	s0 =	sor.u32 $0x380, s3  }
0x1a2: {  	[tilespmem:s0+$0x19800] =	vst.add.f32.msk $0xffff, v3  }
0x1a3: {  	v3 =	vld.idx.msk [tilespmem:v0+s2+$0x0 ss:$0x1], $0xffff  }
0x1a4: {  	v4 =	vld.idx.msk [tilespmem:v1+s2+$0x0 ss:$0x1], $0xffff;
	_ =	sdelay $0x4  }
0x1a5: {  	v5 =	vshll.u32 v3, $0x10  }
0x1a6: {  	v6 =	vshll.u32 v4, $0x10;
	v4 =	vand.u32 $0xFFFF0000, v4  }
0x1a7: {  	s0 =	sand.u32 $0x60, s25;
	v3 =	vand.u32 $0xFFFF0000, v3;
	v5 =	vadd.f32 v6, v5  }
0x1a8: {  	s0 =	sor.u32 s0, s18;
	v3 =	vadd.f32 v4, v3  }
0x1a9: {  	s3 =	sor.u32 $0x10, s0;
	[tilespmem:s0+$0x0] =	vst.add.f32.msk $0xffff, v5  }
0x1aa: {  	[tilespmem:s3+$0x0] =	vst.add.f32.msk $0xffff, v3  }
0x1ab: {  	v3 =	vld [tilespmem:s5+$0x10]  }
0x1ac: {  	v4 =	vld [tilespmem:s14+$0x10];
	_ =	sdelay $0x4  }
0x1ad: {  	v5 =	vshll.u32 v3, $0x10;
	v6 =	vshll.u32 v4, $0x10;
	v4 =	vand.u32 $0xFFFF0000, v4  }
0x1ae: {  	v3 =	vand.u32 $0xFFFF0000, v3;
	v5 =	vadd.f32 v6, v5  }
0x1af: {  	s3 =	sor.u32 $0x80, s0;
	v3 =	vadd.f32 v4, v3  }
0x1b0: {  	[tilespmem:s3+$0x0] =	vst.add.f32.msk $0xffff, v5;
	s3 =	sor.u32 $0x90, s0  }
0x1b1: {  	[tilespmem:s3+$0x0] =	vst.add.f32.msk $0xffff, v3  }
0x1b2: {  	v3 =	vld [tilespmem:s15+$0x10]  }
0x1b3: {  	v4 =	vld [tilespmem:s20+$0x10];
	_ =	sdelay $0x3  }
0x1b4: {  	v5 =	vshll.u32 v3, $0x10  }
0x1b5: {  	v6 =	vshll.u32 v4, $0x10  }
0x1b6: {  	v3 =	vand.u32 $0xFFFF0000, v3;
	v4 =	vand.u32 $0xFFFF0000, v4;
	v5 =	vadd.f32 v6, v5  }
0x1b7: {  	s3 =	sor.u32 $0x100, s0;
	v3 =	vadd.f32 v4, v3  }
0x1b8: {  	[tilespmem:s3+$0x0] =	vst.add.f32.msk $0xffff, v5;
	s3 =	sor.u32 $0x110, s0  }
0x1b9: {  	[tilespmem:s3+$0x0] =	vst.add.f32.msk $0xffff, v3  }
0x1ba: {  	v3 =	vld [tilespmem:s22+$0x10]  }
0x1bb: {  	v4 =	vld [tilespmem:s24+$0x10];
	_ =	sdelay $0x3  }
0x1bc: {  	v5 =	vshll.u32 v3, $0x10  }
0x1bd: {  	v6 =	vshll.u32 v4, $0x10;
	v4 =	vand.u32 $0xFFFF0000, v4  }
0x1be: {  	v3 =	vand.u32 $0xFFFF0000, v3;
	v5 =	vadd.f32 v5, v6  }
0x1bf: {  	s3 =	sor.u32 $0x180, s0;
	v3 =	vadd.f32 v3, v4  }
0x1c0: {  	s0 =	sor.u32 $0x190, s0;
	[tilespmem:s3+$0x0] =	vst.add.f32.msk $0xffff, v5  }
0x1c1: {  	[tilespmem:s0+$0x0] =	vst.add.f32.msk $0xffff, v3  }
0x1c2: {  	v3 =	vld [tilespmem:s26+$0x10]  }
0x1c3: {  	v4 =	vld [tilespmem:s28+$0x10];
	_ =	sdelay $0x3  }
0x1c4: {  	v5 =	vshll.u32 v3, $0x10;
	v3 =	vand.u32 $0xFFFF0000, v3  }
0x1c5: {  	v6 =	vshll.u32 v4, $0x10;
	v4 =	vand.u32 $0xFFFF0000, v4  }
0x1c6: {  	v5 =	vadd.f32 v6, v5;
	v3 =	vadd.f32 v4, v3  }
0x1c7: {  	s0 =	sor.u32 $0x200, s8  }
0x1c8: {  	[tilespmem:s0+$0x19800] =	vst.add.f32.msk $0xffff, v5;
	s0 =	sor.u32 $0x200, s13  }
.Ltmp1:
0x1c9: {  	[tilespmem:s0+$0x19800] =	vst.add.f32.msk $0xffff, v3;
	(pc) =	sbr.rel @p2 .LBB2_5-.Ltmp1, $3  }
0x1ca: {  	v3 =	vld [tilespmem:s29+$0x10]  }
0x1cb: {  	v4 =	vld [tilespmem:s1+$0x10];
	_ =	sdelay $0x1  }
0x1cc: {  	p1 =	por !p1, !p1  }
0x1cd: {  	_ =	sdelay $0x1  }
0x1ce: {  	v0 =	vshll.u32 v3, $0x10;
	v1 =	vshll.u32 v4, $0x10  }
0x1cf: {  	v3 =	vand.u32 $0xFFFF0000, v3;
	v4 =	vand.u32 $0xFFFF0000, v4;
	v0 =	vadd.f32 v1, v0  }
0x1d0: {  	s0 =	sor.u32 $0x280, s8;
	v1 =	vadd.f32 v4, v3  }
0x1d1: {  	s3 =	sor.u32 $0x280, s13;
	[tilespmem:s0+$0x19800] =	vst.add.f32.msk $0xffff, v0  }
0x1d2: {  	[tilespmem:s3+$0x19800] =	vst.add.f32.msk $0xffff, v1  }
0x1d3: {  	v0 =	vld [tilespmem:s9+$0x10]  }
0x1d4: {  	v1 =	vld [tilespmem:s10+$0x10];
	_ =	sdelay $0x4  }
0x1d5: {  	v3 =	vshll.u32 v0, $0x10;
	v4 =	vshll.u32 v1, $0x10  }
0x1d6: {  	v1 =	vand.u32 $0xFFFF0000, v1;
	v0 =	vand.u32 $0xFFFF0000, v0;
	v3 =	vadd.f32 v4, v3  }
0x1d7: {  	s4 =	sor.u32 $0x300, s8;
	v0 =	vadd.f32 v1, v0  }
0x1d8: {  	s5 =	sor.u32 $0x300, s13;
	[tilespmem:s4+$0x19800] =	vst.add.f32.msk $0xffff, v3  }
0x1d9: {  	[tilespmem:s5+$0x19800] =	vst.add.f32.msk $0xffff, v0  }
0x1da: {  	v0 =	vld.idx.msk [tilespmem:v2+s2+$0x10 ss:$0x1], $0xffff  }
0x1db: {  	v1 =	vld [tilespmem:s11+$0x10];
	_ =	sdelay $0x3  }
0x1dc: {  	s6 =	rddreg [dreg:$0x4]  }
0x1dd: {  	s0 =	sor.u32 s6, s30;
	v2 =	vshll.u32 v1, $0x10;
	v3 =	vshll.u32 v0, $0x10  }
0x1de: {  	s0 =	sshrl.u32 s0, $0x3;
	v0 =	vand.u32 $0xFFFF0000, v0;
	v1 =	vand.u32 $0xFFFF0000, v1;
	v2 =	vadd.f32 v3, v2  }
0x1df: {  	s1 =	sor.u32 $0x380, s8;
	s7 =	sor.u32 $0x380, s13;
	s31 =	smul.u32 $0x300, s0;
	v0 =	vadd.f32 v0, v1  }
0x1e0: {  	s8 =	rddreg [dreg:$0x2];
	s9 =	simm.s32 $0x0;
	s10 =	simm.s32 $0x19800;
	[tilespmem:s1+$0x19800] =	vst.add.f32.msk $0xffff, v2  }
0x1e1: {  	s0 =	sadd.s32 s8, s31;
	s11 =	rddreg [dreg:$0x5];
	s1 =	simm.s32 @!p0 $0x8;
	[tilespmem:s7+$0x19800] =	vst.add.f32.msk $0xffff, v0  }
0x1e2: {  	[hbm4b:s0+s9] =	stream.linear.scatter [tilespmem:s10], [sflag:$0x5], $0x1800, $0x38;
	[tilespmem:$0x1F800] =	vst v63  }
0x1e3: {  	s0 =	sor.u32 s21, s11;
	_ =	swait.ge @!p0 [sflag:s1], $0x1800  }
0x1e4: {  	s0 =	smul.u32 $0x300, s0;
	[sflag:s1] =	ssyncset.done @!p0 $0x0  }
0x1e5: {  	[sflag:s1] =	ssyncadd.s32 @!p0 $0xFFFFE800  }
0x1e6: {  	s14 =	simm.s32 $0x1E000;
	s25 =	sadd.s32 $0x900, s0;
	s13 =	rddreg [dreg:$0x0]  }
0x1e7: {  	s15 =	simm.s32 $0x2;
	s2 =	simm.s32 $0x0;
	s0 =	sadd.s32 s13, s25  }
0x1e8: {  	[tilespmem:s14], [sflag:$0x4] =	stream.linear.gather [hbm4b:s0+s2], $0x1800, $0x38;
	[tilespmem:$0x1F800] =	vst v63  }
0x1e9: {  	_ =	swait.ge [sflag:s15], $0x1800  }
0x1ea: {  	[sflag:s15] =	ssyncset.done $0x0  }
0x1eb: {  	[sflag:s15] =	ssyncadd.s32 $0xFFFFE800  }
0x1ec: {  	v0 =	vld [tilespmem:s30+$0x19000]  }
0x1ed: {  	v1 =	vld [tilespmem:s30+$0x19400];
	_ =	sdelay $0x3  }
0x1ee: {  	v0 =	vmul.u32 $0x180, v0  }
0x1ef: {  	v2 =	vmul.u32 $0x180, v1  }
0x1f0: {  	(v2sf) =	vpush v0, $0x8  }
0x1f1: {  	(v2sf) =	vpush v2, $0x8;
	_ =	sdelay $0x2  }
0x1f2: {  	(v2sf) =	vpush v0, $0x9  }
0x1f3: {  	(v2sf) =	vpush v2, $0x9  }
0x1f4: {  	(v2sf) =	vpush v0, $0xA  }
0x1f5: {  	(v2sf) =	vpush v2, $0xA  }
0x1f6: {  	(v2sf) =	vpush v0, $0xB  }
0x1f7: {  	(v2sf) =	vpush v2, $0xB  }
0x1f8: {  	(v2sf) =	vpush v0, $0xC  }
0x1f9: {  	(v2sf) =	vpush v2, $0xC  }
0x1fa: {  	(v2sf) =	vpush v0, $0xD  }
0x1fb: {  	(v2sf) =	vpush v2, $0xD  }
0x1fc: {  	(v2sf) =	vpush v0, $0xE  }
0x1fd: {  	s16 =	spop (v2sf);
	(v2sf) =	vpush v2, $0xE  }
0x1fe: {  	s17 =	spop (v2sf);
	(v2sf) =	vpush v0, $0xF;
	_ =	sdelay $0x1  }
0x1ff: {  	[smem:$0x0] =	sst s16;
	s0 =	sshll.u32 s16, $0x2  }
0x200: {  	s3 =	spop (v2sf);
	[smem:$0x8] =	sst s17;
	s1 =	sshll.u32 s17, $0x2  }
0x201: {  	s0 =	sshra.s32 s0, $0x2;
	s5 =	spop (v2sf);
	[smem:$0x1] =	sst s3  }
0x202: {  	s1 =	sshra.s32 s1, $0x2;
	s0 =	sor.u32 $0x10, s0;
	s6 =	spop (v2sf)  }
0x203: {  	[smem:$0x9] =	sst s5;
	s1 =	sor.u32 $0x10, s1;
	v0 =	vmov s0;
	s7 =	spop (v2sf)  }
0x204: {  	[smem:$0x2] =	sst s6;
	v1 =	vmov s1;
	s18 =	spop (v2sf)  }
0x205: {  	[smem:$0xA] =	sst s7;
	s20 =	spop (v2sf)  }
0x206: {  	[smem:$0x3] =	sst s18;
	s22 =	spop (v2sf)  }
0x207: {  	s30 =	simm.s32 $0x0;
	[smem:$0xB] =	sst s20;
	s24 =	spop (v2sf)  }
0x208: {  	[smem:$0x4] =	sst s22;
	v3 =	vld.idx.msk [tilespmem:v0+s30+$0xFFFFFFF0 ss:$0x1], $0xffff;
	s26 =	spop (v2sf)  }
0x209: {  	[smem:$0xC] =	sst s24;
	v4 =	vld.idx.msk [tilespmem:v1+s30+$0xFFFFFFF0 ss:$0x1], $0xffff;
	s28 =	spop (v2sf)  }
0x20a: {  	s13 =	sld [smem:$0x1];
	s29 =	spop (v2sf)  }
0x20b: {  	[smem:$0x5] =	sst s26;
	s4 =	spop (v2sf)  }
0x20c: {  	[smem:$0x6] =	sst s29;
	s11 =	spop (v2sf)  }
0x20d: {  	s7 =	simm.s32 $0x0;
	[smem:$0x7] =	sst s11  }
0x20e: {  	s8 =	simm.s32 $0x0;
	s14 =	sand.u32 $0x1C00, s7;
	v5 =	vshll.u32 v3, $0x10;
	v6 =	vshll.u32 v4, $0x10;
	s5 =	sld [smem:$0x9]  }
0x20f: {  	s15 =	sand.u32 $0x40, s8;
	s1 =	sadd.s32 $0x1B000, s14;
	v3 =	vand.u32 $0xFFFF0000, v3;
	v4 =	vand.u32 $0xFFFF0000, v4;
	v5 =	vadd.f32 v6, v5  }
0x210: {  	s6 =	sor.u32 s15, s1;
	s3 =	sshll.u32 s13, $0x2;
	v3 =	vadd.f32 v4, v3  }
0x211: {  	s16 =	sor.u32 $0x10, s6;
	s3 =	sadd.s32 $0x0, s3;
	[tilespmem:s6+$0x0] =	vst.add.f32.msk $0xffff, v5;
	s5 =	sshll.u32 s5, $0x2  }
0x212: {  	s3 =	sshra.s32 s3, $0x2;
	[tilespmem:s16+$0x0] =	vst.add.f32.msk $0xffff, v3;
	s5 =	sadd.s32 $0x0, s5  }
0x213: {  	v3 =	vld [tilespmem:s3+$0x0];
	s5 =	sshra.s32 s5, $0x2  }
0x214: {  	v4 =	vld [tilespmem:s5+$0x0];
	_ =	sdelay $0x2  }
0x215: {  	[smem:$0xD] =	sst s28  }
0x216: {  	s17 =	sld [smem:$0x2]  }
0x217: {  	s18 =	sld [smem:$0xA];
	v5 =	vshll.u32 v3, $0x10;
	v6 =	vshll.u32 v4, $0x10  }
0x218: {  	v3 =	vand.u32 $0xFFFF0000, v3;
	v4 =	vand.u32 $0xFFFF0000, v4;
	v5 =	vadd.f32 v6, v5  }
0x219: {  	s20 =	sor.u32 $0x80, s6;
	s0 =	sshll.u32 s17, $0x2;
	v3 =	vadd.f32 v4, v3  }
0x21a: {  	s22 =	sor.u32 $0x90, s6;
	s0 =	sadd.s32 $0x0, s0;
	s24 =	sshll.u32 s18, $0x2;
	[tilespmem:s20+$0x0] =	vst.add.f32.msk $0xffff, v5  }
0x21b: {  	s9 =	sshra.s32 s0, $0x2;
	s26 =	sadd.s32 $0x0, s24;
	[tilespmem:s22+$0x0] =	vst.add.f32.msk $0xffff, v3  }
0x21c: {  	(v2sf) =	vpush v2, $0xF;
	s13 =	sshra.s32 s26, $0x2;
	v2 =	vld [tilespmem:s9+$0x0]  }
0x21d: {  	v3 =	vld [tilespmem:s13+$0x0];
	_ =	sdelay $0x2  }
0x21e: {  	s28 =	sld [smem:$0x3]  }
0x21f: {  	[smem:$0xE] =	sst s4  }
0x220: {  	s10 =	sld [smem:$0xB];
	v4 =	vshll.u32 v2, $0x10;
	v5 =	vshll.u32 v3, $0x10  }
0x221: {  	v3 =	vand.u32 $0xFFFF0000, v3;
	v2 =	vand.u32 $0xFFFF0000, v2;
	v4 =	vadd.f32 v5, v4  }
0x222: {  	s29 =	sor.u32 $0x100, s6;
	s0 =	sshll.u32 s28, $0x2;
	v2 =	vadd.f32 v3, v2  }
0x223: {  	s4 =	sor.u32 $0x110, s6;
	s0 =	sadd.s32 $0x0, s0;
	s10 =	sshll.u32 s10, $0x2;
	[tilespmem:s29+$0x0] =	vst.add.f32.msk $0xffff, v4  }
0x224: {  	s14 =	sshra.s32 s0, $0x2;
	s10 =	sadd.s32 $0x0, s10;
	[tilespmem:s4+$0x0] =	vst.add.f32.msk $0xffff, v2  }
0x225: {  	s15 =	sshra.s32 s10, $0x2;
	v2 =	vld [tilespmem:s14+$0x0]  }
0x226: {  	v3 =	vld [tilespmem:s15+$0x0];
	_ =	sdelay $0x2  }
0x227: {  	s11 =	sld [smem:$0x4];
	s0 =	spop (v2sf)  }
0x228: {  	[smem:$0xF] =	sst s0  }
0x229: {  	s17 =	sld [smem:$0xC];
	v4 =	vshll.u32 v2, $0x10;
	v5 =	vshll.u32 v3, $0x10  }
0x22a: {  	v3 =	vand.u32 $0xFFFF0000, v3;
	v2 =	vand.u32 $0xFFFF0000, v2;
	v4 =	vadd.f32 v5, v4  }
0x22b: {  	s16 =	sor.u32 $0x180, s6;
	s10 =	sshll.u32 s11, $0x2;
	v2 =	vadd.f32 v3, v2  }
0x22c: {  	s6 =	sor.u32 $0x190, s6;
	s10 =	sadd.s32 $0x0, s10;
	s11 =	sshll.u32 s17, $0x2;
	[tilespmem:s16+$0x0] =	vst.add.f32.msk $0xffff, v4  }
0x22d: {  	s18 =	sadd.s32 $0x0, s11;
	s16 =	sshra.s32 s10, $0x2;
	[tilespmem:s6+$0x0] =	vst.add.f32.msk $0xffff, v2  }
0x22e: {  	s17 =	sshra.s32 s18, $0x2;
	v2 =	vld [tilespmem:s16+$0x0]  }
0x22f: {  	v3 =	vld [tilespmem:s17+$0x0];
	_ =	sdelay $0x1  }
0x230: {  	p0 =	por $0x0, $0x0;
	s6 =	simm.s32 $0x1  }
0x231: {  	s6 =	simm.s32 @!p0 $0x0  }
0x232: {  	s20 =	sld [smem:$0x5];
	s6 =	sshll.u32 s6, $0x6  }
0x233: {  	s24 =	sld [smem:$0xD];
	s6 =	sadd.s32 $0x30, s6;
	v4 =	vshll.u32 v2, $0x10;
	v5 =	vshll.u32 v3, $0x10  }
0x234: {  	s22 =	sadd.s32 $0xFFFFFFD0, s6;
	v3 =	vand.u32 $0xFFFF0000, v3;
	v2 =	vand.u32 $0xFFFF0000, v2;
	v4 =	vadd.f32 v5, v4  }
0x235: {  	s10 =	sshll.u32 s20, $0x2;
	s6 =	sadd.s32 $0xFFFFFFE0, s6;
	s18 =	sor.u32 $0x200, s22;
	v2 =	vadd.f32 v3, v2  }
0x236: {  	s11 =	sshll.u32 s24, $0x2;
	s10 =	sadd.s32 $0x0, s10;
	s26 =	sor.u32 $0x200, s6;
	[tilespmem:s18+$0x1B000] =	vst.add.f32.msk $0xffff, v4  }
0x237: {  	s28 =	sadd.s32 $0x0, s11;
	s18 =	sshra.s32 s10, $0x2;
	[tilespmem:s26+$0x1B000] =	vst.add.f32.msk $0xffff, v2  }
0x238: {  	s20 =	sshra.s32 s28, $0x2;
	v2 =	vld [tilespmem:s18+$0x0]  }
0x239: {  	v3 =	vld [tilespmem:s20+$0x0];
	_ =	sdelay $0x3  }
0x23a: {  	s29 =	sld [smem:$0x6]  }
0x23b: {  	s4 =	sld [smem:$0xE];
	v4 =	vshll.u32 v2, $0x10;
	v5 =	vshll.u32 v3, $0x10  }
0x23c: {  	v3 =	vand.u32 $0xFFFF0000, v3;
	v2 =	vand.u32 $0xFFFF0000, v2;
	v4 =	vadd.f32 v5, v4  }
0x23d: {  	s24 =	sor.u32 $0x280, s22;
	s10 =	sshll.u32 s29, $0x2;
	v2 =	vadd.f32 v3, v2  }
0x23e: {  	s11 =	sshll.u32 s4, $0x2;
	s26 =	sor.u32 $0x280, s6;
	s10 =	sadd.s32 $0x0, s10;
	[tilespmem:s24+$0x1B000] =	vst.add.f32.msk $0xffff, v4  }
0x23f: {  	s11 =	sadd.s32 $0x0, s11;
	s10 =	sshra.s32 s10, $0x2;
	[tilespmem:s26+$0x1B000] =	vst.add.f32.msk $0xffff, v2  }
0x240: {  	s11 =	sshra.s32 s11, $0x2;
	v3 =	vld [tilespmem:s10+$0x0]  }
0x241: {  	v4 =	vld [tilespmem:s11+$0x0];
	_ =	sdelay $0x4  }
0x242: {  	s28 =	sld [smem:$0x7];
	v2 =	vmov s0;
	v5 =	vshll.u32 v3, $0x10;
	v6 =	vshll.u32 v4, $0x10  }
0x243: {  	v4 =	vand.u32 $0xFFFF0000, v4;
	v3 =	vand.u32 $0xFFFF0000, v3;
	v5 =	vadd.f32 v6, v5  }
0x244: {  	s22 =	sor.u32 $0x300, s22;
	v3 =	vadd.f32 v4, v3  }
0x245: {  	s29 =	sor.u32 $0x300, s6;
	s0 =	sshll.u32 s28, $0x2;
	[tilespmem:s22+$0x1B000] =	vst.add.f32.msk $0xffff, v5  }
0x246: {  	s0 =	sadd.s32 $0x0, s0;
	[tilespmem:s29+$0x1B000] =	vst.add.f32.msk $0xffff, v3  }
0x247: {  	s0 =	sshra.s32 s0, $0x2;
	v3 =	vld.idx.msk [tilespmem:v2+s30+$0x0 ss:$0x1], $0xffff  }
0x248: {  	v4 =	vld [tilespmem:s0+$0x0];
	_ =	sdelay $0x4  }
0x249: {  	v5 =	vshll.u32 v4, $0x10;
	v6 =	vshll.u32 v3, $0x10  }
0x24a: {  	s7 =	sor.u32 s7, s8;
	v3 =	vand.u32 $0xFFFF0000, v3;
	v4 =	vand.u32 $0xFFFF0000, v4;
	v5 =	vadd.f32 v6, v5  }
0x24b: {  	s7 =	sor.u32 $0x380, s7;
	v3 =	vadd.f32 v3, v4  }
0x24c: {  	s6 =	sor.u32 $0x380, s6;
	[tilespmem:s7+$0x1B000] =	vst.add.f32.msk $0xffff, v5  }
0x24d: {  	[tilespmem:s6+$0x1B000] =	vst.add.f32.msk $0xffff, v3  }
0x24e: {  	v3 =	vld.idx.msk [tilespmem:v0+s30+$0x0 ss:$0x1], $0xffff  }
0x24f: {  	v4 =	vld.idx.msk [tilespmem:v1+s30+$0x0 ss:$0x1], $0xffff;
	_ =	sdelay $0x4  }
0x250: {  	s7 =	simm.s32 $0x20;
	v5 =	vshll.u32 v3, $0x10;
	v6 =	vshll.u32 v4, $0x10  }
0x251: {  	s4 =	sand.u32 $0x60, s7;
	v4 =	vand.u32 $0xFFFF0000, v4;
	v3 =	vand.u32 $0xFFFF0000, v3;
	v5 =	vadd.f32 v6, v5  }
0x252: {  	s1 =	sor.u32 s4, s1;
	v3 =	vadd.f32 v4, v3  }
0x253: {  	s6 =	sor.u32 $0x10, s1;
	[tilespmem:s1+$0x0] =	vst.add.f32.msk $0xffff, v5  }
0x254: {  	[tilespmem:s6+$0x0] =	vst.add.f32.msk $0xffff, v3  }
0x255: {  	v3 =	vld [tilespmem:s3+$0x10]  }
0x256: {  	v4 =	vld [tilespmem:s5+$0x10];
	_ =	sdelay $0x4  }
0x257: {  	v5 =	vshll.u32 v3, $0x10;
	v6 =	vshll.u32 v4, $0x10  }
0x258: {  	v4 =	vand.u32 $0xFFFF0000, v4;
	v3 =	vand.u32 $0xFFFF0000, v3;
	v5 =	vadd.f32 v6, v5  }
0x259: {  	s6 =	sor.u32 $0x80, s1;
	v3 =	vadd.f32 v4, v3  }
0x25a: {  	s8 =	sor.u32 $0x90, s1;
	[tilespmem:s6+$0x0] =	vst.add.f32.msk $0xffff, v5  }
0x25b: {  	[tilespmem:s8+$0x0] =	vst.add.f32.msk $0xffff, v3  }
0x25c: {  	v3 =	vld [tilespmem:s9+$0x10]  }
0x25d: {  	v4 =	vld [tilespmem:s13+$0x10];
	_ =	sdelay $0x4  }
0x25e: {  	v5 =	vshll.u32 v3, $0x10;
	v6 =	vshll.u32 v4, $0x10  }
0x25f: {  	v3 =	vand.u32 $0xFFFF0000, v3;
	v4 =	vand.u32 $0xFFFF0000, v4;
	v5 =	vadd.f32 v6, v5  }
0x260: {  	s13 =	sor.u32 $0x100, s1;
	v3 =	vadd.f32 v4, v3  }
0x261: {  	s22 =	sor.u32 $0x110, s1;
	[tilespmem:s13+$0x0] =	vst.add.f32.msk $0xffff, v5  }
0x262: {  	[tilespmem:s22+$0x0] =	vst.add.f32.msk $0xffff, v3  }
0x263: {  	v3 =	vld [tilespmem:s15+$0x10]  }
0x264: {  	v4 =	vld [tilespmem:s14+$0x10];
	_ =	sdelay $0x4  }
0x265: {  	v5 =	vshll.u32 v3, $0x10;
	v6 =	vshll.u32 v4, $0x10  }
0x266: {  	v4 =	vand.u32 $0xFFFF0000, v4;
	v3 =	vand.u32 $0xFFFF0000, v3;
	v5 =	vadd.f32 v5, v6  }
0x267: {  	s24 =	sor.u32 $0x180, s1;
	v3 =	vadd.f32 v3, v4  }
0x268: {  	s1 =	sor.u32 $0x190, s1;
	[tilespmem:s24+$0x0] =	vst.add.f32.msk $0xffff, v5  }
0x269: {  	[tilespmem:s1+$0x0] =	vst.add.f32.msk $0xffff, v3  }
0x26a: {  	v3 =	vld [tilespmem:s16+$0x10]  }
0x26b: {  	v4 =	vld [tilespmem:s17+$0x10];
	_ =	sdelay $0x2  }
0x26c: {  	s26 =	sand.u32 $0x3, s2  }
0x26d: {  	s1 =	sshll.u32 s26, $0x5  }
0x26e: {  	s1 =	sadd.s32 $0x0, s1;
	v5 =	vshll.u32 v3, $0x10;
	v6 =	vshll.u32 v4, $0x10  }
0x26f: {  	s17 =	sadd.s32 $0x20, s1;
	v3 =	vand.u32 $0xFFFF0000, v3;
	v4 =	vand.u32 $0xFFFF0000, v4;
	v5 =	vadd.f32 v6, v5  }
0x270: {  	s9 =	sadd.s32 $0x30, s1;
	s28 =	sor.u32 $0x200, s17;
	v3 =	vadd.f32 v4, v3  }
0x271: {  	s29 =	sor.u32 $0x200, s9;
	[tilespmem:s28+$0x1B000] =	vst.add.f32.msk $0xffff, v5  }
0x272: {  	[tilespmem:s29+$0x1B000] =	vst.add.f32.msk $0xffff, v3  }
0x273: {  	v3 =	vld [tilespmem:s18+$0x10]  }
0x274: {  	v4 =	vld [tilespmem:s20+$0x10];
	_ =	sdelay $0x1  }
0x275: {  	p0 =	por !p0, !p0;
	s8 =	simm.s32 $0x30;
	s13 =	simm.s32 $0x80  }
.LBB2_7:
0x276: {  	s7 =	sadd.s32 $0x40, s7;
	s8 =	sadd.s32 $0x200, s8;
	s2 =	sadd.s32 $0x2, s2  }
0x277: {  	p1 =	sne.s32 s13, $0x580;
	s18 =	smov.u32 s13;
	s13 =	sadd.s32 $0x80, s13;
	v5 =	vshll.u32 v3, $0x10  }
0x278: {  	v6 =	vshll.u32 v4, $0x10  }
0x279: {  	v3 =	vand.u32 $0xFFFF0000, v3;
	v4 =	vand.u32 $0xFFFF0000, v4;
	v5 =	vadd.f32 v6, v5  }
0x27a: {  	s1 =	sor.u32 $0x280, s17;
	v3 =	vadd.f32 v4, v3  }
0x27b: {  	[tilespmem:s1+$0x1B000] =	vst.add.f32.msk $0xffff, v5;
	s1 =	sor.u32 $0x280, s9  }
0x27c: {  	[tilespmem:s1+$0x1B000] =	vst.add.f32.msk $0xffff, v3  }
0x27d: {  	v3 =	vld [tilespmem:s10+$0x10]  }
0x27e: {  	v4 =	vld [tilespmem:s11+$0x10];
	_ =	sdelay $0x3  }
0x27f: {  	v5 =	vshll.u32 v3, $0x10  }
0x280: {  	v6 =	vshll.u32 v4, $0x10;
	v4 =	vand.u32 $0xFFFF0000, v4  }
0x281: {  	s1 =	sshra.s32 s18, $0x2;
	v3 =	vand.u32 $0xFFFF0000, v3;
	v5 =	vadd.f32 v6, v5  }
0x282: {  	s3 =	sor.u32 $0x300, s17;
	v3 =	vadd.f32 v4, v3  }
0x283: {  	[tilespmem:s3+$0x1B000] =	vst.add.f32.msk $0xffff, v5;
	s3 =	sor.u32 $0x300, s9  }
0x284: {  	[tilespmem:s3+$0x1B000] =	vst.add.f32.msk $0xffff, v3  }
0x285: {  	v3 =	vld.idx.msk [tilespmem:v2+s30+$0x10 ss:$0x1], $0xffff;
	s30 =	smov.u32 s1  }
0x286: {  	v4 =	vld [tilespmem:s0+$0x10];
	_ =	sdelay $0x4  }
0x287: {  	v6 =	vshll.u32 v3, $0x10;
	v3 =	vand.u32 $0xFFFF0000, v3;
	v5 =	vshll.u32 v4, $0x10  }
0x288: {  	v4 =	vand.u32 $0xFFFF0000, v4;
	v5 =	vadd.f32 v6, v5  }
0x289: {  	s0 =	sor.u32 $0x380, s17;
	v3 =	vadd.f32 v3, v4  }
0x28a: {  	[tilespmem:s0+$0x1B000] =	vst.add.f32.msk $0xffff, v5;
	s0 =	sor.u32 $0x380, s9  }
0x28b: {  	[tilespmem:s0+$0x1B000] =	vst.add.f32.msk $0xffff, v3  }
0x28c: {  	v3 =	vld.idx.msk [tilespmem:v0+s30+$0xFFFFFFF0 ss:$0x1], $0xffff  }
0x28d: {  	v4 =	vld.idx.msk [tilespmem:v1+s30+$0xFFFFFFF0 ss:$0x1], $0xffff;
	_ =	sdelay $0x3  }
0x28e: {  	s1 =	sld [smem:$0x9]  }
0x28f: {  	s3 =	sadd.s32 $0xFFFFFFD0, s8;
	s0 =	sand.u32 $0x3, s2;
	v5 =	vshll.u32 v3, $0x10;
	s6 =	sld [smem:$0x1]  }
0x290: {  	s5 =	sand.u32 $0x1C00, s3;
	s9 =	sadd.s32 $0xFFFFFFE0, s7;
	s0 =	sshll.u32 s0, $0x5;
	v3 =	vand.u32 $0xFFFF0000, v3;
	v6 =	vshll.u32 v4, $0x10;
	v4 =	vand.u32 $0xFFFF0000, v4  }
0x291: {  	s5 =	sadd.s32 $0x1B000, s5;
	s10 =	sand.u32 $0x40, s9;
	s22 =	sor.u32 s3, s9;
	v5 =	vadd.f32 v6, v5;
	v3 =	vadd.f32 v4, v3  }
0x292: {  	s3 =	sadd.s32 s3, s0;
	s0 =	sor.u32 s10, s5;
	s6 =	sshll.u32 s6, $0x2  }
0x293: {  	s9 =	sor.u32 $0x10, s0;
	s1 =	sshll.u32 s1, $0x2;
	[tilespmem:s0+$0x0] =	vst.add.f32.msk $0xffff, v5;
	s6 =	sadd.s32 s6, s18  }
0x294: {  	s17 =	sadd.s32 $0x20, s3;
	s1 =	sadd.s32 s1, s18;
	[tilespmem:s9+$0x0] =	vst.add.f32.msk $0xffff, v3;
	s14 =	sshra.s32 s6, $0x2  }
0x295: {  	s15 =	sshra.s32 s1, $0x2;
	s9 =	sadd.s32 $0x30, s3;
	v3 =	vld [tilespmem:s14+$0x0]  }
0x296: {  	v4 =	vld [tilespmem:s15+$0x0];
	_ =	sdelay $0x3  }
0x297: {  	s1 =	sld [smem:$0x2]  }
0x298: {  	v5 =	vshll.u32 v3, $0x10;
	v6 =	vshll.u32 v4, $0x10;
	v4 =	vand.u32 $0xFFFF0000, v4;
	s3 =	sld [smem:$0xA]  }
0x299: {  	v3 =	vand.u32 $0xFFFF0000, v3;
	v5 =	vadd.f32 v6, v5  }
0x29a: {  	s6 =	sor.u32 $0x80, s0;
	v3 =	vadd.f32 v4, v3;
	s1 =	sshll.u32 s1, $0x2  }
0x29b: {  	[tilespmem:s6+$0x0] =	vst.add.f32.msk $0xffff, v5;
	s6 =	sor.u32 $0x90, s0;
	s1 =	sadd.s32 s1, s18;
	s3 =	sshll.u32 s3, $0x2  }
0x29c: {  	[tilespmem:s6+$0x0] =	vst.add.f32.msk $0xffff, v3;
	s20 =	sshra.s32 s1, $0x2;
	s1 =	sadd.s32 s3, s18  }
0x29d: {  	v3 =	vld [tilespmem:s20+$0x0];
	s24 =	sshra.s32 s1, $0x2  }
0x29e: {  	v4 =	vld [tilespmem:s24+$0x0];
	_ =	sdelay $0x3  }
0x29f: {  	v5 =	vshll.u32 v3, $0x10;
	s1 =	sld [smem:$0x3]  }
0x2a0: {  	v6 =	vshll.u32 v4, $0x10;
	v4 =	vand.u32 $0xFFFF0000, v4;
	s3 =	sld [smem:$0xB]  }
0x2a1: {  	v3 =	vand.u32 $0xFFFF0000, v3;
	v5 =	vadd.f32 v6, v5  }
0x2a2: {  	s6 =	sor.u32 $0x100, s0;
	v3 =	vadd.f32 v4, v3;
	s1 =	sshll.u32 s1, $0x2  }
0x2a3: {  	[tilespmem:s6+$0x0] =	vst.add.f32.msk $0xffff, v5;
	s6 =	sor.u32 $0x110, s0;
	s1 =	sadd.s32 s1, s18;
	s3 =	sshll.u32 s3, $0x2  }
0x2a4: {  	[tilespmem:s6+$0x0] =	vst.add.f32.msk $0xffff, v3;
	s16 =	sshra.s32 s1, $0x2;
	s1 =	sadd.s32 s3, s18  }
0x2a5: {  	v3 =	vld [tilespmem:s16+$0x0];
	s26 =	sshra.s32 s1, $0x2  }
0x2a6: {  	v4 =	vld [tilespmem:s26+$0x0];
	_ =	sdelay $0x3  }
0x2a7: {  	v5 =	vshll.u32 v3, $0x10;
	s1 =	sld [smem:$0x4]  }
0x2a8: {  	v6 =	vshll.u32 v4, $0x10;
	v4 =	vand.u32 $0xFFFF0000, v4;
	s3 =	sld [smem:$0xC]  }
0x2a9: {  	v3 =	vand.u32 $0xFFFF0000, v3;
	v5 =	vadd.f32 v6, v5  }
0x2aa: {  	s6 =	sor.u32 $0x180, s0;
	v3 =	vadd.f32 v4, v3;
	s1 =	sshll.u32 s1, $0x2  }
0x2ab: {  	s0 =	sor.u32 $0x190, s0;
	[tilespmem:s6+$0x0] =	vst.add.f32.msk $0xffff, v5;
	s1 =	sadd.s32 s1, s18;
	s3 =	sshll.u32 s3, $0x2  }
0x2ac: {  	[tilespmem:s0+$0x0] =	vst.add.f32.msk $0xffff, v3;
	s28 =	sshra.s32 s1, $0x2;
	s0 =	sadd.s32 s3, s18  }
0x2ad: {  	v3 =	vld [tilespmem:s28+$0x0];
	s29 =	sshra.s32 s0, $0x2  }
0x2ae: {  	v4 =	vld [tilespmem:s29+$0x0];
	_ =	sdelay $0x1  }
0x2af: {  	s0 =	simm.s32 $0x1  }
0x2b0: {  	s0 =	simm.s32 @!p0 $0x0  }
0x2b1: {  	s0 =	sshll.u32 s0, $0x6;
	s1 =	sld [smem:$0x5]  }
0x2b2: {  	s3 =	sadd.s32 s8, s0;
	v5 =	vshll.u32 v3, $0x10;
	v6 =	vshll.u32 v4, $0x10;
	v4 =	vand.u32 $0xFFFF0000, v4;
	s10 =	sld [smem:$0xD]  }
0x2b3: {  	s0 =	sadd.s32 $0xFFFFFFD0, s3;
	s6 =	sadd.s32 $0xFFFFFFE0, s3;
	v3 =	vand.u32 $0xFFFF0000, v3;
	v5 =	vadd.f32 v6, v5  }
0x2b4: {  	s3 =	sor.u32 $0x200, s0;
	v3 =	vadd.f32 v4, v3;
	s1 =	sshll.u32 s1, $0x2  }
0x2b5: {  	[tilespmem:s3+$0x1B000] =	vst.add.f32.msk $0xffff, v5;
	s3 =	sor.u32 $0x200, s6;
	s1 =	sadd.s32 s1, s18;
	s10 =	sshll.u32 s10, $0x2  }
0x2b6: {  	[tilespmem:s3+$0x1B000] =	vst.add.f32.msk $0xffff, v3;
	s1 =	sshra.s32 s1, $0x2;
	s3 =	sadd.s32 s10, s18  }
0x2b7: {  	v3 =	vld [tilespmem:s1+$0x0];
	s3 =	sshra.s32 s3, $0x2  }
0x2b8: {  	v4 =	vld [tilespmem:s3+$0x0];
	_ =	sdelay $0x3  }
0x2b9: {  	v5 =	vshll.u32 v3, $0x10;
	s10 =	sld [smem:$0x6]  }
0x2ba: {  	v6 =	vshll.u32 v4, $0x10;
	v4 =	vand.u32 $0xFFFF0000, v4;
	s11 =	sld [smem:$0xE]  }
0x2bb: {  	v3 =	vand.u32 $0xFFFF0000, v3;
	v5 =	vadd.f32 v6, v5  }
0x2bc: {  	s4 =	sor.u32 $0x280, s0;
	v3 =	vadd.f32 v4, v3;
	s10 =	sshll.u32 s10, $0x2  }
0x2bd: {  	[tilespmem:s4+$0x1B000] =	vst.add.f32.msk $0xffff, v5;
	s4 =	sor.u32 $0x280, s6;
	s10 =	sadd.s32 s10, s18;
	s11 =	sshll.u32 s11, $0x2  }
0x2be: {  	[tilespmem:s4+$0x1B000] =	vst.add.f32.msk $0xffff, v3;
	s10 =	sshra.s32 s10, $0x2;
	s4 =	sadd.s32 s11, s18  }
0x2bf: {  	v3 =	vld [tilespmem:s10+$0x0];
	s11 =	sshra.s32 s4, $0x2  }
0x2c0: {  	v4 =	vld [tilespmem:s11+$0x0];
	_ =	sdelay $0x3  }
0x2c1: {  	v5 =	vshll.u32 v3, $0x10  }
0x2c2: {  	v6 =	vshll.u32 v4, $0x10;
	v4 =	vand.u32 $0xFFFF0000, v4;
	s4 =	sld [smem:$0x7]  }
0x2c3: {  	v3 =	vand.u32 $0xFFFF0000, v3;
	v5 =	vadd.f32 v6, v5  }
0x2c4: {  	s0 =	sor.u32 $0x300, s0;
	v3 =	vadd.f32 v4, v3  }
0x2c5: {  	[tilespmem:s0+$0x1B000] =	vst.add.f32.msk $0xffff, v5;
	s0 =	sor.u32 $0x300, s6;
	s4 =	sshll.u32 s4, $0x2  }
0x2c6: {  	[tilespmem:s0+$0x1B000] =	vst.add.f32.msk $0xffff, v3;
	s0 =	sadd.s32 s4, s18  }
0x2c7: {  	s0 =	sshra.s32 s0, $0x2;
	v3 =	vld.idx.msk [tilespmem:v2+s30+$0x0 ss:$0x1], $0xffff  }
0x2c8: {  	v4 =	vld [tilespmem:s0+$0x0];
	_ =	sdelay $0x4  }
0x2c9: {  	v6 =	vshll.u32 v3, $0x10;
	v3 =	vand.u32 $0xFFFF0000, v3;
	v5 =	vshll.u32 v4, $0x10  }
0x2ca: {  	v4 =	vand.u32 $0xFFFF0000, v4;
	v5 =	vadd.f32 v6, v5  }
0x2cb: {  	s4 =	sor.u32 $0x380, s22;
	v3 =	vadd.f32 v3, v4  }
0x2cc: {  	[tilespmem:s4+$0x1B000] =	vst.add.f32.msk $0xffff, v5;
	s4 =	sor.u32 $0x380, s6  }
0x2cd: {  	[tilespmem:s4+$0x1B000] =	vst.add.f32.msk $0xffff, v3  }
0x2ce: {  	v3 =	vld.idx.msk [tilespmem:v0+s30+$0x0 ss:$0x1], $0xffff  }
0x2cf: {  	v4 =	vld.idx.msk [tilespmem:v1+s30+$0x0 ss:$0x1], $0xffff;
	_ =	sdelay $0x4  }
0x2d0: {  	v5 =	vshll.u32 v3, $0x10  }
0x2d1: {  	v6 =	vshll.u32 v4, $0x10;
	v4 =	vand.u32 $0xFFFF0000, v4  }
0x2d2: {  	s4 =	sand.u32 $0x60, s7;
	v3 =	vand.u32 $0xFFFF0000, v3;
	v5 =	vadd.f32 v6, v5  }
0x2d3: {  	s5 =	sor.u32 s4, s5;
	v3 =	vadd.f32 v4, v3  }
0x2d4: {  	s4 =	sor.u32 $0x10, s5;
	[tilespmem:s5+$0x0] =	vst.add.f32.msk $0xffff, v5  }
0x2d5: {  	[tilespmem:s4+$0x0] =	vst.add.f32.msk $0xffff, v3  }
0x2d6: {  	v3 =	vld [tilespmem:s14+$0x10]  }
0x2d7: {  	v4 =	vld [tilespmem:s15+$0x10];
	_ =	sdelay $0x4  }
0x2d8: {  	v5 =	vshll.u32 v3, $0x10;
	v6 =	vshll.u32 v4, $0x10;
	v4 =	vand.u32 $0xFFFF0000, v4  }
0x2d9: {  	v3 =	vand.u32 $0xFFFF0000, v3;
	v5 =	vadd.f32 v6, v5  }
0x2da: {  	s4 =	sor.u32 $0x80, s5;
	v3 =	vadd.f32 v4, v3  }
0x2db: {  	[tilespmem:s4+$0x0] =	vst.add.f32.msk $0xffff, v5;
	s4 =	sor.u32 $0x90, s5  }
0x2dc: {  	[tilespmem:s4+$0x0] =	vst.add.f32.msk $0xffff, v3  }
0x2dd: {  	v3 =	vld [tilespmem:s20+$0x10]  }
0x2de: {  	v4 =	vld [tilespmem:s24+$0x10];
	_ =	sdelay $0x3  }
0x2df: {  	v5 =	vshll.u32 v3, $0x10  }
0x2e0: {  	v6 =	vshll.u32 v4, $0x10  }
0x2e1: {  	v3 =	vand.u32 $0xFFFF0000, v3;
	v4 =	vand.u32 $0xFFFF0000, v4;
	v5 =	vadd.f32 v6, v5  }
0x2e2: {  	s4 =	sor.u32 $0x100, s5;
	v3 =	vadd.f32 v4, v3  }
0x2e3: {  	[tilespmem:s4+$0x0] =	vst.add.f32.msk $0xffff, v5;
	s4 =	sor.u32 $0x110, s5  }
0x2e4: {  	[tilespmem:s4+$0x0] =	vst.add.f32.msk $0xffff, v3  }
0x2e5: {  	v3 =	vld [tilespmem:s26+$0x10]  }
0x2e6: {  	v4 =	vld [tilespmem:s16+$0x10];
	_ =	sdelay $0x3  }
0x2e7: {  	v5 =	vshll.u32 v3, $0x10  }
0x2e8: {  	v6 =	vshll.u32 v4, $0x10;
	v4 =	vand.u32 $0xFFFF0000, v4  }
0x2e9: {  	v3 =	vand.u32 $0xFFFF0000, v3;
	v5 =	vadd.f32 v5, v6  }
0x2ea: {  	s4 =	sor.u32 $0x180, s5;
	v3 =	vadd.f32 v3, v4  }
0x2eb: {  	[tilespmem:s4+$0x0] =	vst.add.f32.msk $0xffff, v5;
	s4 =	sor.u32 $0x190, s5  }
0x2ec: {  	[tilespmem:s4+$0x0] =	vst.add.f32.msk $0xffff, v3  }
0x2ed: {  	v3 =	vld [tilespmem:s28+$0x10]  }
0x2ee: {  	v4 =	vld [tilespmem:s29+$0x10];
	_ =	sdelay $0x3  }
0x2ef: {  	v5 =	vshll.u32 v3, $0x10;
	v3 =	vand.u32 $0xFFFF0000, v3  }
0x2f0: {  	v6 =	vshll.u32 v4, $0x10;
	v4 =	vand.u32 $0xFFFF0000, v4  }
0x2f1: {  	v5 =	vadd.f32 v6, v5;
	v3 =	vadd.f32 v4, v3  }
0x2f2: {  	s4 =	sor.u32 $0x200, s17  }
0x2f3: {  	[tilespmem:s4+$0x1B000] =	vst.add.f32.msk $0xffff, v5;
	s4 =	sor.u32 $0x200, s9  }
.Ltmp2:
0x2f4: {  	[tilespmem:s4+$0x1B000] =	vst.add.f32.msk $0xffff, v3;
	(pc) =	sbr.rel @p1 .LBB2_7-.Ltmp2, $3  }
0x2f5: {  	v3 =	vld [tilespmem:s1+$0x10]  }
0x2f6: {  	v4 =	vld [tilespmem:s3+$0x10];
	_ =	sdelay $0x1  }
0x2f7: {  	p0 =	por !p0, !p0  }
0x2f8: {  	_ =	sdelay $0x1  }
0x2f9: {  	v0 =	vshll.u32 v3, $0x10;
	v1 =	vshll.u32 v4, $0x10  }
0x2fa: {  	v3 =	vand.u32 $0xFFFF0000, v3;
	v4 =	vand.u32 $0xFFFF0000, v4;
	v0 =	vadd.f32 v1, v0  }
0x2fb: {  	s1 =	sor.u32 $0x280, s17;
	v1 =	vadd.f32 v4, v3  }
0x2fc: {  	s5 =	sor.u32 $0x280, s9;
	[tilespmem:s1+$0x1B000] =	vst.add.f32.msk $0xffff, v0  }
0x2fd: {  	[tilespmem:s5+$0x1B000] =	vst.add.f32.msk $0xffff, v1  }
0x2fe: {  	v0 =	vld [tilespmem:s10+$0x10]  }
0x2ff: {  	v1 =	vld [tilespmem:s11+$0x10];
	_ =	sdelay $0x4  }
0x300: {  	v3 =	vshll.u32 v0, $0x10;
	v4 =	vshll.u32 v1, $0x10  }
0x301: {  	v1 =	vand.u32 $0xFFFF0000, v1;
	v0 =	vand.u32 $0xFFFF0000, v0;
	v3 =	vadd.f32 v4, v3  }
0x302: {  	s6 =	sor.u32 $0x300, s17;
	v0 =	vadd.f32 v1, v0  }
0x303: {  	s7 =	sor.u32 $0x300, s9;
	[tilespmem:s6+$0x1B000] =	vst.add.f32.msk $0xffff, v3  }
0x304: {  	[tilespmem:s7+$0x1B000] =	vst.add.f32.msk $0xffff, v0  }
0x305: {  	v0 =	vld.idx.msk [tilespmem:v2+s30+$0x10 ss:$0x1], $0xffff  }
0x306: {  	v1 =	vld [tilespmem:s0+$0x10];
	_ =	sdelay $0x4  }
0x307: {  	v2 =	vshll.u32 v1, $0x10;
	v3 =	vshll.u32 v0, $0x10  }
0x308: {  	v0 =	vand.u32 $0xFFFF0000, v0;
	v1 =	vand.u32 $0xFFFF0000, v1;
	v2 =	vadd.f32 v3, v2  }
0x309: {  	s8 =	sor.u32 $0x380, s17;
	s9 =	sor.u32 $0x380, s9;
	s10 =	rddreg [dreg:$0x2];
	v0 =	vadd.f32 v0, v1  }
0x30a: {  	s13 =	simm.s32 $0x0;
	p0 =	seq.s32 s19, $0x1F;
	s1 =	sadd.s32 s31, s10;
	[tilespmem:s8+$0x1B000] =	vst.add.f32.msk $0xffff, v2  }
0x30b: {  	s2 =	simm.s32 $0x1B000;
	s11 =	sadd.s32 $0x300, s1;
	s0 =	simm.s32 @!p0 $0x5;
	[tilespmem:s9+$0x1B000] =	vst.add.f32.msk $0xffff, v0  }
0x30c: {  	[hbm4b:s11+s13] =	stream.linear.scatter [tilespmem:s2], [sflag:$0x6], $0x1800, $0x38;
	[tilespmem:$0x1F800] =	vst v63  }
0x30d: {  	_ =	swait.ge @!p0 [sflag:s0], $0x1800  }
0x30e: {  	s1 =	rddreg [dreg:$0xd]  }
0x30f: {  	[sflag:s0] =	ssyncset.done @!p0 $0x0;
	s1 =	sadd.s32 @!p0 s21, s1  }
0x310: {  	[sflag:s0] =	ssyncadd.s32 @!p0 $0xFFFFE800;
	s1 =	smul.u32 @!p0 $0x300, s1  }
0x311: {  	s14 =	simm.s32 $0x3;
	s0 =	rddreg [dreg:$0x0]  }
0x312: {  	s2 =	simm.s32 @!p0 $0x19800;
	s0 =	sadd.s32 @!p0 s0, s1;
	s1 =	simm.s32 @!p0 $0x0  }
0x313: {  	[tilespmem:s2], [sflag:$0x1] =	stream.linear.gather @!p0 [hbm4b:s0+s1], $0x1800, $0x38;
	[tilespmem:$0x1F800] =	vst v63  }
0x314: {  	_ =	swait.ge [sflag:s14], $0x1800  }
0x315: {  	[sflag:s14] =	ssyncset.done $0x0  }
0x316: {  	s12 =	sshll.u32 s12, $0x3;
	[sflag:s14] =	ssyncadd.s32 $0xFFFFE800  }
0x317: {  	v0 =	vld [tilespmem:s12+$0x19000]  }
0x318: {  	v1 =	vld [tilespmem:s12+$0x19400];
	_ =	sdelay $0x3  }
0x319: {  	v0 =	vmul.u32 $0x180, v0  }
0x31a: {  	v2 =	vmul.u32 $0x180, v1  }
0x31b: {  	(v2sf) =	vpush v0, $0x0  }
0x31c: {  	(v2sf) =	vpush v2, $0x0;
	_ =	sdelay $0x2  }
0x31d: {  	(v2sf) =	vpush v0, $0x1  }
0x31e: {  	(v2sf) =	vpush v2, $0x1  }
0x31f: {  	(v2sf) =	vpush v0, $0x2  }
0x320: {  	(v2sf) =	vpush v2, $0x2  }
0x321: {  	(v2sf) =	vpush v0, $0x3  }
0x322: {  	(v2sf) =	vpush v2, $0x3  }
0x323: {  	(v2sf) =	vpush v0, $0x4  }
0x324: {  	(v2sf) =	vpush v2, $0x4  }
0x325: {  	(v2sf) =	vpush v0, $0x5  }
0x326: {  	(v2sf) =	vpush v2, $0x5  }
0x327: {  	(v2sf) =	vpush v0, $0x6  }
0x328: {  	s15 =	spop (v2sf);
	(v2sf) =	vpush v2, $0x6  }
0x329: {  	s16 =	spop (v2sf);
	(v2sf) =	vpush v0, $0x7;
	_ =	sdelay $0x1  }
0x32a: {  	[smem:$0x0] =	sst s15;
	s0 =	sshll.u32 s15, $0x2  }
0x32b: {  	s17 =	spop (v2sf);
	[smem:$0x8] =	sst s16;
	s1 =	sshll.u32 s16, $0x2  }
0x32c: {  	s0 =	sshra.s32 s0, $0x2;
	s3 =	spop (v2sf);
	[smem:$0x1] =	sst s17  }
0x32d: {  	s1 =	sshra.s32 s1, $0x2;
	s0 =	sor.u32 $0x10, s0;
	s4 =	spop (v2sf)  }
0x32e: {  	[smem:$0x9] =	sst s3;
	s1 =	sor.u32 $0x10, s1;
	v0 =	vmov s0;
	s5 =	spop (v2sf)  }
0x32f: {  	[smem:$0x2] =	sst s4;
	v1 =	vmov s1;
	s18 =	spop (v2sf)  }
0x330: {  	[smem:$0xA] =	sst s5;
	s20 =	spop (v2sf)  }
0x331: {  	[smem:$0x3] =	sst s18;
	s22 =	spop (v2sf)  }
0x332: {  	s2 =	simm.s32 $0x0;
	[smem:$0xB] =	sst s20;
	s24 =	spop (v2sf)  }
0x333: {  	[smem:$0x4] =	sst s22;
	v3 =	vld.idx.msk [tilespmem:v0+s2+$0xFFFFFFF0 ss:$0x1], $0xffff;
	s26 =	spop (v2sf)  }
0x334: {  	[smem:$0xC] =	sst s24;
	v4 =	vld.idx.msk [tilespmem:v1+s2+$0xFFFFFFF0 ss:$0x1], $0xffff;
	s6 =	spop (v2sf)  }
0x335: {  	s1 =	sld [smem:$0x1];
	s28 =	spop (v2sf)  }
0x336: {  	[smem:$0x5] =	sst s26;
	s29 =	spop (v2sf)  }
0x337: {  	[smem:$0x6] =	sst s28;
	s10 =	spop (v2sf)  }
0x338: {  	s5 =	simm.s32 $0x0;
	[smem:$0x7] =	sst s10  }
0x339: {  	s7 =	simm.s32 $0x0;
	s13 =	sand.u32 $0x1C00, s5;
	v5 =	vshll.u32 v3, $0x10;
	v6 =	vshll.u32 v4, $0x10;
	s3 =	sld [smem:$0x9]  }
0x33a: {  	s14 =	sand.u32 $0x40, s7;
	s0 =	sadd.s32 $0x1C800, s13;
	v3 =	vand.u32 $0xFFFF0000, v3;
	v4 =	vand.u32 $0xFFFF0000, v4;
	v5 =	vadd.f32 v6, v5  }
0x33b: {  	s1 =	sshll.u32 s1, $0x2;
	v3 =	vadd.f32 v4, v3;
	s10 =	sor.u32 s14, s0  }
0x33c: {  	s1 =	sadd.s32 $0x0, s1;
	[tilespmem:s10+$0x0] =	vst.add.f32.msk $0xffff, v5;
	s4 =	sor.u32 $0x10, s10;
	s3 =	sshll.u32 s3, $0x2  }
0x33d: {  	s1 =	sshra.s32 s1, $0x2;
	[tilespmem:s4+$0x0] =	vst.add.f32.msk $0xffff, v3;
	s3 =	sadd.s32 $0x0, s3  }
0x33e: {  	v3 =	vld [tilespmem:s1+$0x0];
	s3 =	sshra.s32 s3, $0x2  }
0x33f: {  	v4 =	vld [tilespmem:s3+$0x0];
	_ =	sdelay $0x2  }
0x340: {  	[smem:$0xD] =	sst s6  }
0x341: {  	s15 =	sld [smem:$0x2]  }
0x342: {  	s6 =	sld [smem:$0xA];
	v5 =	vshll.u32 v3, $0x10;
	v6 =	vshll.u32 v4, $0x10  }
0x343: {  	v3 =	vand.u32 $0xFFFF0000, v3;
	v4 =	vand.u32 $0xFFFF0000, v4;
	v5 =	vadd.f32 v6, v5  }
0x344: {  	s8 =	sor.u32 $0x80, s10;
	s4 =	sshll.u32 s15, $0x2;
	v3 =	vadd.f32 v4, v3  }
0x345: {  	s16 =	sor.u32 $0x90, s10;
	s4 =	sadd.s32 $0x0, s4;
	s6 =	sshll.u32 s6, $0x2;
	[tilespmem:s8+$0x0] =	vst.add.f32.msk $0xffff, v5  }
0x346: {  	s17 =	sadd.s32 $0x0, s6;
	s8 =	sshra.s32 s4, $0x2;
	[tilespmem:s16+$0x0] =	vst.add.f32.msk $0xffff, v3  }
0x347: {  	(v2sf) =	vpush v2, $0x7;
	s9 =	sshra.s32 s17, $0x2;
	v2 =	vld [tilespmem:s8+$0x0]  }
0x348: {  	v3 =	vld [tilespmem:s9+$0x0];
	_ =	sdelay $0x2  }
0x349: {  	s18 =	sld [smem:$0x3]  }
0x34a: {  	[smem:$0xE] =	sst s29  }
0x34b: {  	s20 =	sld [smem:$0xB];
	v4 =	vshll.u32 v2, $0x10;
	v5 =	vshll.u32 v3, $0x10  }
0x34c: {  	v3 =	vand.u32 $0xFFFF0000, v3;
	v2 =	vand.u32 $0xFFFF0000, v2;
	v4 =	vadd.f32 v5, v4  }
0x34d: {  	s22 =	sor.u32 $0x100, s10;
	s4 =	sshll.u32 s18, $0x2;
	v2 =	vadd.f32 v3, v2  }
0x34e: {  	s24 =	sor.u32 $0x110, s10;
	s6 =	sshll.u32 s20, $0x2;
	s4 =	sadd.s32 $0x0, s4;
	[tilespmem:s22+$0x0] =	vst.add.f32.msk $0xffff, v4  }
0x34f: {  	s26 =	sadd.s32 $0x0, s6;
	s13 =	sshra.s32 s4, $0x2;
	[tilespmem:s24+$0x0] =	vst.add.f32.msk $0xffff, v2  }
0x350: {  	s14 =	sshra.s32 s26, $0x2;
	v2 =	vld [tilespmem:s13+$0x0]  }
0x351: {  	v3 =	vld [tilespmem:s14+$0x0];
	_ =	sdelay $0x2  }
0x352: {  	s28 =	sld [smem:$0x4];
	s6 =	spop (v2sf)  }
0x353: {  	[smem:$0xF] =	sst s6  }
0x354: {  	s29 =	sld [smem:$0xC];
	v4 =	vshll.u32 v2, $0x10;
	v5 =	vshll.u32 v3, $0x10  }
0x355: {  	v3 =	vand.u32 $0xFFFF0000, v3;
	v2 =	vand.u32 $0xFFFF0000, v2;
	v4 =	vadd.f32 v5, v4  }
0x356: {  	s15 =	sor.u32 $0x180, s10;
	s4 =	sshll.u32 s28, $0x2;
	v2 =	vadd.f32 v3, v2  }
0x357: {  	s10 =	sor.u32 $0x190, s10;
	s4 =	sadd.s32 $0x0, s4;
	s11 =	sshll.u32 s29, $0x2;
	[tilespmem:s15+$0x0] =	vst.add.f32.msk $0xffff, v4  }
0x358: {  	s15 =	sshra.s32 s4, $0x2;
	[tilespmem:s10+$0x0] =	vst.add.f32.msk $0xffff, v2;
	s10 =	sadd.s32 $0x0, s11  }
0x359: {  	v2 =	vld [tilespmem:s15+$0x0];
	s16 =	sshra.s32 s10, $0x2  }
0x35a: {  	v3 =	vld [tilespmem:s16+$0x0];
	_ =	sdelay $0x1  }
0x35b: {  	p1 =	por $0x0, $0x0;
	s4 =	simm.s32 $0x1  }
0x35c: {  	s4 =	simm.s32 @!p1 $0x0  }
0x35d: {  	s11 =	sld [smem:$0x5];
	s4 =	sshll.u32 s4, $0x6  }
0x35e: {  	s20 =	sld [smem:$0xD];
	s4 =	sadd.s32 $0x30, s4;
	v4 =	vshll.u32 v2, $0x10;
	v5 =	vshll.u32 v3, $0x10  }
0x35f: {  	s17 =	sadd.s32 $0xFFFFFFD0, s4;
	v2 =	vand.u32 $0xFFFF0000, v2;
	v3 =	vand.u32 $0xFFFF0000, v3;
	v4 =	vadd.f32 v5, v4  }
0x360: {  	s4 =	sadd.s32 $0xFFFFFFE0, s4;
	s10 =	sshll.u32 s11, $0x2;
	s18 =	sor.u32 $0x200, s17;
	v2 =	vadd.f32 v3, v2  }
0x361: {  	s11 =	sshll.u32 s20, $0x2;
	s22 =	sor.u32 $0x200, s4;
	s10 =	sadd.s32 $0x0, s10;
	[tilespmem:s18+$0x1C800] =	vst.add.f32.msk $0xffff, v4  }
0x362: {  	s24 =	sadd.s32 $0x0, s11;
	s18 =	sshra.s32 s10, $0x2;
	[tilespmem:s22+$0x1C800] =	vst.add.f32.msk $0xffff, v2  }
0x363: {  	s20 =	sshra.s32 s24, $0x2;
	v2 =	vld [tilespmem:s18+$0x0]  }
0x364: {  	v3 =	vld [tilespmem:s20+$0x0];
	_ =	sdelay $0x3  }
0x365: {  	s26 =	sld [smem:$0x6]  }
0x366: {  	s28 =	sld [smem:$0xE];
	v4 =	vshll.u32 v2, $0x10;
	v5 =	vshll.u32 v3, $0x10  }
0x367: {  	v3 =	vand.u32 $0xFFFF0000, v3;
	v2 =	vand.u32 $0xFFFF0000, v2;
	v4 =	vadd.f32 v5, v4  }
0x368: {  	s10 =	sshll.u32 s26, $0x2;
	s22 =	sor.u32 $0x280, s17;
	v2 =	vadd.f32 v3, v2  }
0x369: {  	s29 =	sor.u32 $0x280, s4;
	s11 =	sshll.u32 s28, $0x2;
	s10 =	sadd.s32 $0x0, s10;
	[tilespmem:s22+$0x1C800] =	vst.add.f32.msk $0xffff, v4  }
0x36a: {  	s24 =	sadd.s32 $0x0, s11;
	s31 =	sshra.s32 s10, $0x2;
	[tilespmem:s29+$0x1C800] =	vst.add.f32.msk $0xffff, v2  }
0x36b: {  	s10 =	sshra.s32 s24, $0x2;
	v3 =	vld [tilespmem:s31+$0x0]  }
0x36c: {  	v4 =	vld [tilespmem:s10+$0x0];
	_ =	sdelay $0x4  }
0x36d: {  	s26 =	sld [smem:$0x7];
	v2 =	vmov s6;
	v5 =	vshll.u32 v3, $0x10;
	v6 =	vshll.u32 v4, $0x10  }
0x36e: {  	v4 =	vand.u32 $0xFFFF0000, v4;
	v3 =	vand.u32 $0xFFFF0000, v3;
	v5 =	vadd.f32 v6, v5  }
0x36f: {  	s28 =	sor.u32 $0x300, s17;
	v3 =	vadd.f32 v4, v3  }
0x370: {  	s29 =	sor.u32 $0x300, s4;
	s6 =	sshll.u32 s26, $0x2;
	[tilespmem:s28+$0x1C800] =	vst.add.f32.msk $0xffff, v5  }
0x371: {  	s6 =	sadd.s32 $0x0, s6;
	[tilespmem:s29+$0x1C800] =	vst.add.f32.msk $0xffff, v3  }
0x372: {  	s11 =	sshra.s32 s6, $0x2;
	v3 =	vld.idx.msk [tilespmem:v2+s2+$0x0 ss:$0x1], $0xffff  }
0x373: {  	v4 =	vld [tilespmem:s11+$0x0];
	_ =	sdelay $0x4  }
0x374: {  	v5 =	vshll.u32 v4, $0x10;
	v6 =	vshll.u32 v3, $0x10  }
0x375: {  	s5 =	sor.u32 s5, s7;
	v3 =	vand.u32 $0xFFFF0000, v3;
	v4 =	vand.u32 $0xFFFF0000, v4;
	v5 =	vadd.f32 v6, v5  }
0x376: {  	s5 =	sor.u32 $0x380, s5;
	v3 =	vadd.f32 v3, v4  }
0x377: {  	s4 =	sor.u32 $0x380, s4;
	[tilespmem:s5+$0x1C800] =	vst.add.f32.msk $0xffff, v5  }
0x378: {  	[tilespmem:s4+$0x1C800] =	vst.add.f32.msk $0xffff, v3  }
0x379: {  	v3 =	vld.idx.msk [tilespmem:v0+s2+$0x0 ss:$0x1], $0xffff  }
0x37a: {  	v4 =	vld.idx.msk [tilespmem:v1+s2+$0x0 ss:$0x1], $0xffff;
	_ =	sdelay $0x4  }
0x37b: {  	s30 =	simm.s32 $0x20;
	v5 =	vshll.u32 v3, $0x10;
	v6 =	vshll.u32 v4, $0x10  }
0x37c: {  	s5 =	sand.u32 $0x60, s30;
	v4 =	vand.u32 $0xFFFF0000, v4;
	v3 =	vand.u32 $0xFFFF0000, v3;
	v5 =	vadd.f32 v6, v5  }
0x37d: {  	s0 =	sor.u32 s5, s0;
	v3 =	vadd.f32 v4, v3  }
0x37e: {  	s4 =	sor.u32 $0x10, s0;
	[tilespmem:s0+$0x0] =	vst.add.f32.msk $0xffff, v5  }
0x37f: {  	[tilespmem:s4+$0x0] =	vst.add.f32.msk $0xffff, v3  }
0x380: {  	v3 =	vld [tilespmem:s1+$0x10]  }
0x381: {  	v4 =	vld [tilespmem:s3+$0x10];
	_ =	sdelay $0x4  }
0x382: {  	v5 =	vshll.u32 v3, $0x10;
	v6 =	vshll.u32 v4, $0x10  }
0x383: {  	v4 =	vand.u32 $0xFFFF0000, v4;
	v3 =	vand.u32 $0xFFFF0000, v3;
	v5 =	vadd.f32 v6, v5  }
0x384: {  	s6 =	sor.u32 $0x80, s0;
	v3 =	vadd.f32 v4, v3  }
0x385: {  	s7 =	sor.u32 $0x90, s0;
	[tilespmem:s6+$0x0] =	vst.add.f32.msk $0xffff, v5  }
0x386: {  	[tilespmem:s7+$0x0] =	vst.add.f32.msk $0xffff, v3  }
0x387: {  	v3 =	vld [tilespmem:s8+$0x10]  }
0x388: {  	v4 =	vld [tilespmem:s9+$0x10];
	_ =	sdelay $0x4  }
0x389: {  	v5 =	vshll.u32 v3, $0x10;
	v6 =	vshll.u32 v4, $0x10  }
0x38a: {  	v3 =	vand.u32 $0xFFFF0000, v3;
	v4 =	vand.u32 $0xFFFF0000, v4;
	v5 =	vadd.f32 v6, v5  }
0x38b: {  	s17 =	sor.u32 $0x100, s0;
	v3 =	vadd.f32 v4, v3  }
0x38c: {  	s22 =	sor.u32 $0x110, s0;
	[tilespmem:s17+$0x0] =	vst.add.f32.msk $0xffff, v5  }
0x38d: {  	[tilespmem:s22+$0x0] =	vst.add.f32.msk $0xffff, v3  }
0x38e: {  	v3 =	vld [tilespmem:s14+$0x10]  }
0x38f: {  	v4 =	vld [tilespmem:s13+$0x10];
	_ =	sdelay $0x4  }
0x390: {  	v5 =	vshll.u32 v3, $0x10;
	v6 =	vshll.u32 v4, $0x10  }
0x391: {  	v4 =	vand.u32 $0xFFFF0000, v4;
	v3 =	vand.u32 $0xFFFF0000, v3;
	v5 =	vadd.f32 v5, v6  }
0x392: {  	s24 =	sor.u32 $0x180, s0;
	v3 =	vadd.f32 v3, v4  }
0x393: {  	s0 =	sor.u32 $0x190, s0;
	[tilespmem:s24+$0x0] =	vst.add.f32.msk $0xffff, v5  }
0x394: {  	[tilespmem:s0+$0x0] =	vst.add.f32.msk $0xffff, v3  }
0x395: {  	v3 =	vld [tilespmem:s15+$0x10]  }
0x396: {  	v4 =	vld [tilespmem:s16+$0x10];
	_ =	sdelay $0x1  }
0x397: {  	s7 =	simm.s32 $0x0  }
0x398: {  	s26 =	sand.u32 $0x3, s7  }
0x399: {  	s0 =	sshll.u32 s26, $0x5  }
0x39a: {  	s0 =	sadd.s32 $0x0, s0;
	v5 =	vshll.u32 v3, $0x10;
	v6 =	vshll.u32 v4, $0x10  }
0x39b: {  	s17 =	sadd.s32 $0x20, s0;
	v3 =	vand.u32 $0xFFFF0000, v3;
	v4 =	vand.u32 $0xFFFF0000, v4;
	v5 =	vadd.f32 v6, v5  }
0x39c: {  	s9 =	sadd.s32 $0x30, s0;
	s28 =	sor.u32 $0x200, s17;
	v3 =	vadd.f32 v4, v3  }
0x39d: {  	s29 =	sor.u32 $0x200, s9;
	[tilespmem:s28+$0x1C800] =	vst.add.f32.msk $0xffff, v5  }
0x39e: {  	[tilespmem:s29+$0x1C800] =	vst.add.f32.msk $0xffff, v3  }
0x39f: {  	v3 =	vld [tilespmem:s18+$0x10]  }
0x3a0: {  	v4 =	vld [tilespmem:s20+$0x10];
	_ =	sdelay $0x1  }
0x3a1: {  	p1 =	por !p1, !p1;
	s8 =	simm.s32 $0x30;
	s13 =	simm.s32 $0x80  }
.LBB2_9:
0x3a2: {  	s30 =	sadd.s32 $0x40, s30;
	s8 =	sadd.s32 $0x200, s8;
	s7 =	sadd.s32 $0x2, s7  }
0x3a3: {  	p2 =	sne.s32 s13, $0x580;
	s0 =	smov.u32 s13;
	s13 =	sadd.s32 $0x80, s13;
	v5 =	vshll.u32 v3, $0x10  }
0x3a4: {  	v6 =	vshll.u32 v4, $0x10  }
0x3a5: {  	v3 =	vand.u32 $0xFFFF0000, v3;
	v4 =	vand.u32 $0xFFFF0000, v4;
	v5 =	vadd.f32 v6, v5  }
0x3a6: {  	s1 =	sor.u32 $0x280, s17;
	v3 =	vadd.f32 v4, v3  }
0x3a7: {  	[tilespmem:s1+$0x1C800] =	vst.add.f32.msk $0xffff, v5;
	s1 =	sor.u32 $0x280, s9  }
0x3a8: {  	[tilespmem:s1+$0x1C800] =	vst.add.f32.msk $0xffff, v3  }
0x3a9: {  	v3 =	vld [tilespmem:s31+$0x10]  }
0x3aa: {  	v4 =	vld [tilespmem:s10+$0x10];
	_ =	sdelay $0x3  }
0x3ab: {  	v5 =	vshll.u32 v3, $0x10  }
0x3ac: {  	v6 =	vshll.u32 v4, $0x10;
	v4 =	vand.u32 $0xFFFF0000, v4  }
0x3ad: {  	s1 =	sshra.s32 s0, $0x2;
	v3 =	vand.u32 $0xFFFF0000, v3;
	v5 =	vadd.f32 v6, v5  }
0x3ae: {  	s3 =	sor.u32 $0x300, s17;
	v3 =	vadd.f32 v4, v3  }
0x3af: {  	[tilespmem:s3+$0x1C800] =	vst.add.f32.msk $0xffff, v5;
	s3 =	sor.u32 $0x300, s9  }
0x3b0: {  	[tilespmem:s3+$0x1C800] =	vst.add.f32.msk $0xffff, v3  }
0x3b1: {  	v3 =	vld.idx.msk [tilespmem:v2+s2+$0x10 ss:$0x1], $0xffff;
	s2 =	smov.u32 s1  }
0x3b2: {  	v4 =	vld [tilespmem:s11+$0x10];
	_ =	sdelay $0x4  }
0x3b3: {  	v6 =	vshll.u32 v3, $0x10;
	v3 =	vand.u32 $0xFFFF0000, v3;
	v5 =	vshll.u32 v4, $0x10  }
0x3b4: {  	v4 =	vand.u32 $0xFFFF0000, v4;
	v5 =	vadd.f32 v6, v5  }
0x3b5: {  	s1 =	sor.u32 $0x380, s17;
	v3 =	vadd.f32 v3, v4  }
0x3b6: {  	[tilespmem:s1+$0x1C800] =	vst.add.f32.msk $0xffff, v5;
	s1 =	sor.u32 $0x380, s9  }
0x3b7: {  	[tilespmem:s1+$0x1C800] =	vst.add.f32.msk $0xffff, v3  }
0x3b8: {  	v3 =	vld.idx.msk [tilespmem:v0+s2+$0xFFFFFFF0 ss:$0x1], $0xffff  }
0x3b9: {  	v4 =	vld.idx.msk [tilespmem:v1+s2+$0xFFFFFFF0 ss:$0x1], $0xffff;
	_ =	sdelay $0x3  }
0x3ba: {  	s3 =	sld [smem:$0x9]  }
0x3bb: {  	s4 =	sadd.s32 $0xFFFFFFD0, s8;
	s1 =	sand.u32 $0x3, s7;
	v5 =	vshll.u32 v3, $0x10;
	s6 =	sld [smem:$0x1]  }
0x3bc: {  	s5 =	sand.u32 $0x1C00, s4;
	s9 =	sadd.s32 $0xFFFFFFE0, s30;
	s1 =	sshll.u32 s1, $0x5;
	v3 =	vand.u32 $0xFFFF0000, v3;
	v6 =	vshll.u32 v4, $0x10;
	v4 =	vand.u32 $0xFFFF0000, v4  }
0x3bd: {  	s5 =	sadd.s32 $0x1C800, s5;
	s10 =	sand.u32 $0x40, s9;
	s22 =	sor.u32 s4, s9;
	v5 =	vadd.f32 v6, v5;
	v3 =	vadd.f32 v4, v3  }
0x3be: {  	s4 =	sadd.s32 s4, s1;
	s1 =	sor.u32 s10, s5;
	s6 =	sshll.u32 s6, $0x2  }
0x3bf: {  	s9 =	sor.u32 $0x10, s1;
	s3 =	sshll.u32 s3, $0x2;
	[tilespmem:s1+$0x0] =	vst.add.f32.msk $0xffff, v5;
	s6 =	sadd.s32 s6, s0  }
0x3c0: {  	s17 =	sadd.s32 $0x20, s4;
	s3 =	sadd.s32 s3, s0;
	[tilespmem:s9+$0x0] =	vst.add.f32.msk $0xffff, v3;
	s14 =	sshra.s32 s6, $0x2  }
0x3c1: {  	s15 =	sshra.s32 s3, $0x2;
	s9 =	sadd.s32 $0x30, s4;
	v3 =	vld [tilespmem:s14+$0x0]  }
0x3c2: {  	v4 =	vld [tilespmem:s15+$0x0];
	_ =	sdelay $0x3  }
0x3c3: {  	s3 =	sld [smem:$0x2]  }
0x3c4: {  	v5 =	vshll.u32 v3, $0x10;
	v6 =	vshll.u32 v4, $0x10;
	v4 =	vand.u32 $0xFFFF0000, v4;
	s4 =	sld [smem:$0xA]  }
0x3c5: {  	v3 =	vand.u32 $0xFFFF0000, v3;
	v5 =	vadd.f32 v6, v5  }
0x3c6: {  	s6 =	sor.u32 $0x80, s1;
	v3 =	vadd.f32 v4, v3;
	s3 =	sshll.u32 s3, $0x2  }
0x3c7: {  	[tilespmem:s6+$0x0] =	vst.add.f32.msk $0xffff, v5;
	s6 =	sor.u32 $0x90, s1;
	s3 =	sadd.s32 s3, s0;
	s4 =	sshll.u32 s4, $0x2  }
0x3c8: {  	[tilespmem:s6+$0x0] =	vst.add.f32.msk $0xffff, v3;
	s18 =	sshra.s32 s3, $0x2;
	s3 =	sadd.s32 s4, s0  }
0x3c9: {  	v3 =	vld [tilespmem:s18+$0x0];
	s20 =	sshra.s32 s3, $0x2  }
0x3ca: {  	v4 =	vld [tilespmem:s20+$0x0];
	_ =	sdelay $0x3  }
0x3cb: {  	v5 =	vshll.u32 v3, $0x10;
	s3 =	sld [smem:$0x3]  }
0x3cc: {  	v6 =	vshll.u32 v4, $0x10;
	v4 =	vand.u32 $0xFFFF0000, v4;
	s4 =	sld [smem:$0xB]  }
0x3cd: {  	v3 =	vand.u32 $0xFFFF0000, v3;
	v5 =	vadd.f32 v6, v5  }
0x3ce: {  	s6 =	sor.u32 $0x100, s1;
	v3 =	vadd.f32 v4, v3;
	s3 =	sshll.u32 s3, $0x2  }
0x3cf: {  	[tilespmem:s6+$0x0] =	vst.add.f32.msk $0xffff, v5;
	s6 =	sor.u32 $0x110, s1;
	s3 =	sadd.s32 s3, s0;
	s4 =	sshll.u32 s4, $0x2  }
0x3d0: {  	[tilespmem:s6+$0x0] =	vst.add.f32.msk $0xffff, v3;
	s16 =	sshra.s32 s3, $0x2;
	s3 =	sadd.s32 s4, s0  }
0x3d1: {  	v3 =	vld [tilespmem:s16+$0x0];
	s24 =	sshra.s32 s3, $0x2  }
0x3d2: {  	v4 =	vld [tilespmem:s24+$0x0];
	_ =	sdelay $0x3  }
0x3d3: {  	v5 =	vshll.u32 v3, $0x10;
	s3 =	sld [smem:$0x4]  }
0x3d4: {  	v6 =	vshll.u32 v4, $0x10;
	v4 =	vand.u32 $0xFFFF0000, v4;
	s4 =	sld [smem:$0xC]  }
0x3d5: {  	v3 =	vand.u32 $0xFFFF0000, v3;
	v5 =	vadd.f32 v6, v5  }
0x3d6: {  	s6 =	sor.u32 $0x180, s1;
	v3 =	vadd.f32 v4, v3;
	s3 =	sshll.u32 s3, $0x2  }
0x3d7: {  	s1 =	sor.u32 $0x190, s1;
	[tilespmem:s6+$0x0] =	vst.add.f32.msk $0xffff, v5;
	s3 =	sadd.s32 s3, s0;
	s4 =	sshll.u32 s4, $0x2  }
0x3d8: {  	[tilespmem:s1+$0x0] =	vst.add.f32.msk $0xffff, v3;
	s26 =	sshra.s32 s3, $0x2;
	s1 =	sadd.s32 s4, s0  }
0x3d9: {  	v3 =	vld [tilespmem:s26+$0x0];
	s28 =	sshra.s32 s1, $0x2  }
0x3da: {  	v4 =	vld [tilespmem:s28+$0x0];
	_ =	sdelay $0x1  }
0x3db: {  	s1 =	simm.s32 $0x1  }
0x3dc: {  	s1 =	simm.s32 @!p1 $0x0  }
0x3dd: {  	s1 =	sshll.u32 s1, $0x6;
	s3 =	sld [smem:$0x5]  }
0x3de: {  	s1 =	sadd.s32 s8, s1;
	v5 =	vshll.u32 v3, $0x10;
	v6 =	vshll.u32 v4, $0x10;
	v4 =	vand.u32 $0xFFFF0000, v4;
	s4 =	sld [smem:$0xD]  }
0x3df: {  	s11 =	sadd.s32 $0xFFFFFFD0, s1;
	s6 =	sadd.s32 $0xFFFFFFE0, s1;
	v3 =	vand.u32 $0xFFFF0000, v3;
	v5 =	vadd.f32 v6, v5  }
0x3e0: {  	s1 =	sor.u32 $0x200, s11;
	v3 =	vadd.f32 v4, v3;
	s3 =	sshll.u32 s3, $0x2  }
0x3e1: {  	[tilespmem:s1+$0x1C800] =	vst.add.f32.msk $0xffff, v5;
	s1 =	sor.u32 $0x200, s6;
	s3 =	sadd.s32 s3, s0;
	s4 =	sshll.u32 s4, $0x2  }
0x3e2: {  	[tilespmem:s1+$0x1C800] =	vst.add.f32.msk $0xffff, v3;
	s1 =	sshra.s32 s3, $0x2;
	s3 =	sadd.s32 s4, s0  }
0x3e3: {  	v3 =	vld [tilespmem:s1+$0x0];
	s3 =	sshra.s32 s3, $0x2  }
0x3e4: {  	v4 =	vld [tilespmem:s3+$0x0];
	_ =	sdelay $0x3  }
0x3e5: {  	v5 =	vshll.u32 v3, $0x10;
	s4 =	sld [smem:$0x6]  }
0x3e6: {  	v6 =	vshll.u32 v4, $0x10;
	v4 =	vand.u32 $0xFFFF0000, v4;
	s10 =	sld [smem:$0xE]  }
0x3e7: {  	v3 =	vand.u32 $0xFFFF0000, v3;
	v5 =	vadd.f32 v6, v5  }
0x3e8: {  	s29 =	sor.u32 $0x280, s11;
	v3 =	vadd.f32 v4, v3;
	s4 =	sshll.u32 s4, $0x2  }
0x3e9: {  	[tilespmem:s29+$0x1C800] =	vst.add.f32.msk $0xffff, v5;
	s29 =	sor.u32 $0x280, s6;
	s4 =	sadd.s32 s4, s0;
	s10 =	sshll.u32 s10, $0x2  }
0x3ea: {  	[tilespmem:s29+$0x1C800] =	vst.add.f32.msk $0xffff, v3;
	s31 =	sshra.s32 s4, $0x2;
	s4 =	sadd.s32 s10, s0  }
0x3eb: {  	v3 =	vld [tilespmem:s31+$0x0];
	s10 =	sshra.s32 s4, $0x2  }
0x3ec: {  	v4 =	vld [tilespmem:s10+$0x0];
	_ =	sdelay $0x3  }
0x3ed: {  	v5 =	vshll.u32 v3, $0x10  }
0x3ee: {  	v6 =	vshll.u32 v4, $0x10;
	v4 =	vand.u32 $0xFFFF0000, v4;
	s4 =	sld [smem:$0x7]  }
0x3ef: {  	v3 =	vand.u32 $0xFFFF0000, v3;
	v5 =	vadd.f32 v6, v5  }
0x3f0: {  	s11 =	sor.u32 $0x300, s11;
	v3 =	vadd.f32 v4, v3  }
0x3f1: {  	[tilespmem:s11+$0x1C800] =	vst.add.f32.msk $0xffff, v5;
	s11 =	sor.u32 $0x300, s6;
	s4 =	sshll.u32 s4, $0x2  }
0x3f2: {  	[tilespmem:s11+$0x1C800] =	vst.add.f32.msk $0xffff, v3;
	s0 =	sadd.s32 s4, s0  }
0x3f3: {  	s11 =	sshra.s32 s0, $0x2;
	v3 =	vld.idx.msk [tilespmem:v2+s2+$0x0 ss:$0x1], $0xffff  }
0x3f4: {  	v4 =	vld [tilespmem:s11+$0x0];
	_ =	sdelay $0x4  }
0x3f5: {  	v6 =	vshll.u32 v3, $0x10;
	v3 =	vand.u32 $0xFFFF0000, v3;
	v5 =	vshll.u32 v4, $0x10  }
0x3f6: {  	v4 =	vand.u32 $0xFFFF0000, v4;
	v5 =	vadd.f32 v6, v5  }
0x3f7: {  	s0 =	sor.u32 $0x380, s22;
	v3 =	vadd.f32 v3, v4  }
0x3f8: {  	[tilespmem:s0+$0x1C800] =	vst.add.f32.msk $0xffff, v5;
	s0 =	sor.u32 $0x380, s6  }
0x3f9: {  	[tilespmem:s0+$0x1C800] =	vst.add.f32.msk $0xffff, v3  }
0x3fa: {  	v3 =	vld.idx.msk [tilespmem:v0+s2+$0x0 ss:$0x1], $0xffff  }
0x3fb: {  	v4 =	vld.idx.msk [tilespmem:v1+s2+$0x0 ss:$0x1], $0xffff;
	_ =	sdelay $0x4  }
0x3fc: {  	v5 =	vshll.u32 v3, $0x10  }
0x3fd: {  	v6 =	vshll.u32 v4, $0x10;
	v4 =	vand.u32 $0xFFFF0000, v4  }
0x3fe: {  	s0 =	sand.u32 $0x60, s30;
	v3 =	vand.u32 $0xFFFF0000, v3;
	v5 =	vadd.f32 v6, v5  }
0x3ff: {  	s0 =	sor.u32 s0, s5;
	v3 =	vadd.f32 v4, v3  }
0x400: {  	s4 =	sor.u32 $0x10, s0;
	[tilespmem:s0+$0x0] =	vst.add.f32.msk $0xffff, v5  }
0x401: {  	[tilespmem:s4+$0x0] =	vst.add.f32.msk $0xffff, v3  }
0x402: {  	v3 =	vld [tilespmem:s14+$0x10]  }
0x403: {  	v4 =	vld [tilespmem:s15+$0x10];
	_ =	sdelay $0x4  }
0x404: {  	v5 =	vshll.u32 v3, $0x10;
	v6 =	vshll.u32 v4, $0x10;
	v4 =	vand.u32 $0xFFFF0000, v4  }
0x405: {  	v3 =	vand.u32 $0xFFFF0000, v3;
	v5 =	vadd.f32 v6, v5  }
0x406: {  	s4 =	sor.u32 $0x80, s0;
	v3 =	vadd.f32 v4, v3  }
0x407: {  	[tilespmem:s4+$0x0] =	vst.add.f32.msk $0xffff, v5;
	s4 =	sor.u32 $0x90, s0  }
0x408: {  	[tilespmem:s4+$0x0] =	vst.add.f32.msk $0xffff, v3  }
0x409: {  	v3 =	vld [tilespmem:s18+$0x10]  }
0x40a: {  	v4 =	vld [tilespmem:s20+$0x10];
	_ =	sdelay $0x3  }
0x40b: {  	v5 =	vshll.u32 v3, $0x10  }
0x40c: {  	v6 =	vshll.u32 v4, $0x10  }
0x40d: {  	v3 =	vand.u32 $0xFFFF0000, v3;
	v4 =	vand.u32 $0xFFFF0000, v4;
	v5 =	vadd.f32 v6, v5  }
0x40e: {  	s4 =	sor.u32 $0x100, s0;
	v3 =	vadd.f32 v4, v3  }
0x40f: {  	[tilespmem:s4+$0x0] =	vst.add.f32.msk $0xffff, v5;
	s4 =	sor.u32 $0x110, s0  }
0x410: {  	[tilespmem:s4+$0x0] =	vst.add.f32.msk $0xffff, v3  }
0x411: {  	v3 =	vld [tilespmem:s24+$0x10]  }
0x412: {  	v4 =	vld [tilespmem:s16+$0x10];
	_ =	sdelay $0x3  }
0x413: {  	v5 =	vshll.u32 v3, $0x10  }
0x414: {  	v6 =	vshll.u32 v4, $0x10;
	v4 =	vand.u32 $0xFFFF0000, v4  }
0x415: {  	v3 =	vand.u32 $0xFFFF0000, v3;
	v5 =	vadd.f32 v5, v6  }
0x416: {  	s4 =	sor.u32 $0x180, s0;
	v3 =	vadd.f32 v3, v4  }
0x417: {  	s0 =	sor.u32 $0x190, s0;
	[tilespmem:s4+$0x0] =	vst.add.f32.msk $0xffff, v5  }
0x418: {  	[tilespmem:s0+$0x0] =	vst.add.f32.msk $0xffff, v3  }
0x419: {  	v3 =	vld [tilespmem:s26+$0x10]  }
0x41a: {  	v4 =	vld [tilespmem:s28+$0x10];
	_ =	sdelay $0x3  }
0x41b: {  	v5 =	vshll.u32 v3, $0x10;
	v3 =	vand.u32 $0xFFFF0000, v3  }
0x41c: {  	v6 =	vshll.u32 v4, $0x10;
	v4 =	vand.u32 $0xFFFF0000, v4  }
0x41d: {  	v5 =	vadd.f32 v6, v5;
	v3 =	vadd.f32 v4, v3  }
0x41e: {  	s0 =	sor.u32 $0x200, s17  }
0x41f: {  	[tilespmem:s0+$0x1C800] =	vst.add.f32.msk $0xffff, v5;
	s0 =	sor.u32 $0x200, s9  }
.Ltmp3:
0x420: {  	[tilespmem:s0+$0x1C800] =	vst.add.f32.msk $0xffff, v3;
	(pc) =	sbr.rel @p2 .LBB2_9-.Ltmp3, $3  }
0x421: {  	v3 =	vld [tilespmem:s1+$0x10]  }
0x422: {  	v4 =	vld [tilespmem:s3+$0x10];
	_ =	sdelay $0x1  }
0x423: {  	p1 =	por !p1, !p1  }
0x424: {  	_ =	sdelay $0x1  }
0x425: {  	v0 =	vshll.u32 v3, $0x10;
	v1 =	vshll.u32 v4, $0x10  }
0x426: {  	v3 =	vand.u32 $0xFFFF0000, v3;
	v4 =	vand.u32 $0xFFFF0000, v4;
	v0 =	vadd.f32 v1, v0  }
0x427: {  	s0 =	sor.u32 $0x280, s17;
	v1 =	vadd.f32 v4, v3  }
0x428: {  	s5 =	sor.u32 $0x280, s9;
	[tilespmem:s0+$0x1C800] =	vst.add.f32.msk $0xffff, v0  }
0x429: {  	[tilespmem:s5+$0x1C800] =	vst.add.f32.msk $0xffff, v1  }
0x42a: {  	v0 =	vld [tilespmem:s31+$0x10]  }
0x42b: {  	v1 =	vld [tilespmem:s10+$0x10];
	_ =	sdelay $0x4  }
0x42c: {  	v3 =	vshll.u32 v0, $0x10;
	v4 =	vshll.u32 v1, $0x10  }
0x42d: {  	v1 =	vand.u32 $0xFFFF0000, v1;
	v0 =	vand.u32 $0xFFFF0000, v0;
	v3 =	vadd.f32 v4, v3  }
0x42e: {  	s6 =	sor.u32 $0x300, s17;
	v0 =	vadd.f32 v1, v0  }
0x42f: {  	s7 =	sor.u32 $0x300, s9;
	[tilespmem:s6+$0x1C800] =	vst.add.f32.msk $0xffff, v3  }
0x430: {  	[tilespmem:s7+$0x1C800] =	vst.add.f32.msk $0xffff, v0  }
0x431: {  	v0 =	vld.idx.msk [tilespmem:v2+s2+$0x10 ss:$0x1], $0xffff  }
0x432: {  	v1 =	vld [tilespmem:s11+$0x10];
	_ =	sdelay $0x4  }
0x433: {  	v2 =	vshll.u32 v1, $0x10;
	v3 =	vshll.u32 v0, $0x10  }
0x434: {  	v0 =	vand.u32 $0xFFFF0000, v0;
	v1 =	vand.u32 $0xFFFF0000, v1;
	v2 =	vadd.f32 v3, v2  }
0x435: {  	s8 =	sor.u32 $0x380, s17;
	v0 =	vadd.f32 v0, v1  }
0x436: {  	s10 =	sor.u32 $0x380, s9;
	s11 =	rddreg [dreg:$0x2];
	[tilespmem:s8+$0x1C800] =	vst.add.f32.msk $0xffff, v2  }
0x437: {  	s1 =	simm.s32 $0x0;
	s28 =	simm.s32 $0x1C800;
	s0 =	sadd.s32 s11, s23;
	[tilespmem:s10+$0x1C800] =	vst.add.f32.msk $0xffff, v0  }
0x438: {  	[hbm4b:s0+s1] =	stream.linear.scatter [tilespmem:s28], [sflag:$0x7], $0x1800, $0x38;
	[tilespmem:$0x1F800] =	vst v63  }
0x439: {  	s0 =	simm.s32 @!p0 $0x6  }
0x43a: {  	_ =	swait.ge @!p0 [sflag:s0], $0x1800  }
0x43b: {  	s1 =	rddreg [dreg:$0xe]  }
0x43c: {  	[sflag:s0] =	ssyncset.done @!p0 $0x0;
	s1 =	sadd.s32 @!p0 s21, s1  }
0x43d: {  	[sflag:s0] =	ssyncadd.s32 @!p0 $0xFFFFE800;
	s1 =	smul.u32 @!p0 $0x300, s1  }
0x43e: {  	s13 =	simm.s32 $0x4;
	s0 =	rddreg [dreg:$0x0]  }
0x43f: {  	s2 =	simm.s32 @!p0 $0x1B000;
	s0 =	sadd.s32 @!p0 s0, s1;
	s1 =	simm.s32 @!p0 $0x0  }
0x440: {  	[tilespmem:s2], [sflag:$0x2] =	stream.linear.gather @!p0 [hbm4b:s0+s1], $0x1800, $0x38;
	[tilespmem:$0x1F800] =	vst v63  }
0x441: {  	_ =	swait.ge [sflag:s13], $0x1800  }
0x442: {  	[sflag:s13] =	ssyncset.done $0x0  }
0x443: {  	[sflag:s13] =	ssyncadd.s32 $0xFFFFE800  }
0x444: {  	v0 =	vld [tilespmem:s12+$0x19000]  }
0x445: {  	v1 =	vld [tilespmem:s12+$0x19400];
	_ =	sdelay $0x3  }
0x446: {  	v0 =	vmul.u32 $0x180, v0  }
0x447: {  	v2 =	vmul.u32 $0x180, v1  }
0x448: {  	(v2sf) =	vpush v0, $0x8  }
0x449: {  	(v2sf) =	vpush v2, $0x8;
	_ =	sdelay $0x2  }
0x44a: {  	(v2sf) =	vpush v0, $0x9  }
0x44b: {  	(v2sf) =	vpush v2, $0x9  }
0x44c: {  	(v2sf) =	vpush v0, $0xA  }
0x44d: {  	(v2sf) =	vpush v2, $0xA  }
0x44e: {  	(v2sf) =	vpush v0, $0xB  }
0x44f: {  	(v2sf) =	vpush v2, $0xB  }
0x450: {  	(v2sf) =	vpush v0, $0xC  }
0x451: {  	(v2sf) =	vpush v2, $0xC  }
0x452: {  	(v2sf) =	vpush v0, $0xD  }
0x453: {  	(v2sf) =	vpush v2, $0xD  }
0x454: {  	(v2sf) =	vpush v0, $0xE  }
0x455: {  	s14 =	spop (v2sf);
	(v2sf) =	vpush v2, $0xE  }
0x456: {  	s15 =	spop (v2sf);
	(v2sf) =	vpush v0, $0xF;
	_ =	sdelay $0x1  }
0x457: {  	[smem:$0x0] =	sst s14;
	s0 =	sshll.u32 s14, $0x2  }
0x458: {  	s16 =	spop (v2sf);
	[smem:$0x8] =	sst s15;
	s1 =	sshll.u32 s15, $0x2  }
0x459: {  	s0 =	sshra.s32 s0, $0x2;
	s3 =	spop (v2sf);
	[smem:$0x1] =	sst s16  }
0x45a: {  	s1 =	sshra.s32 s1, $0x2;
	s0 =	sor.u32 $0x10, s0;
	s4 =	spop (v2sf)  }
0x45b: {  	[smem:$0x9] =	sst s3;
	s1 =	sor.u32 $0x10, s1;
	v0 =	vmov s0;
	s5 =	spop (v2sf)  }
0x45c: {  	[smem:$0x2] =	sst s4;
	v1 =	vmov s1;
	s17 =	spop (v2sf)  }
0x45d: {  	[smem:$0xA] =	sst s5;
	s18 =	spop (v2sf)  }
0x45e: {  	[smem:$0x3] =	sst s17;
	s20 =	spop (v2sf)  }
0x45f: {  	s2 =	simm.s32 $0x0;
	[smem:$0xB] =	sst s18;
	s21 =	spop (v2sf)  }
0x460: {  	[smem:$0x4] =	sst s20;
	v3 =	vld.idx.msk [tilespmem:v0+s2+$0xFFFFFFF0 ss:$0x1], $0xffff;
	s22 =	spop (v2sf)  }
0x461: {  	[smem:$0xC] =	sst s21;
	v4 =	vld.idx.msk [tilespmem:v1+s2+$0xFFFFFFF0 ss:$0x1], $0xffff;
	s6 =	spop (v2sf)  }
0x462: {  	s1 =	sld [smem:$0x1];
	s23 =	spop (v2sf)  }
0x463: {  	[smem:$0x5] =	sst s22;
	s24 =	spop (v2sf)  }
0x464: {  	[smem:$0x6] =	sst s23;
	s26 =	spop (v2sf)  }
0x465: {  	s5 =	simm.s32 $0x0;
	[smem:$0x7] =	sst s26  }
0x466: {  	s7 =	simm.s32 $0x0;
	s29 =	sand.u32 $0x1C00, s5;
	v5 =	vshll.u32 v3, $0x10;
	v6 =	vshll.u32 v4, $0x10;
	s3 =	sld [smem:$0x9]  }
0x467: {  	s30 =	sand.u32 $0x40, s7;
	s0 =	sor.u32 $0x1E000, s29;
	v3 =	vand.u32 $0xFFFF0000, v3;
	v4 =	vand.u32 $0xFFFF0000, v4;
	v5 =	vadd.f32 v6, v5  }
0x468: {  	s31 =	sor.u32 s30, s0;
	s1 =	sshll.u32 s1, $0x2;
	v3 =	vadd.f32 v4, v3  }
0x469: {  	s4 =	sor.u32 $0x10, s31;
	s1 =	sadd.s32 $0x0, s1;
	[tilespmem:s31+$0x0] =	vst.add.f32.msk $0xffff, v5;
	s3 =	sshll.u32 s3, $0x2  }
0x46a: {  	s1 =	sshra.s32 s1, $0x2;
	[tilespmem:s4+$0x0] =	vst.add.f32.msk $0xffff, v3;
	s3 =	sadd.s32 $0x0, s3  }
0x46b: {  	v3 =	vld [tilespmem:s1+$0x0];
	s3 =	sshra.s32 s3, $0x2  }
0x46c: {  	v4 =	vld [tilespmem:s3+$0x0];
	_ =	sdelay $0x2  }
0x46d: {  	[smem:$0xD] =	sst s6  }
0x46e: {  	s12 =	sld [smem:$0x2]  }
0x46f: {  	s6 =	sld [smem:$0xA];
	v5 =	vshll.u32 v3, $0x10;
	v6 =	vshll.u32 v4, $0x10  }
0x470: {  	v3 =	vand.u32 $0xFFFF0000, v3;
	v4 =	vand.u32 $0xFFFF0000, v4;
	v5 =	vadd.f32 v6, v5  }
0x471: {  	s8 =	sor.u32 $0x80, s31;
	s4 =	sshll.u32 s12, $0x2;
	v3 =	vadd.f32 v4, v3  }
0x472: {  	s13 =	sor.u32 $0x90, s31;
	s4 =	sadd.s32 $0x0, s4;
	s6 =	sshll.u32 s6, $0x2;
	[tilespmem:s8+$0x0] =	vst.add.f32.msk $0xffff, v5  }
0x473: {  	s14 =	sadd.s32 $0x0, s6;
	s8 =	sshra.s32 s4, $0x2;
	[tilespmem:s13+$0x0] =	vst.add.f32.msk $0xffff, v3  }
0x474: {  	(v2sf) =	vpush v2, $0xF;
	s9 =	sshra.s32 s14, $0x2;
	v2 =	vld [tilespmem:s8+$0x0]  }
0x475: {  	v3 =	vld [tilespmem:s9+$0x0];
	_ =	sdelay $0x2  }
0x476: {  	s15 =	sld [smem:$0x3]  }
0x477: {  	[smem:$0xE] =	sst s24  }
0x478: {  	s16 =	sld [smem:$0xB];
	v4 =	vshll.u32 v2, $0x10;
	v5 =	vshll.u32 v3, $0x10  }
0x479: {  	v3 =	vand.u32 $0xFFFF0000, v3;
	v2 =	vand.u32 $0xFFFF0000, v2;
	v4 =	vadd.f32 v5, v4  }
0x47a: {  	s17 =	sor.u32 $0x100, s31;
	s4 =	sshll.u32 s15, $0x2;
	v2 =	vadd.f32 v3, v2  }
0x47b: {  	s18 =	sor.u32 $0x110, s31;
	s6 =	sshll.u32 s16, $0x2;
	s4 =	sadd.s32 $0x0, s4;
	[tilespmem:s17+$0x0] =	vst.add.f32.msk $0xffff, v4  }
0x47c: {  	s20 =	sadd.s32 $0x0, s6;
	s13 =	sshra.s32 s4, $0x2;
	[tilespmem:s18+$0x0] =	vst.add.f32.msk $0xffff, v2  }
0x47d: {  	s14 =	sshra.s32 s20, $0x2;
	v2 =	vld [tilespmem:s13+$0x0]  }
0x47e: {  	v3 =	vld [tilespmem:s14+$0x0];
	_ =	sdelay $0x2  }
0x47f: {  	s21 =	sld [smem:$0x4];
	s6 =	spop (v2sf)  }
0x480: {  	[smem:$0xF] =	sst s6  }
0x481: {  	s22 =	sld [smem:$0xC];
	v4 =	vshll.u32 v2, $0x10;
	v5 =	vshll.u32 v3, $0x10  }
0x482: {  	v3 =	vand.u32 $0xFFFF0000, v3;
	v2 =	vand.u32 $0xFFFF0000, v2;
	v4 =	vadd.f32 v5, v4  }
0x483: {  	s23 =	sor.u32 $0x180, s31;
	s4 =	sshll.u32 s21, $0x2;
	v2 =	vadd.f32 v3, v2  }
0x484: {  	s10 =	sor.u32 $0x190, s31;
	s4 =	sadd.s32 $0x0, s4;
	s11 =	sshll.u32 s22, $0x2;
	[tilespmem:s23+$0x0] =	vst.add.f32.msk $0xffff, v4  }
0x485: {  	s15 =	sshra.s32 s4, $0x2;
	s24 =	sadd.s32 $0x0, s11;
	[tilespmem:s10+$0x0] =	vst.add.f32.msk $0xffff, v2  }
0x486: {  	s16 =	sshra.s32 s24, $0x2;
	v2 =	vld [tilespmem:s15+$0x0]  }
0x487: {  	v3 =	vld [tilespmem:s16+$0x0];
	_ =	sdelay $0x1  }
0x488: {  	p0 =	por $0x0, $0x0;
	s4 =	simm.s32 $0x1  }
0x489: {  	s4 =	simm.s32 @!p0 $0x0  }
0x48a: {  	s26 =	sld [smem:$0x5];
	s4 =	sshll.u32 s4, $0x6  }
0x48b: {  	s29 =	sld [smem:$0xD];
	s4 =	sadd.s32 $0x30, s4;
	v4 =	vshll.u32 v2, $0x10;
	v5 =	vshll.u32 v3, $0x10  }
0x48c: {  	s30 =	sadd.s32 $0xFFFFFFD0, s4;
	v3 =	vand.u32 $0xFFFF0000, v3;
	v2 =	vand.u32 $0xFFFF0000, v2;
	v4 =	vadd.f32 v5, v4  }
0x48d: {  	s4 =	sadd.s32 $0xFFFFFFE0, s4;
	s31 =	sor.u32 $0x200, s30;
	s10 =	sshll.u32 s26, $0x2;
	v2 =	vadd.f32 v3, v2  }
0x48e: {  	s11 =	sshll.u32 s29, $0x2;
	s18 =	sor.u32 $0x200, s4;
	s10 =	sadd.s32 $0x0, s10;
	[tilespmem:s31+$0x1E000] =	vst.add.f32.msk $0xffff, v4  }
0x48f: {  	s20 =	sadd.s32 $0x0, s11;
	[tilespmem:s18+$0x1E000] =	vst.add.f32.msk $0xffff, v2;
	s18 =	sshra.s32 s10, $0x2  }
0x490: {  	s20 =	sshra.s32 s20, $0x2;
	v2 =	vld [tilespmem:s18+$0x0]  }
0x491: {  	v3 =	vld [tilespmem:s20+$0x0];
	_ =	sdelay $0x3  }
0x492: {  	s21 =	sld [smem:$0x6]  }
0x493: {  	s22 =	sld [smem:$0xE];
	v4 =	vshll.u32 v2, $0x10;
	v5 =	vshll.u32 v3, $0x10  }
0x494: {  	v3 =	vand.u32 $0xFFFF0000, v3;
	v2 =	vand.u32 $0xFFFF0000, v2;
	v4 =	vadd.f32 v5, v4  }
0x495: {  	s23 =	sor.u32 $0x280, s30;
	s10 =	sshll.u32 s21, $0x2;
	v2 =	vadd.f32 v3, v2  }
0x496: {  	s11 =	sshll.u32 s22, $0x2;
	s24 =	sor.u32 $0x280, s4;
	s10 =	sadd.s32 $0x0, s10;
	[tilespmem:s23+$0x1E000] =	vst.add.f32.msk $0xffff, v4  }
0x497: {  	s26 =	sadd.s32 $0x0, s11;
	s21 =	sshra.s32 s10, $0x2;
	[tilespmem:s24+$0x1E000] =	vst.add.f32.msk $0xffff, v2  }
0x498: {  	s10 =	sshra.s32 s26, $0x2;
	v3 =	vld [tilespmem:s21+$0x0]  }
0x499: {  	v4 =	vld [tilespmem:s10+$0x0];
	_ =	sdelay $0x4  }
0x49a: {  	s29 =	sld [smem:$0x7];
	v2 =	vmov s6;
	v5 =	vshll.u32 v3, $0x10;
	v6 =	vshll.u32 v4, $0x10  }
0x49b: {  	v4 =	vand.u32 $0xFFFF0000, v4;
	v3 =	vand.u32 $0xFFFF0000, v3;
	v5 =	vadd.f32 v6, v5  }
0x49c: {  	s30 =	sor.u32 $0x300, s30;
	v3 =	vadd.f32 v4, v3  }
0x49d: {  	s31 =	sor.u32 $0x300, s4;
	s6 =	sshll.u32 s29, $0x2;
	[tilespmem:s30+$0x1E000] =	vst.add.f32.msk $0xffff, v5  }
0x49e: {  	s6 =	sadd.s32 $0x0, s6;
	[tilespmem:s31+$0x1E000] =	vst.add.f32.msk $0xffff, v3  }
0x49f: {  	s11 =	sshra.s32 s6, $0x2;
	v3 =	vld.idx.msk [tilespmem:v2+s2+$0x0 ss:$0x1], $0xffff  }
0x4a0: {  	v4 =	vld [tilespmem:s11+$0x0];
	_ =	sdelay $0x4  }
0x4a1: {  	v5 =	vshll.u32 v4, $0x10;
	v6 =	vshll.u32 v3, $0x10  }
0x4a2: {  	s5 =	sor.u32 s5, s7;
	v3 =	vand.u32 $0xFFFF0000, v3;
	v4 =	vand.u32 $0xFFFF0000, v4;
	v5 =	vadd.f32 v6, v5  }
0x4a3: {  	s5 =	sor.u32 $0x380, s5;
	v3 =	vadd.f32 v3, v4  }
0x4a4: {  	s4 =	sor.u32 $0x380, s4;
	[tilespmem:s5+$0x1E000] =	vst.add.f32.msk $0xffff, v5  }
0x4a5: {  	[tilespmem:s4+$0x1E000] =	vst.add.f32.msk $0xffff, v3  }
0x4a6: {  	v3 =	vld.idx.msk [tilespmem:v0+s2+$0x0 ss:$0x1], $0xffff  }
0x4a7: {  	v4 =	vld.idx.msk [tilespmem:v1+s2+$0x0 ss:$0x1], $0xffff;
	_ =	sdelay $0x4  }
0x4a8: {  	s12 =	simm.s32 $0x20;
	v5 =	vshll.u32 v3, $0x10;
	v6 =	vshll.u32 v4, $0x10  }
0x4a9: {  	s7 =	sand.u32 $0x60, s12;
	v4 =	vand.u32 $0xFFFF0000, v4;
	v3 =	vand.u32 $0xFFFF0000, v3;
	v5 =	vadd.f32 v6, v5  }
0x4aa: {  	s0 =	sor.u32 s7, s0;
	v3 =	vadd.f32 v4, v3  }
0x4ab: {  	s4 =	sor.u32 $0x10, s0;
	[tilespmem:s0+$0x0] =	vst.add.f32.msk $0xffff, v5  }
0x4ac: {  	[tilespmem:s4+$0x0] =	vst.add.f32.msk $0xffff, v3  }
0x4ad: {  	v3 =	vld [tilespmem:s1+$0x10]  }
0x4ae: {  	v4 =	vld [tilespmem:s3+$0x10];
	_ =	sdelay $0x4  }
0x4af: {  	v5 =	vshll.u32 v3, $0x10;
	v6 =	vshll.u32 v4, $0x10  }
0x4b0: {  	v4 =	vand.u32 $0xFFFF0000, v4;
	v3 =	vand.u32 $0xFFFF0000, v3;
	v5 =	vadd.f32 v6, v5  }
0x4b1: {  	s17 =	sor.u32 $0x80, s0;
	v3 =	vadd.f32 v4, v3  }
0x4b2: {  	s22 =	sor.u32 $0x90, s0;
	[tilespmem:s17+$0x0] =	vst.add.f32.msk $0xffff, v5  }
0x4b3: {  	[tilespmem:s22+$0x0] =	vst.add.f32.msk $0xffff, v3  }
0x4b4: {  	v3 =	vld [tilespmem:s8+$0x10]  }
0x4b5: {  	v4 =	vld [tilespmem:s9+$0x10];
	_ =	sdelay $0x4  }
0x4b6: {  	v5 =	vshll.u32 v3, $0x10;
	v6 =	vshll.u32 v4, $0x10  }
0x4b7: {  	v3 =	vand.u32 $0xFFFF0000, v3;
	v4 =	vand.u32 $0xFFFF0000, v4;
	v5 =	vadd.f32 v6, v5  }
0x4b8: {  	s23 =	sor.u32 $0x100, s0;
	v3 =	vadd.f32 v4, v3  }
0x4b9: {  	s24 =	sor.u32 $0x110, s0;
	[tilespmem:s23+$0x0] =	vst.add.f32.msk $0xffff, v5  }
0x4ba: {  	[tilespmem:s24+$0x0] =	vst.add.f32.msk $0xffff, v3  }
0x4bb: {  	v3 =	vld [tilespmem:s14+$0x10]  }
0x4bc: {  	v4 =	vld [tilespmem:s13+$0x10];
	_ =	sdelay $0x4  }
0x4bd: {  	v5 =	vshll.u32 v3, $0x10;
	v6 =	vshll.u32 v4, $0x10  }
0x4be: {  	v4 =	vand.u32 $0xFFFF0000, v4;
	v3 =	vand.u32 $0xFFFF0000, v3;
	v5 =	vadd.f32 v5, v6  }
0x4bf: {  	s26 =	sor.u32 $0x180, s0;
	v3 =	vadd.f32 v3, v4  }
0x4c0: {  	s0 =	sor.u32 $0x190, s0;
	[tilespmem:s26+$0x0] =	vst.add.f32.msk $0xffff, v5  }
0x4c1: {  	[tilespmem:s0+$0x0] =	vst.add.f32.msk $0xffff, v3  }
0x4c2: {  	v3 =	vld [tilespmem:s15+$0x10]  }
0x4c3: {  	v4 =	vld [tilespmem:s16+$0x10];
	_ =	sdelay $0x1  }
0x4c4: {  	s7 =	simm.s32 $0x0  }
0x4c5: {  	s29 =	sand.u32 $0x3, s7  }
0x4c6: {  	s0 =	sshll.u32 s29, $0x5  }
0x4c7: {  	s0 =	sadd.s32 $0x0, s0;
	v5 =	vshll.u32 v3, $0x10;
	v6 =	vshll.u32 v4, $0x10  }
0x4c8: {  	s17 =	sadd.s32 $0x20, s0;
	v3 =	vand.u32 $0xFFFF0000, v3;
	v4 =	vand.u32 $0xFFFF0000, v4;
	v5 =	vadd.f32 v6, v5  }
0x4c9: {  	s9 =	sadd.s32 $0x30, s0;
	s30 =	sor.u32 $0x200, s17;
	v3 =	vadd.f32 v4, v3  }
0x4ca: {  	s31 =	sor.u32 $0x200, s9;
	[tilespmem:s30+$0x1E000] =	vst.add.f32.msk $0xffff, v5  }
0x4cb: {  	[tilespmem:s31+$0x1E000] =	vst.add.f32.msk $0xffff, v3  }
0x4cc: {  	v3 =	vld [tilespmem:s18+$0x10]  }
0x4cd: {  	v4 =	vld [tilespmem:s20+$0x10];
	_ =	sdelay $0x1  }
0x4ce: {  	p0 =	por !p0, !p0;
	s8 =	simm.s32 $0x30;
	s13 =	simm.s32 $0x80  }
.LBB2_11:
0x4cf: {  	s12 =	sadd.s32 $0x40, s12;
	s8 =	sadd.s32 $0x200, s8;
	s7 =	sadd.s32 $0x2, s7  }
0x4d0: {  	p1 =	sne.s32 s13, $0x580;
	s0 =	smov.u32 s13;
	s13 =	sadd.s32 $0x80, s13;
	v5 =	vshll.u32 v3, $0x10  }
0x4d1: {  	v6 =	vshll.u32 v4, $0x10  }
0x4d2: {  	v3 =	vand.u32 $0xFFFF0000, v3;
	v4 =	vand.u32 $0xFFFF0000, v4;
	v5 =	vadd.f32 v6, v5  }
0x4d3: {  	s1 =	sor.u32 $0x280, s17;
	v3 =	vadd.f32 v4, v3  }
0x4d4: {  	[tilespmem:s1+$0x1E000] =	vst.add.f32.msk $0xffff, v5;
	s1 =	sor.u32 $0x280, s9  }
0x4d5: {  	[tilespmem:s1+$0x1E000] =	vst.add.f32.msk $0xffff, v3  }
0x4d6: {  	v3 =	vld [tilespmem:s21+$0x10]  }
0x4d7: {  	v4 =	vld [tilespmem:s10+$0x10];
	_ =	sdelay $0x3  }
0x4d8: {  	v5 =	vshll.u32 v3, $0x10  }
0x4d9: {  	v6 =	vshll.u32 v4, $0x10;
	v4 =	vand.u32 $0xFFFF0000, v4  }
0x4da: {  	s1 =	sshra.s32 s0, $0x2;
	v3 =	vand.u32 $0xFFFF0000, v3;
	v5 =	vadd.f32 v6, v5  }
0x4db: {  	s3 =	sor.u32 $0x300, s17;
	v3 =	vadd.f32 v4, v3  }
0x4dc: {  	[tilespmem:s3+$0x1E000] =	vst.add.f32.msk $0xffff, v5;
	s3 =	sor.u32 $0x300, s9  }
0x4dd: {  	[tilespmem:s3+$0x1E000] =	vst.add.f32.msk $0xffff, v3  }
0x4de: {  	v3 =	vld.idx.msk [tilespmem:v2+s2+$0x10 ss:$0x1], $0xffff;
	s2 =	smov.u32 s1  }
0x4df: {  	v4 =	vld [tilespmem:s11+$0x10];
	_ =	sdelay $0x4  }
0x4e0: {  	v6 =	vshll.u32 v3, $0x10;
	v3 =	vand.u32 $0xFFFF0000, v3;
	v5 =	vshll.u32 v4, $0x10  }
0x4e1: {  	v4 =	vand.u32 $0xFFFF0000, v4;
	v5 =	vadd.f32 v6, v5  }
0x4e2: {  	s1 =	sor.u32 $0x380, s17;
	v3 =	vadd.f32 v3, v4  }
0x4e3: {  	[tilespmem:s1+$0x1E000] =	vst.add.f32.msk $0xffff, v5;
	s1 =	sor.u32 $0x380, s9  }
0x4e4: {  	[tilespmem:s1+$0x1E000] =	vst.add.f32.msk $0xffff, v3  }
0x4e5: {  	v3 =	vld.idx.msk [tilespmem:v0+s2+$0xFFFFFFF0 ss:$0x1], $0xffff  }
0x4e6: {  	v4 =	vld.idx.msk [tilespmem:v1+s2+$0xFFFFFFF0 ss:$0x1], $0xffff;
	_ =	sdelay $0x3  }
0x4e7: {  	s3 =	sld [smem:$0x9]  }
0x4e8: {  	s4 =	sadd.s32 $0xFFFFFFD0, s8;
	s1 =	sand.u32 $0x3, s7;
	v5 =	vshll.u32 v3, $0x10;
	s6 =	sld [smem:$0x1]  }
0x4e9: {  	s5 =	sand.u32 $0x1C00, s4;
	s9 =	sadd.s32 $0xFFFFFFE0, s12;
	s1 =	sshll.u32 s1, $0x5;
	v3 =	vand.u32 $0xFFFF0000, v3;
	v6 =	vshll.u32 v4, $0x10;
	v4 =	vand.u32 $0xFFFF0000, v4  }
0x4ea: {  	s5 =	sor.u32 $0x1E000, s5;
	s10 =	sand.u32 $0x40, s9;
	s22 =	sor.u32 s4, s9;
	v5 =	vadd.f32 v6, v5;
	v3 =	vadd.f32 v4, v3  }
0x4eb: {  	s4 =	sadd.s32 s4, s1;
	s1 =	sor.u32 s10, s5;
	s6 =	sshll.u32 s6, $0x2  }
0x4ec: {  	s9 =	sor.u32 $0x10, s1;
	s3 =	sshll.u32 s3, $0x2;
	[tilespmem:s1+$0x0] =	vst.add.f32.msk $0xffff, v5;
	s6 =	sadd.s32 s6, s0  }
0x4ed: {  	s17 =	sadd.s32 $0x20, s4;
	s3 =	sadd.s32 s3, s0;
	[tilespmem:s9+$0x0] =	vst.add.f32.msk $0xffff, v3;
	s14 =	sshra.s32 s6, $0x2  }
0x4ee: {  	s15 =	sshra.s32 s3, $0x2;
	s9 =	sadd.s32 $0x30, s4;
	v3 =	vld [tilespmem:s14+$0x0]  }
0x4ef: {  	v4 =	vld [tilespmem:s15+$0x0];
	_ =	sdelay $0x3  }
0x4f0: {  	s3 =	sld [smem:$0x2]  }
0x4f1: {  	v5 =	vshll.u32 v3, $0x10;
	v6 =	vshll.u32 v4, $0x10;
	v4 =	vand.u32 $0xFFFF0000, v4;
	s4 =	sld [smem:$0xA]  }
0x4f2: {  	v3 =	vand.u32 $0xFFFF0000, v3;
	v5 =	vadd.f32 v6, v5  }
0x4f3: {  	s6 =	sor.u32 $0x80, s1;
	v3 =	vadd.f32 v4, v3;
	s3 =	sshll.u32 s3, $0x2  }
0x4f4: {  	[tilespmem:s6+$0x0] =	vst.add.f32.msk $0xffff, v5;
	s6 =	sor.u32 $0x90, s1;
	s3 =	sadd.s32 s3, s0;
	s4 =	sshll.u32 s4, $0x2  }
0x4f5: {  	[tilespmem:s6+$0x0] =	vst.add.f32.msk $0xffff, v3;
	s18 =	sshra.s32 s3, $0x2;
	s3 =	sadd.s32 s4, s0  }
0x4f6: {  	v3 =	vld [tilespmem:s18+$0x0];
	s20 =	sshra.s32 s3, $0x2  }
0x4f7: {  	v4 =	vld [tilespmem:s20+$0x0];
	_ =	sdelay $0x3  }
0x4f8: {  	v5 =	vshll.u32 v3, $0x10;
	s3 =	sld [smem:$0x3]  }
0x4f9: {  	v6 =	vshll.u32 v4, $0x10;
	v4 =	vand.u32 $0xFFFF0000, v4;
	s4 =	sld [smem:$0xB]  }
0x4fa: {  	v3 =	vand.u32 $0xFFFF0000, v3;
	v5 =	vadd.f32 v6, v5  }
0x4fb: {  	s6 =	sor.u32 $0x100, s1;
	v3 =	vadd.f32 v4, v3;
	s3 =	sshll.u32 s3, $0x2  }
0x4fc: {  	[tilespmem:s6+$0x0] =	vst.add.f32.msk $0xffff, v5;
	s6 =	sor.u32 $0x110, s1;
	s3 =	sadd.s32 s3, s0;
	s4 =	sshll.u32 s4, $0x2  }
0x4fd: {  	[tilespmem:s6+$0x0] =	vst.add.f32.msk $0xffff, v3;
	s16 =	sshra.s32 s3, $0x2;
	s3 =	sadd.s32 s4, s0  }
0x4fe: {  	v3 =	vld [tilespmem:s16+$0x0];
	s23 =	sshra.s32 s3, $0x2  }
0x4ff: {  	v4 =	vld [tilespmem:s23+$0x0];
	_ =	sdelay $0x3  }
0x500: {  	v5 =	vshll.u32 v3, $0x10;
	s3 =	sld [smem:$0x4]  }
0x501: {  	v6 =	vshll.u32 v4, $0x10;
	v4 =	vand.u32 $0xFFFF0000, v4;
	s4 =	sld [smem:$0xC]  }
0x502: {  	v3 =	vand.u32 $0xFFFF0000, v3;
	v5 =	vadd.f32 v6, v5  }
0x503: {  	s6 =	sor.u32 $0x180, s1;
	v3 =	vadd.f32 v4, v3;
	s3 =	sshll.u32 s3, $0x2  }
0x504: {  	s1 =	sor.u32 $0x190, s1;
	[tilespmem:s6+$0x0] =	vst.add.f32.msk $0xffff, v5;
	s3 =	sadd.s32 s3, s0;
	s4 =	sshll.u32 s4, $0x2  }
0x505: {  	[tilespmem:s1+$0x0] =	vst.add.f32.msk $0xffff, v3;
	s24 =	sshra.s32 s3, $0x2;
	s1 =	sadd.s32 s4, s0  }
0x506: {  	v3 =	vld [tilespmem:s24+$0x0];
	s26 =	sshra.s32 s1, $0x2  }
0x507: {  	v4 =	vld [tilespmem:s26+$0x0];
	_ =	sdelay $0x1  }
0x508: {  	s1 =	simm.s32 $0x1  }
0x509: {  	s1 =	simm.s32 @!p0 $0x0  }
0x50a: {  	s1 =	sshll.u32 s1, $0x6;
	s3 =	sld [smem:$0x5]  }
0x50b: {  	s1 =	sadd.s32 s8, s1;
	v5 =	vshll.u32 v3, $0x10;
	v6 =	vshll.u32 v4, $0x10;
	v4 =	vand.u32 $0xFFFF0000, v4;
	s4 =	sld [smem:$0xD]  }
0x50c: {  	s11 =	sadd.s32 $0xFFFFFFD0, s1;
	s6 =	sadd.s32 $0xFFFFFFE0, s1;
	v3 =	vand.u32 $0xFFFF0000, v3;
	v5 =	vadd.f32 v6, v5  }
0x50d: {  	s1 =	sor.u32 $0x200, s11;
	v3 =	vadd.f32 v4, v3;
	s3 =	sshll.u32 s3, $0x2  }
0x50e: {  	[tilespmem:s1+$0x1E000] =	vst.add.f32.msk $0xffff, v5;
	s1 =	sor.u32 $0x200, s6;
	s3 =	sadd.s32 s3, s0;
	s4 =	sshll.u32 s4, $0x2  }
0x50f: {  	[tilespmem:s1+$0x1E000] =	vst.add.f32.msk $0xffff, v3;
	s1 =	sshra.s32 s3, $0x2;
	s3 =	sadd.s32 s4, s0  }
0x510: {  	v3 =	vld [tilespmem:s1+$0x0];
	s3 =	sshra.s32 s3, $0x2  }
0x511: {  	v4 =	vld [tilespmem:s3+$0x0];
	_ =	sdelay $0x3  }
0x512: {  	v5 =	vshll.u32 v3, $0x10;
	s4 =	sld [smem:$0x6]  }
0x513: {  	v6 =	vshll.u32 v4, $0x10;
	v4 =	vand.u32 $0xFFFF0000, v4;
	s10 =	sld [smem:$0xE]  }
0x514: {  	v3 =	vand.u32 $0xFFFF0000, v3;
	v5 =	vadd.f32 v6, v5  }
0x515: {  	s21 =	sor.u32 $0x280, s11;
	v3 =	vadd.f32 v4, v3;
	s4 =	sshll.u32 s4, $0x2  }
0x516: {  	[tilespmem:s21+$0x1E000] =	vst.add.f32.msk $0xffff, v5;
	s21 =	sor.u32 $0x280, s6;
	s4 =	sadd.s32 s4, s0;
	s10 =	sshll.u32 s10, $0x2  }
0x517: {  	[tilespmem:s21+$0x1E000] =	vst.add.f32.msk $0xffff, v3;
	s21 =	sshra.s32 s4, $0x2;
	s4 =	sadd.s32 s10, s0  }
0x518: {  	v3 =	vld [tilespmem:s21+$0x0];
	s10 =	sshra.s32 s4, $0x2  }
0x519: {  	v4 =	vld [tilespmem:s10+$0x0];
	_ =	sdelay $0x3  }
0x51a: {  	v5 =	vshll.u32 v3, $0x10  }
0x51b: {  	v6 =	vshll.u32 v4, $0x10;
	v4 =	vand.u32 $0xFFFF0000, v4;
	s4 =	sld [smem:$0x7]  }
0x51c: {  	v3 =	vand.u32 $0xFFFF0000, v3;
	v5 =	vadd.f32 v6, v5  }
0x51d: {  	s11 =	sor.u32 $0x300, s11;
	v3 =	vadd.f32 v4, v3  }
0x51e: {  	[tilespmem:s11+$0x1E000] =	vst.add.f32.msk $0xffff, v5;
	s11 =	sor.u32 $0x300, s6;
	s4 =	sshll.u32 s4, $0x2  }
0x51f: {  	[tilespmem:s11+$0x1E000] =	vst.add.f32.msk $0xffff, v3;
	s0 =	sadd.s32 s4, s0  }
0x520: {  	s11 =	sshra.s32 s0, $0x2;
	v3 =	vld.idx.msk [tilespmem:v2+s2+$0x0 ss:$0x1], $0xffff  }
0x521: {  	v4 =	vld [tilespmem:s11+$0x0];
	_ =	sdelay $0x4  }
0x522: {  	v6 =	vshll.u32 v3, $0x10;
	v3 =	vand.u32 $0xFFFF0000, v3;
	v5 =	vshll.u32 v4, $0x10  }
0x523: {  	v4 =	vand.u32 $0xFFFF0000, v4;
	v5 =	vadd.f32 v6, v5  }
0x524: {  	s0 =	sor.u32 $0x380, s22;
	v3 =	vadd.f32 v3, v4  }
0x525: {  	[tilespmem:s0+$0x1E000] =	vst.add.f32.msk $0xffff, v5;
	s0 =	sor.u32 $0x380, s6  }
0x526: {  	[tilespmem:s0+$0x1E000] =	vst.add.f32.msk $0xffff, v3  }
0x527: {  	v3 =	vld.idx.msk [tilespmem:v0+s2+$0x0 ss:$0x1], $0xffff  }
0x528: {  	v4 =	vld.idx.msk [tilespmem:v1+s2+$0x0 ss:$0x1], $0xffff;
	_ =	sdelay $0x4  }
0x529: {  	v5 =	vshll.u32 v3, $0x10  }
0x52a: {  	v6 =	vshll.u32 v4, $0x10;
	v4 =	vand.u32 $0xFFFF0000, v4  }
0x52b: {  	s0 =	sand.u32 $0x60, s12;
	v3 =	vand.u32 $0xFFFF0000, v3;
	v5 =	vadd.f32 v6, v5  }
0x52c: {  	s0 =	sor.u32 s0, s5;
	v3 =	vadd.f32 v4, v3  }
0x52d: {  	s4 =	sor.u32 $0x10, s0;
	[tilespmem:s0+$0x0] =	vst.add.f32.msk $0xffff, v5  }
0x52e: {  	[tilespmem:s4+$0x0] =	vst.add.f32.msk $0xffff, v3  }
0x52f: {  	v3 =	vld [tilespmem:s14+$0x10]  }
0x530: {  	v4 =	vld [tilespmem:s15+$0x10];
	_ =	sdelay $0x4  }
0x531: {  	v5 =	vshll.u32 v3, $0x10;
	v6 =	vshll.u32 v4, $0x10;
	v4 =	vand.u32 $0xFFFF0000, v4  }
0x532: {  	v3 =	vand.u32 $0xFFFF0000, v3;
	v5 =	vadd.f32 v6, v5  }
0x533: {  	s4 =	sor.u32 $0x80, s0;
	v3 =	vadd.f32 v4, v3  }
0x534: {  	[tilespmem:s4+$0x0] =	vst.add.f32.msk $0xffff, v5;
	s4 =	sor.u32 $0x90, s0  }
0x535: {  	[tilespmem:s4+$0x0] =	vst.add.f32.msk $0xffff, v3  }
0x536: {  	v3 =	vld [tilespmem:s18+$0x10]  }
0x537: {  	v4 =	vld [tilespmem:s20+$0x10];
	_ =	sdelay $0x3  }
0x538: {  	v5 =	vshll.u32 v3, $0x10  }
0x539: {  	v6 =	vshll.u32 v4, $0x10  }
0x53a: {  	v3 =	vand.u32 $0xFFFF0000, v3;
	v4 =	vand.u32 $0xFFFF0000, v4;
	v5 =	vadd.f32 v6, v5  }
0x53b: {  	s4 =	sor.u32 $0x100, s0;
	v3 =	vadd.f32 v4, v3  }
0x53c: {  	[tilespmem:s4+$0x0] =	vst.add.f32.msk $0xffff, v5;
	s4 =	sor.u32 $0x110, s0  }
0x53d: {  	[tilespmem:s4+$0x0] =	vst.add.f32.msk $0xffff, v3  }
0x53e: {  	v3 =	vld [tilespmem:s23+$0x10]  }
0x53f: {  	v4 =	vld [tilespmem:s16+$0x10];
	_ =	sdelay $0x3  }
0x540: {  	v5 =	vshll.u32 v3, $0x10  }
0x541: {  	v6 =	vshll.u32 v4, $0x10;
	v4 =	vand.u32 $0xFFFF0000, v4  }
0x542: {  	v3 =	vand.u32 $0xFFFF0000, v3;
	v5 =	vadd.f32 v5, v6  }
0x543: {  	s4 =	sor.u32 $0x180, s0;
	v3 =	vadd.f32 v3, v4  }
0x544: {  	s0 =	sor.u32 $0x190, s0;
	[tilespmem:s4+$0x0] =	vst.add.f32.msk $0xffff, v5  }
0x545: {  	[tilespmem:s0+$0x0] =	vst.add.f32.msk $0xffff, v3  }
0x546: {  	v3 =	vld [tilespmem:s24+$0x10]  }
0x547: {  	v4 =	vld [tilespmem:s26+$0x10];
	_ =	sdelay $0x3  }
0x548: {  	v5 =	vshll.u32 v3, $0x10;
	v3 =	vand.u32 $0xFFFF0000, v3  }
0x549: {  	v6 =	vshll.u32 v4, $0x10;
	v4 =	vand.u32 $0xFFFF0000, v4  }
0x54a: {  	v5 =	vadd.f32 v6, v5;
	v3 =	vadd.f32 v4, v3  }
0x54b: {  	s0 =	sor.u32 $0x200, s17  }
0x54c: {  	[tilespmem:s0+$0x1E000] =	vst.add.f32.msk $0xffff, v5;
	s0 =	sor.u32 $0x200, s9  }
.Ltmp4:
0x54d: {  	[tilespmem:s0+$0x1E000] =	vst.add.f32.msk $0xffff, v3;
	(pc) =	sbr.rel @p1 .LBB2_11-.Ltmp4, $3  }
0x54e: {  	v3 =	vld [tilespmem:s1+$0x10]  }
0x54f: {  	v4 =	vld [tilespmem:s3+$0x10];
	_ =	sdelay $0x1  }
0x550: {  	p0 =	por !p0, !p0  }
0x551: {  	_ =	sdelay $0x1  }
0x552: {  	v0 =	vshll.u32 v3, $0x10;
	v1 =	vshll.u32 v4, $0x10  }
0x553: {  	v56 =	vand.u32 $0xFFFF0000, v3;
	v57 =	vand.u32 $0xFFFF0000, v4;
	v0 =	vadd.f32 v1, v0  }
0x554: {  	s0 =	sor.u32 $0x280, s17;
	v58 =	vadd.f32 v57, v56  }
0x555: {  	s22 =	sor.u32 $0x280, s9;
	[tilespmem:s0+$0x1E000] =	vst.add.f32.msk $0xffff, v0  }
0x556: {  	[tilespmem:s22+$0x1E000] =	vst.add.f32.msk $0xffff, v58  }
0x557: {  	v0 =	vld [tilespmem:s21+$0x10]  }
0x558: {  	v1 =	vld [tilespmem:s10+$0x10];
	_ =	sdelay $0x4  }
0x559: {  	v59 =	vshll.u32 v0, $0x10;
	v60 =	vshll.u32 v1, $0x10  }
0x55a: {  	v1 =	vand.u32 $0xFFFF0000, v1;
	v0 =	vand.u32 $0xFFFF0000, v0;
	v3 =	vadd.f32 v60, v59  }
0x55b: {  	s23 =	sor.u32 $0x300, s17;
	v0 =	vadd.f32 v1, v0  }
0x55c: {  	s24 =	sor.u32 $0x300, s9;
	[tilespmem:s23+$0x1E000] =	vst.add.f32.msk $0xffff, v3  }
0x55d: {  	[tilespmem:s24+$0x1E000] =	vst.add.f32.msk $0xffff, v0  }
0x55e: {  	v0 =	vld.idx.msk [tilespmem:v2+s2+$0x10 ss:$0x1], $0xffff  }
0x55f: {  	v61 =	vld [tilespmem:s11+$0x10];
	_ =	sdelay $0x3  }
0x560: {  	s19 =	sadd.s32 $0x1, s19  }
0x561: {  	p0 =	sne.s32 s19, $0x20;
	v62 =	vshll.u32 v61, $0x10;
	v63 =	vshll.u32 v0, $0x10  }
.Ltmp5:
0x562: {  	v0 =	vand.u32 $0xFFFF0000, v0;
	v1 =	vand.u32 $0xFFFF0000, v61;
	v2 =	vadd.f32 v63, v62;
	(pc) =	sbr.rel @p0 .LBB2_4-.Ltmp5, $4  }
0x563: {  	s26 =	sor.u32 $0x380, s17;
	v0 =	vadd.f32 v0, v1  }
0x564: {  	s29 =	sor.u32 $0x380, s9;
	s30 =	rddreg [dreg:$0x2];
	[tilespmem:s26+$0x1E000] =	vst.add.f32.msk $0xffff, v2  }
0x565: {  	s1 =	simm.s32 $0x0;
	s31 =	simm.s32 $0x1E000;
	s0 =	sadd.s32 s30, s25;
	[tilespmem:s29+$0x1E000] =	vst.add.f32.msk $0xffff, v0  }
0x566: {  	[hbm4b:s0+s1] =	stream.linear.scatter [tilespmem:s31], [sflag:$0x8], $0x1800, $0x38;
	[tilespmem:$0x1F800] =	vst v63  }
0x567: {  	s0 =	simm.s32 $0x5  }
0x568: {  	_ =	swait.ge [sflag:s0], $0x1800  }
0x569: {  	[sflag:s0] =	ssyncset.done $0x0  }
0x56a: {  	s29 =	simm.s32 $0x6;
	[sflag:s0] =	ssyncadd.s32 $0xFFFFE800  }
0x56b: {  	_ =	swait.ge [sflag:s29], $0x1800  }
0x56c: {  	[sflag:s29] =	ssyncset.done $0x0  }
0x56d: {  	s30 =	simm.s32 $0x7;
	[sflag:s29] =	ssyncadd.s32 $0xFFFFE800  }
0x56e: {  	_ =	swait.ge [sflag:s30], $0x1800  }
0x56f: {  	[sflag:s30] =	ssyncset.done $0x0  }
0x570: {  	s1 =	simm.s32 $0x8;
	[sflag:s30] =	ssyncadd.s32 $0xFFFFE800  }
0x571: {  	_ =	swait.ge [sflag:s1], $0x1800  }
0x572: {  	s2 =	rddreg [dreg:$0x14]  }
0x573: {  	s31 =	rddreg [dreg:$0xf];
	s2 =	sadd.s32 $0x1, s2  }
0x574: {  	p0 =	sne.s32 s2, s31  }
.Ltmp6:
0x575: {  	_ = 	snop;
	(pc) =	sbr.rel @p0 .LBB2_1-.Ltmp6, $3  }
0x576: {  	_ =	sdelay $0x1  }
0x577: {  	[sflag:s1] =	ssyncset.done $0x0  }
0x578: {  	[sflag:s1] =	ssyncadd.s32 $0xFFFFE800  }
0x579: {  	_ =	sfence.sel $0x180000  }
0x57a: {  	[bflag:$0x0] =	sbarrier.arrive $0xFFFF  }
0x57b: {  	_ =	strace $0x90000047  }
0x57c: {  	s0 =	stileid.u32;
	[bflag:$0x2] =	sbarrier.arrive $0xFFFF  }
0x57d: {  	p0 =	sne.s32 s0, $0x0;
	s0 =	rddreg [dreg:$0x3]  }
0x57e: {  	s0 =	sadd.s32 @!p0 $0x100000, s0  }
0x57f: {  	[sflag:s0] =	ssyncadd.tile.s32 @!p0 $0x1;
	_ =	shalt  }
.Lfunc_end2:
_tile_overlayer_lowered:
.L_overlay_start_2:
0x580: {  	(tag) =	ssettag $0x2  }
0x581: {  	s0 =	rddreg [dreg:$0x0];
	s2 =	stileid.u32  }
0x582: {  	s1 =	rddreg [dreg:$0x1];
	p0 =	sne.s32 s2, $0x0  }
0x583: {  	s3 =	rddreg [dreg:$0x2];
	[bflag:$0x3] =	sbarrier.arrive $0xFFFF;
	s2 =	simm.s32 @!p0 $0x1C09  }
0x584: {  	[timem:s3], [sflag:s2] =	dma.local @!p0 [hbm:s0], s1  }
0x585: {  	s0 =	simm.s32 @!p0 $0x9  }
0x586: {  	_ =	swait.ge @!p0 [sflag:s0], s1  }
0x587: {  	s1 =	ssub.s32 @!p0 $0x0, s1;
	[sflag:s0] =	ssyncset.done @!p0 $0x0  }
0x588: {  	[sflag:s0] =	ssyncadd.s32 @!p0 s1  }
0x589: {  	[bflag:$0x3] =	sbarrier.arrive $0xFFFF  }
0x58a: {  	_ =	shalt  }

</sc_bundles>
